<compile_context>
chip_gen: v7x
topology: tpu7x:2x2x1
jax: 0.10.2.dev20260603
libtpu: 0.0.44.dev20260713+nightly
codegen_flags: <defaults>
</compile_context>

<pallas_src>
import functools

import jax
import jax.numpy as jnp
from jax import lax
from jax.experimental import pallas as pl
from jax.experimental.pallas import tpu as pltpu
from jax.experimental.pallas import tpu_sc as plsc

N = 10000
E = 160000
D = 256
H = D // 2
NC, NS = 2, 16
CH = 128
NCHUNK = 80
EPT = NCHUNK * CH
E_PAD = EPT * NS
NP = 10240
ZROWS = NP // NS
NB = 2
IB = 40


def _zero_rows(ref, nrows, ncol16):
    def body(i, _):
        for j in range(ncol16):
            ref[i, pl.ds(j * 16, 16)] = jnp.zeros((16,), jnp.float32)
        return 0
    lax.fori_loop(0, nrows, body, 0)


def _fill_ones(ref, nrows, ncol16):
    def body(i, _):
        for j in range(ncol16):
            ref[i, pl.ds(j * 16, 16)] = jnp.ones((16,), jnp.float32)
        return 0
    lax.fori_loop(0, nrows, body, 0)


def _sc_agg_body(h0, h1, srcg, dstg, agg0, agg1, src_v, dst_v, rows_v, acc,
                 semg, sems):
    c = lax.axis_index("c")
    s = lax.axis_index("s")

    _zero_rows(rows_v.at[0], CH, H // 16)
    for k in range(ZROWS // CH):
        pltpu.sync_copy(rows_v.at[0], acc.at[pl.ds(s * ZROWS + k * CH, CH)])
    plsc.subcore_barrier()

    def run(h_ref):
        def block(g, _):
            @pl.when(g > 0)
            def _():
                for b in range(NB):
                    pltpu.make_async_copy(
                        rows_v.at[b], acc.at[dst_v.at[b]], sems).wait()
            pltpu.sync_copy(srcg.at[pl.ds(s * NCHUNK + g * IB, IB)], src_v)
            pltpu.sync_copy(dstg.at[pl.ds(s * NCHUNK + g * IB, IB)], dst_v)

            def group(k, _):
                for b in range(NB):
                    j = k * NB + b

                    @pl.when(k > 0)
                    def _():
                        pltpu.make_async_copy(
                            rows_v.at[b], acc.at[dst_v.at[j]], sems).wait()
                    pltpu.async_copy(h_ref.at[src_v.at[j]], rows_v.at[b], semg)
                for b in range(NB):
                    j = k * NB + b
                    pltpu.make_async_copy(
                        h_ref.at[src_v.at[j]], rows_v.at[b], semg).wait()
                    pltpu.async_copy(rows_v.at[b], acc.at[dst_v.at[j]], sems,
                                     add=True)
                return 0
            lax.fori_loop(0, IB // NB, group, 0)
            return 0
        lax.fori_loop(0, NCHUNK // IB, block, 0)
        for b in range(NB):
            pltpu.make_async_copy(rows_v.at[b], acc.at[dst_v.at[b]], sems).wait()

    @pl.when(c == 0)
    def _():
        run(h0)

    @pl.when(c == 1)
    def _():
        run(h1)

    plsc.subcore_barrier()

    r0 = s * ZROWS

    @pl.when(c == 0)
    def _():
        pltpu.sync_copy(acc.at[pl.ds(r0, ZROWS)], agg0.at[pl.ds(r0, ZROWS)])

    @pl.when(c == 1)
    def _():
        pltpu.sync_copy(acc.at[pl.ds(r0, ZROWS)], agg1.at[pl.ds(r0, ZROWS)])


_sc_agg = pl.kernel(
    _sc_agg_body,
    out_type=(
        jax.ShapeDtypeStruct((NP, H), jnp.float32),
        jax.ShapeDtypeStruct((NP, H), jnp.float32),
    ),
    mesh=plsc.VectorSubcoreMesh(core_axis_name="c", subcore_axis_name="s"),
    scratch_types=[
        pltpu.VMEM((IB, CH), jnp.int32),
        pltpu.VMEM((IB, CH), jnp.int32),
        pltpu.VMEM((NB, CH, H), jnp.float32),
        pltpu.VMEM_SHARED((NP, H), jnp.float32),
        pltpu.SemaphoreType.DMA,
        pltpu.SemaphoreType.DMA,
    ],
)

CNT_CHUNKS = E_PAD // CH // (NC * NS)


def _sc_cnt_body(dstg, cntp, dst_v, ones_v, cnt_acc, sem):
    c = lax.axis_index("c")
    s = lax.axis_index("s")
    wid = c * NS + s

    _zero_rows(ones_v, CH, H // 16)
    for k in range(ZROWS // CH):
        pltpu.sync_copy(ones_v, cnt_acc.at[pl.ds(s * ZROWS + k * CH, CH)])
    _fill_ones(ones_v, CH, H // 16)
    plsc.subcore_barrier()

    pltpu.sync_copy(dstg.at[pl.ds(wid * CNT_CHUNKS, CNT_CHUNKS)], dst_v)

    def chunk(j, _):
        pltpu.sync_copy(ones_v, cnt_acc.at[dst_v.at[j]], add=True)
        return 0
    lax.fori_loop(0, CNT_CHUNKS, chunk, 0)

    plsc.subcore_barrier()
    off = pl.multiple_of(c * NP + s * ZROWS, ZROWS)
    pltpu.sync_copy(cnt_acc.at[pl.ds(s * ZROWS, ZROWS)], cntp.at[pl.ds(off, ZROWS)])


_sc_cnt = pl.kernel(
    _sc_cnt_body,
    out_type=jax.ShapeDtypeStruct((2 * NP, H), jnp.float32),
    mesh=plsc.VectorSubcoreMesh(core_axis_name="c", subcore_axis_name="s"),
    scratch_types=[
        pltpu.VMEM((CNT_CHUNKS, CH), jnp.int32),
        pltpu.VMEM((CH, H), jnp.float32),
        pltpu.VMEM_SHARED((NP, H), jnp.float32),
        pltpu.SemaphoreType.DMA,
    ],
)


def _tc_layer_body(relu, split, a0, a1, x0, x1, ca, cb, wl, wr, bb, *outs):
    deg = jnp.maximum(ca[:, 0:1] + cb[:, 0:1], 1.0)
    agg = jnp.concatenate([a0[...], a1[...]], axis=1) / deg
    xc = jnp.concatenate([x0[...], x1[...]], axis=1)
    out = (jnp.dot(agg, wl[...], preferred_element_type=jnp.float32)
           + jnp.dot(xc, wr[...], preferred_element_type=jnp.float32)
           + bb[...])
    if relu:
        out = jnp.maximum(out, 0.0)
    if split:
        outs[0][...] = out[:, :H]
        outs[1][...] = out[:, H:]
    else:
        outs[0][...] = out


def _make_tc_layer(relu, split, block_m=2048):
    grid = (NP // block_m,)
    row = lambda i: (i, 0)
    fixed = lambda i: (0, 0)
    in_specs = [
        pl.BlockSpec((block_m, H), row),
        pl.BlockSpec((block_m, H), row),
        pl.BlockSpec((block_m, H), row),
        pl.BlockSpec((block_m, H), row),
        pl.BlockSpec((block_m, H), row),
        pl.BlockSpec((block_m, H), lambda i: (i + NP // block_m, 0)),
        pl.BlockSpec((D, D), fixed),
        pl.BlockSpec((D, D), fixed),
        pl.BlockSpec((1, D), fixed),
    ]
    if split:
        out_shape = [jax.ShapeDtypeStruct((NP, H), jnp.float32)] * 2
        out_specs = [pl.BlockSpec((block_m, H), row)] * 2
    else:
        out_shape = [jax.ShapeDtypeStruct((NP, D), jnp.float32)]
        out_specs = [pl.BlockSpec((block_m, D), row)]
    return pl.pallas_call(
        functools.partial(_tc_layer_body, relu, split),
        grid=grid, in_specs=in_specs, out_specs=out_specs, out_shape=out_shape,
    )


_tc_mid = _make_tc_layer(True, True)
_tc_last = _make_tc_layer(False, False)


def kernel(x, edge_index, Wl0, Wr0, b0, Wl1, Wr1, b1, Wl2, Wr2, b2):
    src = edge_index[0].astype(jnp.int32)
    dst = edge_index[1].astype(jnp.int32)
    pad = E_PAD - E
    srcg = jnp.concatenate([src, jnp.zeros((pad,), jnp.int32)]).reshape(-1, CH)
    dstg = jnp.concatenate([dst, jnp.full((pad,), N, jnp.int32)]).reshape(-1, CH)

    xp = jnp.concatenate([x, jnp.zeros((NP - N, D), jnp.float32)])
    h0, h1 = xp[:, :H], xp[:, H:]
    b0r, b1r, b2r = b0.reshape(1, D), b1.reshape(1, D), b2.reshape(1, D)

    cntp = _sc_cnt(dstg)

    agg0, agg1 = _sc_agg(h0, h1, srcg, dstg)
    h0, h1 = _tc_mid(agg0, agg1, h0, h1, cntp, cntp, Wl0, Wr0, b0r)

    agg0, agg1 = _sc_agg(h0, h1, srcg, dstg)
    h0, h1 = _tc_mid(agg0, agg1, h0, h1, cntp, cntp, Wl1, Wr1, b1r)

    agg0, agg1 = _sc_agg(h0, h1, srcg, dstg)
    (out,) = _tc_last(agg0, agg1, h0, h1, cntp, cntp, Wl2, Wr2, b2r)
    return out[:N]

# --- scband reference (transcript-rebuilt; emitter-appended) ---
"""Pipeline reference for scband-multi-hop-graph-sage-51032801411301 (READ-ONLY COPY).

The authoritative reference and input builder live on the scoring server;
editing this copy changes nothing except your own understanding.
"""

import jax, jax.numpy as jnp
import numpy as np

N_NODES = 10000
N_EDGES = 160000
D = 256


def sage_conv(x, edge_index, Wl, Wr, b):
    # PyG-style SAGEConv with mean aggregation:
    # out = mean_agg(x[src] -> dst) @ Wl + x @ Wr + b
    src = edge_index[0]
    dst = edge_index[1]
    n = x.shape[0]
    msgs = jnp.take(x, src, axis=0)
    agg = jax.ops.segment_sum(msgs, dst, num_segments=n)
    cnt = jax.ops.segment_sum(jnp.ones((src.shape[0],), x.dtype), dst, num_segments=n)
    agg = agg / jnp.maximum(cnt, 1.0)[:, None]
    return agg @ Wl + x @ Wr + b


def setup_inputs(seed: int = 0) -> dict:
    key = jax.random.key(seed)
    ks = jax.random.split(key, 12)
    x = jax.random.normal(ks[0], (N_NODES, D), dtype=jnp.float32)
    edge_index = jax.random.randint(ks[1], (2, N_EDGES), 0, N_NODES, dtype=jnp.int64)
    scale = 1.0 / np.sqrt(D)
    params = {}
    for i in range(3):
        params['Wl%d' % i] = jax.random.normal(ks[2 + 3 * i], (D, D), dtype=jnp.float32) * scale
        params['Wr%d' % i] = jax.random.normal(ks[3 + 3 * i], (D, D), dtype=jnp.float32) * scale
        params['b%d' % i] = jnp.zeros((D,), dtype=jnp.float32)
    out = {'x': x, 'edge_index': edge_index}
    out.update(params)
    return out


def reference(x, edge_index, Wl0, Wr0, b0, Wl1, Wr1, b1, Wl2, Wr2, b2):
    # layer 0 + relu (dropout is identity in eval mode)
    h = sage_conv(x, edge_index, Wl0, Wr0, b0)
    h = jax.nn.relu(h)
    # layer 1 + relu
    h = sage_conv(h, edge_index, Wl1, Wr1, b1)
    h = jax.nn.relu(h)
    # final layer, no activation
    h = sage_conv(h, edge_index, Wl2, Wr2, b2)
    return h

if __name__ == "__main__":
    import jax
    _d = setup_inputs()
    print(jax.jit(kernel)(*tuple(_d.values())))

</pallas_src>

<mosaic_0001>
#map = affine_map<(d0, d1) -> (0, 0)>
module attributes {stable_mosaic.version = 14 : i64} {
  func.func @_sc_cnt_body(%arg0: i32, %arg1: i32, %arg2: memref<1280x128xi32, #tpu.memory_space<hbm>>, %arg3: memref<20480x128xf32, #tpu.memory_space<hbm>>, %arg4: memref<40x128xi32, #tpu.memory_space<vmem>>, %arg5: memref<128x128xf32, #tpu.memory_space<vmem>>, %arg6: memref<10240x128xf32, #tpu.memory_space<vmem_shared>>, %arg7: memref<!tpu.dma_semaphore, #tpu.memory_space<semaphore_mem>>) attributes {dimension_semantics = [#tpu.dimension_semantics<core_parallel>, #tpu.dimension_semantics<subcore_parallel>], iteration_bounds = array<i64: 2, 16>, scalar_prefetch = 0 : i64, scratch_operands = 4 : i64, tpu.core_type = #tpu.core_type<sc_vector_subcore>, window_params = [{transform_indices = #map}, {transform_indices = #map}]} {
    %mul3A = arith.constant 16 : i32
    %mul3A_0 = arith.muli %arg0, %mul3A : i32
    %add3A = arith.addi %mul3A_0, %arg1 : i32
    %scan3A = arith.constant 0 : i32
    %scan3A_1 = arith.constant 0 : i32
    %scan3A_2 = arith.constant 128 : i32
    %scan3A_3 = arith.addi %scan3A_1, %scan3A_2 : i32
    %scan3A_4 = arith.constant 1 : i32
    %scan3A_5 = scf.for %scan3A_51 = %scan3A_1 to %scan3A_3 step %scan3A_4 iter_args(%scan3A_52 = %scan3A) -> (i32)  : i32 {
      %broadcast_in_dim3A = arith.constant 0.000000e+00 : f32
      %broadcast_in_dim3A_53 = vector.broadcast %broadcast_in_dim3A : f32 to vector<16xf32>
      %swap3A = arith.index_cast %scan3A_51 : i32 to index
      %swap3A_54 = arith.constant 0 : index
      %swap3A_55 = tpu.vector_load %arg5[%swap3A, %swap3A_54] {strides = array<i32>} : memref<128x128xf32, #tpu.memory_space<vmem>>, vector<1x16xf32>,
      %swap3A_56 = vector.shape_cast %swap3A_55 : vector<1x16xf32> to vector<16xf32>
      %swap3A_57 = vector.shape_cast %broadcast_in_dim3A_53 : vector<16xf32> to vector<1x16xf32>
      tpu.vector_store %arg5[%swap3A, %swap3A_54], %swap3A_57 {strides = array<i32>} : memref<128x128xf32, #tpu.memory_space<vmem>>, vector<1x16xf32>,
      %broadcast_in_dim3A_58 = arith.constant 0.000000e+00 : f32
      %broadcast_in_dim3A_59 = vector.broadcast %broadcast_in_dim3A_58 : f32 to vector<16xf32>
      %swap3A_60 = arith.index_cast %scan3A_51 : i32 to index
      %swap3A_61 = arith.constant 16 : index
      %swap3A_62 = tpu.vector_load %arg5[%swap3A_60, %swap3A_61] {strides = array<i32>} : memref<128x128xf32, #tpu.memory_space<vmem>>, vector<1x16xf32>,
      %swap3A_63 = vector.shape_cast %swap3A_62 : vector<1x16xf32> to vector<16xf32>
      %swap3A_64 = vector.shape_cast %broadcast_in_dim3A_59 : vector<16xf32> to vector<1x16xf32>
      tpu.vector_store %arg5[%swap3A_60, %swap3A_61], %swap3A_64 {strides = array<i32>} : memref<128x128xf32, #tpu.memory_space<vmem>>, vector<1x16xf32>,
      %broadcast_in_dim3A_65 = arith.constant 0.000000e+00 : f32
      %broadcast_in_dim3A_66 = vector.broadcast %broadcast_in_dim3A_65 : f32 to vector<16xf32>
      %swap3A_67 = arith.index_cast %scan3A_51 : i32 to index
      %swap3A_68 = arith.constant 32 : index
      %swap3A_69 = tpu.vector_load %arg5[%swap3A_67, %swap3A_68] {strides = array<i32>} : memref<128x128xf32, #tpu.memory_space<vmem>>, vector<1x16xf32>,
      %swap3A_70 = vector.shape_cast %swap3A_69 : vector<1x16xf32> to vector<16xf32>
      %swap3A_71 = vector.shape_cast %broadcast_in_dim3A_66 : vector<16xf32> to vector<1x16xf32>
      tpu.vector_store %arg5[%swap3A_67, %swap3A_68], %swap3A_71 {strides = array<i32>} : memref<128x128xf32, #tpu.memory_space<vmem>>, vector<1x16xf32>,
      %broadcast_in_dim3A_72 = arith.constant 0.000000e+00 : f32
      %broadcast_in_dim3A_73 = vector.broadcast %broadcast_in_dim3A_72 : f32 to vector<16xf32>
      %swap3A_74 = arith.index_cast %scan3A_51 : i32 to index
      %swap3A_75 = arith.constant 48 : index
      %swap3A_76 = tpu.vector_load %arg5[%swap3A_74, %swap3A_75] {strides = array<i32>} : memref<128x128xf32, #tpu.memory_space<vmem>>, vector<1x16xf32>,
      %swap3A_77 = vector.shape_cast %swap3A_76 : vector<1x16xf32> to vector<16xf32>
      %swap3A_78 = vector.shape_cast %broadcast_in_dim3A_73 : vector<16xf32> to vector<1x16xf32>
      tpu.vector_store %arg5[%swap3A_74, %swap3A_75], %swap3A_78 {strides = array<i32>} : memref<128x128xf32, #tpu.memory_space<vmem>>, vector<1x16xf32>,
      %broadcast_in_dim3A_79 = arith.constant 0.000000e+00 : f32
      %broadcast_in_dim3A_80 = vector.broadcast %broadcast_in_dim3A_79 : f32 to vector<16xf32>
      %swap3A_81 = arith.index_cast %scan3A_51 : i32 to index
      %swap3A_82 = arith.constant 64 : index
      %swap3A_83 = tpu.vector_load %arg5[%swap3A_81, %swap3A_82] {strides = array<i32>} : memref<128x128xf32, #tpu.memory_space<vmem>>, vector<1x16xf32>,
      %swap3A_84 = vector.shape_cast %swap3A_83 : vector<1x16xf32> to vector<16xf32>
      %swap3A_85 = vector.shape_cast %broadcast_in_dim3A_80 : vector<16xf32> to vector<1x16xf32>
      tpu.vector_store %arg5[%swap3A_81, %swap3A_82], %swap3A_85 {strides = array<i32>} : memref<128x128xf32, #tpu.memory_space<vmem>>, vector<1x16xf32>,
      %broadcast_in_dim3A_86 = arith.constant 0.000000e+00 : f32
      %broadcast_in_dim3A_87 = vector.broadcast %broadcast_in_dim3A_86 : f32 to vector<16xf32>
      %swap3A_88 = arith.index_cast %scan3A_51 : i32 to index
      %swap3A_89 = arith.constant 80 : index
      %swap3A_90 = tpu.vector_load %arg5[%swap3A_88, %swap3A_89] {strides = array<i32>} : memref<128x128xf32, #tpu.memory_space<vmem>>, vector<1x16xf32>,
      %swap3A_91 = vector.shape_cast %swap3A_90 : vector<1x16xf32> to vector<16xf32>
      %swap3A_92 = vector.shape_cast %broadcast_in_dim3A_87 : vector<16xf32> to vector<1x16xf32>
      tpu.vector_store %arg5[%swap3A_88, %swap3A_89], %swap3A_92 {strides = array<i32>} : memref<128x128xf32, #tpu.memory_space<vmem>>, vector<1x16xf32>,
      %broadcast_in_dim3A_93 = arith.constant 0.000000e+00 : f32
      %broadcast_in_dim3A_94 = vector.broadcast %broadcast_in_dim3A_93 : f32 to vector<16xf32>
      %swap3A_95 = arith.index_cast %scan3A_51 : i32 to index
      %swap3A_96 = arith.constant 96 : index
      %swap3A_97 = tpu.vector_load %arg5[%swap3A_95, %swap3A_96] {strides = array<i32>} : memref<128x128xf32, #tpu.memory_space<vmem>>, vector<1x16xf32>,
      %swap3A_98 = vector.shape_cast %swap3A_97 : vector<1x16xf32> to vector<16xf32>
      %swap3A_99 = vector.shape_cast %broadcast_in_dim3A_94 : vector<16xf32> to vector<1x16xf32>
      tpu.vector_store %arg5[%swap3A_95, %swap3A_96], %swap3A_99 {strides = array<i32>} : memref<128x128xf32, #tpu.memory_space<vmem>>, vector<1x16xf32>,
      %broadcast_in_dim3A_100 = arith.constant 0.000000e+00 : f32
      %broadcast_in_dim3A_101 = vector.broadcast %broadcast_in_dim3A_100 : f32 to vector<16xf32>
      %swap3A_102 = arith.index_cast %scan3A_51 : i32 to index
      %swap3A_103 = arith.constant 112 : index
      %swap3A_104 = tpu.vector_load %arg5[%swap3A_102, %swap3A_103] {strides = array<i32>} : memref<128x128xf32, #tpu.memory_space<vmem>>, vector<1x16xf32>,
      %swap3A_105 = vector.shape_cast %swap3A_104 : vector<1x16xf32> to vector<16xf32>
      %swap3A_106 = vector.shape_cast %broadcast_in_dim3A_101 : vector<16xf32> to vector<1x16xf32>
      tpu.vector_store %arg5[%swap3A_102, %swap3A_103], %swap3A_106 {strides = array<i32>} : memref<128x128xf32, #tpu.memory_space<vmem>>, vector<1x16xf32>,
      %scan3A_107 = arith.constant 0 : i32
      scf.yield %scan3A_107 : i32
    }
    %scan3A_6 = arith.constant 128 : i32
    %mul3A_7 = arith.constant 640 : i32
    %mul3A_8 = arith.muli %arg1, %mul3A_7 : i32
    %add3A_9 = arith.constant 0 : i32
    %add3A_10 = arith.addi %mul3A_8, %add3A_9 : i32
    "tpu.region"() ({
      %run_scoped3A = tpu.sem_alloc : memref<!tpu.dma_semaphore, #tpu.memory_space<semaphore_mem>>
      %dma_start3A = arith.constant 0 : i32
      %dma_start3A_51 = tpu.memref_slice %arg6[%add3A_10, %dma_start3A] : memref<10240x128xf32, #tpu.memory_space<vmem_shared>> -> memref<128x128xf32, #tpu.memory_space<vmem_shared>>
      %dma_start3A_52 = arith.constant 0 : i32
      %dma_start3A_53 = tpu.memref_slice %arg6[%add3A_10, %dma_start3A_52] : memref<10240x128xf32, #tpu.memory_space<vmem_shared>> -> memref<128x128xf32, #tpu.memory_space<vmem_shared>>
      tpu.enqueue_dma source(%arg5 : memref<128x128xf32, #tpu.memory_space<vmem>>) target(%dma_start3A_53 : memref<128x128xf32, #tpu.memory_space<vmem_shared>>) target_semaphore(%run_scoped3A : memref<!tpu.dma_semaphore, #tpu.memory_space<semaphore_mem>>)
      %dma_wait3A = arith.constant 0 : i32
      %dma_wait3A_54 = tpu.memref_slice %arg6[%add3A_10, %dma_wait3A] : memref<10240x128xf32, #tpu.memory_space<vmem_shared>> -> memref<128x128xf32, #tpu.memory_space<vmem_shared>>
      %dma_wait3A_55 = arith.constant 0 : i32
      %dma_wait3A_56 = tpu.memref_slice %arg6[%add3A_10, %dma_wait3A_55] : memref<10240x128xf32, #tpu.memory_space<vmem_shared>> -> memref<128x128xf32, #tpu.memory_space<vmem_shared>>
      tpu.wait_dma2 semaphore(%run_scoped3A : memref<!tpu.dma_semaphore, #tpu.memory_space<semaphore_mem>>) src(%arg5 : memref<128x128xf32, #tpu.memory_space<vmem>>) dst(%dma_wait3A_56 : memref<128x128xf32, #tpu.memory_space<vmem_shared>>)
      tpu.yield
    }) : () -> ()
    %mul3A_11 = arith.constant 640 : i32
    %mul3A_12 = arith.muli %arg1, %mul3A_11 : i32
    %add3A_13 = arith.constant 128 : i32
    %add3A_14 = arith.addi %mul3A_12, %add3A_13 : i32
    "tpu.region"() ({
      %run_scoped3A = tpu.sem_alloc : memref<!tpu.dma_semaphore, #tpu.memory_space<semaphore_mem>>
      %dma_start3A = arith.constant 0 : i32
      %dma_start3A_51 = tpu.memref_slice %arg6[%add3A_14, %dma_start3A] : memref<10240x128xf32, #tpu.memory_space<vmem_shared>> -> memref<128x128xf32, #tpu.memory_space<vmem_shared>>
      %dma_start3A_52 = arith.constant 0 : i32
      %dma_start3A_53 = tpu.memref_slice %arg6[%add3A_14, %dma_start3A_52] : memref<10240x128xf32, #tpu.memory_space<vmem_shared>> -> memref<128x128xf32, #tpu.memory_space<vmem_shared>>
      tpu.enqueue_dma source(%arg5 : memref<128x128xf32, #tpu.memory_space<vmem>>) target(%dma_start3A_53 : memref<128x128xf32, #tpu.memory_space<vmem_shared>>) target_semaphore(%run_scoped3A : memref<!tpu.dma_semaphore, #tpu.memory_space<semaphore_mem>>)
      %dma_wait3A = arith.constant 0 : i32
      %dma_wait3A_54 = tpu.memref_slice %arg6[%add3A_14, %dma_wait3A] : memref<10240x128xf32, #tpu.memory_space<vmem_shared>> -> memref<128x128xf32, #tpu.memory_space<vmem_shared>>
      %dma_wait3A_55 = arith.constant 0 : i32
      %dma_wait3A_56 = tpu.memref_slice %arg6[%add3A_14, %dma_wait3A_55] : memref<10240x128xf32, #tpu.memory_space<vmem_shared>> -> memref<128x128xf32, #tpu.memory_space<vmem_shared>>
      tpu.wait_dma2 semaphore(%run_scoped3A : memref<!tpu.dma_semaphore, #tpu.memory_space<semaphore_mem>>) src(%arg5 : memref<128x128xf32, #tpu.memory_space<vmem>>) dst(%dma_wait3A_56 : memref<128x128xf32, #tpu.memory_space<vmem_shared>>)
      tpu.yield
    }) : () -> ()
    %mul3A_15 = arith.constant 640 : i32
    %mul3A_16 = arith.muli %arg1, %mul3A_15 : i32
    %add3A_17 = arith.constant 256 : i32
    %add3A_18 = arith.addi %mul3A_16, %add3A_17 : i32
    "tpu.region"() ({
      %run_scoped3A = tpu.sem_alloc : memref<!tpu.dma_semaphore, #tpu.memory_space<semaphore_mem>>
      %dma_start3A = arith.constant 0 : i32
      %dma_start3A_51 = tpu.memref_slice %arg6[%add3A_18, %dma_start3A] : memref<10240x128xf32, #tpu.memory_space<vmem_shared>> -> memref<128x128xf32, #tpu.memory_space<vmem_shared>>
      %dma_start3A_52 = arith.constant 0 : i32
      %dma_start3A_53 = tpu.memref_slice %arg6[%add3A_18, %dma_start3A_52] : memref<10240x128xf32, #tpu.memory_space<vmem_shared>> -> memref<128x128xf32, #tpu.memory_space<vmem_shared>>
      tpu.enqueue_dma source(%arg5 : memref<128x128xf32, #tpu.memory_space<vmem>>) target(%dma_start3A_53 : memref<128x128xf32, #tpu.memory_space<vmem_shared>>) target_semaphore(%run_scoped3A : memref<!tpu.dma_semaphore, #tpu.memory_space<semaphore_mem>>)
      %dma_wait3A = arith.constant 0 : i32
      %dma_wait3A_54 = tpu.memref_slice %arg6[%add3A_18, %dma_wait3A] : memref<10240x128xf32, #tpu.memory_space<vmem_shared>> -> memref<128x128xf32, #tpu.memory_space<vmem_shared>>
      %dma_wait3A_55 = arith.constant 0 : i32
      %dma_wait3A_56 = tpu.memref_slice %arg6[%add3A_18, %dma_wait3A_55] : memref<10240x128xf32, #tpu.memory_space<vmem_shared>> -> memref<128x128xf32, #tpu.memory_space<vmem_shared>>
      tpu.wait_dma2 semaphore(%run_scoped3A : memref<!tpu.dma_semaphore, #tpu.memory_space<semaphore_mem>>) src(%arg5 : memref<128x128xf32, #tpu.memory_space<vmem>>) dst(%dma_wait3A_56 : memref<128x128xf32, #tpu.memory_space<vmem_shared>>)
      tpu.yield
    }) : () -> ()
    %mul3A_19 = arith.constant 640 : i32
    %mul3A_20 = arith.muli %arg1, %mul3A_19 : i32
    %add3A_21 = arith.constant 384 : i32
    %add3A_22 = arith.addi %mul3A_20, %add3A_21 : i32
    "tpu.region"() ({
      %run_scoped3A = tpu.sem_alloc : memref<!tpu.dma_semaphore, #tpu.memory_space<semaphore_mem>>
      %dma_start3A = arith.constant 0 : i32
      %dma_start3A_51 = tpu.memref_slice %arg6[%add3A_22, %dma_start3A] : memref<10240x128xf32, #tpu.memory_space<vmem_shared>> -> memref<128x128xf32, #tpu.memory_space<vmem_shared>>
      %dma_start3A_52 = arith.constant 0 : i32
      %dma_start3A_53 = tpu.memref_slice %arg6[%add3A_22, %dma_start3A_52] : memref<10240x128xf32, #tpu.memory_space<vmem_shared>> -> memref<128x128xf32, #tpu.memory_space<vmem_shared>>
      tpu.enqueue_dma source(%arg5 : memref<128x128xf32, #tpu.memory_space<vmem>>) target(%dma_start3A_53 : memref<128x128xf32, #tpu.memory_space<vmem_shared>>) target_semaphore(%run_scoped3A : memref<!tpu.dma_semaphore, #tpu.memory_space<semaphore_mem>>)
      %dma_wait3A = arith.constant 0 : i32
      %dma_wait3A_54 = tpu.memref_slice %arg6[%add3A_22, %dma_wait3A] : memref<10240x128xf32, #tpu.memory_space<vmem_shared>> -> memref<128x128xf32, #tpu.memory_space<vmem_shared>>
      %dma_wait3A_55 = arith.constant 0 : i32
      %dma_wait3A_56 = tpu.memref_slice %arg6[%add3A_22, %dma_wait3A_55] : memref<10240x128xf32, #tpu.memory_space<vmem_shared>> -> memref<128x128xf32, #tpu.memory_space<vmem_shared>>
      tpu.wait_dma2 semaphore(%run_scoped3A : memref<!tpu.dma_semaphore, #tpu.memory_space<semaphore_mem>>) src(%arg5 : memref<128x128xf32, #tpu.memory_space<vmem>>) dst(%dma_wait3A_56 : memref<128x128xf32, #tpu.memory_space<vmem_shared>>)
      tpu.yield
    }) : () -> ()
    %mul3A_23 = arith.constant 640 : i32
    %mul3A_24 = arith.muli %arg1, %mul3A_23 : i32
    %add3A_25 = arith.constant 512 : i32
    %add3A_26 = arith.addi %mul3A_24, %add3A_25 : i32
    "tpu.region"() ({
      %run_scoped3A = tpu.sem_alloc : memref<!tpu.dma_semaphore, #tpu.memory_space<semaphore_mem>>
      %dma_start3A = arith.constant 0 : i32
      %dma_start3A_51 = tpu.memref_slice %arg6[%add3A_26, %dma_start3A] : memref<10240x128xf32, #tpu.memory_space<vmem_shared>> -> memref<128x128xf32, #tpu.memory_space<vmem_shared>>
      %dma_start3A_52 = arith.constant 0 : i32
      %dma_start3A_53 = tpu.memref_slice %arg6[%add3A_26, %dma_start3A_52] : memref<10240x128xf32, #tpu.memory_space<vmem_shared>> -> memref<128x128xf32, #tpu.memory_space<vmem_shared>>
      tpu.enqueue_dma source(%arg5 : memref<128x128xf32, #tpu.memory_space<vmem>>) target(%dma_start3A_53 : memref<128x128xf32, #tpu.memory_space<vmem_shared>>) target_semaphore(%run_scoped3A : memref<!tpu.dma_semaphore, #tpu.memory_space<semaphore_mem>>)
      %dma_wait3A = arith.constant 0 : i32
      %dma_wait3A_54 = tpu.memref_slice %arg6[%add3A_26, %dma_wait3A] : memref<10240x128xf32, #tpu.memory_space<vmem_shared>> -> memref<128x128xf32, #tpu.memory_space<vmem_shared>>
      %dma_wait3A_55 = arith.constant 0 : i32
      %dma_wait3A_56 = tpu.memref_slice %arg6[%add3A_26, %dma_wait3A_55] : memref<10240x128xf32, #tpu.memory_space<vmem_shared>> -> memref<128x128xf32, #tpu.memory_space<vmem_shared>>
      tpu.wait_dma2 semaphore(%run_scoped3A : memref<!tpu.dma_semaphore, #tpu.memory_space<semaphore_mem>>) src(%arg5 : memref<128x128xf32, #tpu.memory_space<vmem>>) dst(%dma_wait3A_56 : memref<128x128xf32, #tpu.memory_space<vmem_shared>>)
      tpu.yield
    }) : () -> ()
    %scan3A_27 = arith.constant 0 : i32
    %scan3A_28 = arith.constant 0 : i32
    %scan3A_29 = arith.constant 128 : i32
    %scan3A_30 = arith.addi %scan3A_28, %scan3A_29 : i32
    %scan3A_31 = arith.constant 1 : i32
    %scan3A_32 = scf.for %scan3A_51 = %scan3A_28 to %scan3A_30 step %scan3A_31 iter_args(%scan3A_52 = %scan3A_27) -> (i32)  : i32 {
      %broadcast_in_dim3A = arith.constant 1.000000e+00 : f32
      %broadcast_in_dim3A_53 = vector.broadcast %broadcast_in_dim3A : f32 to vector<16xf32>
      %swap3A = arith.index_cast %scan3A_51 : i32 to index
      %swap3A_54 = arith.constant 0 : index
      %swap3A_55 = tpu.vector_load %arg5[%swap3A, %swap3A_54] {strides = array<i32>} : memref<128x128xf32, #tpu.memory_space<vmem>>, vector<1x16xf32>,
      %swap3A_56 = vector.shape_cast %swap3A_55 : vector<1x16xf32> to vector<16xf32>
      %swap3A_57 = vector.shape_cast %broadcast_in_dim3A_53 : vector<16xf32> to vector<1x16xf32>
      tpu.vector_store %arg5[%swap3A, %swap3A_54], %swap3A_57 {strides = array<i32>} : memref<128x128xf32, #tpu.memory_space<vmem>>, vector<1x16xf32>,
      %broadcast_in_dim3A_58 = arith.constant 1.000000e+00 : f32
      %broadcast_in_dim3A_59 = vector.broadcast %broadcast_in_dim3A_58 : f32 to vector<16xf32>
      %swap3A_60 = arith.index_cast %scan3A_51 : i32 to index
      %swap3A_61 = arith.constant 16 : index
      %swap3A_62 = tpu.vector_load %arg5[%swap3A_60, %swap3A_61] {strides = array<i32>} : memref<128x128xf32, #tpu.memory_space<vmem>>, vector<1x16xf32>,
      %swap3A_63 = vector.shape_cast %swap3A_62 : vector<1x16xf32> to vector<16xf32>
      %swap3A_64 = vector.shape_cast %broadcast_in_dim3A_59 : vector<16xf32> to vector<1x16xf32>
      tpu.vector_store %arg5[%swap3A_60, %swap3A_61], %swap3A_64 {strides = array<i32>} : memref<128x128xf32, #tpu.memory_space<vmem>>, vector<1x16xf32>,
      %broadcast_in_dim3A_65 = arith.constant 1.000000e+00 : f32
      %broadcast_in_dim3A_66 = vector.broadcast %broadcast_in_dim3A_65 : f32 to vector<16xf32>
      %swap3A_67 = arith.index_cast %scan3A_51 : i32 to index
      %swap3A_68 = arith.constant 32 : index
      %swap3A_69 = tpu.vector_load %arg5[%swap3A_67, %swap3A_68] {strides = array<i32>} : memref<128x128xf32, #tpu.memory_space<vmem>>, vector<1x16xf32>,
      %swap3A_70 = vector.shape_cast %swap3A_69 : vector<1x16xf32> to vector<16xf32>
      %swap3A_71 = vector.shape_cast %broadcast_in_dim3A_66 : vector<16xf32> to vector<1x16xf32>
      tpu.vector_store %arg5[%swap3A_67, %swap3A_68], %swap3A_71 {strides = array<i32>} : memref<128x128xf32, #tpu.memory_space<vmem>>, vector<1x16xf32>,
      %broadcast_in_dim3A_72 = arith.constant 1.000000e+00 : f32
      %broadcast_in_dim3A_73 = vector.broadcast %broadcast_in_dim3A_72 : f32 to vector<16xf32>
      %swap3A_74 = arith.index_cast %scan3A_51 : i32 to index
      %swap3A_75 = arith.constant 48 : index
      %swap3A_76 = tpu.vector_load %arg5[%swap3A_74, %swap3A_75] {strides = array<i32>} : memref<128x128xf32, #tpu.memory_space<vmem>>, vector<1x16xf32>,
      %swap3A_77 = vector.shape_cast %swap3A_76 : vector<1x16xf32> to vector<16xf32>
      %swap3A_78 = vector.shape_cast %broadcast_in_dim3A_73 : vector<16xf32> to vector<1x16xf32>
      tpu.vector_store %arg5[%swap3A_74, %swap3A_75], %swap3A_78 {strides = array<i32>} : memref<128x128xf32, #tpu.memory_space<vmem>>, vector<1x16xf32>,
      %broadcast_in_dim3A_79 = arith.constant 1.000000e+00 : f32
      %broadcast_in_dim3A_80 = vector.broadcast %broadcast_in_dim3A_79 : f32 to vector<16xf32>
      %swap3A_81 = arith.index_cast %scan3A_51 : i32 to index
      %swap3A_82 = arith.constant 64 : index
      %swap3A_83 = tpu.vector_load %arg5[%swap3A_81, %swap3A_82] {strides = array<i32>} : memref<128x128xf32, #tpu.memory_space<vmem>>, vector<1x16xf32>,
      %swap3A_84 = vector.shape_cast %swap3A_83 : vector<1x16xf32> to vector<16xf32>
      %swap3A_85 = vector.shape_cast %broadcast_in_dim3A_80 : vector<16xf32> to vector<1x16xf32>
      tpu.vector_store %arg5[%swap3A_81, %swap3A_82], %swap3A_85 {strides = array<i32>} : memref<128x128xf32, #tpu.memory_space<vmem>>, vector<1x16xf32>,
      %broadcast_in_dim3A_86 = arith.constant 1.000000e+00 : f32
      %broadcast_in_dim3A_87 = vector.broadcast %broadcast_in_dim3A_86 : f32 to vector<16xf32>
      %swap3A_88 = arith.index_cast %scan3A_51 : i32 to index
      %swap3A_89 = arith.constant 80 : index
      %swap3A_90 = tpu.vector_load %arg5[%swap3A_88, %swap3A_89] {strides = array<i32>} : memref<128x128xf32, #tpu.memory_space<vmem>>, vector<1x16xf32>,
      %swap3A_91 = vector.shape_cast %swap3A_90 : vector<1x16xf32> to vector<16xf32>
      %swap3A_92 = vector.shape_cast %broadcast_in_dim3A_87 : vector<16xf32> to vector<1x16xf32>
      tpu.vector_store %arg5[%swap3A_88, %swap3A_89], %swap3A_92 {strides = array<i32>} : memref<128x128xf32, #tpu.memory_space<vmem>>, vector<1x16xf32>,
      %broadcast_in_dim3A_93 = arith.constant 1.000000e+00 : f32
      %broadcast_in_dim3A_94 = vector.broadcast %broadcast_in_dim3A_93 : f32 to vector<16xf32>
      %swap3A_95 = arith.index_cast %scan3A_51 : i32 to index
      %swap3A_96 = arith.constant 96 : index
      %swap3A_97 = tpu.vector_load %arg5[%swap3A_95, %swap3A_96] {strides = array<i32>} : memref<128x128xf32, #tpu.memory_space<vmem>>, vector<1x16xf32>,
      %swap3A_98 = vector.shape_cast %swap3A_97 : vector<1x16xf32> to vector<16xf32>
      %swap3A_99 = vector.shape_cast %broadcast_in_dim3A_94 : vector<16xf32> to vector<1x16xf32>
      tpu.vector_store %arg5[%swap3A_95, %swap3A_96], %swap3A_99 {strides = array<i32>} : memref<128x128xf32, #tpu.memory_space<vmem>>, vector<1x16xf32>,
      %broadcast_in_dim3A_100 = arith.constant 1.000000e+00 : f32
      %broadcast_in_dim3A_101 = vector.broadcast %broadcast_in_dim3A_100 : f32 to vector<16xf32>
      %swap3A_102 = arith.index_cast %scan3A_51 : i32 to index
      %swap3A_103 = arith.constant 112 : index
      %swap3A_104 = tpu.vector_load %arg5[%swap3A_102, %swap3A_103] {strides = array<i32>} : memref<128x128xf32, #tpu.memory_space<vmem>>, vector<1x16xf32>,
      %swap3A_105 = vector.shape_cast %swap3A_104 : vector<1x16xf32> to vector<16xf32>
      %swap3A_106 = vector.shape_cast %broadcast_in_dim3A_101 : vector<16xf32> to vector<1x16xf32>
      tpu.vector_store %arg5[%swap3A_102, %swap3A_103], %swap3A_106 {strides = array<i32>} : memref<128x128xf32, #tpu.memory_space<vmem>>, vector<1x16xf32>,
      %scan3A_107 = arith.constant 0 : i32
      scf.yield %scan3A_107 : i32
    }
    %scan3A_33 = arith.constant 128 : i32
    %barrier3A = arith.constant 0 : index
    tpu.barrier barrier_id(%barrier3A)
    %mul3A_34 = arith.constant 40 : i32
    %mul3A_35 = arith.muli %add3A, %mul3A_34 : i32
    "tpu.region"() ({
      %run_scoped3A = tpu.sem_alloc : memref<!tpu.dma_semaphore, #tpu.memory_space<semaphore_mem>>
      %dma_start3A = arith.constant 0 : i32
      %dma_start3A_51 = tpu.memref_slice %arg2[%mul3A_35, %dma_start3A] : memref<1280x128xi32, #tpu.memory_space<hbm>> -> memref<40x128xi32, #tpu.memory_space<hbm>>
      %dma_start3A_52 = arith.constant 0 : i32
      %dma_start3A_53 = tpu.memref_slice %arg2[%mul3A_35, %dma_start3A_52] : memref<1280x128xi32, #tpu.memory_space<hbm>> -> memref<40x128xi32, #tpu.memory_space<hbm>>
      tpu.enqueue_dma source(%dma_start3A_53 : memref<40x128xi32, #tpu.memory_space<hbm>>) target(%arg4 : memref<40x128xi32, #tpu.memory_space<vmem>>) target_semaphore(%run_scoped3A : memref<!tpu.dma_semaphore, #tpu.memory_space<semaphore_mem>>)
      %dma_wait3A = arith.constant 0 : i32
      %dma_wait3A_54 = tpu.memref_slice %arg2[%mul3A_35, %dma_wait3A] : memref<1280x128xi32, #tpu.memory_space<hbm>> -> memref<40x128xi32, #tpu.memory_space<hbm>>
      %dma_wait3A_55 = arith.constant 0 : i32
      %dma_wait3A_56 = tpu.memref_slice %arg2[%mul3A_35, %dma_wait3A_55] : memref<1280x128xi32, #tpu.memory_space<hbm>> -> memref<40x128xi32, #tpu.memory_space<hbm>>
      tpu.wait_dma2 semaphore(%run_scoped3A : memref<!tpu.dma_semaphore, #tpu.memory_space<semaphore_mem>>) src(%dma_wait3A_56 : memref<40x128xi32, #tpu.memory_space<hbm>>) dst(%arg4 : memref<40x128xi32, #tpu.memory_space<vmem>>)
      tpu.yield
    }) : () -> ()
    %scan3A_36 = arith.constant 0 : i32
    %scan3A_37 = arith.constant 0 : i32
    %scan3A_38 = arith.constant 40 : i32
    %scan3A_39 = arith.addi %scan3A_37, %scan3A_38 : i32
    %scan3A_40 = arith.constant 1 : i32
    %scan3A_41 = scf.for %scan3A_51 = %scan3A_37 to %scan3A_39 step %scan3A_40 iter_args(%scan3A_52 = %scan3A_36) -> (i32)  : i32 {
      "tpu.region"() ({
        %run_scoped3A = tpu.sem_alloc : memref<!tpu.dma_semaphore, #tpu.memory_space<semaphore_mem>>
        %dma_start3A = arith.constant 0 : i32
        %dma_start3A_54 = tpu.memref_slice %arg4[%scan3A_51, %dma_start3A] : memref<40x128xi32, #tpu.memory_space<vmem>> -> memref<1x128xi32, #tpu.memory_space<vmem>>
        %dma_start3A_55 = tpu.memref_squeeze %dma_start3A_54 : memref<1x128xi32, #tpu.memory_space<vmem>> -> memref<128xi32, #tpu.memory_space<vmem>>
        %dma_start3A_56 = arith.constant 0 : i32
        %dma_start3A_57 = arith.constant 0 : i32
        %dma_start3A_58 = tpu.memref_slice %arg6[%dma_start3A_56, %dma_start3A_57] : memref<10240x128xf32, #tpu.memory_space<vmem_shared>> -> memref<10240x128xf32, #tpu.memory_space<vmem_shared>>
        tpu.enqueue_indirect_dma source(%arg5 : memref<128x128xf32, #tpu.memory_space<vmem>>) target(%dma_start3A_58 : memref<10240x128xf32, #tpu.memory_space<vmem_shared>>) offsets(%dma_start3A_55 : memref<128xi32, #tpu.memory_space<vmem>>) semaphore(%run_scoped3A : memref<!tpu.dma_semaphore, #tpu.memory_space<semaphore_mem>>) {add = true}
        %dma_wait3A = arith.constant 0 : i32
        %dma_wait3A_59 = tpu.memref_slice %arg4[%scan3A_51, %dma_wait3A] : memref<40x128xi32, #tpu.memory_space<vmem>> -> memref<1x128xi32, #tpu.memory_space<vmem>>
        %dma_wait3A_60 = tpu.memref_squeeze %dma_wait3A_59 : memref<1x128xi32, #tpu.memory_space<vmem>> -> memref<128xi32, #tpu.memory_space<vmem>>
        %dma_wait3A_61 = arith.constant 0 : i32
        %dma_wait3A_62 = arith.constant 0 : i32
        %dma_wait3A_63 = tpu.memref_slice %arg6[%dma_wait3A_61, %dma_wait3A_62] : memref<10240x128xf32, #tpu.memory_space<vmem_shared>> -> memref<10240x128xf32, #tpu.memory_space<vmem_shared>>
        tpu.wait_indirect_dma semaphore(%run_scoped3A : memref<!tpu.dma_semaphore, #tpu.memory_space<semaphore_mem>>) src(%arg5 : memref<128x128xf32, #tpu.memory_space<vmem>>) dst(%dma_wait3A_63 : memref<10240x128xf32, #tpu.memory_space<vmem_shared>>)
        tpu.yield
      }) : () -> ()
      %scan3A_53 = arith.constant 0 : i32
      scf.yield %scan3A_53 : i32
    }
    %scan3A_42 = arith.constant 40 : i32
    %barrier3A_43 = arith.constant 0 : index
    tpu.barrier barrier_id(%barrier3A_43)
    %mul3A_44 = arith.constant 10240 : i32
    %mul3A_45 = arith.muli %arg0, %mul3A_44 : i32
    %mul3A_46 = arith.constant 640 : i32
    %mul3A_47 = arith.muli %arg1, %mul3A_46 : i32
    %add3A_48 = arith.addi %mul3A_45, %mul3A_47 : i32
    %multiple_of3A = tpu.assume_multiple %add3A_48, 640 : i32
    %mul3A_49 = arith.constant 640 : i32
    %mul3A_50 = arith.muli %arg1, %mul3A_49 : i32
    "tpu.region"() ({
      %run_scoped3A = tpu.sem_alloc : memref<!tpu.dma_semaphore, #tpu.memory_space<semaphore_mem>>
      %dma_start3A = arith.constant 0 : i32
      %dma_start3A_51 = tpu.memref_slice %arg3[%multiple_of3A, %dma_start3A] : memref<20480x128xf32, #tpu.memory_space<hbm>> -> memref<640x128xf32, #tpu.memory_space<hbm>>
      %dma_start3A_52 = arith.constant 0 : i32
      %dma_start3A_53 = tpu.memref_slice %arg6[%mul3A_50, %dma_start3A_52] : memref<10240x128xf32, #tpu.memory_space<vmem_shared>> -> memref<640x128xf32, #tpu.memory_space<vmem_shared>>
      tpu.enqueue_dma source(%dma_start3A_53 : memref<640x128xf32, #tpu.memory_space<vmem_shared>>) target(%dma_start3A_51 : memref<640x128xf32, #tpu.memory_space<hbm>>) target_semaphore(%run_scoped3A : memref<!tpu.dma_semaphore, #tpu.memory_space<semaphore_mem>>)
      %dma_wait3A = arith.constant 0 : i32
      %dma_wait3A_54 = tpu.memref_slice %arg3[%multiple_of3A, %dma_wait3A] : memref<20480x128xf32, #tpu.memory_space<hbm>> -> memref<640x128xf32, #tpu.memory_space<hbm>>
      %dma_wait3A_55 = arith.constant 0 : i32
      %dma_wait3A_56 = tpu.memref_slice %arg6[%mul3A_50, %dma_wait3A_55] : memref<10240x128xf32, #tpu.memory_space<vmem_shared>> -> memref<640x128xf32, #tpu.memory_space<vmem_shared>>
      tpu.wait_dma2 semaphore(%run_scoped3A : memref<!tpu.dma_semaphore, #tpu.memory_space<semaphore_mem>>) src(%dma_wait3A_56 : memref<640x128xf32, #tpu.memory_space<vmem_shared>>) dst(%dma_wait3A_54 : memref<640x128xf32, #tpu.memory_space<hbm>>)
      tpu.yield
    }) : () -> ()
    return
  }
}

#map = affine_map<(d0, d1) -> (0, 0)>
module attributes {stable_mosaic.version = 14 : i64} {
  func.func @_sc_agg_body(%arg0: i32, %arg1: i32, %arg2: memref<10240x128xf32, #tpu.memory_space<hbm>>, %arg3: memref<10240x128xf32, #tpu.memory_space<hbm>>, %arg4: memref<1280x128xi32, #tpu.memory_space<hbm>>, %arg5: memref<1280x128xi32, #tpu.memory_space<hbm>>, %arg6: memref<10240x128xf32, #tpu.memory_space<hbm>>, %arg7: memref<10240x128xf32, #tpu.memory_space<hbm>>, %arg8: memref<40x128xi32, #tpu.memory_space<vmem>>, %arg9: memref<40x128xi32, #tpu.memory_space<vmem>>, %arg10: memref<2x128x128xf32, #tpu.memory_space<vmem>>, %arg11: memref<10240x128xf32, #tpu.memory_space<vmem_shared>>, %arg12: memref<!tpu.dma_semaphore, #tpu.memory_space<semaphore_mem>>, %arg13: memref<!tpu.dma_semaphore, #tpu.memory_space<semaphore_mem>>) attributes {dimension_semantics = [#tpu.dimension_semantics<core_parallel>, #tpu.dimension_semantics<subcore_parallel>], iteration_bounds = array<i64: 2, 16>, scalar_prefetch = 0 : i64, scratch_operands = 6 : i64, tpu.core_type = #tpu.core_type<sc_vector_subcore>, window_params = [{transform_indices = #map}, {transform_indices = #map}, {transform_indices = #map}, {transform_indices = #map}, {transform_indices = #map}, {transform_indices = #map}]} {
    %scan3A = arith.constant 0 : i32
    %scan3A_0 = arith.constant 0 : i32
    %scan3A_1 = arith.constant 0 : i32
    %scan3A_2 = arith.constant 128 : i32
    %scan3A_3 = arith.addi %scan3A_1, %scan3A_2 : i32
    %scan3A_4 = arith.constant 1 : i32
    %scan3A_5 = scf.for %scan3A_49 = %scan3A_1 to %scan3A_3 step %scan3A_4 iter_args(%scan3A_50 = %scan3A_0) -> (i32)  : i32 {
      %broadcast_in_dim3A = arith.constant 0.000000e+00 : f32
      %broadcast_in_dim3A_51 = vector.broadcast %broadcast_in_dim3A : f32 to vector<16xf32>
      %swap3A = arith.constant 0 : i32
      %swap3A_52 = arith.constant 0 : i32
      %swap3A_53 = tpu.memref_slice %arg10[%scan3A, %swap3A, %swap3A_52] : memref<2x128x128xf32, #tpu.memory_space<vmem>> -> memref<1x128x128xf32, #tpu.memory_space<vmem>>
      %swap3A_54 = tpu.memref_squeeze %swap3A_53 : memref<1x128x128xf32, #tpu.memory_space<vmem>> -> memref<128x128xf32, #tpu.memory_space<vmem>>
      %swap3A_55 = arith.index_cast %scan3A_49 : i32 to index
      %swap3A_56 = arith.constant 0 : index
      %swap3A_57 = tpu.vector_load %swap3A_54[%swap3A_55, %swap3A_56] {strides = array<i32>} : memref<128x128xf32, #tpu.memory_space<vmem>>, vector<1x16xf32>,
      %swap3A_58 = vector.shape_cast %swap3A_57 : vector<1x16xf32> to vector<16xf32>
      %swap3A_59 = vector.shape_cast %broadcast_in_dim3A_51 : vector<16xf32> to vector<1x16xf32>
      tpu.vector_store %swap3A_54[%swap3A_55, %swap3A_56], %swap3A_59 {strides = array<i32>} : memref<128x128xf32, #tpu.memory_space<vmem>>, vector<1x16xf32>,
      %broadcast_in_dim3A_60 = arith.constant 0.000000e+00 : f32
      %broadcast_in_dim3A_61 = vector.broadcast %broadcast_in_dim3A_60 : f32 to vector<16xf32>
      %swap3A_62 = arith.constant 0 : i32
      %swap3A_63 = arith.constant 0 : i32
      %swap3A_64 = tpu.memref_slice %arg10[%scan3A, %swap3A_62, %swap3A_63] : memref<2x128x128xf32, #tpu.memory_space<vmem>> -> memref<1x128x128xf32, #tpu.memory_space<vmem>>
      %swap3A_65 = tpu.memref_squeeze %swap3A_64 : memref<1x128x128xf32, #tpu.memory_space<vmem>> -> memref<128x128xf32, #tpu.memory_space<vmem>>
      %swap3A_66 = arith.index_cast %scan3A_49 : i32 to index
      %swap3A_67 = arith.constant 16 : index
      %swap3A_68 = tpu.vector_load %swap3A_65[%swap3A_66, %swap3A_67] {strides = array<i32>} : memref<128x128xf32, #tpu.memory_space<vmem>>, vector<1x16xf32>,
      %swap3A_69 = vector.shape_cast %swap3A_68 : vector<1x16xf32> to vector<16xf32>
      %swap3A_70 = vector.shape_cast %broadcast_in_dim3A_61 : vector<16xf32> to vector<1x16xf32>
      tpu.vector_store %swap3A_65[%swap3A_66, %swap3A_67], %swap3A_70 {strides = array<i32>} : memref<128x128xf32, #tpu.memory_space<vmem>>, vector<1x16xf32>,
      %broadcast_in_dim3A_71 = arith.constant 0.000000e+00 : f32
      %broadcast_in_dim3A_72 = vector.broadcast %broadcast_in_dim3A_71 : f32 to vector<16xf32>
      %swap3A_73 = arith.constant 0 : i32
      %swap3A_74 = arith.constant 0 : i32
      %swap3A_75 = tpu.memref_slice %arg10[%scan3A, %swap3A_73, %swap3A_74] : memref<2x128x128xf32, #tpu.memory_space<vmem>> -> memref<1x128x128xf32, #tpu.memory_space<vmem>>
      %swap3A_76 = tpu.memref_squeeze %swap3A_75 : memref<1x128x128xf32, #tpu.memory_space<vmem>> -> memref<128x128xf32, #tpu.memory_space<vmem>>
      %swap3A_77 = arith.index_cast %scan3A_49 : i32 to index
      %swap3A_78 = arith.constant 32 : index
      %swap3A_79 = tpu.vector_load %swap3A_76[%swap3A_77, %swap3A_78] {strides = array<i32>} : memref<128x128xf32, #tpu.memory_space<vmem>>, vector<1x16xf32>,
      %swap3A_80 = vector.shape_cast %swap3A_79 : vector<1x16xf32> to vector<16xf32>
      %swap3A_81 = vector.shape_cast %broadcast_in_dim3A_72 : vector<16xf32> to vector<1x16xf32>
      tpu.vector_store %swap3A_76[%swap3A_77, %swap3A_78], %swap3A_81 {strides = array<i32>} : memref<128x128xf32, #tpu.memory_space<vmem>>, vector<1x16xf32>,
      %broadcast_in_dim3A_82 = arith.constant 0.000000e+00 : f32
      %broadcast_in_dim3A_83 = vector.broadcast %broadcast_in_dim3A_82 : f32 to vector<16xf32>
      %swap3A_84 = arith.constant 0 : i32
      %swap3A_85 = arith.constant 0 : i32
      %swap3A_86 = tpu.memref_slice %arg10[%scan3A, %swap3A_84, %swap3A_85] : memref<2x128x128xf32, #tpu.memory_space<vmem>> -> memref<1x128x128xf32, #tpu.memory_space<vmem>>
      %swap3A_87 = tpu.memref_squeeze %swap3A_86 : memref<1x128x128xf32, #tpu.memory_space<vmem>> -> memref<128x128xf32, #tpu.memory_space<vmem>>
      %swap3A_88 = arith.index_cast %scan3A_49 : i32 to index
      %swap3A_89 = arith.constant 48 : index
      %swap3A_90 = tpu.vector_load %swap3A_87[%swap3A_88, %swap3A_89] {strides = array<i32>} : memref<128x128xf32, #tpu.memory_space<vmem>>, vector<1x16xf32>,
      %swap3A_91 = vector.shape_cast %swap3A_90 : vector<1x16xf32> to vector<16xf32>
      %swap3A_92 = vector.shape_cast %broadcast_in_dim3A_83 : vector<16xf32> to vector<1x16xf32>
      tpu.vector_store %swap3A_87[%swap3A_88, %swap3A_89], %swap3A_92 {strides = array<i32>} : memref<128x128xf32, #tpu.memory_space<vmem>>, vector<1x16xf32>,
      %broadcast_in_dim3A_93 = arith.constant 0.000000e+00 : f32
      %broadcast_in_dim3A_94 = vector.broadcast %broadcast_in_dim3A_93 : f32 to vector<16xf32>
      %swap3A_95 = arith.constant 0 : i32
      %swap3A_96 = arith.constant 0 : i32
      %swap3A_97 = tpu.memref_slice %arg10[%scan3A, %swap3A_95, %swap3A_96] : memref<2x128x128xf32, #tpu.memory_space<vmem>> -> memref<1x128x128xf32, #tpu.memory_space<vmem>>
      %swap3A_98 = tpu.memref_squeeze %swap3A_97 : memref<1x128x128xf32, #tpu.memory_space<vmem>> -> memref<128x128xf32, #tpu.memory_space<vmem>>
      %swap3A_99 = arith.index_cast %scan3A_49 : i32 to index
      %swap3A_100 = arith.constant 64 : index
      %swap3A_101 = tpu.vector_load %swap3A_98[%swap3A_99, %swap3A_100] {strides = array<i32>} : memref<128x128xf32, #tpu.memory_space<vmem>>, vector<1x16xf32>,
      %swap3A_102 = vector.shape_cast %swap3A_101 : vector<1x16xf32> to vector<16xf32>
      %swap3A_103 = vector.shape_cast %broadcast_in_dim3A_94 : vector<16xf32> to vector<1x16xf32>
      tpu.vector_store %swap3A_98[%swap3A_99, %swap3A_100], %swap3A_103 {strides = array<i32>} : memref<128x128xf32, #tpu.memory_space<vmem>>, vector<1x16xf32>,
      %broadcast_in_dim3A_104 = arith.constant 0.000000e+00 : f32
      %broadcast_in_dim3A_105 = vector.broadcast %broadcast_in_dim3A_104 : f32 to vector<16xf32>
      %swap3A_106 = arith.constant 0 : i32
      %swap3A_107 = arith.constant 0 : i32
      %swap3A_108 = tpu.memref_slice %arg10[%scan3A, %swap3A_106, %swap3A_107] : memref<2x128x128xf32, #tpu.memory_space<vmem>> -> memref<1x128x128xf32, #tpu.memory_space<vmem>>
      %swap3A_109 = tpu.memref_squeeze %swap3A_108 : memref<1x128x128xf32, #tpu.memory_space<vmem>> -> memref<128x128xf32, #tpu.memory_space<vmem>>
      %swap3A_110 = arith.index_cast %scan3A_49 : i32 to index
      %swap3A_111 = arith.constant 80 : index
      %swap3A_112 = tpu.vector_load %swap3A_109[%swap3A_110, %swap3A_111] {strides = array<i32>} : memref<128x128xf32, #tpu.memory_space<vmem>>, vector<1x16xf32>,
      %swap3A_113 = vector.shape_cast %swap3A_112 : vector<1x16xf32> to vector<16xf32>
      %swap3A_114 = vector.shape_cast %broadcast_in_dim3A_105 : vector<16xf32> to vector<1x16xf32>
      tpu.vector_store %swap3A_109[%swap3A_110, %swap3A_111], %swap3A_114 {strides = array<i32>} : memref<128x128xf32, #tpu.memory_space<vmem>>, vector<1x16xf32>,
      %broadcast_in_dim3A_115 = arith.constant 0.000000e+00 : f32
      %broadcast_in_dim3A_116 = vector.broadcast %broadcast_in_dim3A_115 : f32 to vector<16xf32>
      %swap3A_117 = arith.constant 0 : i32
      %swap3A_118 = arith.constant 0 : i32
      %swap3A_119 = tpu.memref_slice %arg10[%scan3A, %swap3A_117, %swap3A_118] : memref<2x128x128xf32, #tpu.memory_space<vmem>> -> memref<1x128x128xf32, #tpu.memory_space<vmem>>
      %swap3A_120 = tpu.memref_squeeze %swap3A_119 : memref<1x128x128xf32, #tpu.memory_space<vmem>> -> memref<128x128xf32, #tpu.memory_space<vmem>>
      %swap3A_121 = arith.index_cast %scan3A_49 : i32 to index
      %swap3A_122 = arith.constant 96 : index
      %swap3A_123 = tpu.vector_load %swap3A_120[%swap3A_121, %swap3A_122] {strides = array<i32>} : memref<128x128xf32, #tpu.memory_space<vmem>>, vector<1x16xf32>,
      %swap3A_124 = vector.shape_cast %swap3A_123 : vector<1x16xf32> to vector<16xf32>
      %swap3A_125 = vector.shape_cast %broadcast_in_dim3A_116 : vector<16xf32> to vector<1x16xf32>
      tpu.vector_store %swap3A_120[%swap3A_121, %swap3A_122], %swap3A_125 {strides = array<i32>} : memref<128x128xf32, #tpu.memory_space<vmem>>, vector<1x16xf32>,
      %broadcast_in_dim3A_126 = arith.constant 0.000000e+00 : f32
      %broadcast_in_dim3A_127 = vector.broadcast %broadcast_in_dim3A_126 : f32 to vector<16xf32>
      %swap3A_128 = arith.constant 0 : i32
      %swap3A_129 = arith.constant 0 : i32
      %swap3A_130 = tpu.memref_slice %arg10[%scan3A, %swap3A_128, %swap3A_129] : memref<2x128x128xf32, #tpu.memory_space<vmem>> -> memref<1x128x128xf32, #tpu.memory_space<vmem>>
      %swap3A_131 = tpu.memref_squeeze %swap3A_130 : memref<1x128x128xf32, #tpu.memory_space<vmem>> -> memref<128x128xf32, #tpu.memory_space<vmem>>
      %swap3A_132 = arith.index_cast %scan3A_49 : i32 to index
      %swap3A_133 = arith.constant 112 : index
      %swap3A_134 = tpu.vector_load %swap3A_131[%swap3A_132, %swap3A_133] {strides = array<i32>} : memref<128x128xf32, #tpu.memory_space<vmem>>, vector<1x16xf32>,
      %swap3A_135 = vector.shape_cast %swap3A_134 : vector<1x16xf32> to vector<16xf32>
      %swap3A_136 = vector.shape_cast %broadcast_in_dim3A_127 : vector<16xf32> to vector<1x16xf32>
      tpu.vector_store %swap3A_131[%swap3A_132, %swap3A_133], %swap3A_136 {strides = array<i32>} : memref<128x128xf32, #tpu.memory_space<vmem>>, vector<1x16xf32>,
      %scan3A_137 = arith.constant 0 : i32
      scf.yield %scan3A_137 : i32
    }
    %scan3A_6 = arith.constant 128 : i32
    %mul3A = arith.constant 640 : i32
    %mul3A_7 = arith.muli %arg1, %mul3A : i32
    %add3A = arith.constant 0 : i32
    %add3A_8 = arith.addi %mul3A_7, %add3A : i32
    %run_scoped3A = arith.constant 0 : i32
    "tpu.region"() ({
      %run_scoped3A_49 = tpu.sem_alloc : memref<!tpu.dma_semaphore, #tpu.memory_space<semaphore_mem>>
      %dma_start3A = arith.constant 0 : i32
      %dma_start3A_50 = arith.constant 0 : i32
      %dma_start3A_51 = tpu.memref_slice %arg10[%run_scoped3A, %dma_start3A, %dma_start3A_50] : memref<2x128x128xf32, #tpu.memory_space<vmem>> -> memref<1x128x128xf32, #tpu.memory_space<vmem>>
      %dma_start3A_52 = tpu.memref_squeeze %dma_start3A_51 : memref<1x128x128xf32, #tpu.memory_space<vmem>> -> memref<128x128xf32, #tpu.memory_space<vmem>>
      %dma_start3A_53 = arith.constant 0 : i32
      %dma_start3A_54 = tpu.memref_slice %arg11[%add3A_8, %dma_start3A_53] : memref<10240x128xf32, #tpu.memory_space<vmem_shared>> -> memref<128x128xf32, #tpu.memory_space<vmem_shared>>
      %dma_start3A_55 = arith.constant 0 : i32
      %dma_start3A_56 = tpu.memref_slice %arg11[%add3A_8, %dma_start3A_55] : memref<10240x128xf32, #tpu.memory_space<vmem_shared>> -> memref<128x128xf32, #tpu.memory_space<vmem_shared>>
      %dma_start3A_57 = arith.constant 0 : i32
      %dma_start3A_58 = arith.constant 0 : i32
      %dma_start3A_59 = tpu.memref_slice %arg10[%run_scoped3A, %dma_start3A_57, %dma_start3A_58] : memref<2x128x128xf32, #tpu.memory_space<vmem>> -> memref<1x128x128xf32, #tpu.memory_space<vmem>>
      %dma_start3A_60 = tpu.memref_squeeze %dma_start3A_59 : memref<1x128x128xf32, #tpu.memory_space<vmem>> -> memref<128x128xf32, #tpu.memory_space<vmem>>
      tpu.enqueue_dma source(%dma_start3A_60 : memref<128x128xf32, #tpu.memory_space<vmem>>) target(%dma_start3A_56 : memref<128x128xf32, #tpu.memory_space<vmem_shared>>) target_semaphore(%run_scoped3A_49 : memref<!tpu.dma_semaphore, #tpu.memory_space<semaphore_mem>>)
      %dma_wait3A = arith.constant 0 : i32
      %dma_wait3A_61 = arith.constant 0 : i32
      %dma_wait3A_62 = tpu.memref_slice %arg10[%run_scoped3A, %dma_wait3A, %dma_wait3A_61] : memref<2x128x128xf32, #tpu.memory_space<vmem>> -> memref<1x128x128xf32, #tpu.memory_space<vmem>>
      %dma_wait3A_63 = tpu.memref_squeeze %dma_wait3A_62 : memref<1x128x128xf32, #tpu.memory_space<vmem>> -> memref<128x128xf32, #tpu.memory_space<vmem>>
      %dma_wait3A_64 = arith.constant 0 : i32
      %dma_wait3A_65 = tpu.memref_slice %arg11[%add3A_8, %dma_wait3A_64] : memref<10240x128xf32, #tpu.memory_space<vmem_shared>> -> memref<128x128xf32, #tpu.memory_space<vmem_shared>>
      %dma_wait3A_66 = arith.constant 0 : i32
      %dma_wait3A_67 = tpu.memref_slice %arg11[%add3A_8, %dma_wait3A_66] : memref<10240x128xf32, #tpu.memory_space<vmem_shared>> -> memref<128x128xf32, #tpu.memory_space<vmem_shared>>
      %dma_wait3A_68 = arith.constant 0 : i32
      %dma_wait3A_69 = arith.constant 0 : i32
      %dma_wait3A_70 = tpu.memref_slice %arg10[%run_scoped3A, %dma_wait3A_68, %dma_wait3A_69] : memref<2x128x128xf32, #tpu.memory_space<vmem>> -> memref<1x128x128xf32, #tpu.memory_space<vmem>>
      %dma_wait3A_71 = tpu.memref_squeeze %dma_wait3A_70 : memref<1x128x128xf32, #tpu.memory_space<vmem>> -> memref<128x128xf32, #tpu.memory_space<vmem>>
      tpu.wait_dma2 semaphore(%run_scoped3A_49 : memref<!tpu.dma_semaphore, #tpu.memory_space<semaphore_mem>>) src(%dma_wait3A_71 : memref<128x128xf32, #tpu.memory_space<vmem>>) dst(%dma_wait3A_67 : memref<128x128xf32, #tpu.memory_space<vmem_shared>>)
      tpu.yield
    }) : () -> ()
    %mul3A_9 = arith.constant 640 : i32
    %mul3A_10 = arith.muli %arg1, %mul3A_9 : i32
    %add3A_11 = arith.constant 128 : i32
    %add3A_12 = arith.addi %mul3A_10, %add3A_11 : i32
    %run_scoped3A_13 = arith.constant 0 : i32
    "tpu.region"() ({
      %run_scoped3A_49 = tpu.sem_alloc : memref<!tpu.dma_semaphore, #tpu.memory_space<semaphore_mem>>
      %dma_start3A = arith.constant 0 : i32
      %dma_start3A_50 = arith.constant 0 : i32
      %dma_start3A_51 = tpu.memref_slice %arg10[%run_scoped3A_13, %dma_start3A, %dma_start3A_50] : memref<2x128x128xf32, #tpu.memory_space<vmem>> -> memref<1x128x128xf32, #tpu.memory_space<vmem>>
      %dma_start3A_52 = tpu.memref_squeeze %dma_start3A_51 : memref<1x128x128xf32, #tpu.memory_space<vmem>> -> memref<128x128xf32, #tpu.memory_space<vmem>>
      %dma_start3A_53 = arith.constant 0 : i32
      %dma_start3A_54 = tpu.memref_slice %arg11[%add3A_12, %dma_start3A_53] : memref<10240x128xf32, #tpu.memory_space<vmem_shared>> -> memref<128x128xf32, #tpu.memory_space<vmem_shared>>
      %dma_start3A_55 = arith.constant 0 : i32
      %dma_start3A_56 = tpu.memref_slice %arg11[%add3A_12, %dma_start3A_55] : memref<10240x128xf32, #tpu.memory_space<vmem_shared>> -> memref<128x128xf32, #tpu.memory_space<vmem_shared>>
      %dma_start3A_57 = arith.constant 0 : i32
      %dma_start3A_58 = arith.constant 0 : i32
      %dma_start3A_59 = tpu.memref_slice %arg10[%run_scoped3A_13, %dma_start3A_57, %dma_start3A_58] : memref<2x128x128xf32, #tpu.memory_space<vmem>> -> memref<1x128x128xf32, #tpu.memory_space<vmem>>
      %dma_start3A_60 = tpu.memref_squeeze %dma_start3A_59 : memref<1x128x128xf32, #tpu.memory_space<vmem>> -> memref<128x128xf32, #tpu.memory_space<vmem>>
      tpu.enqueue_dma source(%dma_start3A_60 : memref<128x128xf32, #tpu.memory_space<vmem>>) target(%dma_start3A_56 : memref<128x128xf32, #tpu.memory_space<vmem_shared>>) target_semaphore(%run_scoped3A_49 : memref<!tpu.dma_semaphore, #tpu.memory_space<semaphore_mem>>)
      %dma_wait3A = arith.constant 0 : i32
      %dma_wait3A_61 = arith.constant 0 : i32
      %dma_wait3A_62 = tpu.memref_slice %arg10[%run_scoped3A_13, %dma_wait3A, %dma_wait3A_61] : memref<2x128x128xf32, #tpu.memory_space<vmem>> -> memref<1x128x128xf32, #tpu.memory_space<vmem>>
      %dma_wait3A_63 = tpu.memref_squeeze %dma_wait3A_62 : memref<1x128x128xf32, #tpu.memory_space<vmem>> -> memref<128x128xf32, #tpu.memory_space<vmem>>
      %dma_wait3A_64 = arith.constant 0 : i32
      %dma_wait3A_65 = tpu.memref_slice %arg11[%add3A_12, %dma_wait3A_64] : memref<10240x128xf32, #tpu.memory_space<vmem_shared>> -> memref<128x128xf32, #tpu.memory_space<vmem_shared>>
      %dma_wait3A_66 = arith.constant 0 : i32
      %dma_wait3A_67 = tpu.memref_slice %arg11[%add3A_12, %dma_wait3A_66] : memref<10240x128xf32, #tpu.memory_space<vmem_shared>> -> memref<128x128xf32, #tpu.memory_space<vmem_shared>>
      %dma_wait3A_68 = arith.constant 0 : i32
      %dma_wait3A_69 = arith.constant 0 : i32
      %dma_wait3A_70 = tpu.memref_slice %arg10[%run_scoped3A_13, %dma_wait3A_68, %dma_wait3A_69] : memref<2x128x128xf32, #tpu.memory_space<vmem>> -> memref<1x128x128xf32, #tpu.memory_space<vmem>>
      %dma_wait3A_71 = tpu.memref_squeeze %dma_wait3A_70 : memref<1x128x128xf32, #tpu.memory_space<vmem>> -> memref<128x128xf32, #tpu.memory_space<vmem>>
      tpu.wait_dma2 semaphore(%run_scoped3A_49 : memref<!tpu.dma_semaphore, #tpu.memory_space<semaphore_mem>>) src(%dma_wait3A_71 : memref<128x128xf32, #tpu.memory_space<vmem>>) dst(%dma_wait3A_67 : memref<128x128xf32, #tpu.memory_space<vmem_shared>>)
      tpu.yield
    }) : () -> ()
    %mul3A_14 = arith.constant 640 : i32
    %mul3A_15 = arith.muli %arg1, %mul3A_14 : i32
    %add3A_16 = arith.constant 256 : i32
    %add3A_17 = arith.addi %mul3A_15, %add3A_16 : i32
    %run_scoped3A_18 = arith.constant 0 : i32
    "tpu.region"() ({
      %run_scoped3A_49 = tpu.sem_alloc : memref<!tpu.dma_semaphore, #tpu.memory_space<semaphore_mem>>
      %dma_start3A = arith.constant 0 : i32
      %dma_start3A_50 = arith.constant 0 : i32
      %dma_start3A_51 = tpu.memref_slice %arg10[%run_scoped3A_18, %dma_start3A, %dma_start3A_50] : memref<2x128x128xf32, #tpu.memory_space<vmem>> -> memref<1x128x128xf32, #tpu.memory_space<vmem>>
      %dma_start3A_52 = tpu.memref_squeeze %dma_start3A_51 : memref<1x128x128xf32, #tpu.memory_space<vmem>> -> memref<128x128xf32, #tpu.memory_space<vmem>>
      %dma_start3A_53 = arith.constant 0 : i32
      %dma_start3A_54 = tpu.memref_slice %arg11[%add3A_17, %dma_start3A_53] : memref<10240x128xf32, #tpu.memory_space<vmem_shared>> -> memref<128x128xf32, #tpu.memory_space<vmem_shared>>
      %dma_start3A_55 = arith.constant 0 : i32
      %dma_start3A_56 = tpu.memref_slice %arg11[%add3A_17, %dma_start3A_55] : memref<10240x128xf32, #tpu.memory_space<vmem_shared>> -> memref<128x128xf32, #tpu.memory_space<vmem_shared>>
      %dma_start3A_57 = arith.constant 0 : i32
      %dma_start3A_58 = arith.constant 0 : i32
      %dma_start3A_59 = tpu.memref_slice %arg10[%run_scoped3A_18, %dma_start3A_57, %dma_start3A_58] : memref<2x128x128xf32, #tpu.memory_space<vmem>> -> memref<1x128x128xf32, #tpu.memory_space<vmem>>
      %dma_start3A_60 = tpu.memref_squeeze %dma_start3A_59 : memref<1x128x128xf32, #tpu.memory_space<vmem>> -> memref<128x128xf32, #tpu.memory_space<vmem>>
      tpu.enqueue_dma source(%dma_start3A_60 : memref<128x128xf32, #tpu.memory_space<vmem>>) target(%dma_start3A_56 : memref<128x128xf32, #tpu.memory_space<vmem_shared>>) target_semaphore(%run_scoped3A_49 : memref<!tpu.dma_semaphore, #tpu.memory_space<semaphore_mem>>)
      %dma_wait3A = arith.constant 0 : i32
      %dma_wait3A_61 = arith.constant 0 : i32
      %dma_wait3A_62 = tpu.memref_slice %arg10[%run_scoped3A_18, %dma_wait3A, %dma_wait3A_61] : memref<2x128x128xf32, #tpu.memory_space<vmem>> -> memref<1x128x128xf32, #tpu.memory_space<vmem>>
      %dma_wait3A_63 = tpu.memref_squeeze %dma_wait3A_62 : memref<1x128x128xf32, #tpu.memory_space<vmem>> -> memref<128x128xf32, #tpu.memory_space<vmem>>
      %dma_wait3A_64 = arith.constant 0 : i32
      %dma_wait3A_65 = tpu.memref_slice %arg11[%add3A_17, %dma_wait3A_64] : memref<10240x128xf32, #tpu.memory_space<vmem_shared>> -> memref<128x128xf32, #tpu.memory_space<vmem_shared>>
      %dma_wait3A_66 = arith.constant 0 : i32
      %dma_wait3A_67 = tpu.memref_slice %arg11[%add3A_17, %dma_wait3A_66] : memref<10240x128xf32, #tpu.memory_space<vmem_shared>> -> memref<128x128xf32, #tpu.memory_space<vmem_shared>>
      %dma_wait3A_68 = arith.constant 0 : i32
      %dma_wait3A_69 = arith.constant 0 : i32
      %dma_wait3A_70 = tpu.memref_slice %arg10[%run_scoped3A_18, %dma_wait3A_68, %dma_wait3A_69] : memref<2x128x128xf32, #tpu.memory_space<vmem>> -> memref<1x128x128xf32, #tpu.memory_space<vmem>>
      %dma_wait3A_71 = tpu.memref_squeeze %dma_wait3A_70 : memref<1x128x128xf32, #tpu.memory_space<vmem>> -> memref<128x128xf32, #tpu.memory_space<vmem>>
      tpu.wait_dma2 semaphore(%run_scoped3A_49 : memref<!tpu.dma_semaphore, #tpu.memory_space<semaphore_mem>>) src(%dma_wait3A_71 : memref<128x128xf32, #tpu.memory_space<vmem>>) dst(%dma_wait3A_67 : memref<128x128xf32, #tpu.memory_space<vmem_shared>>)
      tpu.yield
    }) : () -> ()
    %mul3A_19 = arith.constant 640 : i32
    %mul3A_20 = arith.muli %arg1, %mul3A_19 : i32
    %add3A_21 = arith.constant 384 : i32
    %add3A_22 = arith.addi %mul3A_20, %add3A_21 : i32
    %run_scoped3A_23 = arith.constant 0 : i32
    "tpu.region"() ({
      %run_scoped3A_49 = tpu.sem_alloc : memref<!tpu.dma_semaphore, #tpu.memory_space<semaphore_mem>>
      %dma_start3A = arith.constant 0 : i32
      %dma_start3A_50 = arith.constant 0 : i32
      %dma_start3A_51 = tpu.memref_slice %arg10[%run_scoped3A_23, %dma_start3A, %dma_start3A_50] : memref<2x128x128xf32, #tpu.memory_space<vmem>> -> memref<1x128x128xf32, #tpu.memory_space<vmem>>
      %dma_start3A_52 = tpu.memref_squeeze %dma_start3A_51 : memref<1x128x128xf32, #tpu.memory_space<vmem>> -> memref<128x128xf32, #tpu.memory_space<vmem>>
      %dma_start3A_53 = arith.constant 0 : i32
      %dma_start3A_54 = tpu.memref_slice %arg11[%add3A_22, %dma_start3A_53] : memref<10240x128xf32, #tpu.memory_space<vmem_shared>> -> memref<128x128xf32, #tpu.memory_space<vmem_shared>>
      %dma_start3A_55 = arith.constant 0 : i32
      %dma_start3A_56 = tpu.memref_slice %arg11[%add3A_22, %dma_start3A_55] : memref<10240x128xf32, #tpu.memory_space<vmem_shared>> -> memref<128x128xf32, #tpu.memory_space<vmem_shared>>
      %dma_start3A_57 = arith.constant 0 : i32
      %dma_start3A_58 = arith.constant 0 : i32
      %dma_start3A_59 = tpu.memref_slice %arg10[%run_scoped3A_23, %dma_start3A_57, %dma_start3A_58] : memref<2x128x128xf32, #tpu.memory_space<vmem>> -> memref<1x128x128xf32, #tpu.memory_space<vmem>>
      %dma_start3A_60 = tpu.memref_squeeze %dma_start3A_59 : memref<1x128x128xf32, #tpu.memory_space<vmem>> -> memref<128x128xf32, #tpu.memory_space<vmem>>
      tpu.enqueue_dma source(%dma_start3A_60 : memref<128x128xf32, #tpu.memory_space<vmem>>) target(%dma_start3A_56 : memref<128x128xf32, #tpu.memory_space<vmem_shared>>) target_semaphore(%run_scoped3A_49 : memref<!tpu.dma_semaphore, #tpu.memory_space<semaphore_mem>>)
      %dma_wait3A = arith.constant 0 : i32
      %dma_wait3A_61 = arith.constant 0 : i32
      %dma_wait3A_62 = tpu.memref_slice %arg10[%run_scoped3A_23, %dma_wait3A, %dma_wait3A_61] : memref<2x128x128xf32, #tpu.memory_space<vmem>> -> memref<1x128x128xf32, #tpu.memory_space<vmem>>
      %dma_wait3A_63 = tpu.memref_squeeze %dma_wait3A_62 : memref<1x128x128xf32, #tpu.memory_space<vmem>> -> memref<128x128xf32, #tpu.memory_space<vmem>>
      %dma_wait3A_64 = arith.constant 0 : i32
      %dma_wait3A_65 = tpu.memref_slice %arg11[%add3A_22, %dma_wait3A_64] : memref<10240x128xf32, #tpu.memory_space<vmem_shared>> -> memref<128x128xf32, #tpu.memory_space<vmem_shared>>
      %dma_wait3A_66 = arith.constant 0 : i32
      %dma_wait3A_67 = tpu.memref_slice %arg11[%add3A_22, %dma_wait3A_66] : memref<10240x128xf32, #tpu.memory_space<vmem_shared>> -> memref<128x128xf32, #tpu.memory_space<vmem_shared>>
      %dma_wait3A_68 = arith.constant 0 : i32
      %dma_wait3A_69 = arith.constant 0 : i32
      %dma_wait3A_70 = tpu.memref_slice %arg10[%run_scoped3A_23, %dma_wait3A_68, %dma_wait3A_69] : memref<2x128x128xf32, #tpu.memory_space<vmem>> -> memref<1x128x128xf32, #tpu.memory_space<vmem>>
      %dma_wait3A_71 = tpu.memref_squeeze %dma_wait3A_70 : memref<1x128x128xf32, #tpu.memory_space<vmem>> -> memref<128x128xf32, #tpu.memory_space<vmem>>
      tpu.wait_dma2 semaphore(%run_scoped3A_49 : memref<!tpu.dma_semaphore, #tpu.memory_space<semaphore_mem>>) src(%dma_wait3A_71 : memref<128x128xf32, #tpu.memory_space<vmem>>) dst(%dma_wait3A_67 : memref<128x128xf32, #tpu.memory_space<vmem_shared>>)
      tpu.yield
    }) : () -> ()
    %mul3A_24 = arith.constant 640 : i32
    %mul3A_25 = arith.muli %arg1, %mul3A_24 : i32
    %add3A_26 = arith.constant 512 : i32
    %add3A_27 = arith.addi %mul3A_25, %add3A_26 : i32
    %run_scoped3A_28 = arith.constant 0 : i32
    "tpu.region"() ({
      %run_scoped3A_49 = tpu.sem_alloc : memref<!tpu.dma_semaphore, #tpu.memory_space<semaphore_mem>>
      %dma_start3A = arith.constant 0 : i32
      %dma_start3A_50 = arith.constant 0 : i32
      %dma_start3A_51 = tpu.memref_slice %arg10[%run_scoped3A_28, %dma_start3A, %dma_start3A_50] : memref<2x128x128xf32, #tpu.memory_space<vmem>> -> memref<1x128x128xf32, #tpu.memory_space<vmem>>
      %dma_start3A_52 = tpu.memref_squeeze %dma_start3A_51 : memref<1x128x128xf32, #tpu.memory_space<vmem>> -> memref<128x128xf32, #tpu.memory_space<vmem>>
      %dma_start3A_53 = arith.constant 0 : i32
      %dma_start3A_54 = tpu.memref_slice %arg11[%add3A_27, %dma_start3A_53] : memref<10240x128xf32, #tpu.memory_space<vmem_shared>> -> memref<128x128xf32, #tpu.memory_space<vmem_shared>>
      %dma_start3A_55 = arith.constant 0 : i32
      %dma_start3A_56 = tpu.memref_slice %arg11[%add3A_27, %dma_start3A_55] : memref<10240x128xf32, #tpu.memory_space<vmem_shared>> -> memref<128x128xf32, #tpu.memory_space<vmem_shared>>
      %dma_start3A_57 = arith.constant 0 : i32
      %dma_start3A_58 = arith.constant 0 : i32
      %dma_start3A_59 = tpu.memref_slice %arg10[%run_scoped3A_28, %dma_start3A_57, %dma_start3A_58] : memref<2x128x128xf32, #tpu.memory_space<vmem>> -> memref<1x128x128xf32, #tpu.memory_space<vmem>>
      %dma_start3A_60 = tpu.memref_squeeze %dma_start3A_59 : memref<1x128x128xf32, #tpu.memory_space<vmem>> -> memref<128x128xf32, #tpu.memory_space<vmem>>
      tpu.enqueue_dma source(%dma_start3A_60 : memref<128x128xf32, #tpu.memory_space<vmem>>) target(%dma_start3A_56 : memref<128x128xf32, #tpu.memory_space<vmem_shared>>) target_semaphore(%run_scoped3A_49 : memref<!tpu.dma_semaphore, #tpu.memory_space<semaphore_mem>>)
      %dma_wait3A = arith.constant 0 : i32
      %dma_wait3A_61 = arith.constant 0 : i32
      %dma_wait3A_62 = tpu.memref_slice %arg10[%run_scoped3A_28, %dma_wait3A, %dma_wait3A_61] : memref<2x128x128xf32, #tpu.memory_space<vmem>> -> memref<1x128x128xf32, #tpu.memory_space<vmem>>
      %dma_wait3A_63 = tpu.memref_squeeze %dma_wait3A_62 : memref<1x128x128xf32, #tpu.memory_space<vmem>> -> memref<128x128xf32, #tpu.memory_space<vmem>>
      %dma_wait3A_64 = arith.constant 0 : i32
      %dma_wait3A_65 = tpu.memref_slice %arg11[%add3A_27, %dma_wait3A_64] : memref<10240x128xf32, #tpu.memory_space<vmem_shared>> -> memref<128x128xf32, #tpu.memory_space<vmem_shared>>
      %dma_wait3A_66 = arith.constant 0 : i32
      %dma_wait3A_67 = tpu.memref_slice %arg11[%add3A_27, %dma_wait3A_66] : memref<10240x128xf32, #tpu.memory_space<vmem_shared>> -> memref<128x128xf32, #tpu.memory_space<vmem_shared>>
      %dma_wait3A_68 = arith.constant 0 : i32
      %dma_wait3A_69 = arith.constant 0 : i32
      %dma_wait3A_70 = tpu.memref_slice %arg10[%run_scoped3A_28, %dma_wait3A_68, %dma_wait3A_69] : memref<2x128x128xf32, #tpu.memory_space<vmem>> -> memref<1x128x128xf32, #tpu.memory_space<vmem>>
      %dma_wait3A_71 = tpu.memref_squeeze %dma_wait3A_70 : memref<1x128x128xf32, #tpu.memory_space<vmem>> -> memref<128x128xf32, #tpu.memory_space<vmem>>
      tpu.wait_dma2 semaphore(%run_scoped3A_49 : memref<!tpu.dma_semaphore, #tpu.memory_space<semaphore_mem>>) src(%dma_wait3A_71 : memref<128x128xf32, #tpu.memory_space<vmem>>) dst(%dma_wait3A_67 : memref<128x128xf32, #tpu.memory_space<vmem_shared>>)
      tpu.yield
    }) : () -> ()
    %barrier3A = arith.constant 0 : index
    tpu.barrier barrier_id(%barrier3A)
    %eq3A = arith.constant 0 : i32
    %eq3A_29 = arith.cmpi eq, %arg0, %eq3A : i32
    %convert_element_type3A = arith.extui %eq3A_29 : i1 to i32
    %cond3A = arith.constant 0 : i32
    %cond3A_30 = arith.cmpi ne, %convert_element_type3A, %cond3A : i32
    scf.if %cond3A_30 {
      %scan3A_49 = arith.constant 0 : i32
      %scan3A_50 = arith.constant 0 : i32
      %scan3A_51 = arith.constant 2 : i32
      %scan3A_52 = arith.addi %scan3A_50, %scan3A_51 : i32
      %scan3A_53 = arith.constant 1 : i32
      %scan3A_54 = scf.for %scan3A_79 = %scan3A_50 to %scan3A_52 step %scan3A_53 iter_args(%scan3A_80 = %scan3A_49) -> (i32)  : i32 {
        %gt3A = arith.constant 0 : i32
        %gt3A_81 = arith.cmpi sgt, %scan3A_79, %gt3A : i32
        %convert_element_type3A_82 = arith.extui %gt3A_81 : i1 to i32
        %cond3A_83 = arith.constant 0 : i32
        %cond3A_84 = arith.cmpi ne, %convert_element_type3A_82, %cond3A_83 : i32
        scf.if %cond3A_84 {
          %dma_wait3A_103 = arith.constant 0 : i32
          %dma_wait3A_104 = arith.constant 0 : i32
          %dma_wait3A_105 = arith.constant 0 : i32
          %dma_wait3A_106 = arith.constant 0 : i32
          %dma_wait3A_107 = tpu.memref_slice %arg10[%dma_wait3A_103, %dma_wait3A_105, %dma_wait3A_106] : memref<2x128x128xf32, #tpu.memory_space<vmem>> -> memref<1x128x128xf32, #tpu.memory_space<vmem>>
          %dma_wait3A_108 = tpu.memref_squeeze %dma_wait3A_107 : memref<1x128x128xf32, #tpu.memory_space<vmem>> -> memref<128x128xf32, #tpu.memory_space<vmem>>
          %dma_wait3A_109 = arith.constant 0 : i32
          %dma_wait3A_110 = tpu.memref_slice %arg9[%dma_wait3A_104, %dma_wait3A_109] : memref<40x128xi32, #tpu.memory_space<vmem>> -> memref<1x128xi32, #tpu.memory_space<vmem>>
          %dma_wait3A_111 = tpu.memref_squeeze %dma_wait3A_110 : memref<1x128xi32, #tpu.memory_space<vmem>> -> memref<128xi32, #tpu.memory_space<vmem>>
          %dma_wait3A_112 = arith.constant 0 : i32
          %dma_wait3A_113 = arith.constant 0 : i32
          %dma_wait3A_114 = tpu.memref_slice %arg11[%dma_wait3A_112, %dma_wait3A_113] : memref<10240x128xf32, #tpu.memory_space<vmem_shared>> -> memref<10240x128xf32, #tpu.memory_space<vmem_shared>>
          tpu.wait_indirect_dma semaphore(%arg13 : memref<!tpu.dma_semaphore, #tpu.memory_space<semaphore_mem>>) src(%dma_wait3A_108 : memref<128x128xf32, #tpu.memory_space<vmem>>) dst(%dma_wait3A_114 : memref<10240x128xf32, #tpu.memory_space<vmem_shared>>)
          %dma_wait3A_115 = arith.constant 1 : i32
          %dma_wait3A_116 = arith.constant 1 : i32
          %dma_wait3A_117 = arith.constant 0 : i32
          %dma_wait3A_118 = arith.constant 0 : i32
          %dma_wait3A_119 = tpu.memref_slice %arg10[%dma_wait3A_115, %dma_wait3A_117, %dma_wait3A_118] : memref<2x128x128xf32, #tpu.memory_space<vmem>> -> memref<1x128x128xf32, #tpu.memory_space<vmem>>
          %dma_wait3A_120 = tpu.memref_squeeze %dma_wait3A_119 : memref<1x128x128xf32, #tpu.memory_space<vmem>> -> memref<128x128xf32, #tpu.memory_space<vmem>>
          %dma_wait3A_121 = arith.constant 0 : i32
          %dma_wait3A_122 = tpu.memref_slice %arg9[%dma_wait3A_116, %dma_wait3A_121] : memref<40x128xi32, #tpu.memory_space<vmem>> -> memref<1x128xi32, #tpu.memory_space<vmem>>
          %dma_wait3A_123 = tpu.memref_squeeze %dma_wait3A_122 : memref<1x128xi32, #tpu.memory_space<vmem>> -> memref<128xi32, #tpu.memory_space<vmem>>
          %dma_wait3A_124 = arith.constant 0 : i32
          %dma_wait3A_125 = arith.constant 0 : i32
          %dma_wait3A_126 = tpu.memref_slice %arg11[%dma_wait3A_124, %dma_wait3A_125] : memref<10240x128xf32, #tpu.memory_space<vmem_shared>> -> memref<10240x128xf32, #tpu.memory_space<vmem_shared>>
          tpu.wait_indirect_dma semaphore(%arg13 : memref<!tpu.dma_semaphore, #tpu.memory_space<semaphore_mem>>) src(%dma_wait3A_120 : memref<128x128xf32, #tpu.memory_space<vmem>>) dst(%dma_wait3A_126 : memref<10240x128xf32, #tpu.memory_space<vmem_shared>>)
        } else {
        }
        %mul3A_85 = arith.constant 80 : i32
        %mul3A_86 = arith.muli %arg1, %mul3A_85 : i32
        %mul3A_87 = arith.constant 40 : i32
        %mul3A_88 = arith.muli %scan3A_79, %mul3A_87 : i32
        %add3A_89 = arith.addi %mul3A_86, %mul3A_88 : i32
        "tpu.region"() ({
          %run_scoped3A_103 = tpu.sem_alloc : memref<!tpu.dma_semaphore, #tpu.memory_space<semaphore_mem>>
          %dma_start3A = arith.constant 0 : i32
          %dma_start3A_104 = tpu.memref_slice %arg4[%add3A_89, %dma_start3A] : memref<1280x128xi32, #tpu.memory_space<hbm>> -> memref<40x128xi32, #tpu.memory_space<hbm>>
          %dma_start3A_105 = arith.constant 0 : i32
          %dma_start3A_106 = tpu.memref_slice %arg4[%add3A_89, %dma_start3A_105] : memref<1280x128xi32, #tpu.memory_space<hbm>> -> memref<40x128xi32, #tpu.memory_space<hbm>>
          tpu.enqueue_dma source(%dma_start3A_106 : memref<40x128xi32, #tpu.memory_space<hbm>>) target(%arg8 : memref<40x128xi32, #tpu.memory_space<vmem>>) target_semaphore(%run_scoped3A_103 : memref<!tpu.dma_semaphore, #tpu.memory_space<semaphore_mem>>)
          %dma_wait3A_107 = arith.constant 0 : i32
          %dma_wait3A_108 = tpu.memref_slice %arg4[%add3A_89, %dma_wait3A_107] : memref<1280x128xi32, #tpu.memory_space<hbm>> -> memref<40x128xi32, #tpu.memory_space<hbm>>
          %dma_wait3A_109 = arith.constant 0 : i32
          %dma_wait3A_110 = tpu.memref_slice %arg4[%add3A_89, %dma_wait3A_109] : memref<1280x128xi32, #tpu.memory_space<hbm>> -> memref<40x128xi32, #tpu.memory_space<hbm>>
          tpu.wait_dma2 semaphore(%run_scoped3A_103 : memref<!tpu.dma_semaphore, #tpu.memory_space<semaphore_mem>>) src(%dma_wait3A_110 : memref<40x128xi32, #tpu.memory_space<hbm>>) dst(%arg8 : memref<40x128xi32, #tpu.memory_space<vmem>>)
          tpu.yield
        }) : () -> ()
        %mul3A_90 = arith.constant 80 : i32
        %mul3A_91 = arith.muli %arg1, %mul3A_90 : i32
        %mul3A_92 = arith.constant 40 : i32
        %mul3A_93 = arith.muli %scan3A_79, %mul3A_92 : i32
        %add3A_94 = arith.addi %mul3A_91, %mul3A_93 : i32
        "tpu.region"() ({
          %run_scoped3A_103 = tpu.sem_alloc : memref<!tpu.dma_semaphore, #tpu.memory_space<semaphore_mem>>
          %dma_start3A = arith.constant 0 : i32
          %dma_start3A_104 = tpu.memref_slice %arg5[%add3A_94, %dma_start3A] : memref<1280x128xi32, #tpu.memory_space<hbm>> -> memref<40x128xi32, #tpu.memory_space<hbm>>
          %dma_start3A_105 = arith.constant 0 : i32
          %dma_start3A_106 = tpu.memref_slice %arg5[%add3A_94, %dma_start3A_105] : memref<1280x128xi32, #tpu.memory_space<hbm>> -> memref<40x128xi32, #tpu.memory_space<hbm>>
          tpu.enqueue_dma source(%dma_start3A_106 : memref<40x128xi32, #tpu.memory_space<hbm>>) target(%arg9 : memref<40x128xi32, #tpu.memory_space<vmem>>) target_semaphore(%run_scoped3A_103 : memref<!tpu.dma_semaphore, #tpu.memory_space<semaphore_mem>>)
          %dma_wait3A_107 = arith.constant 0 : i32
          %dma_wait3A_108 = tpu.memref_slice %arg5[%add3A_94, %dma_wait3A_107] : memref<1280x128xi32, #tpu.memory_space<hbm>> -> memref<40x128xi32, #tpu.memory_space<hbm>>
          %dma_wait3A_109 = arith.constant 0 : i32
          %dma_wait3A_110 = tpu.memref_slice %arg5[%add3A_94, %dma_wait3A_109] : memref<1280x128xi32, #tpu.memory_space<hbm>> -> memref<40x128xi32, #tpu.memory_space<hbm>>
          tpu.wait_dma2 semaphore(%run_scoped3A_103 : memref<!tpu.dma_semaphore, #tpu.memory_space<semaphore_mem>>) src(%dma_wait3A_110 : memref<40x128xi32, #tpu.memory_space<hbm>>) dst(%arg9 : memref<40x128xi32, #tpu.memory_space<vmem>>)
          tpu.yield
        }) : () -> ()
        %scan3A_95 = arith.constant 0 : i32
        %scan3A_96 = arith.constant 0 : i32
        %scan3A_97 = arith.constant 20 : i32
        %scan3A_98 = arith.addi %scan3A_96, %scan3A_97 : i32
        %scan3A_99 = arith.constant 1 : i32
        %scan3A_100 = scf.for %scan3A_103 = %scan3A_96 to %scan3A_98 step %scan3A_99 iter_args(%scan3A_104 = %scan3A_95) -> (i32)  : i32 {
          %mul3A_105 = arith.constant 2 : i32
          %mul3A_106 = arith.muli %scan3A_103, %mul3A_105 : i32
          %add3A_107 = arith.constant 0 : i32
          %add3A_108 = arith.addi %mul3A_106, %add3A_107 : i32
          %gt3A_109 = arith.constant 0 : i32
          %gt3A_110 = arith.cmpi sgt, %scan3A_103, %gt3A_109 : i32
          %convert_element_type3A_111 = arith.extui %gt3A_110 : i1 to i32
          %cond3A_112 = arith.constant 0 : i32
          %cond3A_113 = arith.cmpi ne, %convert_element_type3A_111, %cond3A_112 : i32
          scf.if %cond3A_113 {
            %dma_wait3A_197 = arith.constant 0 : i32
            %dma_wait3A_198 = arith.constant 0 : i32
            %dma_wait3A_199 = arith.constant 0 : i32
            %dma_wait3A_200 = tpu.memref_slice %arg10[%dma_wait3A_197, %dma_wait3A_198, %dma_wait3A_199] : memref<2x128x128xf32, #tpu.memory_space<vmem>> -> memref<1x128x128xf32, #tpu.memory_space<vmem>>
            %dma_wait3A_201 = tpu.memref_squeeze %dma_wait3A_200 : memref<1x128x128xf32, #tpu.memory_space<vmem>> -> memref<128x128xf32, #tpu.memory_space<vmem>>
            %dma_wait3A_202 = arith.constant 0 : i32
            %dma_wait3A_203 = tpu.memref_slice %arg9[%add3A_108, %dma_wait3A_202] : memref<40x128xi32, #tpu.memory_space<vmem>> -> memref<1x128xi32, #tpu.memory_space<vmem>>
            %dma_wait3A_204 = tpu.memref_squeeze %dma_wait3A_203 : memref<1x128xi32, #tpu.memory_space<vmem>> -> memref<128xi32, #tpu.memory_space<vmem>>
            %dma_wait3A_205 = arith.constant 0 : i32
            %dma_wait3A_206 = arith.constant 0 : i32
            %dma_wait3A_207 = tpu.memref_slice %arg11[%dma_wait3A_205, %dma_wait3A_206] : memref<10240x128xf32, #tpu.memory_space<vmem_shared>> -> memref<10240x128xf32, #tpu.memory_space<vmem_shared>>
            tpu.wait_indirect_dma semaphore(%arg13 : memref<!tpu.dma_semaphore, #tpu.memory_space<semaphore_mem>>) src(%dma_wait3A_201 : memref<128x128xf32, #tpu.memory_space<vmem>>) dst(%dma_wait3A_207 : memref<10240x128xf32, #tpu.memory_space<vmem_shared>>)
          } else {
          }
          %dma_start3A = arith.constant 0 : i32
          %dma_start3A_114 = arith.constant 0 : i32
          %dma_start3A_115 = arith.constant 0 : i32
          %dma_start3A_116 = tpu.memref_slice %arg10[%dma_start3A, %dma_start3A_114, %dma_start3A_115] : memref<2x128x128xf32, #tpu.memory_space<vmem>> -> memref<1x128x128xf32, #tpu.memory_space<vmem>>
          %dma_start3A_117 = tpu.memref_squeeze %dma_start3A_116 : memref<1x128x128xf32, #tpu.memory_space<vmem>> -> memref<128x128xf32, #tpu.memory_space<vmem>>
          %dma_start3A_118 = arith.constant 0 : i32
          %dma_start3A_119 = tpu.memref_slice %arg8[%add3A_108, %dma_start3A_118] : memref<40x128xi32, #tpu.memory_space<vmem>> -> memref<1x128xi32, #tpu.memory_space<vmem>>
          %dma_start3A_120 = tpu.memref_squeeze %dma_start3A_119 : memref<1x128xi32, #tpu.memory_space<vmem>> -> memref<128xi32, #tpu.memory_space<vmem>>
          %dma_start3A_121 = arith.constant 0 : i32
          %dma_start3A_122 = arith.constant 0 : i32
          %dma_start3A_123 = tpu.memref_slice %arg2[%dma_start3A_121, %dma_start3A_122] : memref<10240x128xf32, #tpu.memory_space<hbm>> -> memref<10240x128xf32, #tpu.memory_space<hbm>>
          tpu.enqueue_indirect_dma source(%dma_start3A_123 : memref<10240x128xf32, #tpu.memory_space<hbm>>) target(%dma_start3A_117 : memref<128x128xf32, #tpu.memory_space<vmem>>) offsets(%dma_start3A_120 : memref<128xi32, #tpu.memory_space<vmem>>) semaphore(%arg12 : memref<!tpu.dma_semaphore, #tpu.memory_space<semaphore_mem>>)
          %mul3A_124 = arith.constant 2 : i32
          %mul3A_125 = arith.muli %scan3A_103, %mul3A_124 : i32
          %add3A_126 = arith.constant 1 : i32
          %add3A_127 = arith.addi %mul3A_125, %add3A_126 : i32
          %gt3A_128 = arith.constant 0 : i32
          %gt3A_129 = arith.cmpi sgt, %scan3A_103, %gt3A_128 : i32
          %convert_element_type3A_130 = arith.extui %gt3A_129 : i1 to i32
          %cond3A_131 = arith.constant 0 : i32
          %cond3A_132 = arith.cmpi ne, %convert_element_type3A_130, %cond3A_131 : i32
          scf.if %cond3A_132 {
            %dma_wait3A_197 = arith.constant 1 : i32
            %dma_wait3A_198 = arith.constant 0 : i32
            %dma_wait3A_199 = arith.constant 0 : i32
            %dma_wait3A_200 = tpu.memref_slice %arg10[%dma_wait3A_197, %dma_wait3A_198, %dma_wait3A_199] : memref<2x128x128xf32, #tpu.memory_space<vmem>> -> memref<1x128x128xf32, #tpu.memory_space<vmem>>
            %dma_wait3A_201 = tpu.memref_squeeze %dma_wait3A_200 : memref<1x128x128xf32, #tpu.memory_space<vmem>> -> memref<128x128xf32, #tpu.memory_space<vmem>>
            %dma_wait3A_202 = arith.constant 0 : i32
            %dma_wait3A_203 = tpu.memref_slice %arg9[%add3A_127, %dma_wait3A_202] : memref<40x128xi32, #tpu.memory_space<vmem>> -> memref<1x128xi32, #tpu.memory_space<vmem>>
            %dma_wait3A_204 = tpu.memref_squeeze %dma_wait3A_203 : memref<1x128xi32, #tpu.memory_space<vmem>> -> memref<128xi32, #tpu.memory_space<vmem>>
            %dma_wait3A_205 = arith.constant 0 : i32
            %dma_wait3A_206 = arith.constant 0 : i32
            %dma_wait3A_207 = tpu.memref_slice %arg11[%dma_wait3A_205, %dma_wait3A_206] : memref<10240x128xf32, #tpu.memory_space<vmem_shared>> -> memref<10240x128xf32, #tpu.memory_space<vmem_shared>>
            tpu.wait_indirect_dma semaphore(%arg13 : memref<!tpu.dma_semaphore, #tpu.memory_space<semaphore_mem>>) src(%dma_wait3A_201 : memref<128x128xf32, #tpu.memory_space<vmem>>) dst(%dma_wait3A_207 : memref<10240x128xf32, #tpu.memory_space<vmem_shared>>)
          } else {
          }
          %dma_start3A_133 = arith.constant 1 : i32
          %dma_start3A_134 = arith.constant 0 : i32
          %dma_start3A_135 = arith.constant 0 : i32
          %dma_start3A_136 = tpu.memref_slice %arg10[%dma_start3A_133, %dma_start3A_134, %dma_start3A_135] : memref<2x128x128xf32, #tpu.memory_space<vmem>> -> memref<1x128x128xf32, #tpu.memory_space<vmem>>
          %dma_start3A_137 = tpu.memref_squeeze %dma_start3A_136 : memref<1x128x128xf32, #tpu.memory_space<vmem>> -> memref<128x128xf32, #tpu.memory_space<vmem>>
          %dma_start3A_138 = arith.constant 0 : i32
          %dma_start3A_139 = tpu.memref_slice %arg8[%add3A_127, %dma_start3A_138] : memref<40x128xi32, #tpu.memory_space<vmem>> -> memref<1x128xi32, #tpu.memory_space<vmem>>
          %dma_start3A_140 = tpu.memref_squeeze %dma_start3A_139 : memref<1x128xi32, #tpu.memory_space<vmem>> -> memref<128xi32, #tpu.memory_space<vmem>>
          %dma_start3A_141 = arith.constant 0 : i32
          %dma_start3A_142 = arith.constant 0 : i32
          %dma_start3A_143 = tpu.memref_slice %arg2[%dma_start3A_141, %dma_start3A_142] : memref<10240x128xf32, #tpu.memory_space<hbm>> -> memref<10240x128xf32, #tpu.memory_space<hbm>>
          tpu.enqueue_indirect_dma source(%dma_start3A_143 : memref<10240x128xf32, #tpu.memory_space<hbm>>) target(%dma_start3A_137 : memref<128x128xf32, #tpu.memory_space<vmem>>) offsets(%dma_start3A_140 : memref<128xi32, #tpu.memory_space<vmem>>) semaphore(%arg12 : memref<!tpu.dma_semaphore, #tpu.memory_space<semaphore_mem>>)
          %mul3A_144 = arith.constant 2 : i32
          %mul3A_145 = arith.muli %scan3A_103, %mul3A_144 : i32
          %add3A_146 = arith.constant 0 : i32
          %add3A_147 = arith.addi %mul3A_145, %add3A_146 : i32
          %dma_wait3A_148 = arith.constant 0 : i32
          %dma_wait3A_149 = arith.constant 0 : i32
          %dma_wait3A_150 = arith.constant 0 : i32
          %dma_wait3A_151 = tpu.memref_slice %arg10[%dma_wait3A_148, %dma_wait3A_149, %dma_wait3A_150] : memref<2x128x128xf32, #tpu.memory_space<vmem>> -> memref<1x128x128xf32, #tpu.memory_space<vmem>>
          %dma_wait3A_152 = tpu.memref_squeeze %dma_wait3A_151 : memref<1x128x128xf32, #tpu.memory_space<vmem>> -> memref<128x128xf32, #tpu.memory_space<vmem>>
          %dma_wait3A_153 = arith.constant 0 : i32
          %dma_wait3A_154 = tpu.memref_slice %arg8[%add3A_147, %dma_wait3A_153] : memref<40x128xi32, #tpu.memory_space<vmem>> -> memref<1x128xi32, #tpu.memory_space<vmem>>
          %dma_wait3A_155 = tpu.memref_squeeze %dma_wait3A_154 : memref<1x128xi32, #tpu.memory_space<vmem>> -> memref<128xi32, #tpu.memory_space<vmem>>
          %dma_wait3A_156 = arith.constant 0 : i32
          %dma_wait3A_157 = arith.constant 0 : i32
          %dma_wait3A_158 = tpu.memref_slice %arg2[%dma_wait3A_156, %dma_wait3A_157] : memref<10240x128xf32, #tpu.memory_space<hbm>> -> memref<10240x128xf32, #tpu.memory_space<hbm>>
          tpu.wait_indirect_dma semaphore(%arg12 : memref<!tpu.dma_semaphore, #tpu.memory_space<semaphore_mem>>) src(%dma_wait3A_158 : memref<10240x128xf32, #tpu.memory_space<hbm>>) dst(%dma_wait3A_152 : memref<128x128xf32, #tpu.memory_space<vmem>>)
          %dma_start3A_159 = arith.constant 0 : i32
          %dma_start3A_160 = arith.constant 0 : i32
          %dma_start3A_161 = arith.constant 0 : i32
          %dma_start3A_162 = tpu.memref_slice %arg10[%dma_start3A_159, %dma_start3A_160, %dma_start3A_161] : memref<2x128x128xf32, #tpu.memory_space<vmem>> -> memref<1x128x128xf32, #tpu.memory_space<vmem>>
          %dma_start3A_163 = tpu.memref_squeeze %dma_start3A_162 : memref<1x128x128xf32, #tpu.memory_space<vmem>> -> memref<128x128xf32, #tpu.memory_space<vmem>>
          %dma_start3A_164 = arith.constant 0 : i32
          %dma_start3A_165 = tpu.memref_slice %arg9[%add3A_147, %dma_start3A_164] : memref<40x128xi32, #tpu.memory_space<vmem>> -> memref<1x128xi32, #tpu.memory_space<vmem>>
          %dma_start3A_166 = tpu.memref_squeeze %dma_start3A_165 : memref<1x128xi32, #tpu.memory_space<vmem>> -> memref<128xi32, #tpu.memory_space<vmem>>
          %dma_start3A_167 = arith.constant 0 : i32
          %dma_start3A_168 = arith.constant 0 : i32
          %dma_start3A_169 = tpu.memref_slice %arg11[%dma_start3A_167, %dma_start3A_168] : memref<10240x128xf32, #tpu.memory_space<vmem_shared>> -> memref<10240x128xf32, #tpu.memory_space<vmem_shared>>
          tpu.enqueue_indirect_dma source(%dma_start3A_163 : memref<128x128xf32, #tpu.memory_space<vmem>>) target(%dma_start3A_169 : memref<10240x128xf32, #tpu.memory_space<vmem_shared>>) offsets(%dma_start3A_166 : memref<128xi32, #tpu.memory_space<vmem>>) semaphore(%arg13 : memref<!tpu.dma_semaphore, #tpu.memory_space<semaphore_mem>>) {add = true}
          %mul3A_170 = arith.constant 2 : i32
          %mul3A_171 = arith.muli %scan3A_103, %mul3A_170 : i32
          %add3A_172 = arith.constant 1 : i32
          %add3A_173 = arith.addi %mul3A_171, %add3A_172 : i32
          %dma_wait3A_174 = arith.constant 1 : i32
          %dma_wait3A_175 = arith.constant 0 : i32
          %dma_wait3A_176 = arith.constant 0 : i32
          %dma_wait3A_177 = tpu.memref_slice %arg10[%dma_wait3A_174, %dma_wait3A_175, %dma_wait3A_176] : memref<2x128x128xf32, #tpu.memory_space<vmem>> -> memref<1x128x128xf32, #tpu.memory_space<vmem>>
          %dma_wait3A_178 = tpu.memref_squeeze %dma_wait3A_177 : memref<1x128x128xf32, #tpu.memory_space<vmem>> -> memref<128x128xf32, #tpu.memory_space<vmem>>
          %dma_wait3A_179 = arith.constant 0 : i32
          %dma_wait3A_180 = tpu.memref_slice %arg8[%add3A_173, %dma_wait3A_179] : memref<40x128xi32, #tpu.memory_space<vmem>> -> memref<1x128xi32, #tpu.memory_space<vmem>>
          %dma_wait3A_181 = tpu.memref_squeeze %dma_wait3A_180 : memref<1x128xi32, #tpu.memory_space<vmem>> -> memref<128xi32, #tpu.memory_space<vmem>>
          %dma_wait3A_182 = arith.constant 0 : i32
          %dma_wait3A_183 = arith.constant 0 : i32
          %dma_wait3A_184 = tpu.memref_slice %arg2[%dma_wait3A_182, %dma_wait3A_183] : memref<10240x128xf32, #tpu.memory_space<hbm>> -> memref<10240x128xf32, #tpu.memory_space<hbm>>
          tpu.wait_indirect_dma semaphore(%arg12 : memref<!tpu.dma_semaphore, #tpu.memory_space<semaphore_mem>>) src(%dma_wait3A_184 : memref<10240x128xf32, #tpu.memory_space<hbm>>) dst(%dma_wait3A_178 : memref<128x128xf32, #tpu.memory_space<vmem>>)
          %dma_start3A_185 = arith.constant 1 : i32
          %dma_start3A_186 = arith.constant 0 : i32
          %dma_start3A_187 = arith.constant 0 : i32
          %dma_start3A_188 = tpu.memref_slice %arg10[%dma_start3A_185, %dma_start3A_186, %dma_start3A_187] : memref<2x128x128xf32, #tpu.memory_space<vmem>> -> memref<1x128x128xf32, #tpu.memory_space<vmem>>
          %dma_start3A_189 = tpu.memref_squeeze %dma_start3A_188 : memref<1x128x128xf32, #tpu.memory_space<vmem>> -> memref<128x128xf32, #tpu.memory_space<vmem>>
          %dma_start3A_190 = arith.constant 0 : i32
          %dma_start3A_191 = tpu.memref_slice %arg9[%add3A_173, %dma_start3A_190] : memref<40x128xi32, #tpu.memory_space<vmem>> -> memref<1x128xi32, #tpu.memory_space<vmem>>
          %dma_start3A_192 = tpu.memref_squeeze %dma_start3A_191 : memref<1x128xi32, #tpu.memory_space<vmem>> -> memref<128xi32, #tpu.memory_space<vmem>>
          %dma_start3A_193 = arith.constant 0 : i32
          %dma_start3A_194 = arith.constant 0 : i32
          %dma_start3A_195 = tpu.memref_slice %arg11[%dma_start3A_193, %dma_start3A_194] : memref<10240x128xf32, #tpu.memory_space<vmem_shared>> -> memref<10240x128xf32, #tpu.memory_space<vmem_shared>>
          tpu.enqueue_indirect_dma source(%dma_start3A_189 : memref<128x128xf32, #tpu.memory_space<vmem>>) target(%dma_start3A_195 : memref<10240x128xf32, #tpu.memory_space<vmem_shared>>) offsets(%dma_start3A_192 : memref<128xi32, #tpu.memory_space<vmem>>) semaphore(%arg13 : memref<!tpu.dma_semaphore, #tpu.memory_space<semaphore_mem>>) {add = true}
          %scan3A_196 = arith.constant 0 : i32
          scf.yield %scan3A_196 : i32
        }
        %scan3A_101 = arith.constant 20 : i32
        %scan3A_102 = arith.constant 0 : i32
        scf.yield %scan3A_102 : i32
      }
      %scan3A_55 = arith.constant 2 : i32
      %dma_wait3A = arith.constant 0 : i32
      %dma_wait3A_56 = arith.constant 0 : i32
      %dma_wait3A_57 = arith.constant 0 : i32
      %dma_wait3A_58 = arith.constant 0 : i32
      %dma_wait3A_59 = tpu.memref_slice %arg10[%dma_wait3A, %dma_wait3A_57, %dma_wait3A_58] : memref<2x128x128xf32, #tpu.memory_space<vmem>> -> memref<1x128x128xf32, #tpu.memory_space<vmem>>
      %dma_wait3A_60 = tpu.memref_squeeze %dma_wait3A_59 : memref<1x128x128xf32, #tpu.memory_space<vmem>> -> memref<128x128xf32, #tpu.memory_space<vmem>>
      %dma_wait3A_61 = arith.constant 0 : i32
      %dma_wait3A_62 = tpu.memref_slice %arg9[%dma_wait3A_56, %dma_wait3A_61] : memref<40x128xi32, #tpu.memory_space<vmem>> -> memref<1x128xi32, #tpu.memory_space<vmem>>
      %dma_wait3A_63 = tpu.memref_squeeze %dma_wait3A_62 : memref<1x128xi32, #tpu.memory_space<vmem>> -> memref<128xi32, #tpu.memory_space<vmem>>
      %dma_wait3A_64 = arith.constant 0 : i32
      %dma_wait3A_65 = arith.constant 0 : i32
      %dma_wait3A_66 = tpu.memref_slice %arg11[%dma_wait3A_64, %dma_wait3A_65] : memref<10240x128xf32, #tpu.memory_space<vmem_shared>> -> memref<10240x128xf32, #tpu.memory_space<vmem_shared>>
      tpu.wait_indirect_dma semaphore(%arg13 : memref<!tpu.dma_semaphore, #tpu.memory_space<semaphore_mem>>) src(%dma_wait3A_60 : memref<128x128xf32, #tpu.memory_space<vmem>>) dst(%dma_wait3A_66 : memref<10240x128xf32, #tpu.memory_space<vmem_shared>>)
      %dma_wait3A_67 = arith.constant 1 : i32
      %dma_wait3A_68 = arith.constant 1 : i32
      %dma_wait3A_69 = arith.constant 0 : i32
      %dma_wait3A_70 = arith.constant 0 : i32
      %dma_wait3A_71 = tpu.memref_slice %arg10[%dma_wait3A_67, %dma_wait3A_69, %dma_wait3A_70] : memref<2x128x128xf32, #tpu.memory_space<vmem>> -> memref<1x128x128xf32, #tpu.memory_space<vmem>>
      %dma_wait3A_72 = tpu.memref_squeeze %dma_wait3A_71 : memref<1x128x128xf32, #tpu.memory_space<vmem>> -> memref<128x128xf32, #tpu.memory_space<vmem>>
      %dma_wait3A_73 = arith.constant 0 : i32
      %dma_wait3A_74 = tpu.memref_slice %arg9[%dma_wait3A_68, %dma_wait3A_73] : memref<40x128xi32, #tpu.memory_space<vmem>> -> memref<1x128xi32, #tpu.memory_space<vmem>>
      %dma_wait3A_75 = tpu.memref_squeeze %dma_wait3A_74 : memref<1x128xi32, #tpu.memory_space<vmem>> -> memref<128xi32, #tpu.memory_space<vmem>>
      %dma_wait3A_76 = arith.constant 0 : i32
      %dma_wait3A_77 = arith.constant 0 : i32
      %dma_wait3A_78 = tpu.memref_slice %arg11[%dma_wait3A_76, %dma_wait3A_77] : memref<10240x128xf32, #tpu.memory_space<vmem_shared>> -> memref<10240x128xf32, #tpu.memory_space<vmem_shared>>
      tpu.wait_indirect_dma semaphore(%arg13 : memref<!tpu.dma_semaphore, #tpu.memory_space<semaphore_mem>>) src(%dma_wait3A_72 : memref<128x128xf32, #tpu.memory_space<vmem>>) dst(%dma_wait3A_78 : memref<10240x128xf32, #tpu.memory_space<vmem_shared>>)
    } else {
    }
    %eq3A_31 = arith.constant 1 : i32
    %eq3A_32 = arith.cmpi eq, %arg0, %eq3A_31 : i32
    %convert_element_type3A_33 = arith.extui %eq3A_32 : i1 to i32
    %cond3A_34 = arith.constant 0 : i32
    %cond3A_35 = arith.cmpi ne, %convert_element_type3A_33, %cond3A_34 : i32
    scf.if %cond3A_35 {
      %scan3A_49 = arith.constant 0 : i32
      %scan3A_50 = arith.constant 0 : i32
      %scan3A_51 = arith.constant 2 : i32
      %scan3A_52 = arith.addi %scan3A_50, %scan3A_51 : i32
      %scan3A_53 = arith.constant 1 : i32
      %scan3A_54 = scf.for %scan3A_79 = %scan3A_50 to %scan3A_52 step %scan3A_53 iter_args(%scan3A_80 = %scan3A_49) -> (i32)  : i32 {
        %gt3A = arith.constant 0 : i32
        %gt3A_81 = arith.cmpi sgt, %scan3A_79, %gt3A : i32
        %convert_element_type3A_82 = arith.extui %gt3A_81 : i1 to i32
        %cond3A_83 = arith.constant 0 : i32
        %cond3A_84 = arith.cmpi ne, %convert_element_type3A_82, %cond3A_83 : i32
        scf.if %cond3A_84 {
          %dma_wait3A_103 = arith.constant 0 : i32
          %dma_wait3A_104 = arith.constant 0 : i32
          %dma_wait3A_105 = arith.constant 0 : i32
          %dma_wait3A_106 = arith.constant 0 : i32
          %dma_wait3A_107 = tpu.memref_slice %arg10[%dma_wait3A_103, %dma_wait3A_105, %dma_wait3A_106] : memref<2x128x128xf32, #tpu.memory_space<vmem>> -> memref<1x128x128xf32, #tpu.memory_space<vmem>>
          %dma_wait3A_108 = tpu.memref_squeeze %dma_wait3A_107 : memref<1x128x128xf32, #tpu.memory_space<vmem>> -> memref<128x128xf32, #tpu.memory_space<vmem>>
          %dma_wait3A_109 = arith.constant 0 : i32
          %dma_wait3A_110 = tpu.memref_slice %arg9[%dma_wait3A_104, %dma_wait3A_109] : memref<40x128xi32, #tpu.memory_space<vmem>> -> memref<1x128xi32, #tpu.memory_space<vmem>>
          %dma_wait3A_111 = tpu.memref_squeeze %dma_wait3A_110 : memref<1x128xi32, #tpu.memory_space<vmem>> -> memref<128xi32, #tpu.memory_space<vmem>>
          %dma_wait3A_112 = arith.constant 0 : i32
          %dma_wait3A_113 = arith.constant 0 : i32
          %dma_wait3A_114 = tpu.memref_slice %arg11[%dma_wait3A_112, %dma_wait3A_113] : memref<10240x128xf32, #tpu.memory_space<vmem_shared>> -> memref<10240x128xf32, #tpu.memory_space<vmem_shared>>
          tpu.wait_indirect_dma semaphore(%arg13 : memref<!tpu.dma_semaphore, #tpu.memory_space<semaphore_mem>>) src(%dma_wait3A_108 : memref<128x128xf32, #tpu.memory_space<vmem>>) dst(%dma_wait3A_114 : memref<10240x128xf32, #tpu.memory_space<vmem_shared>>)
          %dma_wait3A_115 = arith.constant 1 : i32
          %dma_wait3A_116 = arith.constant 1 : i32
          %dma_wait3A_117 = arith.constant 0 : i32
          %dma_wait3A_118 = arith.constant 0 : i32
          %dma_wait3A_119 = tpu.memref_slice %arg10[%dma_wait3A_115, %dma_wait3A_117, %dma_wait3A_118] : memref<2x128x128xf32, #tpu.memory_space<vmem>> -> memref<1x128x128xf32, #tpu.memory_space<vmem>>
          %dma_wait3A_120 = tpu.memref_squeeze %dma_wait3A_119 : memref<1x128x128xf32, #tpu.memory_space<vmem>> -> memref<128x128xf32, #tpu.memory_space<vmem>>
          %dma_wait3A_121 = arith.constant 0 : i32
          %dma_wait3A_122 = tpu.memref_slice %arg9[%dma_wait3A_116, %dma_wait3A_121] : memref<40x128xi32, #tpu.memory_space<vmem>> -> memref<1x128xi32, #tpu.memory_space<vmem>>
          %dma_wait3A_123 = tpu.memref_squeeze %dma_wait3A_122 : memref<1x128xi32, #tpu.memory_space<vmem>> -> memref<128xi32, #tpu.memory_space<vmem>>
          %dma_wait3A_124 = arith.constant 0 : i32
          %dma_wait3A_125 = arith.constant 0 : i32
          %dma_wait3A_126 = tpu.memref_slice %arg11[%dma_wait3A_124, %dma_wait3A_125] : memref<10240x128xf32, #tpu.memory_space<vmem_shared>> -> memref<10240x128xf32, #tpu.memory_space<vmem_shared>>
          tpu.wait_indirect_dma semaphore(%arg13 : memref<!tpu.dma_semaphore, #tpu.memory_space<semaphore_mem>>) src(%dma_wait3A_120 : memref<128x128xf32, #tpu.memory_space<vmem>>) dst(%dma_wait3A_126 : memref<10240x128xf32, #tpu.memory_space<vmem_shared>>)
        } else {
        }
        %mul3A_85 = arith.constant 80 : i32
        %mul3A_86 = arith.muli %arg1, %mul3A_85 : i32
        %mul3A_87 = arith.constant 40 : i32
        %mul3A_88 = arith.muli %scan3A_79, %mul3A_87 : i32
        %add3A_89 = arith.addi %mul3A_86, %mul3A_88 : i32
        "tpu.region"() ({
          %run_scoped3A_103 = tpu.sem_alloc : memref<!tpu.dma_semaphore, #tpu.memory_space<semaphore_mem>>
          %dma_start3A = arith.constant 0 : i32
          %dma_start3A_104 = tpu.memref_slice %arg4[%add3A_89, %dma_start3A] : memref<1280x128xi32, #tpu.memory_space<hbm>> -> memref<40x128xi32, #tpu.memory_space<hbm>>
          %dma_start3A_105 = arith.constant 0 : i32
          %dma_start3A_106 = tpu.memref_slice %arg4[%add3A_89, %dma_start3A_105] : memref<1280x128xi32, #tpu.memory_space<hbm>> -> memref<40x128xi32, #tpu.memory_space<hbm>>
          tpu.enqueue_dma source(%dma_start3A_106 : memref<40x128xi32, #tpu.memory_space<hbm>>) target(%arg8 : memref<40x128xi32, #tpu.memory_space<vmem>>) target_semaphore(%run_scoped3A_103 : memref<!tpu.dma_semaphore, #tpu.memory_space<semaphore_mem>>)
          %dma_wait3A_107 = arith.constant 0 : i32
          %dma_wait3A_108 = tpu.memref_slice %arg4[%add3A_89, %dma_wait3A_107] : memref<1280x128xi32, #tpu.memory_space<hbm>> -> memref<40x128xi32, #tpu.memory_space<hbm>>
          %dma_wait3A_109 = arith.constant 0 : i32
          %dma_wait3A_110 = tpu.memref_slice %arg4[%add3A_89, %dma_wait3A_109] : memref<1280x128xi32, #tpu.memory_space<hbm>> -> memref<40x128xi32, #tpu.memory_space<hbm>>
          tpu.wait_dma2 semaphore(%run_scoped3A_103 : memref<!tpu.dma_semaphore, #tpu.memory_space<semaphore_mem>>) src(%dma_wait3A_110 : memref<40x128xi32, #tpu.memory_space<hbm>>) dst(%arg8 : memref<40x128xi32, #tpu.memory_space<vmem>>)
          tpu.yield
        }) : () -> ()
        %mul3A_90 = arith.constant 80 : i32
        %mul3A_91 = arith.muli %arg1, %mul3A_90 : i32
        %mul3A_92 = arith.constant 40 : i32
        %mul3A_93 = arith.muli %scan3A_79, %mul3A_92 : i32
        %add3A_94 = arith.addi %mul3A_91, %mul3A_93 : i32
        "tpu.region"() ({
          %run_scoped3A_103 = tpu.sem_alloc : memref<!tpu.dma_semaphore, #tpu.memory_space<semaphore_mem>>
          %dma_start3A = arith.constant 0 : i32
          %dma_start3A_104 = tpu.memref_slice %arg5[%add3A_94, %dma_start3A] : memref<1280x128xi32, #tpu.memory_space<hbm>> -> memref<40x128xi32, #tpu.memory_space<hbm>>
          %dma_start3A_105 = arith.constant 0 : i32
          %dma_start3A_106 = tpu.memref_slice %arg5[%add3A_94, %dma_start3A_105] : memref<1280x128xi32, #tpu.memory_space<hbm>> -> memref<40x128xi32, #tpu.memory_space<hbm>>
          tpu.enqueue_dma source(%dma_start3A_106 : memref<40x128xi32, #tpu.memory_space<hbm>>) target(%arg9 : memref<40x128xi32, #tpu.memory_space<vmem>>) target_semaphore(%run_scoped3A_103 : memref<!tpu.dma_semaphore, #tpu.memory_space<semaphore_mem>>)
          %dma_wait3A_107 = arith.constant 0 : i32
          %dma_wait3A_108 = tpu.memref_slice %arg5[%add3A_94, %dma_wait3A_107] : memref<1280x128xi32, #tpu.memory_space<hbm>> -> memref<40x128xi32, #tpu.memory_space<hbm>>
          %dma_wait3A_109 = arith.constant 0 : i32
          %dma_wait3A_110 = tpu.memref_slice %arg5[%add3A_94, %dma_wait3A_109] : memref<1280x128xi32, #tpu.memory_space<hbm>> -> memref<40x128xi32, #tpu.memory_space<hbm>>
          tpu.wait_dma2 semaphore(%run_scoped3A_103 : memref<!tpu.dma_semaphore, #tpu.memory_space<semaphore_mem>>) src(%dma_wait3A_110 : memref<40x128xi32, #tpu.memory_space<hbm>>) dst(%arg9 : memref<40x128xi32, #tpu.memory_space<vmem>>)
          tpu.yield
        }) : () -> ()
        %scan3A_95 = arith.constant 0 : i32
        %scan3A_96 = arith.constant 0 : i32
        %scan3A_97 = arith.constant 20 : i32
        %scan3A_98 = arith.addi %scan3A_96, %scan3A_97 : i32
        %scan3A_99 = arith.constant 1 : i32
        %scan3A_100 = scf.for %scan3A_103 = %scan3A_96 to %scan3A_98 step %scan3A_99 iter_args(%scan3A_104 = %scan3A_95) -> (i32)  : i32 {
          %mul3A_105 = arith.constant 2 : i32
          %mul3A_106 = arith.muli %scan3A_103, %mul3A_105 : i32
          %add3A_107 = arith.constant 0 : i32
          %add3A_108 = arith.addi %mul3A_106, %add3A_107 : i32
          %gt3A_109 = arith.constant 0 : i32
          %gt3A_110 = arith.cmpi sgt, %scan3A_103, %gt3A_109 : i32
          %convert_element_type3A_111 = arith.extui %gt3A_110 : i1 to i32
          %cond3A_112 = arith.constant 0 : i32
          %cond3A_113 = arith.cmpi ne, %convert_element_type3A_111, %cond3A_112 : i32
          scf.if %cond3A_113 {
            %dma_wait3A_197 = arith.constant 0 : i32
            %dma_wait3A_198 = arith.constant 0 : i32
            %dma_wait3A_199 = arith.constant 0 : i32
            %dma_wait3A_200 = tpu.memref_slice %arg10[%dma_wait3A_197, %dma_wait3A_198, %dma_wait3A_199] : memref<2x128x128xf32, #tpu.memory_space<vmem>> -> memref<1x128x128xf32, #tpu.memory_space<vmem>>
            %dma_wait3A_201 = tpu.memref_squeeze %dma_wait3A_200 : memref<1x128x128xf32, #tpu.memory_space<vmem>> -> memref<128x128xf32, #tpu.memory_space<vmem>>
            %dma_wait3A_202 = arith.constant 0 : i32
            %dma_wait3A_203 = tpu.memref_slice %arg9[%add3A_108, %dma_wait3A_202] : memref<40x128xi32, #tpu.memory_space<vmem>> -> memref<1x128xi32, #tpu.memory_space<vmem>>
            %dma_wait3A_204 = tpu.memref_squeeze %dma_wait3A_203 : memref<1x128xi32, #tpu.memory_space<vmem>> -> memref<128xi32, #tpu.memory_space<vmem>>
            %dma_wait3A_205 = arith.constant 0 : i32
            %dma_wait3A_206 = arith.constant 0 : i32
            %dma_wait3A_207 = tpu.memref_slice %arg11[%dma_wait3A_205, %dma_wait3A_206] : memref<10240x128xf32, #tpu.memory_space<vmem_shared>> -> memref<10240x128xf32, #tpu.memory_space<vmem_shared>>
            tpu.wait_indirect_dma semaphore(%arg13 : memref<!tpu.dma_semaphore, #tpu.memory_space<semaphore_mem>>) src(%dma_wait3A_201 : memref<128x128xf32, #tpu.memory_space<vmem>>) dst(%dma_wait3A_207 : memref<10240x128xf32, #tpu.memory_space<vmem_shared>>)
          } else {
          }
          %dma_start3A = arith.constant 0 : i32
          %dma_start3A_114 = arith.constant 0 : i32
          %dma_start3A_115 = arith.constant 0 : i32
          %dma_start3A_116 = tpu.memref_slice %arg10[%dma_start3A, %dma_start3A_114, %dma_start3A_115] : memref<2x128x128xf32, #tpu.memory_space<vmem>> -> memref<1x128x128xf32, #tpu.memory_space<vmem>>
          %dma_start3A_117 = tpu.memref_squeeze %dma_start3A_116 : memref<1x128x128xf32, #tpu.memory_space<vmem>> -> memref<128x128xf32, #tpu.memory_space<vmem>>
          %dma_start3A_118 = arith.constant 0 : i32
          %dma_start3A_119 = tpu.memref_slice %arg8[%add3A_108, %dma_start3A_118] : memref<40x128xi32, #tpu.memory_space<vmem>> -> memref<1x128xi32, #tpu.memory_space<vmem>>
          %dma_start3A_120 = tpu.memref_squeeze %dma_start3A_119 : memref<1x128xi32, #tpu.memory_space<vmem>> -> memref<128xi32, #tpu.memory_space<vmem>>
          %dma_start3A_121 = arith.constant 0 : i32
          %dma_start3A_122 = arith.constant 0 : i32
          %dma_start3A_123 = tpu.memref_slice %arg3[%dma_start3A_121, %dma_start3A_122] : memref<10240x128xf32, #tpu.memory_space<hbm>> -> memref<10240x128xf32, #tpu.memory_space<hbm>>
          tpu.enqueue_indirect_dma source(%dma_start3A_123 : memref<10240x128xf32, #tpu.memory_space<hbm>>) target(%dma_start3A_117 : memref<128x128xf32, #tpu.memory_space<vmem>>) offsets(%dma_start3A_120 : memref<128xi32, #tpu.memory_space<vmem>>) semaphore(%arg12 : memref<!tpu.dma_semaphore, #tpu.memory_space<semaphore_mem>>)
          %mul3A_124 = arith.constant 2 : i32
          %mul3A_125 = arith.muli %scan3A_103, %mul3A_124 : i32
          %add3A_126 = arith.constant 1 : i32
          %add3A_127 = arith.addi %mul3A_125, %add3A_126 : i32
          %gt3A_128 = arith.constant 0 : i32
          %gt3A_129 = arith.cmpi sgt, %scan3A_103, %gt3A_128 : i32
          %convert_element_type3A_130 = arith.extui %gt3A_129 : i1 to i32
          %cond3A_131 = arith.constant 0 : i32
          %cond3A_132 = arith.cmpi ne, %convert_element_type3A_130, %cond3A_131 : i32
          scf.if %cond3A_132 {
            %dma_wait3A_197 = arith.constant 1 : i32
            %dma_wait3A_198 = arith.constant 0 : i32
            %dma_wait3A_199 = arith.constant 0 : i32
            %dma_wait3A_200 = tpu.memref_slice %arg10[%dma_wait3A_197, %dma_wait3A_198, %dma_wait3A_199] : memref<2x128x128xf32, #tpu.memory_space<vmem>> -> memref<1x128x128xf32, #tpu.memory_space<vmem>>
            %dma_wait3A_201 = tpu.memref_squeeze %dma_wait3A_200 : memref<1x128x128xf32, #tpu.memory_space<vmem>> -> memref<128x128xf32, #tpu.memory_space<vmem>>
            %dma_wait3A_202 = arith.constant 0 : i32
            %dma_wait3A_203 = tpu.memref_slice %arg9[%add3A_127, %dma_wait3A_202] : memref<40x128xi32, #tpu.memory_space<vmem>> -> memref<1x128xi32, #tpu.memory_space<vmem>>
            %dma_wait3A_204 = tpu.memref_squeeze %dma_wait3A_203 : memref<1x128xi32, #tpu.memory_space<vmem>> -> memref<128xi32, #tpu.memory_space<vmem>>
            %dma_wait3A_205 = arith.constant 0 : i32
            %dma_wait3A_206 = arith.constant 0 : i32
            %dma_wait3A_207 = tpu.memref_slice %arg11[%dma_wait3A_205, %dma_wait3A_206] : memref<10240x128xf32, #tpu.memory_space<vmem_shared>> -> memref<10240x128xf32, #tpu.memory_space<vmem_shared>>
            tpu.wait_indirect_dma semaphore(%arg13 : memref<!tpu.dma_semaphore, #tpu.memory_space<semaphore_mem>>) src(%dma_wait3A_201 : memref<128x128xf32, #tpu.memory_space<vmem>>) dst(%dma_wait3A_207 : memref<10240x128xf32, #tpu.memory_space<vmem_shared>>)
          } else {
          }
          %dma_start3A_133 = arith.constant 1 : i32
          %dma_start3A_134 = arith.constant 0 : i32
          %dma_start3A_135 = arith.constant 0 : i32
          %dma_start3A_136 = tpu.memref_slice %arg10[%dma_start3A_133, %dma_start3A_134, %dma_start3A_135] : memref<2x128x128xf32, #tpu.memory_space<vmem>> -> memref<1x128x128xf32, #tpu.memory_space<vmem>>
          %dma_start3A_137 = tpu.memref_squeeze %dma_start3A_136 : memref<1x128x128xf32, #tpu.memory_space<vmem>> -> memref<128x128xf32, #tpu.memory_space<vmem>>
          %dma_start3A_138 = arith.constant 0 : i32
          %dma_start3A_139 = tpu.memref_slice %arg8[%add3A_127, %dma_start3A_138] : memref<40x128xi32, #tpu.memory_space<vmem>> -> memref<1x128xi32, #tpu.memory_space<vmem>>
          %dma_start3A_140 = tpu.memref_squeeze %dma_start3A_139 : memref<1x128xi32, #tpu.memory_space<vmem>> -> memref<128xi32, #tpu.memory_space<vmem>>
          %dma_start3A_141 = arith.constant 0 : i32
          %dma_start3A_142 = arith.constant 0 : i32
          %dma_start3A_143 = tpu.memref_slice %arg3[%dma_start3A_141, %dma_start3A_142] : memref<10240x128xf32, #tpu.memory_space<hbm>> -> memref<10240x128xf32, #tpu.memory_space<hbm>>
          tpu.enqueue_indirect_dma source(%dma_start3A_143 : memref<10240x128xf32, #tpu.memory_space<hbm>>) target(%dma_start3A_137 : memref<128x128xf32, #tpu.memory_space<vmem>>) offsets(%dma_start3A_140 : memref<128xi32, #tpu.memory_space<vmem>>) semaphore(%arg12 : memref<!tpu.dma_semaphore, #tpu.memory_space<semaphore_mem>>)
          %mul3A_144 = arith.constant 2 : i32
          %mul3A_145 = arith.muli %scan3A_103, %mul3A_144 : i32
          %add3A_146 = arith.constant 0 : i32
          %add3A_147 = arith.addi %mul3A_145, %add3A_146 : i32
          %dma_wait3A_148 = arith.constant 0 : i32
          %dma_wait3A_149 = arith.constant 0 : i32
          %dma_wait3A_150 = arith.constant 0 : i32
          %dma_wait3A_151 = tpu.memref_slice %arg10[%dma_wait3A_148, %dma_wait3A_149, %dma_wait3A_150] : memref<2x128x128xf32, #tpu.memory_space<vmem>> -> memref<1x128x128xf32, #tpu.memory_space<vmem>>
          %dma_wait3A_152 = tpu.memref_squeeze %dma_wait3A_151 : memref<1x128x128xf32, #tpu.memory_space<vmem>> -> memref<128x128xf32, #tpu.memory_space<vmem>>
          %dma_wait3A_153 = arith.constant 0 : i32
          %dma_wait3A_154 = tpu.memref_slice %arg8[%add3A_147, %dma_wait3A_153] : memref<40x128xi32, #tpu.memory_space<vmem>> -> memref<1x128xi32, #tpu.memory_space<vmem>>
          %dma_wait3A_155 = tpu.memref_squeeze %dma_wait3A_154 : memref<1x128xi32, #tpu.memory_space<vmem>> -> memref<128xi32, #tpu.memory_space<vmem>>
          %dma_wait3A_156 = arith.constant 0 : i32
          %dma_wait3A_157 = arith.constant 0 : i32
          %dma_wait3A_158 = tpu.memref_slice %arg3[%dma_wait3A_156, %dma_wait3A_157] : memref<10240x128xf32, #tpu.memory_space<hbm>> -> memref<10240x128xf32, #tpu.memory_space<hbm>>
          tpu.wait_indirect_dma semaphore(%arg12 : memref<!tpu.dma_semaphore, #tpu.memory_space<semaphore_mem>>) src(%dma_wait3A_158 : memref<10240x128xf32, #tpu.memory_space<hbm>>) dst(%dma_wait3A_152 : memref<128x128xf32, #tpu.memory_space<vmem>>)
          %dma_start3A_159 = arith.constant 0 : i32
          %dma_start3A_160 = arith.constant 0 : i32
          %dma_start3A_161 = arith.constant 0 : i32
          %dma_start3A_162 = tpu.memref_slice %arg10[%dma_start3A_159, %dma_start3A_160, %dma_start3A_161] : memref<2x128x128xf32, #tpu.memory_space<vmem>> -> memref<1x128x128xf32, #tpu.memory_space<vmem>>
          %dma_start3A_163 = tpu.memref_squeeze %dma_start3A_162 : memref<1x128x128xf32, #tpu.memory_space<vmem>> -> memref<128x128xf32, #tpu.memory_space<vmem>>
          %dma_start3A_164 = arith.constant 0 : i32
          %dma_start3A_165 = tpu.memref_slice %arg9[%add3A_147, %dma_start3A_164] : memref<40x128xi32, #tpu.memory_space<vmem>> -> memref<1x128xi32, #tpu.memory_space<vmem>>
          %dma_start3A_166 = tpu.memref_squeeze %dma_start3A_165 : memref<1x128xi32, #tpu.memory_space<vmem>> -> memref<128xi32, #tpu.memory_space<vmem>>
          %dma_start3A_167 = arith.constant 0 : i32
          %dma_start3A_168 = arith.constant 0 : i32
          %dma_start3A_169 = tpu.memref_slice %arg11[%dma_start3A_167, %dma_start3A_168] : memref<10240x128xf32, #tpu.memory_space<vmem_shared>> -> memref<10240x128xf32, #tpu.memory_space<vmem_shared>>
          tpu.enqueue_indirect_dma source(%dma_start3A_163 : memref<128x128xf32, #tpu.memory_space<vmem>>) target(%dma_start3A_169 : memref<10240x128xf32, #tpu.memory_space<vmem_shared>>) offsets(%dma_start3A_166 : memref<128xi32, #tpu.memory_space<vmem>>) semaphore(%arg13 : memref<!tpu.dma_semaphore, #tpu.memory_space<semaphore_mem>>) {add = true}
          %mul3A_170 = arith.constant 2 : i32
          %mul3A_171 = arith.muli %scan3A_103, %mul3A_170 : i32
          %add3A_172 = arith.constant 1 : i32
          %add3A_173 = arith.addi %mul3A_171, %add3A_172 : i32
          %dma_wait3A_174 = arith.constant 1 : i32
          %dma_wait3A_175 = arith.constant 0 : i32
          %dma_wait3A_176 = arith.constant 0 : i32
          %dma_wait3A_177 = tpu.memref_slice %arg10[%dma_wait3A_174, %dma_wait3A_175, %dma_wait3A_176] : memref<2x128x128xf32, #tpu.memory_space<vmem>> -> memref<1x128x128xf32, #tpu.memory_space<vmem>>
          %dma_wait3A_178 = tpu.memref_squeeze %dma_wait3A_177 : memref<1x128x128xf32, #tpu.memory_space<vmem>> -> memref<128x128xf32, #tpu.memory_space<vmem>>
          %dma_wait3A_179 = arith.constant 0 : i32
          %dma_wait3A_180 = tpu.memref_slice %arg8[%add3A_173, %dma_wait3A_179] : memref<40x128xi32, #tpu.memory_space<vmem>> -> memref<1x128xi32, #tpu.memory_space<vmem>>
          %dma_wait3A_181 = tpu.memref_squeeze %dma_wait3A_180 : memref<1x128xi32, #tpu.memory_space<vmem>> -> memref<128xi32, #tpu.memory_space<vmem>>
          %dma_wait3A_182 = arith.constant 0 : i32
          %dma_wait3A_183 = arith.constant 0 : i32
          %dma_wait3A_184 = tpu.memref_slice %arg3[%dma_wait3A_182, %dma_wait3A_183] : memref<10240x128xf32, #tpu.memory_space<hbm>> -> memref<10240x128xf32, #tpu.memory_space<hbm>>
          tpu.wait_indirect_dma semaphore(%arg12 : memref<!tpu.dma_semaphore, #tpu.memory_space<semaphore_mem>>) src(%dma_wait3A_184 : memref<10240x128xf32, #tpu.memory_space<hbm>>) dst(%dma_wait3A_178 : memref<128x128xf32, #tpu.memory_space<vmem>>)
          %dma_start3A_185 = arith.constant 1 : i32
          %dma_start3A_186 = arith.constant 0 : i32
          %dma_start3A_187 = arith.constant 0 : i32
          %dma_start3A_188 = tpu.memref_slice %arg10[%dma_start3A_185, %dma_start3A_186, %dma_start3A_187] : memref<2x128x128xf32, #tpu.memory_space<vmem>> -> memref<1x128x128xf32, #tpu.memory_space<vmem>>
          %dma_start3A_189 = tpu.memref_squeeze %dma_start3A_188 : memref<1x128x128xf32, #tpu.memory_space<vmem>> -> memref<128x128xf32, #tpu.memory_space<vmem>>
          %dma_start3A_190 = arith.constant 0 : i32
          %dma_start3A_191 = tpu.memref_slice %arg9[%add3A_173, %dma_start3A_190] : memref<40x128xi32, #tpu.memory_space<vmem>> -> memref<1x128xi32, #tpu.memory_space<vmem>>
          %dma_start3A_192 = tpu.memref_squeeze %dma_start3A_191 : memref<1x128xi32, #tpu.memory_space<vmem>> -> memref<128xi32, #tpu.memory_space<vmem>>
          %dma_start3A_193 = arith.constant 0 : i32
          %dma_start3A_194 = arith.constant 0 : i32
          %dma_start3A_195 = tpu.memref_slice %arg11[%dma_start3A_193, %dma_start3A_194] : memref<10240x128xf32, #tpu.memory_space<vmem_shared>> -> memref<10240x128xf32, #tpu.memory_space<vmem_shared>>
          tpu.enqueue_indirect_dma source(%dma_start3A_189 : memref<128x128xf32, #tpu.memory_space<vmem>>) target(%dma_start3A_195 : memref<10240x128xf32, #tpu.memory_space<vmem_shared>>) offsets(%dma_start3A_192 : memref<128xi32, #tpu.memory_space<vmem>>) semaphore(%arg13 : memref<!tpu.dma_semaphore, #tpu.memory_space<semaphore_mem>>) {add = true}
          %scan3A_196 = arith.constant 0 : i32
          scf.yield %scan3A_196 : i32
        }
        %scan3A_101 = arith.constant 20 : i32
        %scan3A_102 = arith.constant 0 : i32
        scf.yield %scan3A_102 : i32
      }
      %scan3A_55 = arith.constant 2 : i32
      %dma_wait3A = arith.constant 0 : i32
      %dma_wait3A_56 = arith.constant 0 : i32
      %dma_wait3A_57 = arith.constant 0 : i32
      %dma_wait3A_58 = arith.constant 0 : i32
      %dma_wait3A_59 = tpu.memref_slice %arg10[%dma_wait3A, %dma_wait3A_57, %dma_wait3A_58] : memref<2x128x128xf32, #tpu.memory_space<vmem>> -> memref<1x128x128xf32, #tpu.memory_space<vmem>>
      %dma_wait3A_60 = tpu.memref_squeeze %dma_wait3A_59 : memref<1x128x128xf32, #tpu.memory_space<vmem>> -> memref<128x128xf32, #tpu.memory_space<vmem>>
      %dma_wait3A_61 = arith.constant 0 : i32
      %dma_wait3A_62 = tpu.memref_slice %arg9[%dma_wait3A_56, %dma_wait3A_61] : memref<40x128xi32, #tpu.memory_space<vmem>> -> memref<1x128xi32, #tpu.memory_space<vmem>>
      %dma_wait3A_63 = tpu.memref_squeeze %dma_wait3A_62 : memref<1x128xi32, #tpu.memory_space<vmem>> -> memref<128xi32, #tpu.memory_space<vmem>>
      %dma_wait3A_64 = arith.constant 0 : i32
      %dma_wait3A_65 = arith.constant 0 : i32
      %dma_wait3A_66 = tpu.memref_slice %arg11[%dma_wait3A_64, %dma_wait3A_65] : memref<10240x128xf32, #tpu.memory_space<vmem_shared>> -> memref<10240x128xf32, #tpu.memory_space<vmem_shared>>
      tpu.wait_indirect_dma semaphore(%arg13 : memref<!tpu.dma_semaphore, #tpu.memory_space<semaphore_mem>>) src(%dma_wait3A_60 : memref<128x128xf32, #tpu.memory_space<vmem>>) dst(%dma_wait3A_66 : memref<10240x128xf32, #tpu.memory_space<vmem_shared>>)
      %dma_wait3A_67 = arith.constant 1 : i32
      %dma_wait3A_68 = arith.constant 1 : i32
      %dma_wait3A_69 = arith.constant 0 : i32
      %dma_wait3A_70 = arith.constant 0 : i32
      %dma_wait3A_71 = tpu.memref_slice %arg10[%dma_wait3A_67, %dma_wait3A_69, %dma_wait3A_70] : memref<2x128x128xf32, #tpu.memory_space<vmem>> -> memref<1x128x128xf32, #tpu.memory_space<vmem>>
      %dma_wait3A_72 = tpu.memref_squeeze %dma_wait3A_71 : memref<1x128x128xf32, #tpu.memory_space<vmem>> -> memref<128x128xf32, #tpu.memory_space<vmem>>
      %dma_wait3A_73 = arith.constant 0 : i32
      %dma_wait3A_74 = tpu.memref_slice %arg9[%dma_wait3A_68, %dma_wait3A_73] : memref<40x128xi32, #tpu.memory_space<vmem>> -> memref<1x128xi32, #tpu.memory_space<vmem>>
      %dma_wait3A_75 = tpu.memref_squeeze %dma_wait3A_74 : memref<1x128xi32, #tpu.memory_space<vmem>> -> memref<128xi32, #tpu.memory_space<vmem>>
      %dma_wait3A_76 = arith.constant 0 : i32
      %dma_wait3A_77 = arith.constant 0 : i32
      %dma_wait3A_78 = tpu.memref_slice %arg11[%dma_wait3A_76, %dma_wait3A_77] : memref<10240x128xf32, #tpu.memory_space<vmem_shared>> -> memref<10240x128xf32, #tpu.memory_space<vmem_shared>>
      tpu.wait_indirect_dma semaphore(%arg13 : memref<!tpu.dma_semaphore, #tpu.memory_space<semaphore_mem>>) src(%dma_wait3A_72 : memref<128x128xf32, #tpu.memory_space<vmem>>) dst(%dma_wait3A_78 : memref<10240x128xf32, #tpu.memory_space<vmem_shared>>)
    } else {
    }
    %barrier3A_36 = arith.constant 0 : index
    tpu.barrier barrier_id(%barrier3A_36)
    %mul3A_37 = arith.constant 640 : i32
    %mul3A_38 = arith.muli %arg1, %mul3A_37 : i32
    %eq3A_39 = arith.constant 0 : i32
    %eq3A_40 = arith.cmpi eq, %arg0, %eq3A_39 : i32
    %convert_element_type3A_41 = arith.extui %eq3A_40 : i1 to i32
    %cond3A_42 = arith.constant 0 : i32
    %cond3A_43 = arith.cmpi ne, %convert_element_type3A_41, %cond3A_42 : i32
    scf.if %cond3A_43 {
      "tpu.region"() ({
        %run_scoped3A_49 = tpu.sem_alloc : memref<!tpu.dma_semaphore, #tpu.memory_space<semaphore_mem>>
        %dma_start3A = arith.constant 0 : i32
        %dma_start3A_50 = tpu.memref_slice %arg6[%mul3A_38, %dma_start3A] : memref<10240x128xf32, #tpu.memory_space<hbm>> -> memref<640x128xf32, #tpu.memory_space<hbm>>
        %dma_start3A_51 = arith.constant 0 : i32
        %dma_start3A_52 = tpu.memref_slice %arg11[%mul3A_38, %dma_start3A_51] : memref<10240x128xf32, #tpu.memory_space<vmem_shared>> -> memref<640x128xf32, #tpu.memory_space<vmem_shared>>
        tpu.enqueue_dma source(%dma_start3A_52 : memref<640x128xf32, #tpu.memory_space<vmem_shared>>) target(%dma_start3A_50 : memref<640x128xf32, #tpu.memory_space<hbm>>) target_semaphore(%run_scoped3A_49 : memref<!tpu.dma_semaphore, #tpu.memory_space<semaphore_mem>>)
        %dma_wait3A = arith.constant 0 : i32
        %dma_wait3A_53 = tpu.memref_slice %arg6[%mul3A_38, %dma_wait3A] : memref<10240x128xf32, #tpu.memory_space<hbm>> -> memref<640x128xf32, #tpu.memory_space<hbm>>
        %dma_wait3A_54 = arith.constant 0 : i32
        %dma_wait3A_55 = tpu.memref_slice %arg11[%mul3A_38, %dma_wait3A_54] : memref<10240x128xf32, #tpu.memory_space<vmem_shared>> -> memref<640x128xf32, #tpu.memory_space<vmem_shared>>
        tpu.wait_dma2 semaphore(%run_scoped3A_49 : memref<!tpu.dma_semaphore, #tpu.memory_space<semaphore_mem>>) src(%dma_wait3A_55 : memref<640x128xf32, #tpu.memory_space<vmem_shared>>) dst(%dma_wait3A_53 : memref<640x128xf32, #tpu.memory_space<hbm>>)
        tpu.yield
      }) : () -> ()
    } else {
    }
    %eq3A_44 = arith.constant 1 : i32
    %eq3A_45 = arith.cmpi eq, %arg0, %eq3A_44 : i32
    %convert_element_type3A_46 = arith.extui %eq3A_45 : i1 to i32
    %cond3A_47 = arith.constant 0 : i32
    %cond3A_48 = arith.cmpi ne, %convert_element_type3A_46, %cond3A_47 : i32
    scf.if %cond3A_48 {
      "tpu.region"() ({
        %run_scoped3A_49 = tpu.sem_alloc : memref<!tpu.dma_semaphore, #tpu.memory_space<semaphore_mem>>
        %dma_start3A = arith.constant 0 : i32
        %dma_start3A_50 = tpu.memref_slice %arg7[%mul3A_38, %dma_start3A] : memref<10240x128xf32, #tpu.memory_space<hbm>> -> memref<640x128xf32, #tpu.memory_space<hbm>>
        %dma_start3A_51 = arith.constant 0 : i32
        %dma_start3A_52 = tpu.memref_slice %arg11[%mul3A_38, %dma_start3A_51] : memref<10240x128xf32, #tpu.memory_space<vmem_shared>> -> memref<640x128xf32, #tpu.memory_space<vmem_shared>>
        tpu.enqueue_dma source(%dma_start3A_52 : memref<640x128xf32, #tpu.memory_space<vmem_shared>>) target(%dma_start3A_50 : memref<640x128xf32, #tpu.memory_space<hbm>>) target_semaphore(%run_scoped3A_49 : memref<!tpu.dma_semaphore, #tpu.memory_space<semaphore_mem>>)
        %dma_wait3A = arith.constant 0 : i32
        %dma_wait3A_53 = tpu.memref_slice %arg7[%mul3A_38, %dma_wait3A] : memref<10240x128xf32, #tpu.memory_space<hbm>> -> memref<640x128xf32, #tpu.memory_space<hbm>>
        %dma_wait3A_54 = arith.constant 0 : i32
        %dma_wait3A_55 = tpu.memref_slice %arg11[%mul3A_38, %dma_wait3A_54] : memref<10240x128xf32, #tpu.memory_space<vmem_shared>> -> memref<640x128xf32, #tpu.memory_space<vmem_shared>>
        tpu.wait_dma2 semaphore(%run_scoped3A_49 : memref<!tpu.dma_semaphore, #tpu.memory_space<semaphore_mem>>) src(%dma_wait3A_55 : memref<640x128xf32, #tpu.memory_space<vmem_shared>>) dst(%dma_wait3A_53 : memref<640x128xf32, #tpu.memory_space<hbm>>)
        tpu.yield
      }) : () -> ()
    } else {
    }
    return
  }
}

#map = affine_map<(d0, d1) -> (0, 0)>
module attributes {stable_mosaic.version = 14 : i64} {
  func.func @_sc_agg_body(%arg0: i32, %arg1: i32, %arg2: memref<10240x128xf32, #tpu.memory_space<hbm>>, %arg3: memref<10240x128xf32, #tpu.memory_space<hbm>>, %arg4: memref<1280x128xi32, #tpu.memory_space<hbm>>, %arg5: memref<1280x128xi32, #tpu.memory_space<hbm>>, %arg6: memref<10240x128xf32, #tpu.memory_space<hbm>>, %arg7: memref<10240x128xf32, #tpu.memory_space<hbm>>, %arg8: memref<40x128xi32, #tpu.memory_space<vmem>>, %arg9: memref<40x128xi32, #tpu.memory_space<vmem>>, %arg10: memref<2x128x128xf32, #tpu.memory_space<vmem>>, %arg11: memref<10240x128xf32, #tpu.memory_space<vmem_shared>>, %arg12: memref<!tpu.dma_semaphore, #tpu.memory_space<semaphore_mem>>, %arg13: memref<!tpu.dma_semaphore, #tpu.memory_space<semaphore_mem>>) attributes {dimension_semantics = [#tpu.dimension_semantics<core_parallel>, #tpu.dimension_semantics<subcore_parallel>], iteration_bounds = array<i64: 2, 16>, scalar_prefetch = 0 : i64, scratch_operands = 6 : i64, tpu.core_type = #tpu.core_type<sc_vector_subcore>, window_params = [{transform_indices = #map}, {transform_indices = #map}, {transform_indices = #map}, {transform_indices = #map}, {transform_indices = #map}, {transform_indices = #map}]} {
    %scan3A = arith.constant 0 : i32
    %scan3A_0 = arith.constant 0 : i32
    %scan3A_1 = arith.constant 0 : i32
    %scan3A_2 = arith.constant 128 : i32
    %scan3A_3 = arith.addi %scan3A_1, %scan3A_2 : i32
    %scan3A_4 = arith.constant 1 : i32
    %scan3A_5 = scf.for %scan3A_49 = %scan3A_1 to %scan3A_3 step %scan3A_4 iter_args(%scan3A_50 = %scan3A_0) -> (i32)  : i32 {
      %broadcast_in_dim3A = arith.constant 0.000000e+00 : f32
      %broadcast_in_dim3A_51 = vector.broadcast %broadcast_in_dim3A : f32 to vector<16xf32>
      %swap3A = arith.constant 0 : i32
      %swap3A_52 = arith.constant 0 : i32
      %swap3A_53 = tpu.memref_slice %arg10[%scan3A, %swap3A, %swap3A_52] : memref<2x128x128xf32, #tpu.memory_space<vmem>> -> memref<1x128x128xf32, #tpu.memory_space<vmem>>
      %swap3A_54 = tpu.memref_squeeze %swap3A_53 : memref<1x128x128xf32, #tpu.memory_space<vmem>> -> memref<128x128xf32, #tpu.memory_space<vmem>>
      %swap3A_55 = arith.index_cast %scan3A_49 : i32 to index
      %swap3A_56 = arith.constant 0 : index
      %swap3A_57 = tpu.vector_load %swap3A_54[%swap3A_55, %swap3A_56] {strides = array<i32>} : memref<128x128xf32, #tpu.memory_space<vmem>>, vector<1x16xf32>,
      %swap3A_58 = vector.shape_cast %swap3A_57 : vector<1x16xf32> to vector<16xf32>
      %swap3A_59 = vector.shape_cast %broadcast_in_dim3A_51 : vector<16xf32> to vector<1x16xf32>
      tpu.vector_store %swap3A_54[%swap3A_55, %swap3A_56], %swap3A_59 {strides = array<i32>} : memref<128x128xf32, #tpu.memory_space<vmem>>, vector<1x16xf32>,
      %broadcast_in_dim3A_60 = arith.constant 0.000000e+00 : f32
      %broadcast_in_dim3A_61 = vector.broadcast %broadcast_in_dim3A_60 : f32 to vector<16xf32>
      %swap3A_62 = arith.constant 0 : i32
      %swap3A_63 = arith.constant 0 : i32
      %swap3A_64 = tpu.memref_slice %arg10[%scan3A, %swap3A_62, %swap3A_63] : memref<2x128x128xf32, #tpu.memory_space<vmem>> -> memref<1x128x128xf32, #tpu.memory_space<vmem>>
      %swap3A_65 = tpu.memref_squeeze %swap3A_64 : memref<1x128x128xf32, #tpu.memory_space<vmem>> -> memref<128x128xf32, #tpu.memory_space<vmem>>
      %swap3A_66 = arith.index_cast %scan3A_49 : i32 to index
      %swap3A_67 = arith.constant 16 : index
      %swap3A_68 = tpu.vector_load %swap3A_65[%swap3A_66, %swap3A_67] {strides = array<i32>} : memref<128x128xf32, #tpu.memory_space<vmem>>, vector<1x16xf32>,
      %swap3A_69 = vector.shape_cast %swap3A_68 : vector<1x16xf32> to vector<16xf32>
      %swap3A_70 = vector.shape_cast %broadcast_in_dim3A_61 : vector<16xf32> to vector<1x16xf32>
      tpu.vector_store %swap3A_65[%swap3A_66, %swap3A_67], %swap3A_70 {strides = array<i32>} : memref<128x128xf32, #tpu.memory_space<vmem>>, vector<1x16xf32>,
      %broadcast_in_dim3A_71 = arith.constant 0.000000e+00 : f32
      %broadcast_in_dim3A_72 = vector.broadcast %broadcast_in_dim3A_71 : f32 to vector<16xf32>
      %swap3A_73 = arith.constant 0 : i32
      %swap3A_74 = arith.constant 0 : i32
      %swap3A_75 = tpu.memref_slice %arg10[%scan3A, %swap3A_73, %swap3A_74] : memref<2x128x128xf32, #tpu.memory_space<vmem>> -> memref<1x128x128xf32, #tpu.memory_space<vmem>>
      %swap3A_76 = tpu.memref_squeeze %swap3A_75 : memref<1x128x128xf32, #tpu.memory_space<vmem>> -> memref<128x128xf32, #tpu.memory_space<vmem>>
      %swap3A_77 = arith.index_cast %scan3A_49 : i32 to index
      %swap3A_78 = arith.constant 32 : index
      %swap3A_79 = tpu.vector_load %swap3A_76[%swap3A_77, %swap3A_78] {strides = array<i32>} : memref<128x128xf32, #tpu.memory_space<vmem>>, vector<1x16xf32>,
      %swap3A_80 = vector.shape_cast %swap3A_79 : vector<1x16xf32> to vector<16xf32>
      %swap3A_81 = vector.shape_cast %broadcast_in_dim3A_72 : vector<16xf32> to vector<1x16xf32>
      tpu.vector_store %swap3A_76[%swap3A_77, %swap3A_78], %swap3A_81 {strides = array<i32>} : memref<128x128xf32, #tpu.memory_space<vmem>>, vector<1x16xf32>,
      %broadcast_in_dim3A_82 = arith.constant 0.000000e+00 : f32
      %broadcast_in_dim3A_83 = vector.broadcast %broadcast_in_dim3A_82 : f32 to vector<16xf32>
      %swap3A_84 = arith.constant 0 : i32
      %swap3A_85 = arith.constant 0 : i32
      %swap3A_86 = tpu.memref_slice %arg10[%scan3A, %swap3A_84, %swap3A_85] : memref<2x128x128xf32, #tpu.memory_space<vmem>> -> memref<1x128x128xf32, #tpu.memory_space<vmem>>
      %swap3A_87 = tpu.memref_squeeze %swap3A_86 : memref<1x128x128xf32, #tpu.memory_space<vmem>> -> memref<128x128xf32, #tpu.memory_space<vmem>>
      %swap3A_88 = arith.index_cast %scan3A_49 : i32 to index
      %swap3A_89 = arith.constant 48 : index
      %swap3A_90 = tpu.vector_load %swap3A_87[%swap3A_88, %swap3A_89] {strides = array<i32>} : memref<128x128xf32, #tpu.memory_space<vmem>>, vector<1x16xf32>,
      %swap3A_91 = vector.shape_cast %swap3A_90 : vector<1x16xf32> to vector<16xf32>
      %swap3A_92 = vector.shape_cast %broadcast_in_dim3A_83 : vector<16xf32> to vector<1x16xf32>
      tpu.vector_store %swap3A_87[%swap3A_88, %swap3A_89], %swap3A_92 {strides = array<i32>} : memref<128x128xf32, #tpu.memory_space<vmem>>, vector<1x16xf32>,
      %broadcast_in_dim3A_93 = arith.constant 0.000000e+00 : f32
      %broadcast_in_dim3A_94 = vector.broadcast %broadcast_in_dim3A_93 : f32 to vector<16xf32>
      %swap3A_95 = arith.constant 0 : i32
      %swap3A_96 = arith.constant 0 : i32
      %swap3A_97 = tpu.memref_slice %arg10[%scan3A, %swap3A_95, %swap3A_96] : memref<2x128x128xf32, #tpu.memory_space<vmem>> -> memref<1x128x128xf32, #tpu.memory_space<vmem>>
      %swap3A_98 = tpu.memref_squeeze %swap3A_97 : memref<1x128x128xf32, #tpu.memory_space<vmem>> -> memref<128x128xf32, #tpu.memory_space<vmem>>
      %swap3A_99 = arith.index_cast %scan3A_49 : i32 to index
      %swap3A_100 = arith.constant 64 : index
      %swap3A_101 = tpu.vector_load %swap3A_98[%swap3A_99, %swap3A_100] {strides = array<i32>} : memref<128x128xf32, #tpu.memory_space<vmem>>, vector<1x16xf32>,
      %swap3A_102 = vector.shape_cast %swap3A_101 : vector<1x16xf32> to vector<16xf32>
      %swap3A_103 = vector.shape_cast %broadcast_in_dim3A_94 : vector<16xf32> to vector<1x16xf32>
      tpu.vector_store %swap3A_98[%swap3A_99, %swap3A_100], %swap3A_103 {strides = array<i32>} : memref<128x128xf32, #tpu.memory_space<vmem>>, vector<1x16xf32>,
      %broadcast_in_dim3A_104 = arith.constant 0.000000e+00 : f32
      %broadcast_in_dim3A_105 = vector.broadcast %broadcast_in_dim3A_104 : f32 to vector<16xf32>
      %swap3A_106 = arith.constant 0 : i32
      %swap3A_107 = arith.constant 0 : i32
      %swap3A_108 = tpu.memref_slice %arg10[%scan3A, %swap3A_106, %swap3A_107] : memref<2x128x128xf32, #tpu.memory_space<vmem>> -> memref<1x128x128xf32, #tpu.memory_space<vmem>>
      %swap3A_109 = tpu.memref_squeeze %swap3A_108 : memref<1x128x128xf32, #tpu.memory_space<vmem>> -> memref<128x128xf32, #tpu.memory_space<vmem>>
      %swap3A_110 = arith.index_cast %scan3A_49 : i32 to index
      %swap3A_111 = arith.constant 80 : index
      %swap3A_112 = tpu.vector_load %swap3A_109[%swap3A_110, %swap3A_111] {strides = array<i32>} : memref<128x128xf32, #tpu.memory_space<vmem>>, vector<1x16xf32>,
      %swap3A_113 = vector.shape_cast %swap3A_112 : vector<1x16xf32> to vector<16xf32>
      %swap3A_114 = vector.shape_cast %broadcast_in_dim3A_105 : vector<16xf32> to vector<1x16xf32>
      tpu.vector_store %swap3A_109[%swap3A_110, %swap3A_111], %swap3A_114 {strides = array<i32>} : memref<128x128xf32, #tpu.memory_space<vmem>>, vector<1x16xf32>,
      %broadcast_in_dim3A_115 = arith.constant 0.000000e+00 : f32
      %broadcast_in_dim3A_116 = vector.broadcast %broadcast_in_dim3A_115 : f32 to vector<16xf32>
      %swap3A_117 = arith.constant 0 : i32
      %swap3A_118 = arith.constant 0 : i32
      %swap3A_119 = tpu.memref_slice %arg10[%scan3A, %swap3A_117, %swap3A_118] : memref<2x128x128xf32, #tpu.memory_space<vmem>> -> memref<1x128x128xf32, #tpu.memory_space<vmem>>
      %swap3A_120 = tpu.memref_squeeze %swap3A_119 : memref<1x128x128xf32, #tpu.memory_space<vmem>> -> memref<128x128xf32, #tpu.memory_space<vmem>>
      %swap3A_121 = arith.index_cast %scan3A_49 : i32 to index
      %swap3A_122 = arith.constant 96 : index
      %swap3A_123 = tpu.vector_load %swap3A_120[%swap3A_121, %swap3A_122] {strides = array<i32>} : memref<128x128xf32, #tpu.memory_space<vmem>>, vector<1x16xf32>,
      %swap3A_124 = vector.shape_cast %swap3A_123 : vector<1x16xf32> to vector<16xf32>
      %swap3A_125 = vector.shape_cast %broadcast_in_dim3A_116 : vector<16xf32> to vector<1x16xf32>
      tpu.vector_store %swap3A_120[%swap3A_121, %swap3A_122], %swap3A_125 {strides = array<i32>} : memref<128x128xf32, #tpu.memory_space<vmem>>, vector<1x16xf32>,
      %broadcast_in_dim3A_126 = arith.constant 0.000000e+00 : f32
      %broadcast_in_dim3A_127 = vector.broadcast %broadcast_in_dim3A_126 : f32 to vector<16xf32>
      %swap3A_128 = arith.constant 0 : i32
      %swap3A_129 = arith.constant 0 : i32
      %swap3A_130 = tpu.memref_slice %arg10[%scan3A, %swap3A_128, %swap3A_129] : memref<2x128x128xf32, #tpu.memory_space<vmem>> -> memref<1x128x128xf32, #tpu.memory_space<vmem>>
      %swap3A_131 = tpu.memref_squeeze %swap3A_130 : memref<1x128x128xf32, #tpu.memory_space<vmem>> -> memref<128x128xf32, #tpu.memory_space<vmem>>
      %swap3A_132 = arith.index_cast %scan3A_49 : i32 to index
      %swap3A_133 = arith.constant 112 : index
      %swap3A_134 = tpu.vector_load %swap3A_131[%swap3A_132, %swap3A_133] {strides = array<i32>} : memref<128x128xf32, #tpu.memory_space<vmem>>, vector<1x16xf32>,
      %swap3A_135 = vector.shape_cast %swap3A_134 : vector<1x16xf32> to vector<16xf32>
      %swap3A_136 = vector.shape_cast %broadcast_in_dim3A_127 : vector<16xf32> to vector<1x16xf32>
      tpu.vector_store %swap3A_131[%swap3A_132, %swap3A_133], %swap3A_136 {strides = array<i32>} : memref<128x128xf32, #tpu.memory_space<vmem>>, vector<1x16xf32>,
      %scan3A_137 = arith.constant 0 : i32
      scf.yield %scan3A_137 : i32
    }
    %scan3A_6 = arith.constant 128 : i32
    %mul3A = arith.constant 640 : i32
    %mul3A_7 = arith.muli %arg1, %mul3A : i32
    %add3A = arith.constant 0 : i32
    %add3A_8 = arith.addi %mul3A_7, %add3A : i32
    %run_scoped3A = arith.constant 0 : i32
    "tpu.region"() ({
      %run_scoped3A_49 = tpu.sem_alloc : memref<!tpu.dma_semaphore, #tpu.memory_space<semaphore_mem>>
      %dma_start3A = arith.constant 0 : i32
      %dma_start3A_50 = arith.constant 0 : i32
      %dma_start3A_51 = tpu.memref_slice %arg10[%run_scoped3A, %dma_start3A, %dma_start3A_50] : memref<2x128x128xf32, #tpu.memory_space<vmem>> -> memref<1x128x128xf32, #tpu.memory_space<vmem>>
      %dma_start3A_52 = tpu.memref_squeeze %dma_start3A_51 : memref<1x128x128xf32, #tpu.memory_space<vmem>> -> memref<128x128xf32, #tpu.memory_space<vmem>>
      %dma_start3A_53 = arith.constant 0 : i32
      %dma_start3A_54 = tpu.memref_slice %arg11[%add3A_8, %dma_start3A_53] : memref<10240x128xf32, #tpu.memory_space<vmem_shared>> -> memref<128x128xf32, #tpu.memory_space<vmem_shared>>
      %dma_start3A_55 = arith.constant 0 : i32
      %dma_start3A_56 = tpu.memref_slice %arg11[%add3A_8, %dma_start3A_55] : memref<10240x128xf32, #tpu.memory_space<vmem_shared>> -> memref<128x128xf32, #tpu.memory_space<vmem_shared>>
      %dma_start3A_57 = arith.constant 0 : i32
      %dma_start3A_58 = arith.constant 0 : i32
      %dma_start3A_59 = tpu.memref_slice %arg10[%run_scoped3A, %dma_start3A_57, %dma_start3A_58] : memref<2x128x128xf32, #tpu.memory_space<vmem>> -> memref<1x128x128xf32, #tpu.memory_space<vmem>>
      %dma_start3A_60 = tpu.memref_squeeze %dma_start3A_59 : memref<1x128x128xf32, #tpu.memory_space<vmem>> -> memref<128x128xf32, #tpu.memory_space<vmem>>
      tpu.enqueue_dma source(%dma_start3A_60 : memref<128x128xf32, #tpu.memory_space<vmem>>) target(%dma_start3A_56 : memref<128x128xf32, #tpu.memory_space<vmem_shared>>) target_semaphore(%run_scoped3A_49 : memref<!tpu.dma_semaphore, #tpu.memory_space<semaphore_mem>>)
      %dma_wait3A = arith.constant 0 : i32
      %dma_wait3A_61 = arith.constant 0 : i32
      %dma_wait3A_62 = tpu.memref_slice %arg10[%run_scoped3A, %dma_wait3A, %dma_wait3A_61] : memref<2x128x128xf32, #tpu.memory_space<vmem>> -> memref<1x128x128xf32, #tpu.memory_space<vmem>>
      %dma_wait3A_63 = tpu.memref_squeeze %dma_wait3A_62 : memref<1x128x128xf32, #tpu.memory_space<vmem>> -> memref<128x128xf32, #tpu.memory_space<vmem>>
      %dma_wait3A_64 = arith.constant 0 : i32
      %dma_wait3A_65 = tpu.memref_slice %arg11[%add3A_8, %dma_wait3A_64] : memref<10240x128xf32, #tpu.memory_space<vmem_shared>> -> memref<128x128xf32, #tpu.memory_space<vmem_shared>>
      %dma_wait3A_66 = arith.constant 0 : i32
      %dma_wait3A_67 = tpu.memref_slice %arg11[%add3A_8, %dma_wait3A_66] : memref<10240x128xf32, #tpu.memory_space<vmem_shared>> -> memref<128x128xf32, #tpu.memory_space<vmem_shared>>
      %dma_wait3A_68 = arith.constant 0 : i32
      %dma_wait3A_69 = arith.constant 0 : i32
      %dma_wait3A_70 = tpu.memref_slice %arg10[%run_scoped3A, %dma_wait3A_68, %dma_wait3A_69] : memref<2x128x128xf32, #tpu.memory_space<vmem>> -> memref<1x128x128xf32, #tpu.memory_space<vmem>>
      %dma_wait3A_71 = tpu.memref_squeeze %dma_wait3A_70 : memref<1x128x128xf32, #tpu.memory_space<vmem>> -> memref<128x128xf32, #tpu.memory_space<vmem>>
      tpu.wait_dma2 semaphore(%run_scoped3A_49 : memref<!tpu.dma_semaphore, #tpu.memory_space<semaphore_mem>>) src(%dma_wait3A_71 : memref<128x128xf32, #tpu.memory_space<vmem>>) dst(%dma_wait3A_67 : memref<128x128xf32, #tpu.memory_space<vmem_shared>>)
      tpu.yield
    }) : () -> ()
    %mul3A_9 = arith.constant 640 : i32
    %mul3A_10 = arith.muli %arg1, %mul3A_9 : i32
    %add3A_11 = arith.constant 128 : i32
    %add3A_12 = arith.addi %mul3A_10, %add3A_11 : i32
    %run_scoped3A_13 = arith.constant 0 : i32
    "tpu.region"() ({
      %run_scoped3A_49 = tpu.sem_alloc : memref<!tpu.dma_semaphore, #tpu.memory_space<semaphore_mem>>
      %dma_start3A = arith.constant 0 : i32
      %dma_start3A_50 = arith.constant 0 : i32
      %dma_start3A_51 = tpu.memref_slice %arg10[%run_scoped3A_13, %dma_start3A, %dma_start3A_50] : memref<2x128x128xf32, #tpu.memory_space<vmem>> -> memref<1x128x128xf32, #tpu.memory_space<vmem>>
      %dma_start3A_52 = tpu.memref_squeeze %dma_start3A_51 : memref<1x128x128xf32, #tpu.memory_space<vmem>> -> memref<128x128xf32, #tpu.memory_space<vmem>>
      %dma_start3A_53 = arith.constant 0 : i32
      %dma_start3A_54 = tpu.memref_slice %arg11[%add3A_12, %dma_start3A_53] : memref<10240x128xf32, #tpu.memory_space<vmem_shared>> -> memref<128x128xf32, #tpu.memory_space<vmem_shared>>
      %dma_start3A_55 = arith.constant 0 : i32
      %dma_start3A_56 = tpu.memref_slice %arg11[%add3A_12, %dma_start3A_55] : memref<10240x128xf32, #tpu.memory_space<vmem_shared>> -> memref<128x128xf32, #tpu.memory_space<vmem_shared>>
      %dma_start3A_57 = arith.constant 0 : i32
      %dma_start3A_58 = arith.constant 0 : i32
      %dma_start3A_59 = tpu.memref_slice %arg10[%run_scoped3A_13, %dma_start3A_57, %dma_start3A_58] : memref<2x128x128xf32, #tpu.memory_space<vmem>> -> memref<1x128x128xf32, #tpu.memory_space<vmem>>
      %dma_start3A_60 = tpu.memref_squeeze %dma_start3A_59 : memref<1x128x128xf32, #tpu.memory_space<vmem>> -> memref<128x128xf32, #tpu.memory_space<vmem>>
      tpu.enqueue_dma source(%dma_start3A_60 : memref<128x128xf32, #tpu.memory_space<vmem>>) target(%dma_start3A_56 : memref<128x128xf32, #tpu.memory_space<vmem_shared>>) target_semaphore(%run_scoped3A_49 : memref<!tpu.dma_semaphore, #tpu.memory_space<semaphore_mem>>)
      %dma_wait3A = arith.constant 0 : i32
      %dma_wait3A_61 = arith.constant 0 : i32
      %dma_wait3A_62 = tpu.memref_slice %arg10[%run_scoped3A_13, %dma_wait3A, %dma_wait3A_61] : memref<2x128x128xf32, #tpu.memory_space<vmem>> -> memref<1x128x128xf32, #tpu.memory_space<vmem>>
      %dma_wait3A_63 = tpu.memref_squeeze %dma_wait3A_62 : memref<1x128x128xf32, #tpu.memory_space<vmem>> -> memref<128x128xf32, #tpu.memory_space<vmem>>
      %dma_wait3A_64 = arith.constant 0 : i32
      %dma_wait3A_65 = tpu.memref_slice %arg11[%add3A_12, %dma_wait3A_64] : memref<10240x128xf32, #tpu.memory_space<vmem_shared>> -> memref<128x128xf32, #tpu.memory_space<vmem_shared>>
      %dma_wait3A_66 = arith.constant 0 : i32
      %dma_wait3A_67 = tpu.memref_slice %arg11[%add3A_12, %dma_wait3A_66] : memref<10240x128xf32, #tpu.memory_space<vmem_shared>> -> memref<128x128xf32, #tpu.memory_space<vmem_shared>>
      %dma_wait3A_68 = arith.constant 0 : i32
      %dma_wait3A_69 = arith.constant 0 : i32
      %dma_wait3A_70 = tpu.memref_slice %arg10[%run_scoped3A_13, %dma_wait3A_68, %dma_wait3A_69] : memref<2x128x128xf32, #tpu.memory_space<vmem>> -> memref<1x128x128xf32, #tpu.memory_space<vmem>>
      %dma_wait3A_71 = tpu.memref_squeeze %dma_wait3A_70 : memref<1x128x128xf32, #tpu.memory_space<vmem>> -> memref<128x128xf32, #tpu.memory_space<vmem>>
      tpu.wait_dma2 semaphore(%run_scoped3A_49 : memref<!tpu.dma_semaphore, #tpu.memory_space<semaphore_mem>>) src(%dma_wait3A_71 : memref<128x128xf32, #tpu.memory_space<vmem>>) dst(%dma_wait3A_67 : memref<128x128xf32, #tpu.memory_space<vmem_shared>>)
      tpu.yield
    }) : () -> ()
    %mul3A_14 = arith.constant 640 : i32
    %mul3A_15 = arith.muli %arg1, %mul3A_14 : i32
    %add3A_16 = arith.constant 256 : i32
    %add3A_17 = arith.addi %mul3A_15, %add3A_16 : i32
    %run_scoped3A_18 = arith.constant 0 : i32
    "tpu.region"() ({
      %run_scoped3A_49 = tpu.sem_alloc : memref<!tpu.dma_semaphore, #tpu.memory_space<semaphore_mem>>
      %dma_start3A = arith.constant 0 : i32
      %dma_start3A_50 = arith.constant 0 : i32
      %dma_start3A_51 = tpu.memref_slice %arg10[%run_scoped3A_18, %dma_start3A, %dma_start3A_50] : memref<2x128x128xf32, #tpu.memory_space<vmem>> -> memref<1x128x128xf32, #tpu.memory_space<vmem>>
      %dma_start3A_52 = tpu.memref_squeeze %dma_start3A_51 : memref<1x128x128xf32, #tpu.memory_space<vmem>> -> memref<128x128xf32, #tpu.memory_space<vmem>>
      %dma_start3A_53 = arith.constant 0 : i32
      %dma_start3A_54 = tpu.memref_slice %arg11[%add3A_17, %dma_start3A_53] : memref<10240x128xf32, #tpu.memory_space<vmem_shared>> -> memref<128x128xf32, #tpu.memory_space<vmem_shared>>
      %dma_start3A_55 = arith.constant 0 : i32
      %dma_start3A_56 = tpu.memref_slice %arg11[%add3A_17, %dma_start3A_55] : memref<10240x128xf32, #tpu.memory_space<vmem_shared>> -> memref<128x128xf32, #tpu.memory_space<vmem_shared>>
      %dma_start3A_57 = arith.constant 0 : i32
      %dma_start3A_58 = arith.constant 0 : i32
      %dma_start3A_59 = tpu.memref_slice %arg10[%run_scoped3A_18, %dma_start3A_57, %dma_start3A_58] : memref<2x128x128xf32, #tpu.memory_space<vmem>> -> memref<1x128x128xf32, #tpu.memory_space<vmem>>
      %dma_start3A_60 = tpu.memref_squeeze %dma_start3A_59 : memref<1x128x128xf32, #tpu.memory_space<vmem>> -> memref<128x128xf32, #tpu.memory_space<vmem>>
      tpu.enqueue_dma source(%dma_start3A_60 : memref<128x128xf32, #tpu.memory_space<vmem>>) target(%dma_start3A_56 : memref<128x128xf32, #tpu.memory_space<vmem_shared>>) target_semaphore(%run_scoped3A_49 : memref<!tpu.dma_semaphore, #tpu.memory_space<semaphore_mem>>)
      %dma_wait3A = arith.constant 0 : i32
      %dma_wait3A_61 = arith.constant 0 : i32
      %dma_wait3A_62 = tpu.memref_slice %arg10[%run_scoped3A_18, %dma_wait3A, %dma_wait3A_61] : memref<2x128x128xf32, #tpu.memory_space<vmem>> -> memref<1x128x128xf32, #tpu.memory_space<vmem>>
      %dma_wait3A_63 = tpu.memref_squeeze %dma_wait3A_62 : memref<1x128x128xf32, #tpu.memory_space<vmem>> -> memref<128x128xf32, #tpu.memory_space<vmem>>
      %dma_wait3A_64 = arith.constant 0 : i32
      %dma_wait3A_65 = tpu.memref_slice %arg11[%add3A_17, %dma_wait3A_64] : memref<10240x128xf32, #tpu.memory_space<vmem_shared>> -> memref<128x128xf32, #tpu.memory_space<vmem_shared>>
      %dma_wait3A_66 = arith.constant 0 : i32
      %dma_wait3A_67 = tpu.memref_slice %arg11[%add3A_17, %dma_wait3A_66] : memref<10240x128xf32, #tpu.memory_space<vmem_shared>> -> memref<128x128xf32, #tpu.memory_space<vmem_shared>>
      %dma_wait3A_68 = arith.constant 0 : i32
      %dma_wait3A_69 = arith.constant 0 : i32
      %dma_wait3A_70 = tpu.memref_slice %arg10[%run_scoped3A_18, %dma_wait3A_68, %dma_wait3A_69] : memref<2x128x128xf32, #tpu.memory_space<vmem>> -> memref<1x128x128xf32, #tpu.memory_space<vmem>>
      %dma_wait3A_71 = tpu.memref_squeeze %dma_wait3A_70 : memref<1x128x128xf32, #tpu.memory_space<vmem>> -> memref<128x128xf32, #tpu.memory_space<vmem>>
      tpu.wait_dma2 semaphore(%run_scoped3A_49 : memref<!tpu.dma_semaphore, #tpu.memory_space<semaphore_mem>>) src(%dma_wait3A_71 : memref<128x128xf32, #tpu.memory_space<vmem>>) dst(%dma_wait3A_67 : memref<128x128xf32, #tpu.memory_space<vmem_shared>>)
      tpu.yield
    }) : () -> ()
    %mul3A_19 = arith.constant 640 : i32
    %mul3A_20 = arith.muli %arg1, %mul3A_19 : i32
    %add3A_21 = arith.constant 384 : i32
    %add3A_22 = arith.addi %mul3A_20, %add3A_21 : i32
    %run_scoped3A_23 = arith.constant 0 : i32
    "tpu.region"() ({
      %run_scoped3A_49 = tpu.sem_alloc : memref<!tpu.dma_semaphore, #tpu.memory_space<semaphore_mem>>
      %dma_start3A = arith.constant 0 : i32
      %dma_start3A_50 = arith.constant 0 : i32
      %dma_start3A_51 = tpu.memref_slice %arg10[%run_scoped3A_23, %dma_start3A, %dma_start3A_50] : memref<2x128x128xf32, #tpu.memory_space<vmem>> -> memref<1x128x128xf32, #tpu.memory_space<vmem>>
      %dma_start3A_52 = tpu.memref_squeeze %dma_start3A_51 : memref<1x128x128xf32, #tpu.memory_space<vmem>> -> memref<128x128xf32, #tpu.memory_space<vmem>>
      %dma_start3A_53 = arith.constant 0 : i32
      %dma_start3A_54 = tpu.memref_slice %arg11[%add3A_22, %dma_start3A_53] : memref<10240x128xf32, #tpu.memory_space<vmem_shared>> -> memref<128x128xf32, #tpu.memory_space<vmem_shared>>
      %dma_start3A_55 = arith.constant 0 : i32
      %dma_start3A_56 = tpu.memref_slice %arg11[%add3A_22, %dma_start3A_55] : memref<10240x128xf32, #tpu.memory_space<vmem_shared>> -> memref<128x128xf32, #tpu.memory_space<vmem_shared>>
      %dma_start3A_57 = arith.constant 0 : i32
      %dma_start3A_58 = arith.constant 0 : i32
      %dma_start3A_59 = tpu.memref_slice %arg10[%run_scoped3A_23, %dma_start3A_57, %dma_start3A_58] : memref<2x128x128xf32, #tpu.memory_space<vmem>> -> memref<1x128x128xf32, #tpu.memory_space<vmem>>
      %dma_start3A_60 = tpu.memref_squeeze %dma_start3A_59 : memref<1x128x128xf32, #tpu.memory_space<vmem>> -> memref<128x128xf32, #tpu.memory_space<vmem>>
      tpu.enqueue_dma source(%dma_start3A_60 : memref<128x128xf32, #tpu.memory_space<vmem>>) target(%dma_start3A_56 : memref<128x128xf32, #tpu.memory_space<vmem_shared>>) target_semaphore(%run_scoped3A_49 : memref<!tpu.dma_semaphore, #tpu.memory_space<semaphore_mem>>)
      %dma_wait3A = arith.constant 0 : i32
      %dma_wait3A_61 = arith.constant 0 : i32
      %dma_wait3A_62 = tpu.memref_slice %arg10[%run_scoped3A_23, %dma_wait3A, %dma_wait3A_61] : memref<2x128x128xf32, #tpu.memory_space<vmem>> -> memref<1x128x128xf32, #tpu.memory_space<vmem>>
      %dma_wait3A_63 = tpu.memref_squeeze %dma_wait3A_62 : memref<1x128x128xf32, #tpu.memory_space<vmem>> -> memref<128x128xf32, #tpu.memory_space<vmem>>
      %dma_wait3A_64 = arith.constant 0 : i32
      %dma_wait3A_65 = tpu.memref_slice %arg11[%add3A_22, %dma_wait3A_64] : memref<10240x128xf32, #tpu.memory_space<vmem_shared>> -> memref<128x128xf32, #tpu.memory_space<vmem_shared>>
      %dma_wait3A_66 = arith.constant 0 : i32
      %dma_wait3A_67 = tpu.memref_slice %arg11[%add3A_22, %dma_wait3A_66] : memref<10240x128xf32, #tpu.memory_space<vmem_shared>> -> memref<128x128xf32, #tpu.memory_space<vmem_shared>>
      %dma_wait3A_68 = arith.constant 0 : i32
      %dma_wait3A_69 = arith.constant 0 : i32
      %dma_wait3A_70 = tpu.memref_slice %arg10[%run_scoped3A_23, %dma_wait3A_68, %dma_wait3A_69] : memref<2x128x128xf32, #tpu.memory_space<vmem>> -> memref<1x128x128xf32, #tpu.memory_space<vmem>>
      %dma_wait3A_71 = tpu.memref_squeeze %dma_wait3A_70 : memref<1x128x128xf32, #tpu.memory_space<vmem>> -> memref<128x128xf32, #tpu.memory_space<vmem>>
      tpu.wait_dma2 semaphore(%run_scoped3A_49 : memref<!tpu.dma_semaphore, #tpu.memory_space<semaphore_mem>>) src(%dma_wait3A_71 : memref<128x128xf32, #tpu.memory_space<vmem>>) dst(%dma_wait3A_67 : memref<128x128xf32, #tpu.memory_space<vmem_shared>>)
      tpu.yield
    }) : () -> ()
    %mul3A_24 = arith.constant 640 : i32
    %mul3A_25 = arith.muli %arg1, %mul3A_24 : i32
    %add3A_26 = arith.constant 512 : i32
    %add3A_27 = arith.addi %mul3A_25, %add3A_26 : i32
    %run_scoped3A_28 = arith.constant 0 : i32
    "tpu.region"() ({
      %run_scoped3A_49 = tpu.sem_alloc : memref<!tpu.dma_semaphore, #tpu.memory_space<semaphore_mem>>
      %dma_start3A = arith.constant 0 : i32
      %dma_start3A_50 = arith.constant 0 : i32
      %dma_start3A_51 = tpu.memref_slice %arg10[%run_scoped3A_28, %dma_start3A, %dma_start3A_50] : memref<2x128x128xf32, #tpu.memory_space<vmem>> -> memref<1x128x128xf32, #tpu.memory_space<vmem>>
      %dma_start3A_52 = tpu.memref_squeeze %dma_start3A_51 : memref<1x128x128xf32, #tpu.memory_space<vmem>> -> memref<128x128xf32, #tpu.memory_space<vmem>>
      %dma_start3A_53 = arith.constant 0 : i32
      %dma_start3A_54 = tpu.memref_slice %arg11[%add3A_27, %dma_start3A_53] : memref<10240x128xf32, #tpu.memory_space<vmem_shared>> -> memref<128x128xf32, #tpu.memory_space<vmem_shared>>
      %dma_start3A_55 = arith.constant 0 : i32
      %dma_start3A_56 = tpu.memref_slice %arg11[%add3A_27, %dma_start3A_55] : memref<10240x128xf32, #tpu.memory_space<vmem_shared>> -> memref<128x128xf32, #tpu.memory_space<vmem_shared>>
      %dma_start3A_57 = arith.constant 0 : i32
      %dma_start3A_58 = arith.constant 0 : i32
      %dma_start3A_59 = tpu.memref_slice %arg10[%run_scoped3A_28, %dma_start3A_57, %dma_start3A_58] : memref<2x128x128xf32, #tpu.memory_space<vmem>> -> memref<1x128x128xf32, #tpu.memory_space<vmem>>
      %dma_start3A_60 = tpu.memref_squeeze %dma_start3A_59 : memref<1x128x128xf32, #tpu.memory_space<vmem>> -> memref<128x128xf32, #tpu.memory_space<vmem>>
      tpu.enqueue_dma source(%dma_start3A_60 : memref<128x128xf32, #tpu.memory_space<vmem>>) target(%dma_start3A_56 : memref<128x128xf32, #tpu.memory_space<vmem_shared>>) target_semaphore(%run_scoped3A_49 : memref<!tpu.dma_semaphore, #tpu.memory_space<semaphore_mem>>)
      %dma_wait3A = arith.constant 0 : i32
      %dma_wait3A_61 = arith.constant 0 : i32
      %dma_wait3A_62 = tpu.memref_slice %arg10[%run_scoped3A_28, %dma_wait3A, %dma_wait3A_61] : memref<2x128x128xf32, #tpu.memory_space<vmem>> -> memref<1x128x128xf32, #tpu.memory_space<vmem>>
      %dma_wait3A_63 = tpu.memref_squeeze %dma_wait3A_62 : memref<1x128x128xf32, #tpu.memory_space<vmem>> -> memref<128x128xf32, #tpu.memory_space<vmem>>
      %dma_wait3A_64 = arith.constant 0 : i32
      %dma_wait3A_65 = tpu.memref_slice %arg11[%add3A_27, %dma_wait3A_64] : memref<10240x128xf32, #tpu.memory_space<vmem_shared>> -> memref<128x128xf32, #tpu.memory_space<vmem_shared>>
      %dma_wait3A_66 = arith.constant 0 : i32
      %dma_wait3A_67 = tpu.memref_slice %arg11[%add3A_27, %dma_wait3A_66] : memref<10240x128xf32, #tpu.memory_space<vmem_shared>> -> memref<128x128xf32, #tpu.memory_space<vmem_shared>>
      %dma_wait3A_68 = arith.constant 0 : i32
      %dma_wait3A_69 = arith.constant 0 : i32
      %dma_wait3A_70 = tpu.memref_slice %arg10[%run_scoped3A_28, %dma_wait3A_68, %dma_wait3A_69] : memref<2x128x128xf32, #tpu.memory_space<vmem>> -> memref<1x128x128xf32, #tpu.memory_space<vmem>>
      %dma_wait3A_71 = tpu.memref_squeeze %dma_wait3A_70 : memref<1x128x128xf32, #tpu.memory_space<vmem>> -> memref<128x128xf32, #tpu.memory_space<vmem>>
      tpu.wait_dma2 semaphore(%run_scoped3A_49 : memref<!tpu.dma_semaphore, #tpu.memory_space<semaphore_mem>>) src(%dma_wait3A_71 : memref<128x128xf32, #tpu.memory_space<vmem>>) dst(%dma_wait3A_67 : memref<128x128xf32, #tpu.memory_space<vmem_shared>>)
      tpu.yield
    }) : () -> ()
    %barrier3A = arith.constant 0 : index
    tpu.barrier barrier_id(%barrier3A)
    %eq3A = arith.constant 0 : i32
    %eq3A_29 = arith.cmpi eq, %arg0, %eq3A : i32
    %convert_element_type3A = arith.extui %eq3A_29 : i1 to i32
    %cond3A = arith.constant 0 : i32
    %cond3A_30 = arith.cmpi ne, %convert_element_type3A, %cond3A : i32
    scf.if %cond3A_30 {
      %scan3A_49 = arith.constant 0 : i32
      %scan3A_50 = arith.constant 0 : i32
      %scan3A_51 = arith.constant 2 : i32
      %scan3A_52 = arith.addi %scan3A_50, %scan3A_51 : i32
      %scan3A_53 = arith.constant 1 : i32
      %scan3A_54 = scf.for %scan3A_79 = %scan3A_50 to %scan3A_52 step %scan3A_53 iter_args(%scan3A_80 = %scan3A_49) -> (i32)  : i32 {
        %gt3A = arith.constant 0 : i32
        %gt3A_81 = arith.cmpi sgt, %scan3A_79, %gt3A : i32
        %convert_element_type3A_82 = arith.extui %gt3A_81 : i1 to i32
        %cond3A_83 = arith.constant 0 : i32
        %cond3A_84 = arith.cmpi ne, %convert_element_type3A_82, %cond3A_83 : i32
        scf.if %cond3A_84 {
          %dma_wait3A_103 = arith.constant 0 : i32
          %dma_wait3A_104 = arith.constant 0 : i32
          %dma_wait3A_105 = arith.constant 0 : i32
          %dma_wait3A_106 = arith.constant 0 : i32
          %dma_wait3A_107 = tpu.memref_slice %arg10[%dma_wait3A_103, %dma_wait3A_105, %dma_wait3A_106] : memref<2x128x128xf32, #tpu.memory_space<vmem>> -> memref<1x128x128xf32, #tpu.memory_space<vmem>>
          %dma_wait3A_108 = tpu.memref_squeeze %dma_wait3A_107 : memref<1x128x128xf32, #tpu.memory_space<vmem>> -> memref<128x128xf32, #tpu.memory_space<vmem>>
          %dma_wait3A_109 = arith.constant 0 : i32
          %dma_wait3A_110 = tpu.memref_slice %arg9[%dma_wait3A_104, %dma_wait3A_109] : memref<40x128xi32, #tpu.memory_space<vmem>> -> memref<1x128xi32, #tpu.memory_space<vmem>>
          %dma_wait3A_111 = tpu.memref_squeeze %dma_wait3A_110 : memref<1x128xi32, #tpu.memory_space<vmem>> -> memref<128xi32, #tpu.memory_space<vmem>>
          %dma_wait3A_112 = arith.constant 0 : i32
          %dma_wait3A_113 = arith.constant 0 : i32
          %dma_wait3A_114 = tpu.memref_slice %arg11[%dma_wait3A_112, %dma_wait3A_113] : memref<10240x128xf32, #tpu.memory_space<vmem_shared>> -> memref<10240x128xf32, #tpu.memory_space<vmem_shared>>
          tpu.wait_indirect_dma semaphore(%arg13 : memref<!tpu.dma_semaphore, #tpu.memory_space<semaphore_mem>>) src(%dma_wait3A_108 : memref<128x128xf32, #tpu.memory_space<vmem>>) dst(%dma_wait3A_114 : memref<10240x128xf32, #tpu.memory_space<vmem_shared>>)
          %dma_wait3A_115 = arith.constant 1 : i32
          %dma_wait3A_116 = arith.constant 1 : i32
          %dma_wait3A_117 = arith.constant 0 : i32
          %dma_wait3A_118 = arith.constant 0 : i32
          %dma_wait3A_119 = tpu.memref_slice %arg10[%dma_wait3A_115, %dma_wait3A_117, %dma_wait3A_118] : memref<2x128x128xf32, #tpu.memory_space<vmem>> -> memref<1x128x128xf32, #tpu.memory_space<vmem>>
          %dma_wait3A_120 = tpu.memref_squeeze %dma_wait3A_119 : memref<1x128x128xf32, #tpu.memory_space<vmem>> -> memref<128x128xf32, #tpu.memory_space<vmem>>
          %dma_wait3A_121 = arith.constant 0 : i32
          %dma_wait3A_122 = tpu.memref_slice %arg9[%dma_wait3A_116, %dma_wait3A_121] : memref<40x128xi32, #tpu.memory_space<vmem>> -> memref<1x128xi32, #tpu.memory_space<vmem>>
          %dma_wait3A_123 = tpu.memref_squeeze %dma_wait3A_122 : memref<1x128xi32, #tpu.memory_space<vmem>> -> memref<128xi32, #tpu.memory_space<vmem>>
          %dma_wait3A_124 = arith.constant 0 : i32
          %dma_wait3A_125 = arith.constant 0 : i32
          %dma_wait3A_126 = tpu.memref_slice %arg11[%dma_wait3A_124, %dma_wait3A_125] : memref<10240x128xf32, #tpu.memory_space<vmem_shared>> -> memref<10240x128xf32, #tpu.memory_space<vmem_shared>>
          tpu.wait_indirect_dma semaphore(%arg13 : memref<!tpu.dma_semaphore, #tpu.memory_space<semaphore_mem>>) src(%dma_wait3A_120 : memref<128x128xf32, #tpu.memory_space<vmem>>) dst(%dma_wait3A_126 : memref<10240x128xf32, #tpu.memory_space<vmem_shared>>)
        } else {
        }
        %mul3A_85 = arith.constant 80 : i32
        %mul3A_86 = arith.muli %arg1, %mul3A_85 : i32
        %mul3A_87 = arith.constant 40 : i32
        %mul3A_88 = arith.muli %scan3A_79, %mul3A_87 : i32
        %add3A_89 = arith.addi %mul3A_86, %mul3A_88 : i32
        "tpu.region"() ({
          %run_scoped3A_103 = tpu.sem_alloc : memref<!tpu.dma_semaphore, #tpu.memory_space<semaphore_mem>>
          %dma_start3A = arith.constant 0 : i32
          %dma_start3A_104 = tpu.memref_slice %arg4[%add3A_89, %dma_start3A] : memref<1280x128xi32, #tpu.memory_space<hbm>> -> memref<40x128xi32, #tpu.memory_space<hbm>>
          %dma_start3A_105 = arith.constant 0 : i32
          %dma_start3A_106 = tpu.memref_slice %arg4[%add3A_89, %dma_start3A_105] : memref<1280x128xi32, #tpu.memory_space<hbm>> -> memref<40x128xi32, #tpu.memory_space<hbm>>
          tpu.enqueue_dma source(%dma_start3A_106 : memref<40x128xi32, #tpu.memory_space<hbm>>) target(%arg8 : memref<40x128xi32, #tpu.memory_space<vmem>>) target_semaphore(%run_scoped3A_103 : memref<!tpu.dma_semaphore, #tpu.memory_space<semaphore_mem>>)
          %dma_wait3A_107 = arith.constant 0 : i32
          %dma_wait3A_108 = tpu.memref_slice %arg4[%add3A_89, %dma_wait3A_107] : memref<1280x128xi32, #tpu.memory_space<hbm>> -> memref<40x128xi32, #tpu.memory_space<hbm>>
          %dma_wait3A_109 = arith.constant 0 : i32
          %dma_wait3A_110 = tpu.memref_slice %arg4[%add3A_89, %dma_wait3A_109] : memref<1280x128xi32, #tpu.memory_space<hbm>> -> memref<40x128xi32, #tpu.memory_space<hbm>>
          tpu.wait_dma2 semaphore(%run_scoped3A_103 : memref<!tpu.dma_semaphore, #tpu.memory_space<semaphore_mem>>) src(%dma_wait3A_110 : memref<40x128xi32, #tpu.memory_space<hbm>>) dst(%arg8 : memref<40x128xi32, #tpu.memory_space<vmem>>)
          tpu.yield
        }) : () -> ()
        %mul3A_90 = arith.constant 80 : i32
        %mul3A_91 = arith.muli %arg1, %mul3A_90 : i32
        %mul3A_92 = arith.constant 40 : i32
        %mul3A_93 = arith.muli %scan3A_79, %mul3A_92 : i32
        %add3A_94 = arith.addi %mul3A_91, %mul3A_93 : i32
        "tpu.region"() ({
          %run_scoped3A_103 = tpu.sem_alloc : memref<!tpu.dma_semaphore, #tpu.memory_space<semaphore_mem>>
          %dma_start3A = arith.constant 0 : i32
          %dma_start3A_104 = tpu.memref_slice %arg5[%add3A_94, %dma_start3A] : memref<1280x128xi32, #tpu.memory_space<hbm>> -> memref<40x128xi32, #tpu.memory_space<hbm>>
          %dma_start3A_105 = arith.constant 0 : i32
          %dma_start3A_106 = tpu.memref_slice %arg5[%add3A_94, %dma_start3A_105] : memref<1280x128xi32, #tpu.memory_space<hbm>> -> memref<40x128xi32, #tpu.memory_space<hbm>>
          tpu.enqueue_dma source(%dma_start3A_106 : memref<40x128xi32, #tpu.memory_space<hbm>>) target(%arg9 : memref<40x128xi32, #tpu.memory_space<vmem>>) target_semaphore(%run_scoped3A_103 : memref<!tpu.dma_semaphore, #tpu.memory_space<semaphore_mem>>)
          %dma_wait3A_107 = arith.constant 0 : i32
          %dma_wait3A_108 = tpu.memref_slice %arg5[%add3A_94, %dma_wait3A_107] : memref<1280x128xi32, #tpu.memory_space<hbm>> -> memref<40x128xi32, #tpu.memory_space<hbm>>
          %dma_wait3A_109 = arith.constant 0 : i32
          %dma_wait3A_110 = tpu.memref_slice %arg5[%add3A_94, %dma_wait3A_109] : memref<1280x128xi32, #tpu.memory_space<hbm>> -> memref<40x128xi32, #tpu.memory_space<hbm>>
          tpu.wait_dma2 semaphore(%run_scoped3A_103 : memref<!tpu.dma_semaphore, #tpu.memory_space<semaphore_mem>>) src(%dma_wait3A_110 : memref<40x128xi32, #tpu.memory_space<hbm>>) dst(%arg9 : memref<40x128xi32, #tpu.memory_space<vmem>>)
          tpu.yield
        }) : () -> ()
        %scan3A_95 = arith.constant 0 : i32
        %scan3A_96 = arith.constant 0 : i32
        %scan3A_97 = arith.constant 20 : i32
        %scan3A_98 = arith.addi %scan3A_96, %scan3A_97 : i32
        %scan3A_99 = arith.constant 1 : i32
        %scan3A_100 = scf.for %scan3A_103 = %scan3A_96 to %scan3A_98 step %scan3A_99 iter_args(%scan3A_104 = %scan3A_95) -> (i32)  : i32 {
          %mul3A_105 = arith.constant 2 : i32
          %mul3A_106 = arith.muli %scan3A_103, %mul3A_105 : i32
          %add3A_107 = arith.constant 0 : i32
          %add3A_108 = arith.addi %mul3A_106, %add3A_107 : i32
          %gt3A_109 = arith.constant 0 : i32
          %gt3A_110 = arith.cmpi sgt, %scan3A_103, %gt3A_109 : i32
          %convert_element_type3A_111 = arith.extui %gt3A_110 : i1 to i32
          %cond3A_112 = arith.constant 0 : i32
          %cond3A_113 = arith.cmpi ne, %convert_element_type3A_111, %cond3A_112 : i32
          scf.if %cond3A_113 {
            %dma_wait3A_197 = arith.constant 0 : i32
            %dma_wait3A_198 = arith.constant 0 : i32
            %dma_wait3A_199 = arith.constant 0 : i32
            %dma_wait3A_200 = tpu.memref_slice %arg10[%dma_wait3A_197, %dma_wait3A_198, %dma_wait3A_199] : memref<2x128x128xf32, #tpu.memory_space<vmem>> -> memref<1x128x128xf32, #tpu.memory_space<vmem>>
            %dma_wait3A_201 = tpu.memref_squeeze %dma_wait3A_200 : memref<1x128x128xf32, #tpu.memory_space<vmem>> -> memref<128x128xf32, #tpu.memory_space<vmem>>
            %dma_wait3A_202 = arith.constant 0 : i32
            %dma_wait3A_203 = tpu.memref_slice %arg9[%add3A_108, %dma_wait3A_202] : memref<40x128xi32, #tpu.memory_space<vmem>> -> memref<1x128xi32, #tpu.memory_space<vmem>>
            %dma_wait3A_204 = tpu.memref_squeeze %dma_wait3A_203 : memref<1x128xi32, #tpu.memory_space<vmem>> -> memref<128xi32, #tpu.memory_space<vmem>>
            %dma_wait3A_205 = arith.constant 0 : i32
            %dma_wait3A_206 = arith.constant 0 : i32
            %dma_wait3A_207 = tpu.memref_slice %arg11[%dma_wait3A_205, %dma_wait3A_206] : memref<10240x128xf32, #tpu.memory_space<vmem_shared>> -> memref<10240x128xf32, #tpu.memory_space<vmem_shared>>
            tpu.wait_indirect_dma semaphore(%arg13 : memref<!tpu.dma_semaphore, #tpu.memory_space<semaphore_mem>>) src(%dma_wait3A_201 : memref<128x128xf32, #tpu.memory_space<vmem>>) dst(%dma_wait3A_207 : memref<10240x128xf32, #tpu.memory_space<vmem_shared>>)
          } else {
          }
          %dma_start3A = arith.constant 0 : i32
          %dma_start3A_114 = arith.constant 0 : i32
          %dma_start3A_115 = arith.constant 0 : i32
          %dma_start3A_116 = tpu.memref_slice %arg10[%dma_start3A, %dma_start3A_114, %dma_start3A_115] : memref<2x128x128xf32, #tpu.memory_space<vmem>> -> memref<1x128x128xf32, #tpu.memory_space<vmem>>
          %dma_start3A_117 = tpu.memref_squeeze %dma_start3A_116 : memref<1x128x128xf32, #tpu.memory_space<vmem>> -> memref<128x128xf32, #tpu.memory_space<vmem>>
          %dma_start3A_118 = arith.constant 0 : i32
          %dma_start3A_119 = tpu.memref_slice %arg8[%add3A_108, %dma_start3A_118] : memref<40x128xi32, #tpu.memory_space<vmem>> -> memref<1x128xi32, #tpu.memory_space<vmem>>
          %dma_start3A_120 = tpu.memref_squeeze %dma_start3A_119 : memref<1x128xi32, #tpu.memory_space<vmem>> -> memref<128xi32, #tpu.memory_space<vmem>>
          %dma_start3A_121 = arith.constant 0 : i32
          %dma_start3A_122 = arith.constant 0 : i32
          %dma_start3A_123 = tpu.memref_slice %arg2[%dma_start3A_121, %dma_start3A_122] : memref<10240x128xf32, #tpu.memory_space<hbm>> -> memref<10240x128xf32, #tpu.memory_space<hbm>>
          tpu.enqueue_indirect_dma source(%dma_start3A_123 : memref<10240x128xf32, #tpu.memory_space<hbm>>) target(%dma_start3A_117 : memref<128x128xf32, #tpu.memory_space<vmem>>) offsets(%dma_start3A_120 : memref<128xi32, #tpu.memory_space<vmem>>) semaphore(%arg12 : memref<!tpu.dma_semaphore, #tpu.memory_space<semaphore_mem>>)
          %mul3A_124 = arith.constant 2 : i32
          %mul3A_125 = arith.muli %scan3A_103, %mul3A_124 : i32
          %add3A_126 = arith.constant 1 : i32
          %add3A_127 = arith.addi %mul3A_125, %add3A_126 : i32
          %gt3A_128 = arith.constant 0 : i32
          %gt3A_129 = arith.cmpi sgt, %scan3A_103, %gt3A_128 : i32
          %convert_element_type3A_130 = arith.extui %gt3A_129 : i1 to i32
          %cond3A_131 = arith.constant 0 : i32
          %cond3A_132 = arith.cmpi ne, %convert_element_type3A_130, %cond3A_131 : i32
          scf.if %cond3A_132 {
            %dma_wait3A_197 = arith.constant 1 : i32
            %dma_wait3A_198 = arith.constant 0 : i32
            %dma_wait3A_199 = arith.constant 0 : i32
            %dma_wait3A_200 = tpu.memref_slice %arg10[%dma_wait3A_197, %dma_wait3A_198, %dma_wait3A_199] : memref<2x128x128xf32, #tpu.memory_space<vmem>> -> memref<1x128x128xf32, #tpu.memory_space<vmem>>
            %dma_wait3A_201 = tpu.memref_squeeze %dma_wait3A_200 : memref<1x128x128xf32, #tpu.memory_space<vmem>> -> memref<128x128xf32, #tpu.memory_space<vmem>>
            %dma_wait3A_202 = arith.constant 0 : i32
            %dma_wait3A_203 = tpu.memref_slice %arg9[%add3A_127, %dma_wait3A_202] : memref<40x128xi32, #tpu.memory_space<vmem>> -> memref<1x128xi32, #tpu.memory_space<vmem>>
            %dma_wait3A_204 = tpu.memref_squeeze %dma_wait3A_203 : memref<1x128xi32, #tpu.memory_space<vmem>> -> memref<128xi32, #tpu.memory_space<vmem>>
            %dma_wait3A_205 = arith.constant 0 : i32
            %dma_wait3A_206 = arith.constant 0 : i32
            %dma_wait3A_207 = tpu.memref_slice %arg11[%dma_wait3A_205, %dma_wait3A_206] : memref<10240x128xf32, #tpu.memory_space<vmem_shared>> -> memref<10240x128xf32, #tpu.memory_space<vmem_shared>>
            tpu.wait_indirect_dma semaphore(%arg13 : memref<!tpu.dma_semaphore, #tpu.memory_space<semaphore_mem>>) src(%dma_wait3A_201 : memref<128x128xf32, #tpu.memory_space<vmem>>) dst(%dma_wait3A_207 : memref<10240x128xf32, #tpu.memory_space<vmem_shared>>)
          } else {
          }
          %dma_start3A_133 = arith.constant 1 : i32
          %dma_start3A_134 = arith.constant 0 : i32
          %dma_start3A_135 = arith.constant 0 : i32
          %dma_start3A_136 = tpu.memref_slice %arg10[%dma_start3A_133, %dma_start3A_134, %dma_start3A_135] : memref<2x128x128xf32, #tpu.memory_space<vmem>> -> memref<1x128x128xf32, #tpu.memory_space<vmem>>
          %dma_start3A_137 = tpu.memref_squeeze %dma_start3A_136 : memref<1x128x128xf32, #tpu.memory_space<vmem>> -> memref<128x128xf32, #tpu.memory_space<vmem>>
          %dma_start3A_138 = arith.constant 0 : i32
          %dma_start3A_139 = tpu.memref_slice %arg8[%add3A_127, %dma_start3A_138] : memref<40x128xi32, #tpu.memory_space<vmem>> -> memref<1x128xi32, #tpu.memory_space<vmem>>
          %dma_start3A_140 = tpu.memref_squeeze %dma_start3A_139 : memref<1x128xi32, #tpu.memory_space<vmem>> -> memref<128xi32, #tpu.memory_space<vmem>>
          %dma_start3A_141 = arith.constant 0 : i32
          %dma_start3A_142 = arith.constant 0 : i32
          %dma_start3A_143 = tpu.memref_slice %arg2[%dma_start3A_141, %dma_start3A_142] : memref<10240x128xf32, #tpu.memory_space<hbm>> -> memref<10240x128xf32, #tpu.memory_space<hbm>>
          tpu.enqueue_indirect_dma source(%dma_start3A_143 : memref<10240x128xf32, #tpu.memory_space<hbm>>) target(%dma_start3A_137 : memref<128x128xf32, #tpu.memory_space<vmem>>) offsets(%dma_start3A_140 : memref<128xi32, #tpu.memory_space<vmem>>) semaphore(%arg12 : memref<!tpu.dma_semaphore, #tpu.memory_space<semaphore_mem>>)
          %mul3A_144 = arith.constant 2 : i32
          %mul3A_145 = arith.muli %scan3A_103, %mul3A_144 : i32
          %add3A_146 = arith.constant 0 : i32
          %add3A_147 = arith.addi %mul3A_145, %add3A_146 : i32
          %dma_wait3A_148 = arith.constant 0 : i32
          %dma_wait3A_149 = arith.constant 0 : i32
          %dma_wait3A_150 = arith.constant 0 : i32
          %dma_wait3A_151 = tpu.memref_slice %arg10[%dma_wait3A_148, %dma_wait3A_149, %dma_wait3A_150] : memref<2x128x128xf32, #tpu.memory_space<vmem>> -> memref<1x128x128xf32, #tpu.memory_space<vmem>>
          %dma_wait3A_152 = tpu.memref_squeeze %dma_wait3A_151 : memref<1x128x128xf32, #tpu.memory_space<vmem>> -> memref<128x128xf32, #tpu.memory_space<vmem>>
          %dma_wait3A_153 = arith.constant 0 : i32
          %dma_wait3A_154 = tpu.memref_slice %arg8[%add3A_147, %dma_wait3A_153] : memref<40x128xi32, #tpu.memory_space<vmem>> -> memref<1x128xi32, #tpu.memory_space<vmem>>
          %dma_wait3A_155 = tpu.memref_squeeze %dma_wait3A_154 : memref<1x128xi32, #tpu.memory_space<vmem>> -> memref<128xi32, #tpu.memory_space<vmem>>
          %dma_wait3A_156 = arith.constant 0 : i32
          %dma_wait3A_157 = arith.constant 0 : i32
          %dma_wait3A_158 = tpu.memref_slice %arg2[%dma_wait3A_156, %dma_wait3A_157] : memref<10240x128xf32, #tpu.memory_space<hbm>> -> memref<10240x128xf32, #tpu.memory_space<hbm>>
          tpu.wait_indirect_dma semaphore(%arg12 : memref<!tpu.dma_semaphore, #tpu.memory_space<semaphore_mem>>) src(%dma_wait3A_158 : memref<10240x128xf32, #tpu.memory_space<hbm>>) dst(%dma_wait3A_152 : memref<128x128xf32, #tpu.memory_space<vmem>>)
          %dma_start3A_159 = arith.constant 0 : i32
          %dma_start3A_160 = arith.constant 0 : i32
          %dma_start3A_161 = arith.constant 0 : i32
          %dma_start3A_162 = tpu.memref_slice %arg10[%dma_start3A_159, %dma_start3A_160, %dma_start3A_161] : memref<2x128x128xf32, #tpu.memory_space<vmem>> -> memref<1x128x128xf32, #tpu.memory_space<vmem>>
          %dma_start3A_163 = tpu.memref_squeeze %dma_start3A_162 : memref<1x128x128xf32, #tpu.memory_space<vmem>> -> memref<128x128xf32, #tpu.memory_space<vmem>>
          %dma_start3A_164 = arith.constant 0 : i32
          %dma_start3A_165 = tpu.memref_slice %arg9[%add3A_147, %dma_start3A_164] : memref<40x128xi32, #tpu.memory_space<vmem>> -> memref<1x128xi32, #tpu.memory_space<vmem>>
          %dma_start3A_166 = tpu.memref_squeeze %dma_start3A_165 : memref<1x128xi32, #tpu.memory_space<vmem>> -> memref<128xi32, #tpu.memory_space<vmem>>
          %dma_start3A_167 = arith.constant 0 : i32
          %dma_start3A_168 = arith.constant 0 : i32
          %dma_start3A_169 = tpu.memref_slice %arg11[%dma_start3A_167, %dma_start3A_168] : memref<10240x128xf32, #tpu.memory_space<vmem_shared>> -> memref<10240x128xf32, #tpu.memory_space<vmem_shared>>
          tpu.enqueue_indirect_dma source(%dma_start3A_163 : memref<128x128xf32, #tpu.memory_space<vmem>>) target(%dma_start3A_169 : memref<10240x128xf32, #tpu.memory_space<vmem_shared>>) offsets(%dma_start3A_166 : memref<128xi32, #tpu.memory_space<vmem>>) semaphore(%arg13 : memref<!tpu.dma_semaphore, #tpu.memory_space<semaphore_mem>>) {add = true}
          %mul3A_170 = arith.constant 2 : i32
          %mul3A_171 = arith.muli %scan3A_103, %mul3A_170 : i32
          %add3A_172 = arith.constant 1 : i32
          %add3A_173 = arith.addi %mul3A_171, %add3A_172 : i32
          %dma_wait3A_174 = arith.constant 1 : i32
          %dma_wait3A_175 = arith.constant 0 : i32
          %dma_wait3A_176 = arith.constant 0 : i32
          %dma_wait3A_177 = tpu.memref_slice %arg10[%dma_wait3A_174, %dma_wait3A_175, %dma_wait3A_176] : memref<2x128x128xf32, #tpu.memory_space<vmem>> -> memref<1x128x128xf32, #tpu.memory_space<vmem>>
          %dma_wait3A_178 = tpu.memref_squeeze %dma_wait3A_177 : memref<1x128x128xf32, #tpu.memory_space<vmem>> -> memref<128x128xf32, #tpu.memory_space<vmem>>
          %dma_wait3A_179 = arith.constant 0 : i32
          %dma_wait3A_180 = tpu.memref_slice %arg8[%add3A_173, %dma_wait3A_179] : memref<40x128xi32, #tpu.memory_space<vmem>> -> memref<1x128xi32, #tpu.memory_space<vmem>>
          %dma_wait3A_181 = tpu.memref_squeeze %dma_wait3A_180 : memref<1x128xi32, #tpu.memory_space<vmem>> -> memref<128xi32, #tpu.memory_space<vmem>>
          %dma_wait3A_182 = arith.constant 0 : i32
          %dma_wait3A_183 = arith.constant 0 : i32
          %dma_wait3A_184 = tpu.memref_slice %arg2[%dma_wait3A_182, %dma_wait3A_183] : memref<10240x128xf32, #tpu.memory_space<hbm>> -> memref<10240x128xf32, #tpu.memory_space<hbm>>
          tpu.wait_indirect_dma semaphore(%arg12 : memref<!tpu.dma_semaphore, #tpu.memory_space<semaphore_mem>>) src(%dma_wait3A_184 : memref<10240x128xf32, #tpu.memory_space<hbm>>) dst(%dma_wait3A_178 : memref<128x128xf32, #tpu.memory_space<vmem>>)
          %dma_start3A_185 = arith.constant 1 : i32
          %dma_start3A_186 = arith.constant 0 : i32
          %dma_start3A_187 = arith.constant 0 : i32
          %dma_start3A_188 = tpu.memref_slice %arg10[%dma_start3A_185, %dma_start3A_186, %dma_start3A_187] : memref<2x128x128xf32, #tpu.memory_space<vmem>> -> memref<1x128x128xf32, #tpu.memory_space<vmem>>
          %dma_start3A_189 = tpu.memref_squeeze %dma_start3A_188 : memref<1x128x128xf32, #tpu.memory_space<vmem>> -> memref<128x128xf32, #tpu.memory_space<vmem>>
          %dma_start3A_190 = arith.constant 0 : i32
          %dma_start3A_191 = tpu.memref_slice %arg9[%add3A_173, %dma_start3A_190] : memref<40x128xi32, #tpu.memory_space<vmem>> -> memref<1x128xi32, #tpu.memory_space<vmem>>
          %dma_start3A_192 = tpu.memref_squeeze %dma_start3A_191 : memref<1x128xi32, #tpu.memory_space<vmem>> -> memref<128xi32, #tpu.memory_space<vmem>>
          %dma_start3A_193 = arith.constant 0 : i32
          %dma_start3A_194 = arith.constant 0 : i32
          %dma_start3A_195 = tpu.memref_slice %arg11[%dma_start3A_193, %dma_start3A_194] : memref<10240x128xf32, #tpu.memory_space<vmem_shared>> -> memref<10240x128xf32, #tpu.memory_space<vmem_shared>>
          tpu.enqueue_indirect_dma source(%dma_start3A_189 : memref<128x128xf32, #tpu.memory_space<vmem>>) target(%dma_start3A_195 : memref<10240x128xf32, #tpu.memory_space<vmem_shared>>) offsets(%dma_start3A_192 : memref<128xi32, #tpu.memory_space<vmem>>) semaphore(%arg13 : memref<!tpu.dma_semaphore, #tpu.memory_space<semaphore_mem>>) {add = true}
          %scan3A_196 = arith.constant 0 : i32
          scf.yield %scan3A_196 : i32
        }
        %scan3A_101 = arith.constant 20 : i32
        %scan3A_102 = arith.constant 0 : i32
        scf.yield %scan3A_102 : i32
      }
      %scan3A_55 = arith.constant 2 : i32
      %dma_wait3A = arith.constant 0 : i32
      %dma_wait3A_56 = arith.constant 0 : i32
      %dma_wait3A_57 = arith.constant 0 : i32
      %dma_wait3A_58 = arith.constant 0 : i32
      %dma_wait3A_59 = tpu.memref_slice %arg10[%dma_wait3A, %dma_wait3A_57, %dma_wait3A_58] : memref<2x128x128xf32, #tpu.memory_space<vmem>> -> memref<1x128x128xf32, #tpu.memory_space<vmem>>
      %dma_wait3A_60 = tpu.memref_squeeze %dma_wait3A_59 : memref<1x128x128xf32, #tpu.memory_space<vmem>> -> memref<128x128xf32, #tpu.memory_space<vmem>>
      %dma_wait3A_61 = arith.constant 0 : i32
      %dma_wait3A_62 = tpu.memref_slice %arg9[%dma_wait3A_56, %dma_wait3A_61] : memref<40x128xi32, #tpu.memory_space<vmem>> -> memref<1x128xi32, #tpu.memory_space<vmem>>
      %dma_wait3A_63 = tpu.memref_squeeze %dma_wait3A_62 : memref<1x128xi32, #tpu.memory_space<vmem>> -> memref<128xi32, #tpu.memory_space<vmem>>
      %dma_wait3A_64 = arith.constant 0 : i32
      %dma_wait3A_65 = arith.constant 0 : i32
      %dma_wait3A_66 = tpu.memref_slice %arg11[%dma_wait3A_64, %dma_wait3A_65] : memref<10240x128xf32, #tpu.memory_space<vmem_shared>> -> memref<10240x128xf32, #tpu.memory_space<vmem_shared>>
      tpu.wait_indirect_dma semaphore(%arg13 : memref<!tpu.dma_semaphore, #tpu.memory_space<semaphore_mem>>) src(%dma_wait3A_60 : memref<128x128xf32, #tpu.memory_space<vmem>>) dst(%dma_wait3A_66 : memref<10240x128xf32, #tpu.memory_space<vmem_shared>>)
      %dma_wait3A_67 = arith.constant 1 : i32
      %dma_wait3A_68 = arith.constant 1 : i32
      %dma_wait3A_69 = arith.constant 0 : i32
      %dma_wait3A_70 = arith.constant 0 : i32
      %dma_wait3A_71 = tpu.memref_slice %arg10[%dma_wait3A_67, %dma_wait3A_69, %dma_wait3A_70] : memref<2x128x128xf32, #tpu.memory_space<vmem>> -> memref<1x128x128xf32, #tpu.memory_space<vmem>>
      %dma_wait3A_72 = tpu.memref_squeeze %dma_wait3A_71 : memref<1x128x128xf32, #tpu.memory_space<vmem>> -> memref<128x128xf32, #tpu.memory_space<vmem>>
      %dma_wait3A_73 = arith.constant 0 : i32
      %dma_wait3A_74 = tpu.memref_slice %arg9[%dma_wait3A_68, %dma_wait3A_73] : memref<40x128xi32, #tpu.memory_space<vmem>> -> memref<1x128xi32, #tpu.memory_space<vmem>>
      %dma_wait3A_75 = tpu.memref_squeeze %dma_wait3A_74 : memref<1x128xi32, #tpu.memory_space<vmem>> -> memref<128xi32, #tpu.memory_space<vmem>>
      %dma_wait3A_76 = arith.constant 0 : i32
      %dma_wait3A_77 = arith.constant 0 : i32
      %dma_wait3A_78 = tpu.memref_slice %arg11[%dma_wait3A_76, %dma_wait3A_77] : memref<10240x128xf32, #tpu.memory_space<vmem_shared>> -> memref<10240x128xf32, #tpu.memory_space<vmem_shared>>
      tpu.wait_indirect_dma semaphore(%arg13 : memref<!tpu.dma_semaphore, #tpu.memory_space<semaphore_mem>>) src(%dma_wait3A_72 : memref<128x128xf32, #tpu.memory_space<vmem>>) dst(%dma_wait3A_78 : memref<10240x128xf32, #tpu.memory_space<vmem_shared>>)
    } else {
    }
    %eq3A_31 = arith.constant 1 : i32
    %eq3A_32 = arith.cmpi eq, %arg0, %eq3A_31 : i32
    %convert_element_type3A_33 = arith.extui %eq3A_32 : i1 to i32
    %cond3A_34 = arith.constant 0 : i32
    %cond3A_35 = arith.cmpi ne, %convert_element_type3A_33, %cond3A_34 : i32
    scf.if %cond3A_35 {
      %scan3A_49 = arith.constant 0 : i32
      %scan3A_50 = arith.constant 0 : i32
      %scan3A_51 = arith.constant 2 : i32
      %scan3A_52 = arith.addi %scan3A_50, %scan3A_51 : i32
      %scan3A_53 = arith.constant 1 : i32
      %scan3A_54 = scf.for %scan3A_79 = %scan3A_50 to %scan3A_52 step %scan3A_53 iter_args(%scan3A_80 = %scan3A_49) -> (i32)  : i32 {
        %gt3A = arith.constant 0 : i32
        %gt3A_81 = arith.cmpi sgt, %scan3A_79, %gt3A : i32
        %convert_element_type3A_82 = arith.extui %gt3A_81 : i1 to i32
        %cond3A_83 = arith.constant 0 : i32
        %cond3A_84 = arith.cmpi ne, %convert_element_type3A_82, %cond3A_83 : i32
        scf.if %cond3A_84 {
          %dma_wait3A_103 = arith.constant 0 : i32
          %dma_wait3A_104 = arith.constant 0 : i32
          %dma_wait3A_105 = arith.constant 0 : i32
          %dma_wait3A_106 = arith.constant 0 : i32
          %dma_wait3A_107 = tpu.memref_slice %arg10[%dma_wait3A_103, %dma_wait3A_105, %dma_wait3A_106] : memref<2x128x128xf32, #tpu.memory_space<vmem>> -> memref<1x128x128xf32, #tpu.memory_space<vmem>>
          %dma_wait3A_108 = tpu.memref_squeeze %dma_wait3A_107 : memref<1x128x128xf32, #tpu.memory_space<vmem>> -> memref<128x128xf32, #tpu.memory_space<vmem>>
          %dma_wait3A_109 = arith.constant 0 : i32
          %dma_wait3A_110 = tpu.memref_slice %arg9[%dma_wait3A_104, %dma_wait3A_109] : memref<40x128xi32, #tpu.memory_space<vmem>> -> memref<1x128xi32, #tpu.memory_space<vmem>>
          %dma_wait3A_111 = tpu.memref_squeeze %dma_wait3A_110 : memref<1x128xi32, #tpu.memory_space<vmem>> -> memref<128xi32, #tpu.memory_space<vmem>>
          %dma_wait3A_112 = arith.constant 0 : i32
          %dma_wait3A_113 = arith.constant 0 : i32
          %dma_wait3A_114 = tpu.memref_slice %arg11[%dma_wait3A_112, %dma_wait3A_113] : memref<10240x128xf32, #tpu.memory_space<vmem_shared>> -> memref<10240x128xf32, #tpu.memory_space<vmem_shared>>
          tpu.wait_indirect_dma semaphore(%arg13 : memref<!tpu.dma_semaphore, #tpu.memory_space<semaphore_mem>>) src(%dma_wait3A_108 : memref<128x128xf32, #tpu.memory_space<vmem>>) dst(%dma_wait3A_114 : memref<10240x128xf32, #tpu.memory_space<vmem_shared>>)
          %dma_wait3A_115 = arith.constant 1 : i32
          %dma_wait3A_116 = arith.constant 1 : i32
          %dma_wait3A_117 = arith.constant 0 : i32
          %dma_wait3A_118 = arith.constant 0 : i32
          %dma_wait3A_119 = tpu.memref_slice %arg10[%dma_wait3A_115, %dma_wait3A_117, %dma_wait3A_118] : memref<2x128x128xf32, #tpu.memory_space<vmem>> -> memref<1x128x128xf32, #tpu.memory_space<vmem>>
          %dma_wait3A_120 = tpu.memref_squeeze %dma_wait3A_119 : memref<1x128x128xf32, #tpu.memory_space<vmem>> -> memref<128x128xf32, #tpu.memory_space<vmem>>
          %dma_wait3A_121 = arith.constant 0 : i32
          %dma_wait3A_122 = tpu.memref_slice %arg9[%dma_wait3A_116, %dma_wait3A_121] : memref<40x128xi32, #tpu.memory_space<vmem>> -> memref<1x128xi32, #tpu.memory_space<vmem>>
          %dma_wait3A_123 = tpu.memref_squeeze %dma_wait3A_122 : memref<1x128xi32, #tpu.memory_space<vmem>> -> memref<128xi32, #tpu.memory_space<vmem>>
          %dma_wait3A_124 = arith.constant 0 : i32
          %dma_wait3A_125 = arith.constant 0 : i32
          %dma_wait3A_126 = tpu.memref_slice %arg11[%dma_wait3A_124, %dma_wait3A_125] : memref<10240x128xf32, #tpu.memory_space<vmem_shared>> -> memref<10240x128xf32, #tpu.memory_space<vmem_shared>>
          tpu.wait_indirect_dma semaphore(%arg13 : memref<!tpu.dma_semaphore, #tpu.memory_space<semaphore_mem>>) src(%dma_wait3A_120 : memref<128x128xf32, #tpu.memory_space<vmem>>) dst(%dma_wait3A_126 : memref<10240x128xf32, #tpu.memory_space<vmem_shared>>)
        } else {
        }
        %mul3A_85 = arith.constant 80 : i32
        %mul3A_86 = arith.muli %arg1, %mul3A_85 : i32
        %mul3A_87 = arith.constant 40 : i32
        %mul3A_88 = arith.muli %scan3A_79, %mul3A_87 : i32
        %add3A_89 = arith.addi %mul3A_86, %mul3A_88 : i32
        "tpu.region"() ({
          %run_scoped3A_103 = tpu.sem_alloc : memref<!tpu.dma_semaphore, #tpu.memory_space<semaphore_mem>>
          %dma_start3A = arith.constant 0 : i32
          %dma_start3A_104 = tpu.memref_slice %arg4[%add3A_89, %dma_start3A] : memref<1280x128xi32, #tpu.memory_space<hbm>> -> memref<40x128xi32, #tpu.memory_space<hbm>>
          %dma_start3A_105 = arith.constant 0 : i32
          %dma_start3A_106 = tpu.memref_slice %arg4[%add3A_89, %dma_start3A_105] : memref<1280x128xi32, #tpu.memory_space<hbm>> -> memref<40x128xi32, #tpu.memory_space<hbm>>
          tpu.enqueue_dma source(%dma_start3A_106 : memref<40x128xi32, #tpu.memory_space<hbm>>) target(%arg8 : memref<40x128xi32, #tpu.memory_space<vmem>>) target_semaphore(%run_scoped3A_103 : memref<!tpu.dma_semaphore, #tpu.memory_space<semaphore_mem>>)
          %dma_wait3A_107 = arith.constant 0 : i32
          %dma_wait3A_108 = tpu.memref_slice %arg4[%add3A_89, %dma_wait3A_107] : memref<1280x128xi32, #tpu.memory_space<hbm>> -> memref<40x128xi32, #tpu.memory_space<hbm>>
          %dma_wait3A_109 = arith.constant 0 : i32
          %dma_wait3A_110 = tpu.memref_slice %arg4[%add3A_89, %dma_wait3A_109] : memref<1280x128xi32, #tpu.memory_space<hbm>> -> memref<40x128xi32, #tpu.memory_space<hbm>>
          tpu.wait_dma2 semaphore(%run_scoped3A_103 : memref<!tpu.dma_semaphore, #tpu.memory_space<semaphore_mem>>) src(%dma_wait3A_110 : memref<40x128xi32, #tpu.memory_space<hbm>>) dst(%arg8 : memref<40x128xi32, #tpu.memory_space<vmem>>)
          tpu.yield
        }) : () -> ()
        %mul3A_90 = arith.constant 80 : i32
        %mul3A_91 = arith.muli %arg1, %mul3A_90 : i32
        %mul3A_92 = arith.constant 40 : i32
        %mul3A_93 = arith.muli %scan3A_79, %mul3A_92 : i32
        %add3A_94 = arith.addi %mul3A_91, %mul3A_93 : i32
        "tpu.region"() ({
          %run_scoped3A_103 = tpu.sem_alloc : memref<!tpu.dma_semaphore, #tpu.memory_space<semaphore_mem>>
          %dma_start3A = arith.constant 0 : i32
          %dma_start3A_104 = tpu.memref_slice %arg5[%add3A_94, %dma_start3A] : memref<1280x128xi32, #tpu.memory_space<hbm>> -> memref<40x128xi32, #tpu.memory_space<hbm>>
          %dma_start3A_105 = arith.constant 0 : i32
          %dma_start3A_106 = tpu.memref_slice %arg5[%add3A_94, %dma_start3A_105] : memref<1280x128xi32, #tpu.memory_space<hbm>> -> memref<40x128xi32, #tpu.memory_space<hbm>>
          tpu.enqueue_dma source(%dma_start3A_106 : memref<40x128xi32, #tpu.memory_space<hbm>>) target(%arg9 : memref<40x128xi32, #tpu.memory_space<vmem>>) target_semaphore(%run_scoped3A_103 : memref<!tpu.dma_semaphore, #tpu.memory_space<semaphore_mem>>)
          %dma_wait3A_107 = arith.constant 0 : i32
          %dma_wait3A_108 = tpu.memref_slice %arg5[%add3A_94, %dma_wait3A_107] : memref<1280x128xi32, #tpu.memory_space<hbm>> -> memref<40x128xi32, #tpu.memory_space<hbm>>
          %dma_wait3A_109 = arith.constant 0 : i32
          %dma_wait3A_110 = tpu.memref_slice %arg5[%add3A_94, %dma_wait3A_109] : memref<1280x128xi32, #tpu.memory_space<hbm>> -> memref<40x128xi32, #tpu.memory_space<hbm>>
          tpu.wait_dma2 semaphore(%run_scoped3A_103 : memref<!tpu.dma_semaphore, #tpu.memory_space<semaphore_mem>>) src(%dma_wait3A_110 : memref<40x128xi32, #tpu.memory_space<hbm>>) dst(%arg9 : memref<40x128xi32, #tpu.memory_space<vmem>>)
          tpu.yield
        }) : () -> ()
        %scan3A_95 = arith.constant 0 : i32
        %scan3A_96 = arith.constant 0 : i32
        %scan3A_97 = arith.constant 20 : i32
        %scan3A_98 = arith.addi %scan3A_96, %scan3A_97 : i32
        %scan3A_99 = arith.constant 1 : i32
        %scan3A_100 = scf.for %scan3A_103 = %scan3A_96 to %scan3A_98 step %scan3A_99 iter_args(%scan3A_104 = %scan3A_95) -> (i32)  : i32 {
          %mul3A_105 = arith.constant 2 : i32
          %mul3A_106 = arith.muli %scan3A_103, %mul3A_105 : i32
          %add3A_107 = arith.constant 0 : i32
          %add3A_108 = arith.addi %mul3A_106, %add3A_107 : i32
          %gt3A_109 = arith.constant 0 : i32
          %gt3A_110 = arith.cmpi sgt, %scan3A_103, %gt3A_109 : i32
          %convert_element_type3A_111 = arith.extui %gt3A_110 : i1 to i32
          %cond3A_112 = arith.constant 0 : i32
          %cond3A_113 = arith.cmpi ne, %convert_element_type3A_111, %cond3A_112 : i32
          scf.if %cond3A_113 {
            %dma_wait3A_197 = arith.constant 0 : i32
            %dma_wait3A_198 = arith.constant 0 : i32
            %dma_wait3A_199 = arith.constant 0 : i32
            %dma_wait3A_200 = tpu.memref_slice %arg10[%dma_wait3A_197, %dma_wait3A_198, %dma_wait3A_199] : memref<2x128x128xf32, #tpu.memory_space<vmem>> -> memref<1x128x128xf32, #tpu.memory_space<vmem>>
            %dma_wait3A_201 = tpu.memref_squeeze %dma_wait3A_200 : memref<1x128x128xf32, #tpu.memory_space<vmem>> -> memref<128x128xf32, #tpu.memory_space<vmem>>
            %dma_wait3A_202 = arith.constant 0 : i32
            %dma_wait3A_203 = tpu.memref_slice %arg9[%add3A_108, %dma_wait3A_202] : memref<40x128xi32, #tpu.memory_space<vmem>> -> memref<1x128xi32, #tpu.memory_space<vmem>>
            %dma_wait3A_204 = tpu.memref_squeeze %dma_wait3A_203 : memref<1x128xi32, #tpu.memory_space<vmem>> -> memref<128xi32, #tpu.memory_space<vmem>>
            %dma_wait3A_205 = arith.constant 0 : i32
            %dma_wait3A_206 = arith.constant 0 : i32
            %dma_wait3A_207 = tpu.memref_slice %arg11[%dma_wait3A_205, %dma_wait3A_206] : memref<10240x128xf32, #tpu.memory_space<vmem_shared>> -> memref<10240x128xf32, #tpu.memory_space<vmem_shared>>
            tpu.wait_indirect_dma semaphore(%arg13 : memref<!tpu.dma_semaphore, #tpu.memory_space<semaphore_mem>>) src(%dma_wait3A_201 : memref<128x128xf32, #tpu.memory_space<vmem>>) dst(%dma_wait3A_207 : memref<10240x128xf32, #tpu.memory_space<vmem_shared>>)
          } else {
          }
          %dma_start3A = arith.constant 0 : i32
          %dma_start3A_114 = arith.constant 0 : i32
          %dma_start3A_115 = arith.constant 0 : i32
          %dma_start3A_116 = tpu.memref_slice %arg10[%dma_start3A, %dma_start3A_114, %dma_start3A_115] : memref<2x128x128xf32, #tpu.memory_space<vmem>> -> memref<1x128x128xf32, #tpu.memory_space<vmem>>
          %dma_start3A_117 = tpu.memref_squeeze %dma_start3A_116 : memref<1x128x128xf32, #tpu.memory_space<vmem>> -> memref<128x128xf32, #tpu.memory_space<vmem>>
          %dma_start3A_118 = arith.constant 0 : i32
          %dma_start3A_119 = tpu.memref_slice %arg8[%add3A_108, %dma_start3A_118] : memref<40x128xi32, #tpu.memory_space<vmem>> -> memref<1x128xi32, #tpu.memory_space<vmem>>
          %dma_start3A_120 = tpu.memref_squeeze %dma_start3A_119 : memref<1x128xi32, #tpu.memory_space<vmem>> -> memref<128xi32, #tpu.memory_space<vmem>>
          %dma_start3A_121 = arith.constant 0 : i32
          %dma_start3A_122 = arith.constant 0 : i32
          %dma_start3A_123 = tpu.memref_slice %arg3[%dma_start3A_121, %dma_start3A_122] : memref<10240x128xf32, #tpu.memory_space<hbm>> -> memref<10240x128xf32, #tpu.memory_space<hbm>>
          tpu.enqueue_indirect_dma source(%dma_start3A_123 : memref<10240x128xf32, #tpu.memory_space<hbm>>) target(%dma_start3A_117 : memref<128x128xf32, #tpu.memory_space<vmem>>) offsets(%dma_start3A_120 : memref<128xi32, #tpu.memory_space<vmem>>) semaphore(%arg12 : memref<!tpu.dma_semaphore, #tpu.memory_space<semaphore_mem>>)
          %mul3A_124 = arith.constant 2 : i32
          %mul3A_125 = arith.muli %scan3A_103, %mul3A_124 : i32
          %add3A_126 = arith.constant 1 : i32
          %add3A_127 = arith.addi %mul3A_125, %add3A_126 : i32
          %gt3A_128 = arith.constant 0 : i32
          %gt3A_129 = arith.cmpi sgt, %scan3A_103, %gt3A_128 : i32
          %convert_element_type3A_130 = arith.extui %gt3A_129 : i1 to i32
          %cond3A_131 = arith.constant 0 : i32
          %cond3A_132 = arith.cmpi ne, %convert_element_type3A_130, %cond3A_131 : i32
          scf.if %cond3A_132 {
            %dma_wait3A_197 = arith.constant 1 : i32
            %dma_wait3A_198 = arith.constant 0 : i32
            %dma_wait3A_199 = arith.constant 0 : i32
            %dma_wait3A_200 = tpu.memref_slice %arg10[%dma_wait3A_197, %dma_wait3A_198, %dma_wait3A_199] : memref<2x128x128xf32, #tpu.memory_space<vmem>> -> memref<1x128x128xf32, #tpu.memory_space<vmem>>
            %dma_wait3A_201 = tpu.memref_squeeze %dma_wait3A_200 : memref<1x128x128xf32, #tpu.memory_space<vmem>> -> memref<128x128xf32, #tpu.memory_space<vmem>>
            %dma_wait3A_202 = arith.constant 0 : i32
            %dma_wait3A_203 = tpu.memref_slice %arg9[%add3A_127, %dma_wait3A_202] : memref<40x128xi32, #tpu.memory_space<vmem>> -> memref<1x128xi32, #tpu.memory_space<vmem>>
            %dma_wait3A_204 = tpu.memref_squeeze %dma_wait3A_203 : memref<1x128xi32, #tpu.memory_space<vmem>> -> memref<128xi32, #tpu.memory_space<vmem>>
            %dma_wait3A_205 = arith.constant 0 : i32
            %dma_wait3A_206 = arith.constant 0 : i32
            %dma_wait3A_207 = tpu.memref_slice %arg11[%dma_wait3A_205, %dma_wait3A_206] : memref<10240x128xf32, #tpu.memory_space<vmem_shared>> -> memref<10240x128xf32, #tpu.memory_space<vmem_shared>>
            tpu.wait_indirect_dma semaphore(%arg13 : memref<!tpu.dma_semaphore, #tpu.memory_space<semaphore_mem>>) src(%dma_wait3A_201 : memref<128x128xf32, #tpu.memory_space<vmem>>) dst(%dma_wait3A_207 : memref<10240x128xf32, #tpu.memory_space<vmem_shared>>)
          } else {
          }
          %dma_start3A_133 = arith.constant 1 : i32
          %dma_start3A_134 = arith.constant 0 : i32
          %dma_start3A_135 = arith.constant 0 : i32
          %dma_start3A_136 = tpu.memref_slice %arg10[%dma_start3A_133, %dma_start3A_134, %dma_start3A_135] : memref<2x128x128xf32, #tpu.memory_space<vmem>> -> memref<1x128x128xf32, #tpu.memory_space<vmem>>
          %dma_start3A_137 = tpu.memref_squeeze %dma_start3A_136 : memref<1x128x128xf32, #tpu.memory_space<vmem>> -> memref<128x128xf32, #tpu.memory_space<vmem>>
          %dma_start3A_138 = arith.constant 0 : i32
          %dma_start3A_139 = tpu.memref_slice %arg8[%add3A_127, %dma_start3A_138] : memref<40x128xi32, #tpu.memory_space<vmem>> -> memref<1x128xi32, #tpu.memory_space<vmem>>
          %dma_start3A_140 = tpu.memref_squeeze %dma_start3A_139 : memref<1x128xi32, #tpu.memory_space<vmem>> -> memref<128xi32, #tpu.memory_space<vmem>>
          %dma_start3A_141 = arith.constant 0 : i32
          %dma_start3A_142 = arith.constant 0 : i32
          %dma_start3A_143 = tpu.memref_slice %arg3[%dma_start3A_141, %dma_start3A_142] : memref<10240x128xf32, #tpu.memory_space<hbm>> -> memref<10240x128xf32, #tpu.memory_space<hbm>>
          tpu.enqueue_indirect_dma source(%dma_start3A_143 : memref<10240x128xf32, #tpu.memory_space<hbm>>) target(%dma_start3A_137 : memref<128x128xf32, #tpu.memory_space<vmem>>) offsets(%dma_start3A_140 : memref<128xi32, #tpu.memory_space<vmem>>) semaphore(%arg12 : memref<!tpu.dma_semaphore, #tpu.memory_space<semaphore_mem>>)
          %mul3A_144 = arith.constant 2 : i32
          %mul3A_145 = arith.muli %scan3A_103, %mul3A_144 : i32
          %add3A_146 = arith.constant 0 : i32
          %add3A_147 = arith.addi %mul3A_145, %add3A_146 : i32
          %dma_wait3A_148 = arith.constant 0 : i32
          %dma_wait3A_149 = arith.constant 0 : i32
          %dma_wait3A_150 = arith.constant 0 : i32
          %dma_wait3A_151 = tpu.memref_slice %arg10[%dma_wait3A_148, %dma_wait3A_149, %dma_wait3A_150] : memref<2x128x128xf32, #tpu.memory_space<vmem>> -> memref<1x128x128xf32, #tpu.memory_space<vmem>>
          %dma_wait3A_152 = tpu.memref_squeeze %dma_wait3A_151 : memref<1x128x128xf32, #tpu.memory_space<vmem>> -> memref<128x128xf32, #tpu.memory_space<vmem>>
          %dma_wait3A_153 = arith.constant 0 : i32
          %dma_wait3A_154 = tpu.memref_slice %arg8[%add3A_147, %dma_wait3A_153] : memref<40x128xi32, #tpu.memory_space<vmem>> -> memref<1x128xi32, #tpu.memory_space<vmem>>
          %dma_wait3A_155 = tpu.memref_squeeze %dma_wait3A_154 : memref<1x128xi32, #tpu.memory_space<vmem>> -> memref<128xi32, #tpu.memory_space<vmem>>
          %dma_wait3A_156 = arith.constant 0 : i32
          %dma_wait3A_157 = arith.constant 0 : i32
          %dma_wait3A_158 = tpu.memref_slice %arg3[%dma_wait3A_156, %dma_wait3A_157] : memref<10240x128xf32, #tpu.memory_space<hbm>> -> memref<10240x128xf32, #tpu.memory_space<hbm>>
          tpu.wait_indirect_dma semaphore(%arg12 : memref<!tpu.dma_semaphore, #tpu.memory_space<semaphore_mem>>) src(%dma_wait3A_158 : memref<10240x128xf32, #tpu.memory_space<hbm>>) dst(%dma_wait3A_152 : memref<128x128xf32, #tpu.memory_space<vmem>>)
          %dma_start3A_159 = arith.constant 0 : i32
          %dma_start3A_160 = arith.constant 0 : i32
          %dma_start3A_161 = arith.constant 0 : i32
          %dma_start3A_162 = tpu.memref_slice %arg10[%dma_start3A_159, %dma_start3A_160, %dma_start3A_161] : memref<2x128x128xf32, #tpu.memory_space<vmem>> -> memref<1x128x128xf32, #tpu.memory_space<vmem>>
          %dma_start3A_163 = tpu.memref_squeeze %dma_start3A_162 : memref<1x128x128xf32, #tpu.memory_space<vmem>> -> memref<128x128xf32, #tpu.memory_space<vmem>>
          %dma_start3A_164 = arith.constant 0 : i32
          %dma_start3A_165 = tpu.memref_slice %arg9[%add3A_147, %dma_start3A_164] : memref<40x128xi32, #tpu.memory_space<vmem>> -> memref<1x128xi32, #tpu.memory_space<vmem>>
          %dma_start3A_166 = tpu.memref_squeeze %dma_start3A_165 : memref<1x128xi32, #tpu.memory_space<vmem>> -> memref<128xi32, #tpu.memory_space<vmem>>
          %dma_start3A_167 = arith.constant 0 : i32
          %dma_start3A_168 = arith.constant 0 : i32
          %dma_start3A_169 = tpu.memref_slice %arg11[%dma_start3A_167, %dma_start3A_168] : memref<10240x128xf32, #tpu.memory_space<vmem_shared>> -> memref<10240x128xf32, #tpu.memory_space<vmem_shared>>
          tpu.enqueue_indirect_dma source(%dma_start3A_163 : memref<128x128xf32, #tpu.memory_space<vmem>>) target(%dma_start3A_169 : memref<10240x128xf32, #tpu.memory_space<vmem_shared>>) offsets(%dma_start3A_166 : memref<128xi32, #tpu.memory_space<vmem>>) semaphore(%arg13 : memref<!tpu.dma_semaphore, #tpu.memory_space<semaphore_mem>>) {add = true}
          %mul3A_170 = arith.constant 2 : i32
          %mul3A_171 = arith.muli %scan3A_103, %mul3A_170 : i32
          %add3A_172 = arith.constant 1 : i32
          %add3A_173 = arith.addi %mul3A_171, %add3A_172 : i32
          %dma_wait3A_174 = arith.constant 1 : i32
          %dma_wait3A_175 = arith.constant 0 : i32
          %dma_wait3A_176 = arith.constant 0 : i32
          %dma_wait3A_177 = tpu.memref_slice %arg10[%dma_wait3A_174, %dma_wait3A_175, %dma_wait3A_176] : memref<2x128x128xf32, #tpu.memory_space<vmem>> -> memref<1x128x128xf32, #tpu.memory_space<vmem>>
          %dma_wait3A_178 = tpu.memref_squeeze %dma_wait3A_177 : memref<1x128x128xf32, #tpu.memory_space<vmem>> -> memref<128x128xf32, #tpu.memory_space<vmem>>
          %dma_wait3A_179 = arith.constant 0 : i32
          %dma_wait3A_180 = tpu.memref_slice %arg8[%add3A_173, %dma_wait3A_179] : memref<40x128xi32, #tpu.memory_space<vmem>> -> memref<1x128xi32, #tpu.memory_space<vmem>>
          %dma_wait3A_181 = tpu.memref_squeeze %dma_wait3A_180 : memref<1x128xi32, #tpu.memory_space<vmem>> -> memref<128xi32, #tpu.memory_space<vmem>>
          %dma_wait3A_182 = arith.constant 0 : i32
          %dma_wait3A_183 = arith.constant 0 : i32
          %dma_wait3A_184 = tpu.memref_slice %arg3[%dma_wait3A_182, %dma_wait3A_183] : memref<10240x128xf32, #tpu.memory_space<hbm>> -> memref<10240x128xf32, #tpu.memory_space<hbm>>
          tpu.wait_indirect_dma semaphore(%arg12 : memref<!tpu.dma_semaphore, #tpu.memory_space<semaphore_mem>>) src(%dma_wait3A_184 : memref<10240x128xf32, #tpu.memory_space<hbm>>) dst(%dma_wait3A_178 : memref<128x128xf32, #tpu.memory_space<vmem>>)
          %dma_start3A_185 = arith.constant 1 : i32
          %dma_start3A_186 = arith.constant 0 : i32
          %dma_start3A_187 = arith.constant 0 : i32
          %dma_start3A_188 = tpu.memref_slice %arg10[%dma_start3A_185, %dma_start3A_186, %dma_start3A_187] : memref<2x128x128xf32, #tpu.memory_space<vmem>> -> memref<1x128x128xf32, #tpu.memory_space<vmem>>
          %dma_start3A_189 = tpu.memref_squeeze %dma_start3A_188 : memref<1x128x128xf32, #tpu.memory_space<vmem>> -> memref<128x128xf32, #tpu.memory_space<vmem>>
          %dma_start3A_190 = arith.constant 0 : i32
          %dma_start3A_191 = tpu.memref_slice %arg9[%add3A_173, %dma_start3A_190] : memref<40x128xi32, #tpu.memory_space<vmem>> -> memref<1x128xi32, #tpu.memory_space<vmem>>
          %dma_start3A_192 = tpu.memref_squeeze %dma_start3A_191 : memref<1x128xi32, #tpu.memory_space<vmem>> -> memref<128xi32, #tpu.memory_space<vmem>>
          %dma_start3A_193 = arith.constant 0 : i32
          %dma_start3A_194 = arith.constant 0 : i32
          %dma_start3A_195 = tpu.memref_slice %arg11[%dma_start3A_193, %dma_start3A_194] : memref<10240x128xf32, #tpu.memory_space<vmem_shared>> -> memref<10240x128xf32, #tpu.memory_space<vmem_shared>>
          tpu.enqueue_indirect_dma source(%dma_start3A_189 : memref<128x128xf32, #tpu.memory_space<vmem>>) target(%dma_start3A_195 : memref<10240x128xf32, #tpu.memory_space<vmem_shared>>) offsets(%dma_start3A_192 : memref<128xi32, #tpu.memory_space<vmem>>) semaphore(%arg13 : memref<!tpu.dma_semaphore, #tpu.memory_space<semaphore_mem>>) {add = true}
          %scan3A_196 = arith.constant 0 : i32
          scf.yield %scan3A_196 : i32
        }
        %scan3A_101 = arith.constant 20 : i32
        %scan3A_102 = arith.constant 0 : i32
        scf.yield %scan3A_102 : i32
      }
      %scan3A_55 = arith.constant 2 : i32
      %dma_wait3A = arith.constant 0 : i32
      %dma_wait3A_56 = arith.constant 0 : i32
      %dma_wait3A_57 = arith.constant 0 : i32
      %dma_wait3A_58 = arith.constant 0 : i32
      %dma_wait3A_59 = tpu.memref_slice %arg10[%dma_wait3A, %dma_wait3A_57, %dma_wait3A_58] : memref<2x128x128xf32, #tpu.memory_space<vmem>> -> memref<1x128x128xf32, #tpu.memory_space<vmem>>
      %dma_wait3A_60 = tpu.memref_squeeze %dma_wait3A_59 : memref<1x128x128xf32, #tpu.memory_space<vmem>> -> memref<128x128xf32, #tpu.memory_space<vmem>>
      %dma_wait3A_61 = arith.constant 0 : i32
      %dma_wait3A_62 = tpu.memref_slice %arg9[%dma_wait3A_56, %dma_wait3A_61] : memref<40x128xi32, #tpu.memory_space<vmem>> -> memref<1x128xi32, #tpu.memory_space<vmem>>
      %dma_wait3A_63 = tpu.memref_squeeze %dma_wait3A_62 : memref<1x128xi32, #tpu.memory_space<vmem>> -> memref<128xi32, #tpu.memory_space<vmem>>
      %dma_wait3A_64 = arith.constant 0 : i32
      %dma_wait3A_65 = arith.constant 0 : i32
      %dma_wait3A_66 = tpu.memref_slice %arg11[%dma_wait3A_64, %dma_wait3A_65] : memref<10240x128xf32, #tpu.memory_space<vmem_shared>> -> memref<10240x128xf32, #tpu.memory_space<vmem_shared>>
      tpu.wait_indirect_dma semaphore(%arg13 : memref<!tpu.dma_semaphore, #tpu.memory_space<semaphore_mem>>) src(%dma_wait3A_60 : memref<128x128xf32, #tpu.memory_space<vmem>>) dst(%dma_wait3A_66 : memref<10240x128xf32, #tpu.memory_space<vmem_shared>>)
      %dma_wait3A_67 = arith.constant 1 : i32
      %dma_wait3A_68 = arith.constant 1 : i32
      %dma_wait3A_69 = arith.constant 0 : i32
      %dma_wait3A_70 = arith.constant 0 : i32
      %dma_wait3A_71 = tpu.memref_slice %arg10[%dma_wait3A_67, %dma_wait3A_69, %dma_wait3A_70] : memref<2x128x128xf32, #tpu.memory_space<vmem>> -> memref<1x128x128xf32, #tpu.memory_space<vmem>>
      %dma_wait3A_72 = tpu.memref_squeeze %dma_wait3A_71 : memref<1x128x128xf32, #tpu.memory_space<vmem>> -> memref<128x128xf32, #tpu.memory_space<vmem>>
      %dma_wait3A_73 = arith.constant 0 : i32
      %dma_wait3A_74 = tpu.memref_slice %arg9[%dma_wait3A_68, %dma_wait3A_73] : memref<40x128xi32, #tpu.memory_space<vmem>> -> memref<1x128xi32, #tpu.memory_space<vmem>>
      %dma_wait3A_75 = tpu.memref_squeeze %dma_wait3A_74 : memref<1x128xi32, #tpu.memory_space<vmem>> -> memref<128xi32, #tpu.memory_space<vmem>>
      %dma_wait3A_76 = arith.constant 0 : i32
      %dma_wait3A_77 = arith.constant 0 : i32
      %dma_wait3A_78 = tpu.memref_slice %arg11[%dma_wait3A_76, %dma_wait3A_77] : memref<10240x128xf32, #tpu.memory_space<vmem_shared>> -> memref<10240x128xf32, #tpu.memory_space<vmem_shared>>
      tpu.wait_indirect_dma semaphore(%arg13 : memref<!tpu.dma_semaphore, #tpu.memory_space<semaphore_mem>>) src(%dma_wait3A_72 : memref<128x128xf32, #tpu.memory_space<vmem>>) dst(%dma_wait3A_78 : memref<10240x128xf32, #tpu.memory_space<vmem_shared>>)
    } else {
    }
    %barrier3A_36 = arith.constant 0 : index
    tpu.barrier barrier_id(%barrier3A_36)
    %mul3A_37 = arith.constant 640 : i32
    %mul3A_38 = arith.muli %arg1, %mul3A_37 : i32
    %eq3A_39 = arith.constant 0 : i32
    %eq3A_40 = arith.cmpi eq, %arg0, %eq3A_39 : i32
    %convert_element_type3A_41 = arith.extui %eq3A_40 : i1 to i32
    %cond3A_42 = arith.constant 0 : i32
    %cond3A_43 = arith.cmpi ne, %convert_element_type3A_41, %cond3A_42 : i32
    scf.if %cond3A_43 {
      "tpu.region"() ({
        %run_scoped3A_49 = tpu.sem_alloc : memref<!tpu.dma_semaphore, #tpu.memory_space<semaphore_mem>>
        %dma_start3A = arith.constant 0 : i32
        %dma_start3A_50 = tpu.memref_slice %arg6[%mul3A_38, %dma_start3A] : memref<10240x128xf32, #tpu.memory_space<hbm>> -> memref<640x128xf32, #tpu.memory_space<hbm>>
        %dma_start3A_51 = arith.constant 0 : i32
        %dma_start3A_52 = tpu.memref_slice %arg11[%mul3A_38, %dma_start3A_51] : memref<10240x128xf32, #tpu.memory_space<vmem_shared>> -> memref<640x128xf32, #tpu.memory_space<vmem_shared>>
        tpu.enqueue_dma source(%dma_start3A_52 : memref<640x128xf32, #tpu.memory_space<vmem_shared>>) target(%dma_start3A_50 : memref<640x128xf32, #tpu.memory_space<hbm>>) target_semaphore(%run_scoped3A_49 : memref<!tpu.dma_semaphore, #tpu.memory_space<semaphore_mem>>)
        %dma_wait3A = arith.constant 0 : i32
        %dma_wait3A_53 = tpu.memref_slice %arg6[%mul3A_38, %dma_wait3A] : memref<10240x128xf32, #tpu.memory_space<hbm>> -> memref<640x128xf32, #tpu.memory_space<hbm>>
        %dma_wait3A_54 = arith.constant 0 : i32
        %dma_wait3A_55 = tpu.memref_slice %arg11[%mul3A_38, %dma_wait3A_54] : memref<10240x128xf32, #tpu.memory_space<vmem_shared>> -> memref<640x128xf32, #tpu.memory_space<vmem_shared>>
        tpu.wait_dma2 semaphore(%run_scoped3A_49 : memref<!tpu.dma_semaphore, #tpu.memory_space<semaphore_mem>>) src(%dma_wait3A_55 : memref<640x128xf32, #tpu.memory_space<vmem_shared>>) dst(%dma_wait3A_53 : memref<640x128xf32, #tpu.memory_space<hbm>>)
        tpu.yield
      }) : () -> ()
    } else {
    }
    %eq3A_44 = arith.constant 1 : i32
    %eq3A_45 = arith.cmpi eq, %arg0, %eq3A_44 : i32
    %convert_element_type3A_46 = arith.extui %eq3A_45 : i1 to i32
    %cond3A_47 = arith.constant 0 : i32
    %cond3A_48 = arith.cmpi ne, %convert_element_type3A_46, %cond3A_47 : i32
    scf.if %cond3A_48 {
      "tpu.region"() ({
        %run_scoped3A_49 = tpu.sem_alloc : memref<!tpu.dma_semaphore, #tpu.memory_space<semaphore_mem>>
        %dma_start3A = arith.constant 0 : i32
        %dma_start3A_50 = tpu.memref_slice %arg7[%mul3A_38, %dma_start3A] : memref<10240x128xf32, #tpu.memory_space<hbm>> -> memref<640x128xf32, #tpu.memory_space<hbm>>
        %dma_start3A_51 = arith.constant 0 : i32
        %dma_start3A_52 = tpu.memref_slice %arg11[%mul3A_38, %dma_start3A_51] : memref<10240x128xf32, #tpu.memory_space<vmem_shared>> -> memref<640x128xf32, #tpu.memory_space<vmem_shared>>
        tpu.enqueue_dma source(%dma_start3A_52 : memref<640x128xf32, #tpu.memory_space<vmem_shared>>) target(%dma_start3A_50 : memref<640x128xf32, #tpu.memory_space<hbm>>) target_semaphore(%run_scoped3A_49 : memref<!tpu.dma_semaphore, #tpu.memory_space<semaphore_mem>>)
        %dma_wait3A = arith.constant 0 : i32
        %dma_wait3A_53 = tpu.memref_slice %arg7[%mul3A_38, %dma_wait3A] : memref<10240x128xf32, #tpu.memory_space<hbm>> -> memref<640x128xf32, #tpu.memory_space<hbm>>
        %dma_wait3A_54 = arith.constant 0 : i32
        %dma_wait3A_55 = tpu.memref_slice %arg11[%mul3A_38, %dma_wait3A_54] : memref<10240x128xf32, #tpu.memory_space<vmem_shared>> -> memref<640x128xf32, #tpu.memory_space<vmem_shared>>
        tpu.wait_dma2 semaphore(%run_scoped3A_49 : memref<!tpu.dma_semaphore, #tpu.memory_space<semaphore_mem>>) src(%dma_wait3A_55 : memref<640x128xf32, #tpu.memory_space<vmem_shared>>) dst(%dma_wait3A_53 : memref<640x128xf32, #tpu.memory_space<hbm>>)
        tpu.yield
      }) : () -> ()
    } else {
    }
    return
  }
}

#map = affine_map<(d0, d1) -> (0, 0)>
module attributes {stable_mosaic.version = 14 : i64} {
  func.func @_sc_agg_body(%arg0: i32, %arg1: i32, %arg2: memref<10240x128xf32, #tpu.memory_space<hbm>>, %arg3: memref<10240x128xf32, #tpu.memory_space<hbm>>, %arg4: memref<1280x128xi32, #tpu.memory_space<hbm>>, %arg5: memref<1280x128xi32, #tpu.memory_space<hbm>>, %arg6: memref<10240x128xf32, #tpu.memory_space<hbm>>, %arg7: memref<10240x128xf32, #tpu.memory_space<hbm>>, %arg8: memref<40x128xi32, #tpu.memory_space<vmem>>, %arg9: memref<40x128xi32, #tpu.memory_space<vmem>>, %arg10: memref<2x128x128xf32, #tpu.memory_space<vmem>>, %arg11: memref<10240x128xf32, #tpu.memory_space<vmem_shared>>, %arg12: memref<!tpu.dma_semaphore, #tpu.memory_space<semaphore_mem>>, %arg13: memref<!tpu.dma_semaphore, #tpu.memory_space<semaphore_mem>>) attributes {dimension_semantics = [#tpu.dimension_semantics<core_parallel>, #tpu.dimension_semantics<subcore_parallel>], iteration_bounds = array<i64: 2, 16>, scalar_prefetch = 0 : i64, scratch_operands = 6 : i64, tpu.core_type = #tpu.core_type<sc_vector_subcore>, window_params = [{transform_indices = #map}, {transform_indices = #map}, {transform_indices = #map}, {transform_indices = #map}, {transform_indices = #map}, {transform_indices = #map}]} {
    %scan3A = arith.constant 0 : i32
    %scan3A_0 = arith.constant 0 : i32
    %scan3A_1 = arith.constant 0 : i32
    %scan3A_2 = arith.constant 128 : i32
    %scan3A_3 = arith.addi %scan3A_1, %scan3A_2 : i32
    %scan3A_4 = arith.constant 1 : i32
    %scan3A_5 = scf.for %scan3A_49 = %scan3A_1 to %scan3A_3 step %scan3A_4 iter_args(%scan3A_50 = %scan3A_0) -> (i32)  : i32 {
      %broadcast_in_dim3A = arith.constant 0.000000e+00 : f32
      %broadcast_in_dim3A_51 = vector.broadcast %broadcast_in_dim3A : f32 to vector<16xf32>
      %swap3A = arith.constant 0 : i32
      %swap3A_52 = arith.constant 0 : i32
      %swap3A_53 = tpu.memref_slice %arg10[%scan3A, %swap3A, %swap3A_52] : memref<2x128x128xf32, #tpu.memory_space<vmem>> -> memref<1x128x128xf32, #tpu.memory_space<vmem>>
      %swap3A_54 = tpu.memref_squeeze %swap3A_53 : memref<1x128x128xf32, #tpu.memory_space<vmem>> -> memref<128x128xf32, #tpu.memory_space<vmem>>
      %swap3A_55 = arith.index_cast %scan3A_49 : i32 to index
      %swap3A_56 = arith.constant 0 : index
      %swap3A_57 = tpu.vector_load %swap3A_54[%swap3A_55, %swap3A_56] {strides = array<i32>} : memref<128x128xf32, #tpu.memory_space<vmem>>, vector<1x16xf32>,
      %swap3A_58 = vector.shape_cast %swap3A_57 : vector<1x16xf32> to vector<16xf32>
      %swap3A_59 = vector.shape_cast %broadcast_in_dim3A_51 : vector<16xf32> to vector<1x16xf32>
      tpu.vector_store %swap3A_54[%swap3A_55, %swap3A_56], %swap3A_59 {strides = array<i32>} : memref<128x128xf32, #tpu.memory_space<vmem>>, vector<1x16xf32>,
      %broadcast_in_dim3A_60 = arith.constant 0.000000e+00 : f32
      %broadcast_in_dim3A_61 = vector.broadcast %broadcast_in_dim3A_60 : f32 to vector<16xf32>
      %swap3A_62 = arith.constant 0 : i32
      %swap3A_63 = arith.constant 0 : i32
      %swap3A_64 = tpu.memref_slice %arg10[%scan3A, %swap3A_62, %swap3A_63] : memref<2x128x128xf32, #tpu.memory_space<vmem>> -> memref<1x128x128xf32, #tpu.memory_space<vmem>>
      %swap3A_65 = tpu.memref_squeeze %swap3A_64 : memref<1x128x128xf32, #tpu.memory_space<vmem>> -> memref<128x128xf32, #tpu.memory_space<vmem>>
      %swap3A_66 = arith.index_cast %scan3A_49 : i32 to index
      %swap3A_67 = arith.constant 16 : index
      %swap3A_68 = tpu.vector_load %swap3A_65[%swap3A_66, %swap3A_67] {strides = array<i32>} : memref<128x128xf32, #tpu.memory_space<vmem>>, vector<1x16xf32>,
      %swap3A_69 = vector.shape_cast %swap3A_68 : vector<1x16xf32> to vector<16xf32>
      %swap3A_70 = vector.shape_cast %broadcast_in_dim3A_61 : vector<16xf32> to vector<1x16xf32>
      tpu.vector_store %swap3A_65[%swap3A_66, %swap3A_67], %swap3A_70 {strides = array<i32>} : memref<128x128xf32, #tpu.memory_space<vmem>>, vector<1x16xf32>,
      %broadcast_in_dim3A_71 = arith.constant 0.000000e+00 : f32
      %broadcast_in_dim3A_72 = vector.broadcast %broadcast_in_dim3A_71 : f32 to vector<16xf32>
      %swap3A_73 = arith.constant 0 : i32
      %swap3A_74 = arith.constant 0 : i32
      %swap3A_75 = tpu.memref_slice %arg10[%scan3A, %swap3A_73, %swap3A_74] : memref<2x128x128xf32, #tpu.memory_space<vmem>> -> memref<1x128x128xf32, #tpu.memory_space<vmem>>
      %swap3A_76 = tpu.memref_squeeze %swap3A_75 : memref<1x128x128xf32, #tpu.memory_space<vmem>> -> memref<128x128xf32, #tpu.memory_space<vmem>>
      %swap3A_77 = arith.index_cast %scan3A_49 : i32 to index
      %swap3A_78 = arith.constant 32 : index
      %swap3A_79 = tpu.vector_load %swap3A_76[%swap3A_77, %swap3A_78] {strides = array<i32>} : memref<128x128xf32, #tpu.memory_space<vmem>>, vector<1x16xf32>,
      %swap3A_80 = vector.shape_cast %swap3A_79 : vector<1x16xf32> to vector<16xf32>
      %swap3A_81 = vector.shape_cast %broadcast_in_dim3A_72 : vector<16xf32> to vector<1x16xf32>
      tpu.vector_store %swap3A_76[%swap3A_77, %swap3A_78], %swap3A_81 {strides = array<i32>} : memref<128x128xf32, #tpu.memory_space<vmem>>, vector<1x16xf32>,
      %broadcast_in_dim3A_82 = arith.constant 0.000000e+00 : f32
      %broadcast_in_dim3A_83 = vector.broadcast %broadcast_in_dim3A_82 : f32 to vector<16xf32>
      %swap3A_84 = arith.constant 0 : i32
      %swap3A_85 = arith.constant 0 : i32
      %swap3A_86 = tpu.memref_slice %arg10[%scan3A, %swap3A_84, %swap3A_85] : memref<2x128x128xf32, #tpu.memory_space<vmem>> -> memref<1x128x128xf32, #tpu.memory_space<vmem>>
      %swap3A_87 = tpu.memref_squeeze %swap3A_86 : memref<1x128x128xf32, #tpu.memory_space<vmem>> -> memref<128x128xf32, #tpu.memory_space<vmem>>
      %swap3A_88 = arith.index_cast %scan3A_49 : i32 to index
      %swap3A_89 = arith.constant 48 : index
      %swap3A_90 = tpu.vector_load %swap3A_87[%swap3A_88, %swap3A_89] {strides = array<i32>} : memref<128x128xf32, #tpu.memory_space<vmem>>, vector<1x16xf32>,
      %swap3A_91 = vector.shape_cast %swap3A_90 : vector<1x16xf32> to vector<16xf32>
      %swap3A_92 = vector.shape_cast %broadcast_in_dim3A_83 : vector<16xf32> to vector<1x16xf32>
      tpu.vector_store %swap3A_87[%swap3A_88, %swap3A_89], %swap3A_92 {strides = array<i32>} : memref<128x128xf32, #tpu.memory_space<vmem>>, vector<1x16xf32>,
      %broadcast_in_dim3A_93 = arith.constant 0.000000e+00 : f32
      %broadcast_in_dim3A_94 = vector.broadcast %broadcast_in_dim3A_93 : f32 to vector<16xf32>
      %swap3A_95 = arith.constant 0 : i32
      %swap3A_96 = arith.constant 0 : i32
      %swap3A_97 = tpu.memref_slice %arg10[%scan3A, %swap3A_95, %swap3A_96] : memref<2x128x128xf32, #tpu.memory_space<vmem>> -> memref<1x128x128xf32, #tpu.memory_space<vmem>>
      %swap3A_98 = tpu.memref_squeeze %swap3A_97 : memref<1x128x128xf32, #tpu.memory_space<vmem>> -> memref<128x128xf32, #tpu.memory_space<vmem>>
      %swap3A_99 = arith.index_cast %scan3A_49 : i32 to index
      %swap3A_100 = arith.constant 64 : index
      %swap3A_101 = tpu.vector_load %swap3A_98[%swap3A_99, %swap3A_100] {strides = array<i32>} : memref<128x128xf32, #tpu.memory_space<vmem>>, vector<1x16xf32>,
      %swap3A_102 = vector.shape_cast %swap3A_101 : vector<1x16xf32> to vector<16xf32>
      %swap3A_103 = vector.shape_cast %broadcast_in_dim3A_94 : vector<16xf32> to vector<1x16xf32>
      tpu.vector_store %swap3A_98[%swap3A_99, %swap3A_100], %swap3A_103 {strides = array<i32>} : memref<128x128xf32, #tpu.memory_space<vmem>>, vector<1x16xf32>,
      %broadcast_in_dim3A_104 = arith.constant 0.000000e+00 : f32
      %broadcast_in_dim3A_105 = vector.broadcast %broadcast_in_dim3A_104 : f32 to vector<16xf32>
      %swap3A_106 = arith.constant 0 : i32
      %swap3A_107 = arith.constant 0 : i32
      %swap3A_108 = tpu.memref_slice %arg10[%scan3A, %swap3A_106, %swap3A_107] : memref<2x128x128xf32, #tpu.memory_space<vmem>> -> memref<1x128x128xf32, #tpu.memory_space<vmem>>
      %swap3A_109 = tpu.memref_squeeze %swap3A_108 : memref<1x128x128xf32, #tpu.memory_space<vmem>> -> memref<128x128xf32, #tpu.memory_space<vmem>>
      %swap3A_110 = arith.index_cast %scan3A_49 : i32 to index
      %swap3A_111 = arith.constant 80 : index
      %swap3A_112 = tpu.vector_load %swap3A_109[%swap3A_110, %swap3A_111] {strides = array<i32>} : memref<128x128xf32, #tpu.memory_space<vmem>>, vector<1x16xf32>,
      %swap3A_113 = vector.shape_cast %swap3A_112 : vector<1x16xf32> to vector<16xf32>
      %swap3A_114 = vector.shape_cast %broadcast_in_dim3A_105 : vector<16xf32> to vector<1x16xf32>
      tpu.vector_store %swap3A_109[%swap3A_110, %swap3A_111], %swap3A_114 {strides = array<i32>} : memref<128x128xf32, #tpu.memory_space<vmem>>, vector<1x16xf32>,
      %broadcast_in_dim3A_115 = arith.constant 0.000000e+00 : f32
      %broadcast_in_dim3A_116 = vector.broadcast %broadcast_in_dim3A_115 : f32 to vector<16xf32>
      %swap3A_117 = arith.constant 0 : i32
      %swap3A_118 = arith.constant 0 : i32
      %swap3A_119 = tpu.memref_slice %arg10[%scan3A, %swap3A_117, %swap3A_118] : memref<2x128x128xf32, #tpu.memory_space<vmem>> -> memref<1x128x128xf32, #tpu.memory_space<vmem>>
      %swap3A_120 = tpu.memref_squeeze %swap3A_119 : memref<1x128x128xf32, #tpu.memory_space<vmem>> -> memref<128x128xf32, #tpu.memory_space<vmem>>
      %swap3A_121 = arith.index_cast %scan3A_49 : i32 to index
      %swap3A_122 = arith.constant 96 : index
      %swap3A_123 = tpu.vector_load %swap3A_120[%swap3A_121, %swap3A_122] {strides = array<i32>} : memref<128x128xf32, #tpu.memory_space<vmem>>, vector<1x16xf32>,
      %swap3A_124 = vector.shape_cast %swap3A_123 : vector<1x16xf32> to vector<16xf32>
      %swap3A_125 = vector.shape_cast %broadcast_in_dim3A_116 : vector<16xf32> to vector<1x16xf32>
      tpu.vector_store %swap3A_120[%swap3A_121, %swap3A_122], %swap3A_125 {strides = array<i32>} : memref<128x128xf32, #tpu.memory_space<vmem>>, vector<1x16xf32>,
      %broadcast_in_dim3A_126 = arith.constant 0.000000e+00 : f32
      %broadcast_in_dim3A_127 = vector.broadcast %broadcast_in_dim3A_126 : f32 to vector<16xf32>
      %swap3A_128 = arith.constant 0 : i32
      %swap3A_129 = arith.constant 0 : i32
      %swap3A_130 = tpu.memref_slice %arg10[%scan3A, %swap3A_128, %swap3A_129] : memref<2x128x128xf32, #tpu.memory_space<vmem>> -> memref<1x128x128xf32, #tpu.memory_space<vmem>>
      %swap3A_131 = tpu.memref_squeeze %swap3A_130 : memref<1x128x128xf32, #tpu.memory_space<vmem>> -> memref<128x128xf32, #tpu.memory_space<vmem>>
      %swap3A_132 = arith.index_cast %scan3A_49 : i32 to index
      %swap3A_133 = arith.constant 112 : index
      %swap3A_134 = tpu.vector_load %swap3A_131[%swap3A_132, %swap3A_133] {strides = array<i32>} : memref<128x128xf32, #tpu.memory_space<vmem>>, vector<1x16xf32>,
      %swap3A_135 = vector.shape_cast %swap3A_134 : vector<1x16xf32> to vector<16xf32>
      %swap3A_136 = vector.shape_cast %broadcast_in_dim3A_127 : vector<16xf32> to vector<1x16xf32>
      tpu.vector_store %swap3A_131[%swap3A_132, %swap3A_133], %swap3A_136 {strides = array<i32>} : memref<128x128xf32, #tpu.memory_space<vmem>>, vector<1x16xf32>,
      %scan3A_137 = arith.constant 0 : i32
      scf.yield %scan3A_137 : i32
    }
    %scan3A_6 = arith.constant 128 : i32
    %mul3A = arith.constant 640 : i32
    %mul3A_7 = arith.muli %arg1, %mul3A : i32
    %add3A = arith.constant 0 : i32
    %add3A_8 = arith.addi %mul3A_7, %add3A : i32
    %run_scoped3A = arith.constant 0 : i32
    "tpu.region"() ({
      %run_scoped3A_49 = tpu.sem_alloc : memref<!tpu.dma_semaphore, #tpu.memory_space<semaphore_mem>>
      %dma_start3A = arith.constant 0 : i32
      %dma_start3A_50 = arith.constant 0 : i32
      %dma_start3A_51 = tpu.memref_slice %arg10[%run_scoped3A, %dma_start3A, %dma_start3A_50] : memref<2x128x128xf32, #tpu.memory_space<vmem>> -> memref<1x128x128xf32, #tpu.memory_space<vmem>>
      %dma_start3A_52 = tpu.memref_squeeze %dma_start3A_51 : memref<1x128x128xf32, #tpu.memory_space<vmem>> -> memref<128x128xf32, #tpu.memory_space<vmem>>
      %dma_start3A_53 = arith.constant 0 : i32
      %dma_start3A_54 = tpu.memref_slice %arg11[%add3A_8, %dma_start3A_53] : memref<10240x128xf32, #tpu.memory_space<vmem_shared>> -> memref<128x128xf32, #tpu.memory_space<vmem_shared>>
      %dma_start3A_55 = arith.constant 0 : i32
      %dma_start3A_56 = tpu.memref_slice %arg11[%add3A_8, %dma_start3A_55] : memref<10240x128xf32, #tpu.memory_space<vmem_shared>> -> memref<128x128xf32, #tpu.memory_space<vmem_shared>>
      %dma_start3A_57 = arith.constant 0 : i32
      %dma_start3A_58 = arith.constant 0 : i32
      %dma_start3A_59 = tpu.memref_slice %arg10[%run_scoped3A, %dma_start3A_57, %dma_start3A_58] : memref<2x128x128xf32, #tpu.memory_space<vmem>> -> memref<1x128x128xf32, #tpu.memory_space<vmem>>
      %dma_start3A_60 = tpu.memref_squeeze %dma_start3A_59 : memref<1x128x128xf32, #tpu.memory_space<vmem>> -> memref<128x128xf32, #tpu.memory_space<vmem>>
      tpu.enqueue_dma source(%dma_start3A_60 : memref<128x128xf32, #tpu.memory_space<vmem>>) target(%dma_start3A_56 : memref<128x128xf32, #tpu.memory_space<vmem_shared>>) target_semaphore(%run_scoped3A_49 : memref<!tpu.dma_semaphore, #tpu.memory_space<semaphore_mem>>)
      %dma_wait3A = arith.constant 0 : i32
      %dma_wait3A_61 = arith.constant 0 : i32
      %dma_wait3A_62 = tpu.memref_slice %arg10[%run_scoped3A, %dma_wait3A, %dma_wait3A_61] : memref<2x128x128xf32, #tpu.memory_space<vmem>> -> memref<1x128x128xf32, #tpu.memory_space<vmem>>
      %dma_wait3A_63 = tpu.memref_squeeze %dma_wait3A_62 : memref<1x128x128xf32, #tpu.memory_space<vmem>> -> memref<128x128xf32, #tpu.memory_space<vmem>>
      %dma_wait3A_64 = arith.constant 0 : i32
      %dma_wait3A_65 = tpu.memref_slice %arg11[%add3A_8, %dma_wait3A_64] : memref<10240x128xf32, #tpu.memory_space<vmem_shared>> -> memref<128x128xf32, #tpu.memory_space<vmem_shared>>
      %dma_wait3A_66 = arith.constant 0 : i32
      %dma_wait3A_67 = tpu.memref_slice %arg11[%add3A_8, %dma_wait3A_66] : memref<10240x128xf32, #tpu.memory_space<vmem_shared>> -> memref<128x128xf32, #tpu.memory_space<vmem_shared>>
      %dma_wait3A_68 = arith.constant 0 : i32
      %dma_wait3A_69 = arith.constant 0 : i32
      %dma_wait3A_70 = tpu.memref_slice %arg10[%run_scoped3A, %dma_wait3A_68, %dma_wait3A_69] : memref<2x128x128xf32, #tpu.memory_space<vmem>> -> memref<1x128x128xf32, #tpu.memory_space<vmem>>
      %dma_wait3A_71 = tpu.memref_squeeze %dma_wait3A_70 : memref<1x128x128xf32, #tpu.memory_space<vmem>> -> memref<128x128xf32, #tpu.memory_space<vmem>>
      tpu.wait_dma2 semaphore(%run_scoped3A_49 : memref<!tpu.dma_semaphore, #tpu.memory_space<semaphore_mem>>) src(%dma_wait3A_71 : memref<128x128xf32, #tpu.memory_space<vmem>>) dst(%dma_wait3A_67 : memref<128x128xf32, #tpu.memory_space<vmem_shared>>)
      tpu.yield
    }) : () -> ()
    %mul3A_9 = arith.constant 640 : i32
    %mul3A_10 = arith.muli %arg1, %mul3A_9 : i32
    %add3A_11 = arith.constant 128 : i32
    %add3A_12 = arith.addi %mul3A_10, %add3A_11 : i32
    %run_scoped3A_13 = arith.constant 0 : i32
    "tpu.region"() ({
      %run_scoped3A_49 = tpu.sem_alloc : memref<!tpu.dma_semaphore, #tpu.memory_space<semaphore_mem>>
      %dma_start3A = arith.constant 0 : i32
      %dma_start3A_50 = arith.constant 0 : i32
      %dma_start3A_51 = tpu.memref_slice %arg10[%run_scoped3A_13, %dma_start3A, %dma_start3A_50] : memref<2x128x128xf32, #tpu.memory_space<vmem>> -> memref<1x128x128xf32, #tpu.memory_space<vmem>>
      %dma_start3A_52 = tpu.memref_squeeze %dma_start3A_51 : memref<1x128x128xf32, #tpu.memory_space<vmem>> -> memref<128x128xf32, #tpu.memory_space<vmem>>
      %dma_start3A_53 = arith.constant 0 : i32
      %dma_start3A_54 = tpu.memref_slice %arg11[%add3A_12, %dma_start3A_53] : memref<10240x128xf32, #tpu.memory_space<vmem_shared>> -> memref<128x128xf32, #tpu.memory_space<vmem_shared>>
      %dma_start3A_55 = arith.constant 0 : i32
      %dma_start3A_56 = tpu.memref_slice %arg11[%add3A_12, %dma_start3A_55] : memref<10240x128xf32, #tpu.memory_space<vmem_shared>> -> memref<128x128xf32, #tpu.memory_space<vmem_shared>>
      %dma_start3A_57 = arith.constant 0 : i32
      %dma_start3A_58 = arith.constant 0 : i32
      %dma_start3A_59 = tpu.memref_slice %arg10[%run_scoped3A_13, %dma_start3A_57, %dma_start3A_58] : memref<2x128x128xf32, #tpu.memory_space<vmem>> -> memref<1x128x128xf32, #tpu.memory_space<vmem>>
      %dma_start3A_60 = tpu.memref_squeeze %dma_start3A_59 : memref<1x128x128xf32, #tpu.memory_space<vmem>> -> memref<128x128xf32, #tpu.memory_space<vmem>>
      tpu.enqueue_dma source(%dma_start3A_60 : memref<128x128xf32, #tpu.memory_space<vmem>>) target(%dma_start3A_56 : memref<128x128xf32, #tpu.memory_space<vmem_shared>>) target_semaphore(%run_scoped3A_49 : memref<!tpu.dma_semaphore, #tpu.memory_space<semaphore_mem>>)
      %dma_wait3A = arith.constant 0 : i32
      %dma_wait3A_61 = arith.constant 0 : i32
      %dma_wait3A_62 = tpu.memref_slice %arg10[%run_scoped3A_13, %dma_wait3A, %dma_wait3A_61] : memref<2x128x128xf32, #tpu.memory_space<vmem>> -> memref<1x128x128xf32, #tpu.memory_space<vmem>>
      %dma_wait3A_63 = tpu.memref_squeeze %dma_wait3A_62 : memref<1x128x128xf32, #tpu.memory_space<vmem>> -> memref<128x128xf32, #tpu.memory_space<vmem>>
      %dma_wait3A_64 = arith.constant 0 : i32
      %dma_wait3A_65 = tpu.memref_slice %arg11[%add3A_12, %dma_wait3A_64] : memref<10240x128xf32, #tpu.memory_space<vmem_shared>> -> memref<128x128xf32, #tpu.memory_space<vmem_shared>>
      %dma_wait3A_66 = arith.constant 0 : i32
      %dma_wait3A_67 = tpu.memref_slice %arg11[%add3A_12, %dma_wait3A_66] : memref<10240x128xf32, #tpu.memory_space<vmem_shared>> -> memref<128x128xf32, #tpu.memory_space<vmem_shared>>
      %dma_wait3A_68 = arith.constant 0 : i32
      %dma_wait3A_69 = arith.constant 0 : i32
      %dma_wait3A_70 = tpu.memref_slice %arg10[%run_scoped3A_13, %dma_wait3A_68, %dma_wait3A_69] : memref<2x128x128xf32, #tpu.memory_space<vmem>> -> memref<1x128x128xf32, #tpu.memory_space<vmem>>
      %dma_wait3A_71 = tpu.memref_squeeze %dma_wait3A_70 : memref<1x128x128xf32, #tpu.memory_space<vmem>> -> memref<128x128xf32, #tpu.memory_space<vmem>>
      tpu.wait_dma2 semaphore(%run_scoped3A_49 : memref<!tpu.dma_semaphore, #tpu.memory_space<semaphore_mem>>) src(%dma_wait3A_71 : memref<128x128xf32, #tpu.memory_space<vmem>>) dst(%dma_wait3A_67 : memref<128x128xf32, #tpu.memory_space<vmem_shared>>)
      tpu.yield
    }) : () -> ()
    %mul3A_14 = arith.constant 640 : i32
    %mul3A_15 = arith.muli %arg1, %mul3A_14 : i32
    %add3A_16 = arith.constant 256 : i32
    %add3A_17 = arith.addi %mul3A_15, %add3A_16 : i32
    %run_scoped3A_18 = arith.constant 0 : i32
    "tpu.region"() ({
      %run_scoped3A_49 = tpu.sem_alloc : memref<!tpu.dma_semaphore, #tpu.memory_space<semaphore_mem>>
      %dma_start3A = arith.constant 0 : i32
      %dma_start3A_50 = arith.constant 0 : i32
      %dma_start3A_51 = tpu.memref_slice %arg10[%run_scoped3A_18, %dma_start3A, %dma_start3A_50] : memref<2x128x128xf32, #tpu.memory_space<vmem>> -> memref<1x128x128xf32, #tpu.memory_space<vmem>>
      %dma_start3A_52 = tpu.memref_squeeze %dma_start3A_51 : memref<1x128x128xf32, #tpu.memory_space<vmem>> -> memref<128x128xf32, #tpu.memory_space<vmem>>
      %dma_start3A_53 = arith.constant 0 : i32
      %dma_start3A_54 = tpu.memref_slice %arg11[%add3A_17, %dma_start3A_53] : memref<10240x128xf32, #tpu.memory_space<vmem_shared>> -> memref<128x128xf32, #tpu.memory_space<vmem_shared>>
      %dma_start3A_55 = arith.constant 0 : i32
      %dma_start3A_56 = tpu.memref_slice %arg11[%add3A_17, %dma_start3A_55] : memref<10240x128xf32, #tpu.memory_space<vmem_shared>> -> memref<128x128xf32, #tpu.memory_space<vmem_shared>>
      %dma_start3A_57 = arith.constant 0 : i32
      %dma_start3A_58 = arith.constant 0 : i32
      %dma_start3A_59 = tpu.memref_slice %arg10[%run_scoped3A_18, %dma_start3A_57, %dma_start3A_58] : memref<2x128x128xf32, #tpu.memory_space<vmem>> -> memref<1x128x128xf32, #tpu.memory_space<vmem>>
      %dma_start3A_60 = tpu.memref_squeeze %dma_start3A_59 : memref<1x128x128xf32, #tpu.memory_space<vmem>> -> memref<128x128xf32, #tpu.memory_space<vmem>>
      tpu.enqueue_dma source(%dma_start3A_60 : memref<128x128xf32, #tpu.memory_space<vmem>>) target(%dma_start3A_56 : memref<128x128xf32, #tpu.memory_space<vmem_shared>>) target_semaphore(%run_scoped3A_49 : memref<!tpu.dma_semaphore, #tpu.memory_space<semaphore_mem>>)
      %dma_wait3A = arith.constant 0 : i32
      %dma_wait3A_61 = arith.constant 0 : i32
      %dma_wait3A_62 = tpu.memref_slice %arg10[%run_scoped3A_18, %dma_wait3A, %dma_wait3A_61] : memref<2x128x128xf32, #tpu.memory_space<vmem>> -> memref<1x128x128xf32, #tpu.memory_space<vmem>>
      %dma_wait3A_63 = tpu.memref_squeeze %dma_wait3A_62 : memref<1x128x128xf32, #tpu.memory_space<vmem>> -> memref<128x128xf32, #tpu.memory_space<vmem>>
      %dma_wait3A_64 = arith.constant 0 : i32
      %dma_wait3A_65 = tpu.memref_slice %arg11[%add3A_17, %dma_wait3A_64] : memref<10240x128xf32, #tpu.memory_space<vmem_shared>> -> memref<128x128xf32, #tpu.memory_space<vmem_shared>>
      %dma_wait3A_66 = arith.constant 0 : i32
      %dma_wait3A_67 = tpu.memref_slice %arg11[%add3A_17, %dma_wait3A_66] : memref<10240x128xf32, #tpu.memory_space<vmem_shared>> -> memref<128x128xf32, #tpu.memory_space<vmem_shared>>
      %dma_wait3A_68 = arith.constant 0 : i32
      %dma_wait3A_69 = arith.constant 0 : i32
      %dma_wait3A_70 = tpu.memref_slice %arg10[%run_scoped3A_18, %dma_wait3A_68, %dma_wait3A_69] : memref<2x128x128xf32, #tpu.memory_space<vmem>> -> memref<1x128x128xf32, #tpu.memory_space<vmem>>
      %dma_wait3A_71 = tpu.memref_squeeze %dma_wait3A_70 : memref<1x128x128xf32, #tpu.memory_space<vmem>> -> memref<128x128xf32, #tpu.memory_space<vmem>>
      tpu.wait_dma2 semaphore(%run_scoped3A_49 : memref<!tpu.dma_semaphore, #tpu.memory_space<semaphore_mem>>) src(%dma_wait3A_71 : memref<128x128xf32, #tpu.memory_space<vmem>>) dst(%dma_wait3A_67 : memref<128x128xf32, #tpu.memory_space<vmem_shared>>)
      tpu.yield
    }) : () -> ()
    %mul3A_19 = arith.constant 640 : i32
    %mul3A_20 = arith.muli %arg1, %mul3A_19 : i32
    %add3A_21 = arith.constant 384 : i32
    %add3A_22 = arith.addi %mul3A_20, %add3A_21 : i32
    %run_scoped3A_23 = arith.constant 0 : i32
    "tpu.region"() ({
      %run_scoped3A_49 = tpu.sem_alloc : memref<!tpu.dma_semaphore, #tpu.memory_space<semaphore_mem>>
      %dma_start3A = arith.constant 0 : i32
      %dma_start3A_50 = arith.constant 0 : i32
      %dma_start3A_51 = tpu.memref_slice %arg10[%run_scoped3A_23, %dma_start3A, %dma_start3A_50] : memref<2x128x128xf32, #tpu.memory_space<vmem>> -> memref<1x128x128xf32, #tpu.memory_space<vmem>>
      %dma_start3A_52 = tpu.memref_squeeze %dma_start3A_51 : memref<1x128x128xf32, #tpu.memory_space<vmem>> -> memref<128x128xf32, #tpu.memory_space<vmem>>
      %dma_start3A_53 = arith.constant 0 : i32
      %dma_start3A_54 = tpu.memref_slice %arg11[%add3A_22, %dma_start3A_53] : memref<10240x128xf32, #tpu.memory_space<vmem_shared>> -> memref<128x128xf32, #tpu.memory_space<vmem_shared>>
      %dma_start3A_55 = arith.constant 0 : i32
      %dma_start3A_56 = tpu.memref_slice %arg11[%add3A_22, %dma_start3A_55] : memref<10240x128xf32, #tpu.memory_space<vmem_shared>> -> memref<128x128xf32, #tpu.memory_space<vmem_shared>>
      %dma_start3A_57 = arith.constant 0 : i32
      %dma_start3A_58 = arith.constant 0 : i32
      %dma_start3A_59 = tpu.memref_slice %arg10[%run_scoped3A_23, %dma_start3A_57, %dma_start3A_58] : memref<2x128x128xf32, #tpu.memory_space<vmem>> -> memref<1x128x128xf32, #tpu.memory_space<vmem>>
      %dma_start3A_60 = tpu.memref_squeeze %dma_start3A_59 : memref<1x128x128xf32, #tpu.memory_space<vmem>> -> memref<128x128xf32, #tpu.memory_space<vmem>>
      tpu.enqueue_dma source(%dma_start3A_60 : memref<128x128xf32, #tpu.memory_space<vmem>>) target(%dma_start3A_56 : memref<128x128xf32, #tpu.memory_space<vmem_shared>>) target_semaphore(%run_scoped3A_49 : memref<!tpu.dma_semaphore, #tpu.memory_space<semaphore_mem>>)
      %dma_wait3A = arith.constant 0 : i32
      %dma_wait3A_61 = arith.constant 0 : i32
      %dma_wait3A_62 = tpu.memref_slice %arg10[%run_scoped3A_23, %dma_wait3A, %dma_wait3A_61] : memref<2x128x128xf32, #tpu.memory_space<vmem>> -> memref<1x128x128xf32, #tpu.memory_space<vmem>>
      %dma_wait3A_63 = tpu.memref_squeeze %dma_wait3A_62 : memref<1x128x128xf32, #tpu.memory_space<vmem>> -> memref<128x128xf32, #tpu.memory_space<vmem>>
      %dma_wait3A_64 = arith.constant 0 : i32
      %dma_wait3A_65 = tpu.memref_slice %arg11[%add3A_22, %dma_wait3A_64] : memref<10240x128xf32, #tpu.memory_space<vmem_shared>> -> memref<128x128xf32, #tpu.memory_space<vmem_shared>>
      %dma_wait3A_66 = arith.constant 0 : i32
      %dma_wait3A_67 = tpu.memref_slice %arg11[%add3A_22, %dma_wait3A_66] : memref<10240x128xf32, #tpu.memory_space<vmem_shared>> -> memref<128x128xf32, #tpu.memory_space<vmem_shared>>
      %dma_wait3A_68 = arith.constant 0 : i32
      %dma_wait3A_69 = arith.constant 0 : i32
      %dma_wait3A_70 = tpu.memref_slice %arg10[%run_scoped3A_23, %dma_wait3A_68, %dma_wait3A_69] : memref<2x128x128xf32, #tpu.memory_space<vmem>> -> memref<1x128x128xf32, #tpu.memory_space<vmem>>
      %dma_wait3A_71 = tpu.memref_squeeze %dma_wait3A_70 : memref<1x128x128xf32, #tpu.memory_space<vmem>> -> memref<128x128xf32, #tpu.memory_space<vmem>>
      tpu.wait_dma2 semaphore(%run_scoped3A_49 : memref<!tpu.dma_semaphore, #tpu.memory_space<semaphore_mem>>) src(%dma_wait3A_71 : memref<128x128xf32, #tpu.memory_space<vmem>>) dst(%dma_wait3A_67 : memref<128x128xf32, #tpu.memory_space<vmem_shared>>)
      tpu.yield
    }) : () -> ()
    %mul3A_24 = arith.constant 640 : i32
    %mul3A_25 = arith.muli %arg1, %mul3A_24 : i32
    %add3A_26 = arith.constant 512 : i32
    %add3A_27 = arith.addi %mul3A_25, %add3A_26 : i32
    %run_scoped3A_28 = arith.constant 0 : i32
    "tpu.region"() ({
      %run_scoped3A_49 = tpu.sem_alloc : memref<!tpu.dma_semaphore, #tpu.memory_space<semaphore_mem>>
      %dma_start3A = arith.constant 0 : i32
      %dma_start3A_50 = arith.constant 0 : i32
      %dma_start3A_51 = tpu.memref_slice %arg10[%run_scoped3A_28, %dma_start3A, %dma_start3A_50] : memref<2x128x128xf32, #tpu.memory_space<vmem>> -> memref<1x128x128xf32, #tpu.memory_space<vmem>>
      %dma_start3A_52 = tpu.memref_squeeze %dma_start3A_51 : memref<1x128x128xf32, #tpu.memory_space<vmem>> -> memref<128x128xf32, #tpu.memory_space<vmem>>
      %dma_start3A_53 = arith.constant 0 : i32
      %dma_start3A_54 = tpu.memref_slice %arg11[%add3A_27, %dma_start3A_53] : memref<10240x128xf32, #tpu.memory_space<vmem_shared>> -> memref<128x128xf32, #tpu.memory_space<vmem_shared>>
      %dma_start3A_55 = arith.constant 0 : i32
      %dma_start3A_56 = tpu.memref_slice %arg11[%add3A_27, %dma_start3A_55] : memref<10240x128xf32, #tpu.memory_space<vmem_shared>> -> memref<128x128xf32, #tpu.memory_space<vmem_shared>>
      %dma_start3A_57 = arith.constant 0 : i32
      %dma_start3A_58 = arith.constant 0 : i32
      %dma_start3A_59 = tpu.memref_slice %arg10[%run_scoped3A_28, %dma_start3A_57, %dma_start3A_58] : memref<2x128x128xf32, #tpu.memory_space<vmem>> -> memref<1x128x128xf32, #tpu.memory_space<vmem>>
      %dma_start3A_60 = tpu.memref_squeeze %dma_start3A_59 : memref<1x128x128xf32, #tpu.memory_space<vmem>> -> memref<128x128xf32, #tpu.memory_space<vmem>>
      tpu.enqueue_dma source(%dma_start3A_60 : memref<128x128xf32, #tpu.memory_space<vmem>>) target(%dma_start3A_56 : memref<128x128xf32, #tpu.memory_space<vmem_shared>>) target_semaphore(%run_scoped3A_49 : memref<!tpu.dma_semaphore, #tpu.memory_space<semaphore_mem>>)
      %dma_wait3A = arith.constant 0 : i32
      %dma_wait3A_61 = arith.constant 0 : i32
      %dma_wait3A_62 = tpu.memref_slice %arg10[%run_scoped3A_28, %dma_wait3A, %dma_wait3A_61] : memref<2x128x128xf32, #tpu.memory_space<vmem>> -> memref<1x128x128xf32, #tpu.memory_space<vmem>>
      %dma_wait3A_63 = tpu.memref_squeeze %dma_wait3A_62 : memref<1x128x128xf32, #tpu.memory_space<vmem>> -> memref<128x128xf32, #tpu.memory_space<vmem>>
      %dma_wait3A_64 = arith.constant 0 : i32
      %dma_wait3A_65 = tpu.memref_slice %arg11[%add3A_27, %dma_wait3A_64] : memref<10240x128xf32, #tpu.memory_space<vmem_shared>> -> memref<128x128xf32, #tpu.memory_space<vmem_shared>>
      %dma_wait3A_66 = arith.constant 0 : i32
      %dma_wait3A_67 = tpu.memref_slice %arg11[%add3A_27, %dma_wait3A_66] : memref<10240x128xf32, #tpu.memory_space<vmem_shared>> -> memref<128x128xf32, #tpu.memory_space<vmem_shared>>
      %dma_wait3A_68 = arith.constant 0 : i32
      %dma_wait3A_69 = arith.constant 0 : i32
      %dma_wait3A_70 = tpu.memref_slice %arg10[%run_scoped3A_28, %dma_wait3A_68, %dma_wait3A_69] : memref<2x128x128xf32, #tpu.memory_space<vmem>> -> memref<1x128x128xf32, #tpu.memory_space<vmem>>
      %dma_wait3A_71 = tpu.memref_squeeze %dma_wait3A_70 : memref<1x128x128xf32, #tpu.memory_space<vmem>> -> memref<128x128xf32, #tpu.memory_space<vmem>>
      tpu.wait_dma2 semaphore(%run_scoped3A_49 : memref<!tpu.dma_semaphore, #tpu.memory_space<semaphore_mem>>) src(%dma_wait3A_71 : memref<128x128xf32, #tpu.memory_space<vmem>>) dst(%dma_wait3A_67 : memref<128x128xf32, #tpu.memory_space<vmem_shared>>)
      tpu.yield
    }) : () -> ()
    %barrier3A = arith.constant 0 : index
    tpu.barrier barrier_id(%barrier3A)
    %eq3A = arith.constant 0 : i32
    %eq3A_29 = arith.cmpi eq, %arg0, %eq3A : i32
    %convert_element_type3A = arith.extui %eq3A_29 : i1 to i32
    %cond3A = arith.constant 0 : i32
    %cond3A_30 = arith.cmpi ne, %convert_element_type3A, %cond3A : i32
    scf.if %cond3A_30 {
      %scan3A_49 = arith.constant 0 : i32
      %scan3A_50 = arith.constant 0 : i32
      %scan3A_51 = arith.constant 2 : i32
      %scan3A_52 = arith.addi %scan3A_50, %scan3A_51 : i32
      %scan3A_53 = arith.constant 1 : i32
      %scan3A_54 = scf.for %scan3A_79 = %scan3A_50 to %scan3A_52 step %scan3A_53 iter_args(%scan3A_80 = %scan3A_49) -> (i32)  : i32 {
        %gt3A = arith.constant 0 : i32
        %gt3A_81 = arith.cmpi sgt, %scan3A_79, %gt3A : i32
        %convert_element_type3A_82 = arith.extui %gt3A_81 : i1 to i32
        %cond3A_83 = arith.constant 0 : i32
        %cond3A_84 = arith.cmpi ne, %convert_element_type3A_82, %cond3A_83 : i32
        scf.if %cond3A_84 {
          %dma_wait3A_103 = arith.constant 0 : i32
          %dma_wait3A_104 = arith.constant 0 : i32
          %dma_wait3A_105 = arith.constant 0 : i32
          %dma_wait3A_106 = arith.constant 0 : i32
          %dma_wait3A_107 = tpu.memref_slice %arg10[%dma_wait3A_103, %dma_wait3A_105, %dma_wait3A_106] : memref<2x128x128xf32, #tpu.memory_space<vmem>> -> memref<1x128x128xf32, #tpu.memory_space<vmem>>
          %dma_wait3A_108 = tpu.memref_squeeze %dma_wait3A_107 : memref<1x128x128xf32, #tpu.memory_space<vmem>> -> memref<128x128xf32, #tpu.memory_space<vmem>>
          %dma_wait3A_109 = arith.constant 0 : i32
          %dma_wait3A_110 = tpu.memref_slice %arg9[%dma_wait3A_104, %dma_wait3A_109] : memref<40x128xi32, #tpu.memory_space<vmem>> -> memref<1x128xi32, #tpu.memory_space<vmem>>
          %dma_wait3A_111 = tpu.memref_squeeze %dma_wait3A_110 : memref<1x128xi32, #tpu.memory_space<vmem>> -> memref<128xi32, #tpu.memory_space<vmem>>
          %dma_wait3A_112 = arith.constant 0 : i32
          %dma_wait3A_113 = arith.constant 0 : i32
          %dma_wait3A_114 = tpu.memref_slice %arg11[%dma_wait3A_112, %dma_wait3A_113] : memref<10240x128xf32, #tpu.memory_space<vmem_shared>> -> memref<10240x128xf32, #tpu.memory_space<vmem_shared>>
          tpu.wait_indirect_dma semaphore(%arg13 : memref<!tpu.dma_semaphore, #tpu.memory_space<semaphore_mem>>) src(%dma_wait3A_108 : memref<128x128xf32, #tpu.memory_space<vmem>>) dst(%dma_wait3A_114 : memref<10240x128xf32, #tpu.memory_space<vmem_shared>>)
          %dma_wait3A_115 = arith.constant 1 : i32
          %dma_wait3A_116 = arith.constant 1 : i32
          %dma_wait3A_117 = arith.constant 0 : i32
          %dma_wait3A_118 = arith.constant 0 : i32
          %dma_wait3A_119 = tpu.memref_slice %arg10[%dma_wait3A_115, %dma_wait3A_117, %dma_wait3A_118] : memref<2x128x128xf32, #tpu.memory_space<vmem>> -> memref<1x128x128xf32, #tpu.memory_space<vmem>>
          %dma_wait3A_120 = tpu.memref_squeeze %dma_wait3A_119 : memref<1x128x128xf32, #tpu.memory_space<vmem>> -> memref<128x128xf32, #tpu.memory_space<vmem>>
          %dma_wait3A_121 = arith.constant 0 : i32
          %dma_wait3A_122 = tpu.memref_slice %arg9[%dma_wait3A_116, %dma_wait3A_121] : memref<40x128xi32, #tpu.memory_space<vmem>> -> memref<1x128xi32, #tpu.memory_space<vmem>>
          %dma_wait3A_123 = tpu.memref_squeeze %dma_wait3A_122 : memref<1x128xi32, #tpu.memory_space<vmem>> -> memref<128xi32, #tpu.memory_space<vmem>>
          %dma_wait3A_124 = arith.constant 0 : i32
          %dma_wait3A_125 = arith.constant 0 : i32
          %dma_wait3A_126 = tpu.memref_slice %arg11[%dma_wait3A_124, %dma_wait3A_125] : memref<10240x128xf32, #tpu.memory_space<vmem_shared>> -> memref<10240x128xf32, #tpu.memory_space<vmem_shared>>
          tpu.wait_indirect_dma semaphore(%arg13 : memref<!tpu.dma_semaphore, #tpu.memory_space<semaphore_mem>>) src(%dma_wait3A_120 : memref<128x128xf32, #tpu.memory_space<vmem>>) dst(%dma_wait3A_126 : memref<10240x128xf32, #tpu.memory_space<vmem_shared>>)
        } else {
        }
        %mul3A_85 = arith.constant 80 : i32
        %mul3A_86 = arith.muli %arg1, %mul3A_85 : i32
        %mul3A_87 = arith.constant 40 : i32
        %mul3A_88 = arith.muli %scan3A_79, %mul3A_87 : i32
        %add3A_89 = arith.addi %mul3A_86, %mul3A_88 : i32
        "tpu.region"() ({
          %run_scoped3A_103 = tpu.sem_alloc : memref<!tpu.dma_semaphore, #tpu.memory_space<semaphore_mem>>
          %dma_start3A = arith.constant 0 : i32
          %dma_start3A_104 = tpu.memref_slice %arg4[%add3A_89, %dma_start3A] : memref<1280x128xi32, #tpu.memory_space<hbm>> -> memref<40x128xi32, #tpu.memory_space<hbm>>
          %dma_start3A_105 = arith.constant 0 : i32
          %dma_start3A_106 = tpu.memref_slice %arg4[%add3A_89, %dma_start3A_105] : memref<1280x128xi32, #tpu.memory_space<hbm>> -> memref<40x128xi32, #tpu.memory_space<hbm>>
          tpu.enqueue_dma source(%dma_start3A_106 : memref<40x128xi32, #tpu.memory_space<hbm>>) target(%arg8 : memref<40x128xi32, #tpu.memory_space<vmem>>) target_semaphore(%run_scoped3A_103 : memref<!tpu.dma_semaphore, #tpu.memory_space<semaphore_mem>>)
          %dma_wait3A_107 = arith.constant 0 : i32
          %dma_wait3A_108 = tpu.memref_slice %arg4[%add3A_89, %dma_wait3A_107] : memref<1280x128xi32, #tpu.memory_space<hbm>> -> memref<40x128xi32, #tpu.memory_space<hbm>>
          %dma_wait3A_109 = arith.constant 0 : i32
          %dma_wait3A_110 = tpu.memref_slice %arg4[%add3A_89, %dma_wait3A_109] : memref<1280x128xi32, #tpu.memory_space<hbm>> -> memref<40x128xi32, #tpu.memory_space<hbm>>
          tpu.wait_dma2 semaphore(%run_scoped3A_103 : memref<!tpu.dma_semaphore, #tpu.memory_space<semaphore_mem>>) src(%dma_wait3A_110 : memref<40x128xi32, #tpu.memory_space<hbm>>) dst(%arg8 : memref<40x128xi32, #tpu.memory_space<vmem>>)
          tpu.yield
        }) : () -> ()
        %mul3A_90 = arith.constant 80 : i32
        %mul3A_91 = arith.muli %arg1, %mul3A_90 : i32
        %mul3A_92 = arith.constant 40 : i32
        %mul3A_93 = arith.muli %scan3A_79, %mul3A_92 : i32
        %add3A_94 = arith.addi %mul3A_91, %mul3A_93 : i32
        "tpu.region"() ({
          %run_scoped3A_103 = tpu.sem_alloc : memref<!tpu.dma_semaphore, #tpu.memory_space<semaphore_mem>>
          %dma_start3A = arith.constant 0 : i32
          %dma_start3A_104 = tpu.memref_slice %arg5[%add3A_94, %dma_start3A] : memref<1280x128xi32, #tpu.memory_space<hbm>> -> memref<40x128xi32, #tpu.memory_space<hbm>>
          %dma_start3A_105 = arith.constant 0 : i32
          %dma_start3A_106 = tpu.memref_slice %arg5[%add3A_94, %dma_start3A_105] : memref<1280x128xi32, #tpu.memory_space<hbm>> -> memref<40x128xi32, #tpu.memory_space<hbm>>
          tpu.enqueue_dma source(%dma_start3A_106 : memref<40x128xi32, #tpu.memory_space<hbm>>) target(%arg9 : memref<40x128xi32, #tpu.memory_space<vmem>>) target_semaphore(%run_scoped3A_103 : memref<!tpu.dma_semaphore, #tpu.memory_space<semaphore_mem>>)
          %dma_wait3A_107 = arith.constant 0 : i32
          %dma_wait3A_108 = tpu.memref_slice %arg5[%add3A_94, %dma_wait3A_107] : memref<1280x128xi32, #tpu.memory_space<hbm>> -> memref<40x128xi32, #tpu.memory_space<hbm>>
          %dma_wait3A_109 = arith.constant 0 : i32
          %dma_wait3A_110 = tpu.memref_slice %arg5[%add3A_94, %dma_wait3A_109] : memref<1280x128xi32, #tpu.memory_space<hbm>> -> memref<40x128xi32, #tpu.memory_space<hbm>>
          tpu.wait_dma2 semaphore(%run_scoped3A_103 : memref<!tpu.dma_semaphore, #tpu.memory_space<semaphore_mem>>) src(%dma_wait3A_110 : memref<40x128xi32, #tpu.memory_space<hbm>>) dst(%arg9 : memref<40x128xi32, #tpu.memory_space<vmem>>)
          tpu.yield
        }) : () -> ()
        %scan3A_95 = arith.constant 0 : i32
        %scan3A_96 = arith.constant 0 : i32
        %scan3A_97 = arith.constant 20 : i32
        %scan3A_98 = arith.addi %scan3A_96, %scan3A_97 : i32
        %scan3A_99 = arith.constant 1 : i32
        %scan3A_100 = scf.for %scan3A_103 = %scan3A_96 to %scan3A_98 step %scan3A_99 iter_args(%scan3A_104 = %scan3A_95) -> (i32)  : i32 {
          %mul3A_105 = arith.constant 2 : i32
          %mul3A_106 = arith.muli %scan3A_103, %mul3A_105 : i32
          %add3A_107 = arith.constant 0 : i32
          %add3A_108 = arith.addi %mul3A_106, %add3A_107 : i32
          %gt3A_109 = arith.constant 0 : i32
          %gt3A_110 = arith.cmpi sgt, %scan3A_103, %gt3A_109 : i32
          %convert_element_type3A_111 = arith.extui %gt3A_110 : i1 to i32
          %cond3A_112 = arith.constant 0 : i32
          %cond3A_113 = arith.cmpi ne, %convert_element_type3A_111, %cond3A_112 : i32
          scf.if %cond3A_113 {
            %dma_wait3A_197 = arith.constant 0 : i32
            %dma_wait3A_198 = arith.constant 0 : i32
            %dma_wait3A_199 = arith.constant 0 : i32
            %dma_wait3A_200 = tpu.memref_slice %arg10[%dma_wait3A_197, %dma_wait3A_198, %dma_wait3A_199] : memref<2x128x128xf32, #tpu.memory_space<vmem>> -> memref<1x128x128xf32, #tpu.memory_space<vmem>>
            %dma_wait3A_201 = tpu.memref_squeeze %dma_wait3A_200 : memref<1x128x128xf32, #tpu.memory_space<vmem>> -> memref<128x128xf32, #tpu.memory_space<vmem>>
            %dma_wait3A_202 = arith.constant 0 : i32
            %dma_wait3A_203 = tpu.memref_slice %arg9[%add3A_108, %dma_wait3A_202] : memref<40x128xi32, #tpu.memory_space<vmem>> -> memref<1x128xi32, #tpu.memory_space<vmem>>
            %dma_wait3A_204 = tpu.memref_squeeze %dma_wait3A_203 : memref<1x128xi32, #tpu.memory_space<vmem>> -> memref<128xi32, #tpu.memory_space<vmem>>
            %dma_wait3A_205 = arith.constant 0 : i32
            %dma_wait3A_206 = arith.constant 0 : i32
            %dma_wait3A_207 = tpu.memref_slice %arg11[%dma_wait3A_205, %dma_wait3A_206] : memref<10240x128xf32, #tpu.memory_space<vmem_shared>> -> memref<10240x128xf32, #tpu.memory_space<vmem_shared>>
            tpu.wait_indirect_dma semaphore(%arg13 : memref<!tpu.dma_semaphore, #tpu.memory_space<semaphore_mem>>) src(%dma_wait3A_201 : memref<128x128xf32, #tpu.memory_space<vmem>>) dst(%dma_wait3A_207 : memref<10240x128xf32, #tpu.memory_space<vmem_shared>>)
          } else {
          }
          %dma_start3A = arith.constant 0 : i32
          %dma_start3A_114 = arith.constant 0 : i32
          %dma_start3A_115 = arith.constant 0 : i32
          %dma_start3A_116 = tpu.memref_slice %arg10[%dma_start3A, %dma_start3A_114, %dma_start3A_115] : memref<2x128x128xf32, #tpu.memory_space<vmem>> -> memref<1x128x128xf32, #tpu.memory_space<vmem>>
          %dma_start3A_117 = tpu.memref_squeeze %dma_start3A_116 : memref<1x128x128xf32, #tpu.memory_space<vmem>> -> memref<128x128xf32, #tpu.memory_space<vmem>>
          %dma_start3A_118 = arith.constant 0 : i32
          %dma_start3A_119 = tpu.memref_slice %arg8[%add3A_108, %dma_start3A_118] : memref<40x128xi32, #tpu.memory_space<vmem>> -> memref<1x128xi32, #tpu.memory_space<vmem>>
          %dma_start3A_120 = tpu.memref_squeeze %dma_start3A_119 : memref<1x128xi32, #tpu.memory_space<vmem>> -> memref<128xi32, #tpu.memory_space<vmem>>
          %dma_start3A_121 = arith.constant 0 : i32
          %dma_start3A_122 = arith.constant 0 : i32
          %dma_start3A_123 = tpu.memref_slice %arg2[%dma_start3A_121, %dma_start3A_122] : memref<10240x128xf32, #tpu.memory_space<hbm>> -> memref<10240x128xf32, #tpu.memory_space<hbm>>
          tpu.enqueue_indirect_dma source(%dma_start3A_123 : memref<10240x128xf32, #tpu.memory_space<hbm>>) target(%dma_start3A_117 : memref<128x128xf32, #tpu.memory_space<vmem>>) offsets(%dma_start3A_120 : memref<128xi32, #tpu.memory_space<vmem>>) semaphore(%arg12 : memref<!tpu.dma_semaphore, #tpu.memory_space<semaphore_mem>>)
          %mul3A_124 = arith.constant 2 : i32
          %mul3A_125 = arith.muli %scan3A_103, %mul3A_124 : i32
          %add3A_126 = arith.constant 1 : i32
          %add3A_127 = arith.addi %mul3A_125, %add3A_126 : i32
          %gt3A_128 = arith.constant 0 : i32
          %gt3A_129 = arith.cmpi sgt, %scan3A_103, %gt3A_128 : i32
          %convert_element_type3A_130 = arith.extui %gt3A_129 : i1 to i32
          %cond3A_131 = arith.constant 0 : i32
          %cond3A_132 = arith.cmpi ne, %convert_element_type3A_130, %cond3A_131 : i32
          scf.if %cond3A_132 {
            %dma_wait3A_197 = arith.constant 1 : i32
            %dma_wait3A_198 = arith.constant 0 : i32
            %dma_wait3A_199 = arith.constant 0 : i32
            %dma_wait3A_200 = tpu.memref_slice %arg10[%dma_wait3A_197, %dma_wait3A_198, %dma_wait3A_199] : memref<2x128x128xf32, #tpu.memory_space<vmem>> -> memref<1x128x128xf32, #tpu.memory_space<vmem>>
            %dma_wait3A_201 = tpu.memref_squeeze %dma_wait3A_200 : memref<1x128x128xf32, #tpu.memory_space<vmem>> -> memref<128x128xf32, #tpu.memory_space<vmem>>
            %dma_wait3A_202 = arith.constant 0 : i32
            %dma_wait3A_203 = tpu.memref_slice %arg9[%add3A_127, %dma_wait3A_202] : memref<40x128xi32, #tpu.memory_space<vmem>> -> memref<1x128xi32, #tpu.memory_space<vmem>>
            %dma_wait3A_204 = tpu.memref_squeeze %dma_wait3A_203 : memref<1x128xi32, #tpu.memory_space<vmem>> -> memref<128xi32, #tpu.memory_space<vmem>>
            %dma_wait3A_205 = arith.constant 0 : i32
            %dma_wait3A_206 = arith.constant 0 : i32
            %dma_wait3A_207 = tpu.memref_slice %arg11[%dma_wait3A_205, %dma_wait3A_206] : memref<10240x128xf32, #tpu.memory_space<vmem_shared>> -> memref<10240x128xf32, #tpu.memory_space<vmem_shared>>
            tpu.wait_indirect_dma semaphore(%arg13 : memref<!tpu.dma_semaphore, #tpu.memory_space<semaphore_mem>>) src(%dma_wait3A_201 : memref<128x128xf32, #tpu.memory_space<vmem>>) dst(%dma_wait3A_207 : memref<10240x128xf32, #tpu.memory_space<vmem_shared>>)
          } else {
          }
          %dma_start3A_133 = arith.constant 1 : i32
          %dma_start3A_134 = arith.constant 0 : i32
          %dma_start3A_135 = arith.constant 0 : i32
          %dma_start3A_136 = tpu.memref_slice %arg10[%dma_start3A_133, %dma_start3A_134, %dma_start3A_135] : memref<2x128x128xf32, #tpu.memory_space<vmem>> -> memref<1x128x128xf32, #tpu.memory_space<vmem>>
          %dma_start3A_137 = tpu.memref_squeeze %dma_start3A_136 : memref<1x128x128xf32, #tpu.memory_space<vmem>> -> memref<128x128xf32, #tpu.memory_space<vmem>>
          %dma_start3A_138 = arith.constant 0 : i32
          %dma_start3A_139 = tpu.memref_slice %arg8[%add3A_127, %dma_start3A_138] : memref<40x128xi32, #tpu.memory_space<vmem>> -> memref<1x128xi32, #tpu.memory_space<vmem>>
          %dma_start3A_140 = tpu.memref_squeeze %dma_start3A_139 : memref<1x128xi32, #tpu.memory_space<vmem>> -> memref<128xi32, #tpu.memory_space<vmem>>
          %dma_start3A_141 = arith.constant 0 : i32
          %dma_start3A_142 = arith.constant 0 : i32
          %dma_start3A_143 = tpu.memref_slice %arg2[%dma_start3A_141, %dma_start3A_142] : memref<10240x128xf32, #tpu.memory_space<hbm>> -> memref<10240x128xf32, #tpu.memory_space<hbm>>
          tpu.enqueue_indirect_dma source(%dma_start3A_143 : memref<10240x128xf32, #tpu.memory_space<hbm>>) target(%dma_start3A_137 : memref<128x128xf32, #tpu.memory_space<vmem>>) offsets(%dma_start3A_140 : memref<128xi32, #tpu.memory_space<vmem>>) semaphore(%arg12 : memref<!tpu.dma_semaphore, #tpu.memory_space<semaphore_mem>>)
          %mul3A_144 = arith.constant 2 : i32
          %mul3A_145 = arith.muli %scan3A_103, %mul3A_144 : i32
          %add3A_146 = arith.constant 0 : i32
          %add3A_147 = arith.addi %mul3A_145, %add3A_146 : i32
          %dma_wait3A_148 = arith.constant 0 : i32
          %dma_wait3A_149 = arith.constant 0 : i32
          %dma_wait3A_150 = arith.constant 0 : i32
          %dma_wait3A_151 = tpu.memref_slice %arg10[%dma_wait3A_148, %dma_wait3A_149, %dma_wait3A_150] : memref<2x128x128xf32, #tpu.memory_space<vmem>> -> memref<1x128x128xf32, #tpu.memory_space<vmem>>
          %dma_wait3A_152 = tpu.memref_squeeze %dma_wait3A_151 : memref<1x128x128xf32, #tpu.memory_space<vmem>> -> memref<128x128xf32, #tpu.memory_space<vmem>>
          %dma_wait3A_153 = arith.constant 0 : i32
          %dma_wait3A_154 = tpu.memref_slice %arg8[%add3A_147, %dma_wait3A_153] : memref<40x128xi32, #tpu.memory_space<vmem>> -> memref<1x128xi32, #tpu.memory_space<vmem>>
          %dma_wait3A_155 = tpu.memref_squeeze %dma_wait3A_154 : memref<1x128xi32, #tpu.memory_space<vmem>> -> memref<128xi32, #tpu.memory_space<vmem>>
          %dma_wait3A_156 = arith.constant 0 : i32
          %dma_wait3A_157 = arith.constant 0 : i32
          %dma_wait3A_158 = tpu.memref_slice %arg2[%dma_wait3A_156, %dma_wait3A_157] : memref<10240x128xf32, #tpu.memory_space<hbm>> -> memref<10240x128xf32, #tpu.memory_space<hbm>>
          tpu.wait_indirect_dma semaphore(%arg12 : memref<!tpu.dma_semaphore, #tpu.memory_space<semaphore_mem>>) src(%dma_wait3A_158 : memref<10240x128xf32, #tpu.memory_space<hbm>>) dst(%dma_wait3A_152 : memref<128x128xf32, #tpu.memory_space<vmem>>)
          %dma_start3A_159 = arith.constant 0 : i32
          %dma_start3A_160 = arith.constant 0 : i32
          %dma_start3A_161 = arith.constant 0 : i32
          %dma_start3A_162 = tpu.memref_slice %arg10[%dma_start3A_159, %dma_start3A_160, %dma_start3A_161] : memref<2x128x128xf32, #tpu.memory_space<vmem>> -> memref<1x128x128xf32, #tpu.memory_space<vmem>>
          %dma_start3A_163 = tpu.memref_squeeze %dma_start3A_162 : memref<1x128x128xf32, #tpu.memory_space<vmem>> -> memref<128x128xf32, #tpu.memory_space<vmem>>
          %dma_start3A_164 = arith.constant 0 : i32
          %dma_start3A_165 = tpu.memref_slice %arg9[%add3A_147, %dma_start3A_164] : memref<40x128xi32, #tpu.memory_space<vmem>> -> memref<1x128xi32, #tpu.memory_space<vmem>>
          %dma_start3A_166 = tpu.memref_squeeze %dma_start3A_165 : memref<1x128xi32, #tpu.memory_space<vmem>> -> memref<128xi32, #tpu.memory_space<vmem>>
          %dma_start3A_167 = arith.constant 0 : i32
          %dma_start3A_168 = arith.constant 0 : i32
          %dma_start3A_169 = tpu.memref_slice %arg11[%dma_start3A_167, %dma_start3A_168] : memref<10240x128xf32, #tpu.memory_space<vmem_shared>> -> memref<10240x128xf32, #tpu.memory_space<vmem_shared>>
          tpu.enqueue_indirect_dma source(%dma_start3A_163 : memref<128x128xf32, #tpu.memory_space<vmem>>) target(%dma_start3A_169 : memref<10240x128xf32, #tpu.memory_space<vmem_shared>>) offsets(%dma_start3A_166 : memref<128xi32, #tpu.memory_space<vmem>>) semaphore(%arg13 : memref<!tpu.dma_semaphore, #tpu.memory_space<semaphore_mem>>) {add = true}
          %mul3A_170 = arith.constant 2 : i32
          %mul3A_171 = arith.muli %scan3A_103, %mul3A_170 : i32
          %add3A_172 = arith.constant 1 : i32
          %add3A_173 = arith.addi %mul3A_171, %add3A_172 : i32
          %dma_wait3A_174 = arith.constant 1 : i32
          %dma_wait3A_175 = arith.constant 0 : i32
          %dma_wait3A_176 = arith.constant 0 : i32
          %dma_wait3A_177 = tpu.memref_slice %arg10[%dma_wait3A_174, %dma_wait3A_175, %dma_wait3A_176] : memref<2x128x128xf32, #tpu.memory_space<vmem>> -> memref<1x128x128xf32, #tpu.memory_space<vmem>>
          %dma_wait3A_178 = tpu.memref_squeeze %dma_wait3A_177 : memref<1x128x128xf32, #tpu.memory_space<vmem>> -> memref<128x128xf32, #tpu.memory_space<vmem>>
          %dma_wait3A_179 = arith.constant 0 : i32
          %dma_wait3A_180 = tpu.memref_slice %arg8[%add3A_173, %dma_wait3A_179] : memref<40x128xi32, #tpu.memory_space<vmem>> -> memref<1x128xi32, #tpu.memory_space<vmem>>
          %dma_wait3A_181 = tpu.memref_squeeze %dma_wait3A_180 : memref<1x128xi32, #tpu.memory_space<vmem>> -> memref<128xi32, #tpu.memory_space<vmem>>
          %dma_wait3A_182 = arith.constant 0 : i32
          %dma_wait3A_183 = arith.constant 0 : i32
          %dma_wait3A_184 = tpu.memref_slice %arg2[%dma_wait3A_182, %dma_wait3A_183] : memref<10240x128xf32, #tpu.memory_space<hbm>> -> memref<10240x128xf32, #tpu.memory_space<hbm>>
          tpu.wait_indirect_dma semaphore(%arg12 : memref<!tpu.dma_semaphore, #tpu.memory_space<semaphore_mem>>) src(%dma_wait3A_184 : memref<10240x128xf32, #tpu.memory_space<hbm>>) dst(%dma_wait3A_178 : memref<128x128xf32, #tpu.memory_space<vmem>>)
          %dma_start3A_185 = arith.constant 1 : i32
          %dma_start3A_186 = arith.constant 0 : i32
          %dma_start3A_187 = arith.constant 0 : i32
          %dma_start3A_188 = tpu.memref_slice %arg10[%dma_start3A_185, %dma_start3A_186, %dma_start3A_187] : memref<2x128x128xf32, #tpu.memory_space<vmem>> -> memref<1x128x128xf32, #tpu.memory_space<vmem>>
          %dma_start3A_189 = tpu.memref_squeeze %dma_start3A_188 : memref<1x128x128xf32, #tpu.memory_space<vmem>> -> memref<128x128xf32, #tpu.memory_space<vmem>>
          %dma_start3A_190 = arith.constant 0 : i32
          %dma_start3A_191 = tpu.memref_slice %arg9[%add3A_173, %dma_start3A_190] : memref<40x128xi32, #tpu.memory_space<vmem>> -> memref<1x128xi32, #tpu.memory_space<vmem>>
          %dma_start3A_192 = tpu.memref_squeeze %dma_start3A_191 : memref<1x128xi32, #tpu.memory_space<vmem>> -> memref<128xi32, #tpu.memory_space<vmem>>
          %dma_start3A_193 = arith.constant 0 : i32
          %dma_start3A_194 = arith.constant 0 : i32
          %dma_start3A_195 = tpu.memref_slice %arg11[%dma_start3A_193, %dma_start3A_194] : memref<10240x128xf32, #tpu.memory_space<vmem_shared>> -> memref<10240x128xf32, #tpu.memory_space<vmem_shared>>
          tpu.enqueue_indirect_dma source(%dma_start3A_189 : memref<128x128xf32, #tpu.memory_space<vmem>>) target(%dma_start3A_195 : memref<10240x128xf32, #tpu.memory_space<vmem_shared>>) offsets(%dma_start3A_192 : memref<128xi32, #tpu.memory_space<vmem>>) semaphore(%arg13 : memref<!tpu.dma_semaphore, #tpu.memory_space<semaphore_mem>>) {add = true}
          %scan3A_196 = arith.constant 0 : i32
          scf.yield %scan3A_196 : i32
        }
        %scan3A_101 = arith.constant 20 : i32
        %scan3A_102 = arith.constant 0 : i32
        scf.yield %scan3A_102 : i32
      }
      %scan3A_55 = arith.constant 2 : i32
      %dma_wait3A = arith.constant 0 : i32
      %dma_wait3A_56 = arith.constant 0 : i32
      %dma_wait3A_57 = arith.constant 0 : i32
      %dma_wait3A_58 = arith.constant 0 : i32
      %dma_wait3A_59 = tpu.memref_slice %arg10[%dma_wait3A, %dma_wait3A_57, %dma_wait3A_58] : memref<2x128x128xf32, #tpu.memory_space<vmem>> -> memref<1x128x128xf32, #tpu.memory_space<vmem>>
      %dma_wait3A_60 = tpu.memref_squeeze %dma_wait3A_59 : memref<1x128x128xf32, #tpu.memory_space<vmem>> -> memref<128x128xf32, #tpu.memory_space<vmem>>
      %dma_wait3A_61 = arith.constant 0 : i32
      %dma_wait3A_62 = tpu.memref_slice %arg9[%dma_wait3A_56, %dma_wait3A_61] : memref<40x128xi32, #tpu.memory_space<vmem>> -> memref<1x128xi32, #tpu.memory_space<vmem>>
      %dma_wait3A_63 = tpu.memref_squeeze %dma_wait3A_62 : memref<1x128xi32, #tpu.memory_space<vmem>> -> memref<128xi32, #tpu.memory_space<vmem>>
      %dma_wait3A_64 = arith.constant 0 : i32
      %dma_wait3A_65 = arith.constant 0 : i32
      %dma_wait3A_66 = tpu.memref_slice %arg11[%dma_wait3A_64, %dma_wait3A_65] : memref<10240x128xf32, #tpu.memory_space<vmem_shared>> -> memref<10240x128xf32, #tpu.memory_space<vmem_shared>>
      tpu.wait_indirect_dma semaphore(%arg13 : memref<!tpu.dma_semaphore, #tpu.memory_space<semaphore_mem>>) src(%dma_wait3A_60 : memref<128x128xf32, #tpu.memory_space<vmem>>) dst(%dma_wait3A_66 : memref<10240x128xf32, #tpu.memory_space<vmem_shared>>)
      %dma_wait3A_67 = arith.constant 1 : i32
      %dma_wait3A_68 = arith.constant 1 : i32
      %dma_wait3A_69 = arith.constant 0 : i32
      %dma_wait3A_70 = arith.constant 0 : i32
      %dma_wait3A_71 = tpu.memref_slice %arg10[%dma_wait3A_67, %dma_wait3A_69, %dma_wait3A_70] : memref<2x128x128xf32, #tpu.memory_space<vmem>> -> memref<1x128x128xf32, #tpu.memory_space<vmem>>
      %dma_wait3A_72 = tpu.memref_squeeze %dma_wait3A_71 : memref<1x128x128xf32, #tpu.memory_space<vmem>> -> memref<128x128xf32, #tpu.memory_space<vmem>>
      %dma_wait3A_73 = arith.constant 0 : i32
      %dma_wait3A_74 = tpu.memref_slice %arg9[%dma_wait3A_68, %dma_wait3A_73] : memref<40x128xi32, #tpu.memory_space<vmem>> -> memref<1x128xi32, #tpu.memory_space<vmem>>
      %dma_wait3A_75 = tpu.memref_squeeze %dma_wait3A_74 : memref<1x128xi32, #tpu.memory_space<vmem>> -> memref<128xi32, #tpu.memory_space<vmem>>
      %dma_wait3A_76 = arith.constant 0 : i32
      %dma_wait3A_77 = arith.constant 0 : i32
      %dma_wait3A_78 = tpu.memref_slice %arg11[%dma_wait3A_76, %dma_wait3A_77] : memref<10240x128xf32, #tpu.memory_space<vmem_shared>> -> memref<10240x128xf32, #tpu.memory_space<vmem_shared>>
      tpu.wait_indirect_dma semaphore(%arg13 : memref<!tpu.dma_semaphore, #tpu.memory_space<semaphore_mem>>) src(%dma_wait3A_72 : memref<128x128xf32, #tpu.memory_space<vmem>>) dst(%dma_wait3A_78 : memref<10240x128xf32, #tpu.memory_space<vmem_shared>>)
    } else {
    }
    %eq3A_31 = arith.constant 1 : i32
    %eq3A_32 = arith.cmpi eq, %arg0, %eq3A_31 : i32
    %convert_element_type3A_33 = arith.extui %eq3A_32 : i1 to i32
    %cond3A_34 = arith.constant 0 : i32
    %cond3A_35 = arith.cmpi ne, %convert_element_type3A_33, %cond3A_34 : i32
    scf.if %cond3A_35 {
      %scan3A_49 = arith.constant 0 : i32
      %scan3A_50 = arith.constant 0 : i32
      %scan3A_51 = arith.constant 2 : i32
      %scan3A_52 = arith.addi %scan3A_50, %scan3A_51 : i32
      %scan3A_53 = arith.constant 1 : i32
      %scan3A_54 = scf.for %scan3A_79 = %scan3A_50 to %scan3A_52 step %scan3A_53 iter_args(%scan3A_80 = %scan3A_49) -> (i32)  : i32 {
        %gt3A = arith.constant 0 : i32
        %gt3A_81 = arith.cmpi sgt, %scan3A_79, %gt3A : i32
        %convert_element_type3A_82 = arith.extui %gt3A_81 : i1 to i32
        %cond3A_83 = arith.constant 0 : i32
        %cond3A_84 = arith.cmpi ne, %convert_element_type3A_82, %cond3A_83 : i32
        scf.if %cond3A_84 {
          %dma_wait3A_103 = arith.constant 0 : i32
          %dma_wait3A_104 = arith.constant 0 : i32
          %dma_wait3A_105 = arith.constant 0 : i32
          %dma_wait3A_106 = arith.constant 0 : i32
          %dma_wait3A_107 = tpu.memref_slice %arg10[%dma_wait3A_103, %dma_wait3A_105, %dma_wait3A_106] : memref<2x128x128xf32, #tpu.memory_space<vmem>> -> memref<1x128x128xf32, #tpu.memory_space<vmem>>
          %dma_wait3A_108 = tpu.memref_squeeze %dma_wait3A_107 : memref<1x128x128xf32, #tpu.memory_space<vmem>> -> memref<128x128xf32, #tpu.memory_space<vmem>>
          %dma_wait3A_109 = arith.constant 0 : i32
          %dma_wait3A_110 = tpu.memref_slice %arg9[%dma_wait3A_104, %dma_wait3A_109] : memref<40x128xi32, #tpu.memory_space<vmem>> -> memref<1x128xi32, #tpu.memory_space<vmem>>
          %dma_wait3A_111 = tpu.memref_squeeze %dma_wait3A_110 : memref<1x128xi32, #tpu.memory_space<vmem>> -> memref<128xi32, #tpu.memory_space<vmem>>
          %dma_wait3A_112 = arith.constant 0 : i32
          %dma_wait3A_113 = arith.constant 0 : i32
          %dma_wait3A_114 = tpu.memref_slice %arg11[%dma_wait3A_112, %dma_wait3A_113] : memref<10240x128xf32, #tpu.memory_space<vmem_shared>> -> memref<10240x128xf32, #tpu.memory_space<vmem_shared>>
          tpu.wait_indirect_dma semaphore(%arg13 : memref<!tpu.dma_semaphore, #tpu.memory_space<semaphore_mem>>) src(%dma_wait3A_108 : memref<128x128xf32, #tpu.memory_space<vmem>>) dst(%dma_wait3A_114 : memref<10240x128xf32, #tpu.memory_space<vmem_shared>>)
          %dma_wait3A_115 = arith.constant 1 : i32
          %dma_wait3A_116 = arith.constant 1 : i32
          %dma_wait3A_117 = arith.constant 0 : i32
          %dma_wait3A_118 = arith.constant 0 : i32
          %dma_wait3A_119 = tpu.memref_slice %arg10[%dma_wait3A_115, %dma_wait3A_117, %dma_wait3A_118] : memref<2x128x128xf32, #tpu.memory_space<vmem>> -> memref<1x128x128xf32, #tpu.memory_space<vmem>>
          %dma_wait3A_120 = tpu.memref_squeeze %dma_wait3A_119 : memref<1x128x128xf32, #tpu.memory_space<vmem>> -> memref<128x128xf32, #tpu.memory_space<vmem>>
          %dma_wait3A_121 = arith.constant 0 : i32
          %dma_wait3A_122 = tpu.memref_slice %arg9[%dma_wait3A_116, %dma_wait3A_121] : memref<40x128xi32, #tpu.memory_space<vmem>> -> memref<1x128xi32, #tpu.memory_space<vmem>>
          %dma_wait3A_123 = tpu.memref_squeeze %dma_wait3A_122 : memref<1x128xi32, #tpu.memory_space<vmem>> -> memref<128xi32, #tpu.memory_space<vmem>>
          %dma_wait3A_124 = arith.constant 0 : i32
          %dma_wait3A_125 = arith.constant 0 : i32
          %dma_wait3A_126 = tpu.memref_slice %arg11[%dma_wait3A_124, %dma_wait3A_125] : memref<10240x128xf32, #tpu.memory_space<vmem_shared>> -> memref<10240x128xf32, #tpu.memory_space<vmem_shared>>
          tpu.wait_indirect_dma semaphore(%arg13 : memref<!tpu.dma_semaphore, #tpu.memory_space<semaphore_mem>>) src(%dma_wait3A_120 : memref<128x128xf32, #tpu.memory_space<vmem>>) dst(%dma_wait3A_126 : memref<10240x128xf32, #tpu.memory_space<vmem_shared>>)
        } else {
        }
        %mul3A_85 = arith.constant 80 : i32
        %mul3A_86 = arith.muli %arg1, %mul3A_85 : i32
        %mul3A_87 = arith.constant 40 : i32
        %mul3A_88 = arith.muli %scan3A_79, %mul3A_87 : i32
        %add3A_89 = arith.addi %mul3A_86, %mul3A_88 : i32
        "tpu.region"() ({
          %run_scoped3A_103 = tpu.sem_alloc : memref<!tpu.dma_semaphore, #tpu.memory_space<semaphore_mem>>
          %dma_start3A = arith.constant 0 : i32
          %dma_start3A_104 = tpu.memref_slice %arg4[%add3A_89, %dma_start3A] : memref<1280x128xi32, #tpu.memory_space<hbm>> -> memref<40x128xi32, #tpu.memory_space<hbm>>
          %dma_start3A_105 = arith.constant 0 : i32
          %dma_start3A_106 = tpu.memref_slice %arg4[%add3A_89, %dma_start3A_105] : memref<1280x128xi32, #tpu.memory_space<hbm>> -> memref<40x128xi32, #tpu.memory_space<hbm>>
          tpu.enqueue_dma source(%dma_start3A_106 : memref<40x128xi32, #tpu.memory_space<hbm>>) target(%arg8 : memref<40x128xi32, #tpu.memory_space<vmem>>) target_semaphore(%run_scoped3A_103 : memref<!tpu.dma_semaphore, #tpu.memory_space<semaphore_mem>>)
          %dma_wait3A_107 = arith.constant 0 : i32
          %dma_wait3A_108 = tpu.memref_slice %arg4[%add3A_89, %dma_wait3A_107] : memref<1280x128xi32, #tpu.memory_space<hbm>> -> memref<40x128xi32, #tpu.memory_space<hbm>>
          %dma_wait3A_109 = arith.constant 0 : i32
          %dma_wait3A_110 = tpu.memref_slice %arg4[%add3A_89, %dma_wait3A_109] : memref<1280x128xi32, #tpu.memory_space<hbm>> -> memref<40x128xi32, #tpu.memory_space<hbm>>
          tpu.wait_dma2 semaphore(%run_scoped3A_103 : memref<!tpu.dma_semaphore, #tpu.memory_space<semaphore_mem>>) src(%dma_wait3A_110 : memref<40x128xi32, #tpu.memory_space<hbm>>) dst(%arg8 : memref<40x128xi32, #tpu.memory_space<vmem>>)
          tpu.yield
        }) : () -> ()
        %mul3A_90 = arith.constant 80 : i32
        %mul3A_91 = arith.muli %arg1, %mul3A_90 : i32
        %mul3A_92 = arith.constant 40 : i32
        %mul3A_93 = arith.muli %scan3A_79, %mul3A_92 : i32
        %add3A_94 = arith.addi %mul3A_91, %mul3A_93 : i32
        "tpu.region"() ({
          %run_scoped3A_103 = tpu.sem_alloc : memref<!tpu.dma_semaphore, #tpu.memory_space<semaphore_mem>>
          %dma_start3A = arith.constant 0 : i32
          %dma_start3A_104 = tpu.memref_slice %arg5[%add3A_94, %dma_start3A] : memref<1280x128xi32, #tpu.memory_space<hbm>> -> memref<40x128xi32, #tpu.memory_space<hbm>>
          %dma_start3A_105 = arith.constant 0 : i32
          %dma_start3A_106 = tpu.memref_slice %arg5[%add3A_94, %dma_start3A_105] : memref<1280x128xi32, #tpu.memory_space<hbm>> -> memref<40x128xi32, #tpu.memory_space<hbm>>
          tpu.enqueue_dma source(%dma_start3A_106 : memref<40x128xi32, #tpu.memory_space<hbm>>) target(%arg9 : memref<40x128xi32, #tpu.memory_space<vmem>>) target_semaphore(%run_scoped3A_103 : memref<!tpu.dma_semaphore, #tpu.memory_space<semaphore_mem>>)
          %dma_wait3A_107 = arith.constant 0 : i32
          %dma_wait3A_108 = tpu.memref_slice %arg5[%add3A_94, %dma_wait3A_107] : memref<1280x128xi32, #tpu.memory_space<hbm>> -> memref<40x128xi32, #tpu.memory_space<hbm>>
          %dma_wait3A_109 = arith.constant 0 : i32
          %dma_wait3A_110 = tpu.memref_slice %arg5[%add3A_94, %dma_wait3A_109] : memref<1280x128xi32, #tpu.memory_space<hbm>> -> memref<40x128xi32, #tpu.memory_space<hbm>>
          tpu.wait_dma2 semaphore(%run_scoped3A_103 : memref<!tpu.dma_semaphore, #tpu.memory_space<semaphore_mem>>) src(%dma_wait3A_110 : memref<40x128xi32, #tpu.memory_space<hbm>>) dst(%arg9 : memref<40x128xi32, #tpu.memory_space<vmem>>)
          tpu.yield
        }) : () -> ()
        %scan3A_95 = arith.constant 0 : i32
        %scan3A_96 = arith.constant 0 : i32
        %scan3A_97 = arith.constant 20 : i32
        %scan3A_98 = arith.addi %scan3A_96, %scan3A_97 : i32
        %scan3A_99 = arith.constant 1 : i32
        %scan3A_100 = scf.for %scan3A_103 = %scan3A_96 to %scan3A_98 step %scan3A_99 iter_args(%scan3A_104 = %scan3A_95) -> (i32)  : i32 {
          %mul3A_105 = arith.constant 2 : i32
          %mul3A_106 = arith.muli %scan3A_103, %mul3A_105 : i32
          %add3A_107 = arith.constant 0 : i32
          %add3A_108 = arith.addi %mul3A_106, %add3A_107 : i32
          %gt3A_109 = arith.constant 0 : i32
          %gt3A_110 = arith.cmpi sgt, %scan3A_103, %gt3A_109 : i32
          %convert_element_type3A_111 = arith.extui %gt3A_110 : i1 to i32
          %cond3A_112 = arith.constant 0 : i32
          %cond3A_113 = arith.cmpi ne, %convert_element_type3A_111, %cond3A_112 : i32
          scf.if %cond3A_113 {
            %dma_wait3A_197 = arith.constant 0 : i32
            %dma_wait3A_198 = arith.constant 0 : i32
            %dma_wait3A_199 = arith.constant 0 : i32
            %dma_wait3A_200 = tpu.memref_slice %arg10[%dma_wait3A_197, %dma_wait3A_198, %dma_wait3A_199] : memref<2x128x128xf32, #tpu.memory_space<vmem>> -> memref<1x128x128xf32, #tpu.memory_space<vmem>>
            %dma_wait3A_201 = tpu.memref_squeeze %dma_wait3A_200 : memref<1x128x128xf32, #tpu.memory_space<vmem>> -> memref<128x128xf32, #tpu.memory_space<vmem>>
            %dma_wait3A_202 = arith.constant 0 : i32
            %dma_wait3A_203 = tpu.memref_slice %arg9[%add3A_108, %dma_wait3A_202] : memref<40x128xi32, #tpu.memory_space<vmem>> -> memref<1x128xi32, #tpu.memory_space<vmem>>
            %dma_wait3A_204 = tpu.memref_squeeze %dma_wait3A_203 : memref<1x128xi32, #tpu.memory_space<vmem>> -> memref<128xi32, #tpu.memory_space<vmem>>
            %dma_wait3A_205 = arith.constant 0 : i32
            %dma_wait3A_206 = arith.constant 0 : i32
            %dma_wait3A_207 = tpu.memref_slice %arg11[%dma_wait3A_205, %dma_wait3A_206] : memref<10240x128xf32, #tpu.memory_space<vmem_shared>> -> memref<10240x128xf32, #tpu.memory_space<vmem_shared>>
            tpu.wait_indirect_dma semaphore(%arg13 : memref<!tpu.dma_semaphore, #tpu.memory_space<semaphore_mem>>) src(%dma_wait3A_201 : memref<128x128xf32, #tpu.memory_space<vmem>>) dst(%dma_wait3A_207 : memref<10240x128xf32, #tpu.memory_space<vmem_shared>>)
          } else {
          }
          %dma_start3A = arith.constant 0 : i32
          %dma_start3A_114 = arith.constant 0 : i32
          %dma_start3A_115 = arith.constant 0 : i32
          %dma_start3A_116 = tpu.memref_slice %arg10[%dma_start3A, %dma_start3A_114, %dma_start3A_115] : memref<2x128x128xf32, #tpu.memory_space<vmem>> -> memref<1x128x128xf32, #tpu.memory_space<vmem>>
          %dma_start3A_117 = tpu.memref_squeeze %dma_start3A_116 : memref<1x128x128xf32, #tpu.memory_space<vmem>> -> memref<128x128xf32, #tpu.memory_space<vmem>>
          %dma_start3A_118 = arith.constant 0 : i32
          %dma_start3A_119 = tpu.memref_slice %arg8[%add3A_108, %dma_start3A_118] : memref<40x128xi32, #tpu.memory_space<vmem>> -> memref<1x128xi32, #tpu.memory_space<vmem>>
          %dma_start3A_120 = tpu.memref_squeeze %dma_start3A_119 : memref<1x128xi32, #tpu.memory_space<vmem>> -> memref<128xi32, #tpu.memory_space<vmem>>
          %dma_start3A_121 = arith.constant 0 : i32
          %dma_start3A_122 = arith.constant 0 : i32
          %dma_start3A_123 = tpu.memref_slice %arg3[%dma_start3A_121, %dma_start3A_122] : memref<10240x128xf32, #tpu.memory_space<hbm>> -> memref<10240x128xf32, #tpu.memory_space<hbm>>
          tpu.enqueue_indirect_dma source(%dma_start3A_123 : memref<10240x128xf32, #tpu.memory_space<hbm>>) target(%dma_start3A_117 : memref<128x128xf32, #tpu.memory_space<vmem>>) offsets(%dma_start3A_120 : memref<128xi32, #tpu.memory_space<vmem>>) semaphore(%arg12 : memref<!tpu.dma_semaphore, #tpu.memory_space<semaphore_mem>>)
          %mul3A_124 = arith.constant 2 : i32
          %mul3A_125 = arith.muli %scan3A_103, %mul3A_124 : i32
          %add3A_126 = arith.constant 1 : i32
          %add3A_127 = arith.addi %mul3A_125, %add3A_126 : i32
          %gt3A_128 = arith.constant 0 : i32
          %gt3A_129 = arith.cmpi sgt, %scan3A_103, %gt3A_128 : i32
          %convert_element_type3A_130 = arith.extui %gt3A_129 : i1 to i32
          %cond3A_131 = arith.constant 0 : i32
          %cond3A_132 = arith.cmpi ne, %convert_element_type3A_130, %cond3A_131 : i32
          scf.if %cond3A_132 {
            %dma_wait3A_197 = arith.constant 1 : i32
            %dma_wait3A_198 = arith.constant 0 : i32
            %dma_wait3A_199 = arith.constant 0 : i32
            %dma_wait3A_200 = tpu.memref_slice %arg10[%dma_wait3A_197, %dma_wait3A_198, %dma_wait3A_199] : memref<2x128x128xf32, #tpu.memory_space<vmem>> -> memref<1x128x128xf32, #tpu.memory_space<vmem>>
            %dma_wait3A_201 = tpu.memref_squeeze %dma_wait3A_200 : memref<1x128x128xf32, #tpu.memory_space<vmem>> -> memref<128x128xf32, #tpu.memory_space<vmem>>
            %dma_wait3A_202 = arith.constant 0 : i32
            %dma_wait3A_203 = tpu.memref_slice %arg9[%add3A_127, %dma_wait3A_202] : memref<40x128xi32, #tpu.memory_space<vmem>> -> memref<1x128xi32, #tpu.memory_space<vmem>>
            %dma_wait3A_204 = tpu.memref_squeeze %dma_wait3A_203 : memref<1x128xi32, #tpu.memory_space<vmem>> -> memref<128xi32, #tpu.memory_space<vmem>>
            %dma_wait3A_205 = arith.constant 0 : i32
            %dma_wait3A_206 = arith.constant 0 : i32
            %dma_wait3A_207 = tpu.memref_slice %arg11[%dma_wait3A_205, %dma_wait3A_206] : memref<10240x128xf32, #tpu.memory_space<vmem_shared>> -> memref<10240x128xf32, #tpu.memory_space<vmem_shared>>
            tpu.wait_indirect_dma semaphore(%arg13 : memref<!tpu.dma_semaphore, #tpu.memory_space<semaphore_mem>>) src(%dma_wait3A_201 : memref<128x128xf32, #tpu.memory_space<vmem>>) dst(%dma_wait3A_207 : memref<10240x128xf32, #tpu.memory_space<vmem_shared>>)
          } else {
          }
          %dma_start3A_133 = arith.constant 1 : i32
          %dma_start3A_134 = arith.constant 0 : i32
          %dma_start3A_135 = arith.constant 0 : i32
          %dma_start3A_136 = tpu.memref_slice %arg10[%dma_start3A_133, %dma_start3A_134, %dma_start3A_135] : memref<2x128x128xf32, #tpu.memory_space<vmem>> -> memref<1x128x128xf32, #tpu.memory_space<vmem>>
          %dma_start3A_137 = tpu.memref_squeeze %dma_start3A_136 : memref<1x128x128xf32, #tpu.memory_space<vmem>> -> memref<128x128xf32, #tpu.memory_space<vmem>>
          %dma_start3A_138 = arith.constant 0 : i32
          %dma_start3A_139 = tpu.memref_slice %arg8[%add3A_127, %dma_start3A_138] : memref<40x128xi32, #tpu.memory_space<vmem>> -> memref<1x128xi32, #tpu.memory_space<vmem>>
          %dma_start3A_140 = tpu.memref_squeeze %dma_start3A_139 : memref<1x128xi32, #tpu.memory_space<vmem>> -> memref<128xi32, #tpu.memory_space<vmem>>
          %dma_start3A_141 = arith.constant 0 : i32
          %dma_start3A_142 = arith.constant 0 : i32
          %dma_start3A_143 = tpu.memref_slice %arg3[%dma_start3A_141, %dma_start3A_142] : memref<10240x128xf32, #tpu.memory_space<hbm>> -> memref<10240x128xf32, #tpu.memory_space<hbm>>
          tpu.enqueue_indirect_dma source(%dma_start3A_143 : memref<10240x128xf32, #tpu.memory_space<hbm>>) target(%dma_start3A_137 : memref<128x128xf32, #tpu.memory_space<vmem>>) offsets(%dma_start3A_140 : memref<128xi32, #tpu.memory_space<vmem>>) semaphore(%arg12 : memref<!tpu.dma_semaphore, #tpu.memory_space<semaphore_mem>>)
          %mul3A_144 = arith.constant 2 : i32
          %mul3A_145 = arith.muli %scan3A_103, %mul3A_144 : i32
          %add3A_146 = arith.constant 0 : i32
          %add3A_147 = arith.addi %mul3A_145, %add3A_146 : i32
          %dma_wait3A_148 = arith.constant 0 : i32
          %dma_wait3A_149 = arith.constant 0 : i32
          %dma_wait3A_150 = arith.constant 0 : i32
          %dma_wait3A_151 = tpu.memref_slice %arg10[%dma_wait3A_148, %dma_wait3A_149, %dma_wait3A_150] : memref<2x128x128xf32, #tpu.memory_space<vmem>> -> memref<1x128x128xf32, #tpu.memory_space<vmem>>
          %dma_wait3A_152 = tpu.memref_squeeze %dma_wait3A_151 : memref<1x128x128xf32, #tpu.memory_space<vmem>> -> memref<128x128xf32, #tpu.memory_space<vmem>>
          %dma_wait3A_153 = arith.constant 0 : i32
          %dma_wait3A_154 = tpu.memref_slice %arg8[%add3A_147, %dma_wait3A_153] : memref<40x128xi32, #tpu.memory_space<vmem>> -> memref<1x128xi32, #tpu.memory_space<vmem>>
          %dma_wait3A_155 = tpu.memref_squeeze %dma_wait3A_154 : memref<1x128xi32, #tpu.memory_space<vmem>> -> memref<128xi32, #tpu.memory_space<vmem>>
          %dma_wait3A_156 = arith.constant 0 : i32
          %dma_wait3A_157 = arith.constant 0 : i32
          %dma_wait3A_158 = tpu.memref_slice %arg3[%dma_wait3A_156, %dma_wait3A_157] : memref<10240x128xf32, #tpu.memory_space<hbm>> -> memref<10240x128xf32, #tpu.memory_space<hbm>>
          tpu.wait_indirect_dma semaphore(%arg12 : memref<!tpu.dma_semaphore, #tpu.memory_space<semaphore_mem>>) src(%dma_wait3A_158 : memref<10240x128xf32, #tpu.memory_space<hbm>>) dst(%dma_wait3A_152 : memref<128x128xf32, #tpu.memory_space<vmem>>)
          %dma_start3A_159 = arith.constant 0 : i32
          %dma_start3A_160 = arith.constant 0 : i32
          %dma_start3A_161 = arith.constant 0 : i32
          %dma_start3A_162 = tpu.memref_slice %arg10[%dma_start3A_159, %dma_start3A_160, %dma_start3A_161] : memref<2x128x128xf32, #tpu.memory_space<vmem>> -> memref<1x128x128xf32, #tpu.memory_space<vmem>>
          %dma_start3A_163 = tpu.memref_squeeze %dma_start3A_162 : memref<1x128x128xf32, #tpu.memory_space<vmem>> -> memref<128x128xf32, #tpu.memory_space<vmem>>
          %dma_start3A_164 = arith.constant 0 : i32
          %dma_start3A_165 = tpu.memref_slice %arg9[%add3A_147, %dma_start3A_164] : memref<40x128xi32, #tpu.memory_space<vmem>> -> memref<1x128xi32, #tpu.memory_space<vmem>>
          %dma_start3A_166 = tpu.memref_squeeze %dma_start3A_165 : memref<1x128xi32, #tpu.memory_space<vmem>> -> memref<128xi32, #tpu.memory_space<vmem>>
          %dma_start3A_167 = arith.constant 0 : i32
          %dma_start3A_168 = arith.constant 0 : i32
          %dma_start3A_169 = tpu.memref_slice %arg11[%dma_start3A_167, %dma_start3A_168] : memref<10240x128xf32, #tpu.memory_space<vmem_shared>> -> memref<10240x128xf32, #tpu.memory_space<vmem_shared>>
          tpu.enqueue_indirect_dma source(%dma_start3A_163 : memref<128x128xf32, #tpu.memory_space<vmem>>) target(%dma_start3A_169 : memref<10240x128xf32, #tpu.memory_space<vmem_shared>>) offsets(%dma_start3A_166 : memref<128xi32, #tpu.memory_space<vmem>>) semaphore(%arg13 : memref<!tpu.dma_semaphore, #tpu.memory_space<semaphore_mem>>) {add = true}
          %mul3A_170 = arith.constant 2 : i32
          %mul3A_171 = arith.muli %scan3A_103, %mul3A_170 : i32
          %add3A_172 = arith.constant 1 : i32
          %add3A_173 = arith.addi %mul3A_171, %add3A_172 : i32
          %dma_wait3A_174 = arith.constant 1 : i32
          %dma_wait3A_175 = arith.constant 0 : i32
          %dma_wait3A_176 = arith.constant 0 : i32
          %dma_wait3A_177 = tpu.memref_slice %arg10[%dma_wait3A_174, %dma_wait3A_175, %dma_wait3A_176] : memref<2x128x128xf32, #tpu.memory_space<vmem>> -> memref<1x128x128xf32, #tpu.memory_space<vmem>>
          %dma_wait3A_178 = tpu.memref_squeeze %dma_wait3A_177 : memref<1x128x128xf32, #tpu.memory_space<vmem>> -> memref<128x128xf32, #tpu.memory_space<vmem>>
          %dma_wait3A_179 = arith.constant 0 : i32
          %dma_wait3A_180 = tpu.memref_slice %arg8[%add3A_173, %dma_wait3A_179] : memref<40x128xi32, #tpu.memory_space<vmem>> -> memref<1x128xi32, #tpu.memory_space<vmem>>
          %dma_wait3A_181 = tpu.memref_squeeze %dma_wait3A_180 : memref<1x128xi32, #tpu.memory_space<vmem>> -> memref<128xi32, #tpu.memory_space<vmem>>
          %dma_wait3A_182 = arith.constant 0 : i32
          %dma_wait3A_183 = arith.constant 0 : i32
          %dma_wait3A_184 = tpu.memref_slice %arg3[%dma_wait3A_182, %dma_wait3A_183] : memref<10240x128xf32, #tpu.memory_space<hbm>> -> memref<10240x128xf32, #tpu.memory_space<hbm>>
          tpu.wait_indirect_dma semaphore(%arg12 : memref<!tpu.dma_semaphore, #tpu.memory_space<semaphore_mem>>) src(%dma_wait3A_184 : memref<10240x128xf32, #tpu.memory_space<hbm>>) dst(%dma_wait3A_178 : memref<128x128xf32, #tpu.memory_space<vmem>>)
          %dma_start3A_185 = arith.constant 1 : i32
          %dma_start3A_186 = arith.constant 0 : i32
          %dma_start3A_187 = arith.constant 0 : i32
          %dma_start3A_188 = tpu.memref_slice %arg10[%dma_start3A_185, %dma_start3A_186, %dma_start3A_187] : memref<2x128x128xf32, #tpu.memory_space<vmem>> -> memref<1x128x128xf32, #tpu.memory_space<vmem>>
          %dma_start3A_189 = tpu.memref_squeeze %dma_start3A_188 : memref<1x128x128xf32, #tpu.memory_space<vmem>> -> memref<128x128xf32, #tpu.memory_space<vmem>>
          %dma_start3A_190 = arith.constant 0 : i32
          %dma_start3A_191 = tpu.memref_slice %arg9[%add3A_173, %dma_start3A_190] : memref<40x128xi32, #tpu.memory_space<vmem>> -> memref<1x128xi32, #tpu.memory_space<vmem>>
          %dma_start3A_192 = tpu.memref_squeeze %dma_start3A_191 : memref<1x128xi32, #tpu.memory_space<vmem>> -> memref<128xi32, #tpu.memory_space<vmem>>
          %dma_start3A_193 = arith.constant 0 : i32
          %dma_start3A_194 = arith.constant 0 : i32
          %dma_start3A_195 = tpu.memref_slice %arg11[%dma_start3A_193, %dma_start3A_194] : memref<10240x128xf32, #tpu.memory_space<vmem_shared>> -> memref<10240x128xf32, #tpu.memory_space<vmem_shared>>
          tpu.enqueue_indirect_dma source(%dma_start3A_189 : memref<128x128xf32, #tpu.memory_space<vmem>>) target(%dma_start3A_195 : memref<10240x128xf32, #tpu.memory_space<vmem_shared>>) offsets(%dma_start3A_192 : memref<128xi32, #tpu.memory_space<vmem>>) semaphore(%arg13 : memref<!tpu.dma_semaphore, #tpu.memory_space<semaphore_mem>>) {add = true}
          %scan3A_196 = arith.constant 0 : i32
          scf.yield %scan3A_196 : i32
        }
        %scan3A_101 = arith.constant 20 : i32
        %scan3A_102 = arith.constant 0 : i32
        scf.yield %scan3A_102 : i32
      }
      %scan3A_55 = arith.constant 2 : i32
      %dma_wait3A = arith.constant 0 : i32
      %dma_wait3A_56 = arith.constant 0 : i32
      %dma_wait3A_57 = arith.constant 0 : i32
      %dma_wait3A_58 = arith.constant 0 : i32
      %dma_wait3A_59 = tpu.memref_slice %arg10[%dma_wait3A, %dma_wait3A_57, %dma_wait3A_58] : memref<2x128x128xf32, #tpu.memory_space<vmem>> -> memref<1x128x128xf32, #tpu.memory_space<vmem>>
      %dma_wait3A_60 = tpu.memref_squeeze %dma_wait3A_59 : memref<1x128x128xf32, #tpu.memory_space<vmem>> -> memref<128x128xf32, #tpu.memory_space<vmem>>
      %dma_wait3A_61 = arith.constant 0 : i32
      %dma_wait3A_62 = tpu.memref_slice %arg9[%dma_wait3A_56, %dma_wait3A_61] : memref<40x128xi32, #tpu.memory_space<vmem>> -> memref<1x128xi32, #tpu.memory_space<vmem>>
      %dma_wait3A_63 = tpu.memref_squeeze %dma_wait3A_62 : memref<1x128xi32, #tpu.memory_space<vmem>> -> memref<128xi32, #tpu.memory_space<vmem>>
      %dma_wait3A_64 = arith.constant 0 : i32
      %dma_wait3A_65 = arith.constant 0 : i32
      %dma_wait3A_66 = tpu.memref_slice %arg11[%dma_wait3A_64, %dma_wait3A_65] : memref<10240x128xf32, #tpu.memory_space<vmem_shared>> -> memref<10240x128xf32, #tpu.memory_space<vmem_shared>>
      tpu.wait_indirect_dma semaphore(%arg13 : memref<!tpu.dma_semaphore, #tpu.memory_space<semaphore_mem>>) src(%dma_wait3A_60 : memref<128x128xf32, #tpu.memory_space<vmem>>) dst(%dma_wait3A_66 : memref<10240x128xf32, #tpu.memory_space<vmem_shared>>)
      %dma_wait3A_67 = arith.constant 1 : i32
      %dma_wait3A_68 = arith.constant 1 : i32
      %dma_wait3A_69 = arith.constant 0 : i32
      %dma_wait3A_70 = arith.constant 0 : i32
      %dma_wait3A_71 = tpu.memref_slice %arg10[%dma_wait3A_67, %dma_wait3A_69, %dma_wait3A_70] : memref<2x128x128xf32, #tpu.memory_space<vmem>> -> memref<1x128x128xf32, #tpu.memory_space<vmem>>
      %dma_wait3A_72 = tpu.memref_squeeze %dma_wait3A_71 : memref<1x128x128xf32, #tpu.memory_space<vmem>> -> memref<128x128xf32, #tpu.memory_space<vmem>>
      %dma_wait3A_73 = arith.constant 0 : i32
      %dma_wait3A_74 = tpu.memref_slice %arg9[%dma_wait3A_68, %dma_wait3A_73] : memref<40x128xi32, #tpu.memory_space<vmem>> -> memref<1x128xi32, #tpu.memory_space<vmem>>
      %dma_wait3A_75 = tpu.memref_squeeze %dma_wait3A_74 : memref<1x128xi32, #tpu.memory_space<vmem>> -> memref<128xi32, #tpu.memory_space<vmem>>
      %dma_wait3A_76 = arith.constant 0 : i32
      %dma_wait3A_77 = arith.constant 0 : i32
      %dma_wait3A_78 = tpu.memref_slice %arg11[%dma_wait3A_76, %dma_wait3A_77] : memref<10240x128xf32, #tpu.memory_space<vmem_shared>> -> memref<10240x128xf32, #tpu.memory_space<vmem_shared>>
      tpu.wait_indirect_dma semaphore(%arg13 : memref<!tpu.dma_semaphore, #tpu.memory_space<semaphore_mem>>) src(%dma_wait3A_72 : memref<128x128xf32, #tpu.memory_space<vmem>>) dst(%dma_wait3A_78 : memref<10240x128xf32, #tpu.memory_space<vmem_shared>>)
    } else {
    }
    %barrier3A_36 = arith.constant 0 : index
    tpu.barrier barrier_id(%barrier3A_36)
    %mul3A_37 = arith.constant 640 : i32
    %mul3A_38 = arith.muli %arg1, %mul3A_37 : i32
    %eq3A_39 = arith.constant 0 : i32
    %eq3A_40 = arith.cmpi eq, %arg0, %eq3A_39 : i32
    %convert_element_type3A_41 = arith.extui %eq3A_40 : i1 to i32
    %cond3A_42 = arith.constant 0 : i32
    %cond3A_43 = arith.cmpi ne, %convert_element_type3A_41, %cond3A_42 : i32
    scf.if %cond3A_43 {
      "tpu.region"() ({
        %run_scoped3A_49 = tpu.sem_alloc : memref<!tpu.dma_semaphore, #tpu.memory_space<semaphore_mem>>
        %dma_start3A = arith.constant 0 : i32
        %dma_start3A_50 = tpu.memref_slice %arg6[%mul3A_38, %dma_start3A] : memref<10240x128xf32, #tpu.memory_space<hbm>> -> memref<640x128xf32, #tpu.memory_space<hbm>>
        %dma_start3A_51 = arith.constant 0 : i32
        %dma_start3A_52 = tpu.memref_slice %arg11[%mul3A_38, %dma_start3A_51] : memref<10240x128xf32, #tpu.memory_space<vmem_shared>> -> memref<640x128xf32, #tpu.memory_space<vmem_shared>>
        tpu.enqueue_dma source(%dma_start3A_52 : memref<640x128xf32, #tpu.memory_space<vmem_shared>>) target(%dma_start3A_50 : memref<640x128xf32, #tpu.memory_space<hbm>>) target_semaphore(%run_scoped3A_49 : memref<!tpu.dma_semaphore, #tpu.memory_space<semaphore_mem>>)
        %dma_wait3A = arith.constant 0 : i32
        %dma_wait3A_53 = tpu.memref_slice %arg6[%mul3A_38, %dma_wait3A] : memref<10240x128xf32, #tpu.memory_space<hbm>> -> memref<640x128xf32, #tpu.memory_space<hbm>>
        %dma_wait3A_54 = arith.constant 0 : i32
        %dma_wait3A_55 = tpu.memref_slice %arg11[%mul3A_38, %dma_wait3A_54] : memref<10240x128xf32, #tpu.memory_space<vmem_shared>> -> memref<640x128xf32, #tpu.memory_space<vmem_shared>>
        tpu.wait_dma2 semaphore(%run_scoped3A_49 : memref<!tpu.dma_semaphore, #tpu.memory_space<semaphore_mem>>) src(%dma_wait3A_55 : memref<640x128xf32, #tpu.memory_space<vmem_shared>>) dst(%dma_wait3A_53 : memref<640x128xf32, #tpu.memory_space<hbm>>)
        tpu.yield
      }) : () -> ()
    } else {
    }
    %eq3A_44 = arith.constant 1 : i32
    %eq3A_45 = arith.cmpi eq, %arg0, %eq3A_44 : i32
    %convert_element_type3A_46 = arith.extui %eq3A_45 : i1 to i32
    %cond3A_47 = arith.constant 0 : i32
    %cond3A_48 = arith.cmpi ne, %convert_element_type3A_46, %cond3A_47 : i32
    scf.if %cond3A_48 {
      "tpu.region"() ({
        %run_scoped3A_49 = tpu.sem_alloc : memref<!tpu.dma_semaphore, #tpu.memory_space<semaphore_mem>>
        %dma_start3A = arith.constant 0 : i32
        %dma_start3A_50 = tpu.memref_slice %arg7[%mul3A_38, %dma_start3A] : memref<10240x128xf32, #tpu.memory_space<hbm>> -> memref<640x128xf32, #tpu.memory_space<hbm>>
        %dma_start3A_51 = arith.constant 0 : i32
        %dma_start3A_52 = tpu.memref_slice %arg11[%mul3A_38, %dma_start3A_51] : memref<10240x128xf32, #tpu.memory_space<vmem_shared>> -> memref<640x128xf32, #tpu.memory_space<vmem_shared>>
        tpu.enqueue_dma source(%dma_start3A_52 : memref<640x128xf32, #tpu.memory_space<vmem_shared>>) target(%dma_start3A_50 : memref<640x128xf32, #tpu.memory_space<hbm>>) target_semaphore(%run_scoped3A_49 : memref<!tpu.dma_semaphore, #tpu.memory_space<semaphore_mem>>)
        %dma_wait3A = arith.constant 0 : i32
        %dma_wait3A_53 = tpu.memref_slice %arg7[%mul3A_38, %dma_wait3A] : memref<10240x128xf32, #tpu.memory_space<hbm>> -> memref<640x128xf32, #tpu.memory_space<hbm>>
        %dma_wait3A_54 = arith.constant 0 : i32
        %dma_wait3A_55 = tpu.memref_slice %arg11[%mul3A_38, %dma_wait3A_54] : memref<10240x128xf32, #tpu.memory_space<vmem_shared>> -> memref<640x128xf32, #tpu.memory_space<vmem_shared>>
        tpu.wait_dma2 semaphore(%run_scoped3A_49 : memref<!tpu.dma_semaphore, #tpu.memory_space<semaphore_mem>>) src(%dma_wait3A_55 : memref<640x128xf32, #tpu.memory_space<vmem_shared>>) dst(%dma_wait3A_53 : memref<640x128xf32, #tpu.memory_space<hbm>>)
        tpu.yield
      }) : () -> ()
    } else {
    }
    return
  }
}

module attributes {stable_mosaic.version = 14 : i64} {
  func.func @_tc_layer_body(%arg0: i32, %arg1: memref<2048x128xf32, #tpu.memory_space<vmem>>, %arg2: memref<2048x128xf32, #tpu.memory_space<vmem>>, %arg3: memref<2048x128xf32, #tpu.memory_space<vmem>>, %arg4: memref<2048x128xf32, #tpu.memory_space<vmem>>, %arg5: memref<2048x128xf32, #tpu.memory_space<vmem>>, %arg6: memref<2048x128xf32, #tpu.memory_space<vmem>>, %arg7: memref<256x256xf32, #tpu.memory_space<vmem>>, %arg8: memref<256x256xf32, #tpu.memory_space<vmem>>, %arg9: memref<1x256xf32, #tpu.memory_space<vmem>>, %arg10: memref<2048x128xf32, #tpu.memory_space<vmem>>, %arg11: memref<2048x128xf32, #tpu.memory_space<vmem>>) attributes {dimension_semantics = [#tpu.dimension_semantics<arbitrary>], iteration_bounds = array<i64: 5>, scalar_prefetch = 0 : i64, scratch_operands = 0 : i64, tpu.core_type = #tpu.core_type<tc>, window_params = [{transform_indices = @transform_0, window_bounds = array<i64: 2048, 128>}, {transform_indices = @transform_1, window_bounds = array<i64: 2048, 128>}, {transform_indices = @transform_2, window_bounds = array<i64: 2048, 128>}, {transform_indices = @transform_3, window_bounds = array<i64: 2048, 128>}, {transform_indices = @transform_4, window_bounds = array<i64: 2048, 128>}, {transform_indices = @transform_5, window_bounds = array<i64: 2048, 128>}, {pipeline_mode = #tpu.pipeline_mode<synchronous>, transform_indices = @transform_6, window_bounds = array<i64: 256, 256>}, {pipeline_mode = #tpu.pipeline_mode<synchronous>, transform_indices = @transform_7, window_bounds = array<i64: 256, 256>}, {pipeline_mode = #tpu.pipeline_mode<synchronous>, transform_indices = @transform_8, window_bounds = array<i64: 1, 256>}, {transform_indices = @transform_9, window_bounds = array<i64: 2048, 128>}, {transform_indices = @transform_10, window_bounds = array<i64: 2048, 128>}]} {
    %get3A = arith.constant 0 : index
    %get3A_0 = arith.constant 0 : index
    %get3A_1 = vector.load %arg5[%get3A, %get3A_0] : memref<2048x128xf32, #tpu.memory_space<vmem>>, vector<2048x1xf32>
    %get3A_2 = arith.constant 0 : index
    %get3A_3 = arith.constant 0 : index
    %get3A_4 = vector.load %arg6[%get3A_2, %get3A_3] : memref<2048x128xf32, #tpu.memory_space<vmem>>, vector<2048x1xf32>
    %add3A = arith.addf %get3A_1, %get3A_4 : vector<2048x1xf32>
    %max3A = arith.constant 1.000000e+00 : f32
    %max3A_5 = vector.broadcast %max3A : f32 to vector<2048x1xf32>
    %max3A_6 = arith.maximumf %add3A, %max3A_5 : vector<2048x1xf32>
    %get3A_7 = arith.constant 0 : index
    %get3A_8 = arith.constant 0 : index
    %get3A_9 = vector.load %arg1[%get3A_7, %get3A_8] : memref<2048x128xf32, #tpu.memory_space<vmem>>, vector<2048x128xf32>
    %get3A_10 = arith.constant 0 : index
    %get3A_11 = arith.constant 0 : index
    %get3A_12 = vector.load %arg2[%get3A_10, %get3A_11] : memref<2048x128xf32, #tpu.memory_space<vmem>>, vector<2048x128xf32>
    %concatenate3A = tpu.concatenate %get3A_9, %get3A_12 in 1 : vector<2048x128xf32>, vector<2048x128xf32> -> vector<2048x256xf32>
    %div3A = vector.broadcast %max3A_6 : vector<2048x1xf32> to vector<2048x256xf32>
    %div3A_13 = arith.divf %concatenate3A, %div3A : vector<2048x256xf32>
    %get3A_14 = arith.constant 0 : index
    %get3A_15 = arith.constant 0 : index
    %get3A_16 = vector.load %arg3[%get3A_14, %get3A_15] : memref<2048x128xf32, #tpu.memory_space<vmem>>, vector<2048x128xf32>
    %get3A_17 = arith.constant 0 : index
    %get3A_18 = arith.constant 0 : index
    %get3A_19 = vector.load %arg4[%get3A_17, %get3A_18] : memref<2048x128xf32, #tpu.memory_space<vmem>>, vector<2048x128xf32>
    %concatenate3A_20 = tpu.concatenate %get3A_16, %get3A_19 in 1 : vector<2048x128xf32>, vector<2048x128xf32> -> vector<2048x256xf32>
    %get3A_21 = arith.constant 0 : index
    %get3A_22 = arith.constant 0 : index
    %get3A_23 = vector.load %arg7[%get3A_21, %get3A_22] : memref<256x256xf32, #tpu.memory_space<vmem>>, vector<256x256xf32>
    %dot_general3A = arith.constant dense<0.000000e+00> : vector<2048x256xf32>
    %dot_general3A_24 = tpu.matmul %div3A_13, %get3A_23, %dot_general3A {dimension_numbers = #tpu.dot_dimension_numbers<[1], [0], [0], [1], [0, 0, 1, 1], [], []>, transpose_lhs_hint = false} : vector<2048x256xf32>, vector<256x256xf32>, vector<2048x256xf32> -> vector<2048x256xf32>
    %get3A_25 = arith.constant 0 : index
    %get3A_26 = arith.constant 0 : index
    %get3A_27 = vector.load %arg8[%get3A_25, %get3A_26] : memref<256x256xf32, #tpu.memory_space<vmem>>, vector<256x256xf32>
    %dot_general3A_28 = arith.constant dense<0.000000e+00> : vector<2048x256xf32>
    %dot_general3A_29 = tpu.matmul %concatenate3A_20, %get3A_27, %dot_general3A_28 {dimension_numbers = #tpu.dot_dimension_numbers<[1], [0], [0], [1], [0, 0, 1, 1], [], []>, transpose_lhs_hint = false} : vector<2048x256xf32>, vector<256x256xf32>, vector<2048x256xf32> -> vector<2048x256xf32>
    %add3A_30 = arith.addf %dot_general3A_24, %dot_general3A_29 : vector<2048x256xf32>
    %get3A_31 = arith.constant 0 : index
    %get3A_32 = arith.constant 0 : index
    %get3A_33 = vector.load %arg9[%get3A_31, %get3A_32] : memref<1x256xf32, #tpu.memory_space<vmem>>, vector<1x256xf32>
    %add3A_34 = vector.broadcast %get3A_33 : vector<1x256xf32> to vector<2048x256xf32>
    %add3A_35 = arith.addf %add3A_30, %add3A_34 : vector<2048x256xf32>
    %max3A_36 = arith.constant 0.000000e+00 : f32
    %max3A_37 = vector.broadcast %max3A_36 : f32 to vector<2048x256xf32>
    %max3A_38 = arith.maximumf %add3A_35, %max3A_37 : vector<2048x256xf32>
    %slice3A = vector.extract_strided_slice %max3A_38 {offsets = [0, 0], sizes = [2048, 128], strides = [1, 1]} : vector<2048x256xf32> to vector<2048x128xf32>
    %swap3A = arith.constant 0 : index
    %swap3A_39 = arith.constant 0 : index
    %swap3A_40 = vector.load %arg10[%swap3A, %swap3A_39] : memref<2048x128xf32, #tpu.memory_space<vmem>>, vector<2048x128xf32>
    tpu.vector_store %arg10[%swap3A, %swap3A_39], %slice3A {strides = array<i32>} : memref<2048x128xf32, #tpu.memory_space<vmem>>, vector<2048x128xf32>,
    %slice3A_41 = vector.extract_strided_slice %max3A_38 {offsets = [0, 128], sizes = [2048, 128], strides = [1, 1]} : vector<2048x256xf32> to vector<2048x128xf32>
    %swap3A_42 = arith.constant 0 : index
    %swap3A_43 = arith.constant 0 : index
    %swap3A_44 = vector.load %arg11[%swap3A_42, %swap3A_43] : memref<2048x128xf32, #tpu.memory_space<vmem>>, vector<2048x128xf32>
    tpu.vector_store %arg11[%swap3A_42, %swap3A_43], %slice3A_41 {strides = array<i32>} : memref<2048x128xf32, #tpu.memory_space<vmem>>, vector<2048x128xf32>,
    return
  }
  func.func @transform_0(%arg0: i32) -> (i32, i32) {
    %c0_i32 = arith.constant 0 : i32
    %c0_i32_0 = arith.constant 0 : i32
    return %arg0, %c0_i32 : i32, i32
  }
  func.func @transform_1(%arg0: i32) -> (i32, i32) {
    %c0_i32 = arith.constant 0 : i32
    %c0_i32_0 = arith.constant 0 : i32
    return %arg0, %c0_i32 : i32, i32
  }
  func.func @transform_2(%arg0: i32) -> (i32, i32) {
    %c0_i32 = arith.constant 0 : i32
    %c0_i32_0 = arith.constant 0 : i32
    return %arg0, %c0_i32 : i32, i32
  }
  func.func @transform_3(%arg0: i32) -> (i32, i32) {
    %c0_i32 = arith.constant 0 : i32
    %c0_i32_0 = arith.constant 0 : i32
    return %arg0, %c0_i32 : i32, i32
  }
  func.func @transform_4(%arg0: i32) -> (i32, i32) {
    %c0_i32 = arith.constant 0 : i32
    %c0_i32_0 = arith.constant 0 : i32
    return %arg0, %c0_i32 : i32, i32
  }
  func.func @transform_5(%arg0: i32) -> (i32, i32) {
    %add3A = arith.constant 5 : i32
    %add3A_0 = arith.addi %arg0, %add3A : i32
    %c0_i32 = arith.constant 0 : i32
    %c0_i32_1 = arith.constant 0 : i32
    return %add3A_0, %c0_i32 : i32, i32
  }
  func.func @transform_6(%arg0: i32) -> (i32, i32) {
    %c0_i32 = arith.constant 0 : i32
    %c0_i32_0 = arith.constant 0 : i32
    %c0_i32_1 = arith.constant 0 : i32
    return %c0_i32, %c0_i32_0 : i32, i32
  }
  func.func @transform_7(%arg0: i32) -> (i32, i32) {
    %c0_i32 = arith.constant 0 : i32
    %c0_i32_0 = arith.constant 0 : i32
    %c0_i32_1 = arith.constant 0 : i32
    return %c0_i32, %c0_i32_0 : i32, i32
  }
  func.func @transform_8(%arg0: i32) -> (i32, i32) {
    %c0_i32 = arith.constant 0 : i32
    %c0_i32_0 = arith.constant 0 : i32
    %c0_i32_1 = arith.constant 0 : i32
    return %c0_i32, %c0_i32_0 : i32, i32
  }
  func.func @transform_9(%arg0: i32) -> (i32, i32) {
    %c0_i32 = arith.constant 0 : i32
    %c0_i32_0 = arith.constant 0 : i32
    return %arg0, %c0_i32 : i32, i32
  }
  func.func @transform_10(%arg0: i32) -> (i32, i32) {
    %c0_i32 = arith.constant 0 : i32
    %c0_i32_0 = arith.constant 0 : i32
    return %arg0, %c0_i32 : i32, i32
  }
}

module attributes {stable_mosaic.version = 14 : i64} {
  func.func @_tc_layer_body(%arg0: i32, %arg1: memref<2048x128xf32, #tpu.memory_space<vmem>>, %arg2: memref<2048x128xf32, #tpu.memory_space<vmem>>, %arg3: memref<2048x128xf32, #tpu.memory_space<vmem>>, %arg4: memref<2048x128xf32, #tpu.memory_space<vmem>>, %arg5: memref<2048x128xf32, #tpu.memory_space<vmem>>, %arg6: memref<2048x128xf32, #tpu.memory_space<vmem>>, %arg7: memref<256x256xf32, #tpu.memory_space<vmem>>, %arg8: memref<256x256xf32, #tpu.memory_space<vmem>>, %arg9: memref<1x256xf32, #tpu.memory_space<vmem>>, %arg10: memref<2048x256xf32, #tpu.memory_space<vmem>>) attributes {dimension_semantics = [#tpu.dimension_semantics<arbitrary>], iteration_bounds = array<i64: 5>, scalar_prefetch = 0 : i64, scratch_operands = 0 : i64, tpu.core_type = #tpu.core_type<tc>, window_params = [{transform_indices = @transform_0, window_bounds = array<i64: 2048, 128>}, {transform_indices = @transform_1, window_bounds = array<i64: 2048, 128>}, {transform_indices = @transform_2, window_bounds = array<i64: 2048, 128>}, {transform_indices = @transform_3, window_bounds = array<i64: 2048, 128>}, {transform_indices = @transform_4, window_bounds = array<i64: 2048, 128>}, {transform_indices = @transform_5, window_bounds = array<i64: 2048, 128>}, {pipeline_mode = #tpu.pipeline_mode<synchronous>, transform_indices = @transform_6, window_bounds = array<i64: 256, 256>}, {pipeline_mode = #tpu.pipeline_mode<synchronous>, transform_indices = @transform_7, window_bounds = array<i64: 256, 256>}, {pipeline_mode = #tpu.pipeline_mode<synchronous>, transform_indices = @transform_8, window_bounds = array<i64: 1, 256>}, {transform_indices = @transform_9, window_bounds = array<i64: 2048, 256>}]} {
    %get3A = arith.constant 0 : index
    %get3A_0 = arith.constant 0 : index
    %get3A_1 = vector.load %arg5[%get3A, %get3A_0] : memref<2048x128xf32, #tpu.memory_space<vmem>>, vector<2048x1xf32>
    %get3A_2 = arith.constant 0 : index
    %get3A_3 = arith.constant 0 : index
    %get3A_4 = vector.load %arg6[%get3A_2, %get3A_3] : memref<2048x128xf32, #tpu.memory_space<vmem>>, vector<2048x1xf32>
    %add3A = arith.addf %get3A_1, %get3A_4 : vector<2048x1xf32>
    %max3A = arith.constant 1.000000e+00 : f32
    %max3A_5 = vector.broadcast %max3A : f32 to vector<2048x1xf32>
    %max3A_6 = arith.maximumf %add3A, %max3A_5 : vector<2048x1xf32>
    %get3A_7 = arith.constant 0 : index
    %get3A_8 = arith.constant 0 : index
    %get3A_9 = vector.load %arg1[%get3A_7, %get3A_8] : memref<2048x128xf32, #tpu.memory_space<vmem>>, vector<2048x128xf32>
    %get3A_10 = arith.constant 0 : index
    %get3A_11 = arith.constant 0 : index
    %get3A_12 = vector.load %arg2[%get3A_10, %get3A_11] : memref<2048x128xf32, #tpu.memory_space<vmem>>, vector<2048x128xf32>
    %concatenate3A = tpu.concatenate %get3A_9, %get3A_12 in 1 : vector<2048x128xf32>, vector<2048x128xf32> -> vector<2048x256xf32>
    %div3A = vector.broadcast %max3A_6 : vector<2048x1xf32> to vector<2048x256xf32>
    %div3A_13 = arith.divf %concatenate3A, %div3A : vector<2048x256xf32>
    %get3A_14 = arith.constant 0 : index
    %get3A_15 = arith.constant 0 : index
    %get3A_16 = vector.load %arg3[%get3A_14, %get3A_15] : memref<2048x128xf32, #tpu.memory_space<vmem>>, vector<2048x128xf32>
    %get3A_17 = arith.constant 0 : index
    %get3A_18 = arith.constant 0 : index
    %get3A_19 = vector.load %arg4[%get3A_17, %get3A_18] : memref<2048x128xf32, #tpu.memory_space<vmem>>, vector<2048x128xf32>
    %concatenate3A_20 = tpu.concatenate %get3A_16, %get3A_19 in 1 : vector<2048x128xf32>, vector<2048x128xf32> -> vector<2048x256xf32>
    %get3A_21 = arith.constant 0 : index
    %get3A_22 = arith.constant 0 : index
    %get3A_23 = vector.load %arg7[%get3A_21, %get3A_22] : memref<256x256xf32, #tpu.memory_space<vmem>>, vector<256x256xf32>
    %dot_general3A = arith.constant dense<0.000000e+00> : vector<2048x256xf32>
    %dot_general3A_24 = tpu.matmul %div3A_13, %get3A_23, %dot_general3A {dimension_numbers = #tpu.dot_dimension_numbers<[1], [0], [0], [1], [0, 0, 1, 1], [], []>, transpose_lhs_hint = false} : vector<2048x256xf32>, vector<256x256xf32>, vector<2048x256xf32> -> vector<2048x256xf32>
    %get3A_25 = arith.constant 0 : index
    %get3A_26 = arith.constant 0 : index
    %get3A_27 = vector.load %arg8[%get3A_25, %get3A_26] : memref<256x256xf32, #tpu.memory_space<vmem>>, vector<256x256xf32>
    %dot_general3A_28 = arith.constant dense<0.000000e+00> : vector<2048x256xf32>
    %dot_general3A_29 = tpu.matmul %concatenate3A_20, %get3A_27, %dot_general3A_28 {dimension_numbers = #tpu.dot_dimension_numbers<[1], [0], [0], [1], [0, 0, 1, 1], [], []>, transpose_lhs_hint = false} : vector<2048x256xf32>, vector<256x256xf32>, vector<2048x256xf32> -> vector<2048x256xf32>
    %add3A_30 = arith.addf %dot_general3A_24, %dot_general3A_29 : vector<2048x256xf32>
    %get3A_31 = arith.constant 0 : index
    %get3A_32 = arith.constant 0 : index
    %get3A_33 = vector.load %arg9[%get3A_31, %get3A_32] : memref<1x256xf32, #tpu.memory_space<vmem>>, vector<1x256xf32>
    %add3A_34 = vector.broadcast %get3A_33 : vector<1x256xf32> to vector<2048x256xf32>
    %add3A_35 = arith.addf %add3A_30, %add3A_34 : vector<2048x256xf32>
    %swap3A = arith.constant 0 : index
    %swap3A_36 = arith.constant 0 : index
    %swap3A_37 = vector.load %arg10[%swap3A, %swap3A_36] : memref<2048x256xf32, #tpu.memory_space<vmem>>, vector<2048x256xf32>
    tpu.vector_store %arg10[%swap3A, %swap3A_36], %add3A_35 {strides = array<i32>} : memref<2048x256xf32, #tpu.memory_space<vmem>>, vector<2048x256xf32>,
    return
  }
  func.func @transform_0(%arg0: i32) -> (i32, i32) {
    %c0_i32 = arith.constant 0 : i32
    %c0_i32_0 = arith.constant 0 : i32
    return %arg0, %c0_i32 : i32, i32
  }
  func.func @transform_1(%arg0: i32) -> (i32, i32) {
    %c0_i32 = arith.constant 0 : i32
    %c0_i32_0 = arith.constant 0 : i32
    return %arg0, %c0_i32 : i32, i32
  }
  func.func @transform_2(%arg0: i32) -> (i32, i32) {
    %c0_i32 = arith.constant 0 : i32
    %c0_i32_0 = arith.constant 0 : i32
    return %arg0, %c0_i32 : i32, i32
  }
  func.func @transform_3(%arg0: i32) -> (i32, i32) {
    %c0_i32 = arith.constant 0 : i32
    %c0_i32_0 = arith.constant 0 : i32
    return %arg0, %c0_i32 : i32, i32
  }
  func.func @transform_4(%arg0: i32) -> (i32, i32) {
    %c0_i32 = arith.constant 0 : i32
    %c0_i32_0 = arith.constant 0 : i32
    return %arg0, %c0_i32 : i32, i32
  }
  func.func @transform_5(%arg0: i32) -> (i32, i32) {
    %add3A = arith.constant 5 : i32
    %add3A_0 = arith.addi %arg0, %add3A : i32
    %c0_i32 = arith.constant 0 : i32
    %c0_i32_1 = arith.constant 0 : i32
    return %add3A_0, %c0_i32 : i32, i32
  }
  func.func @transform_6(%arg0: i32) -> (i32, i32) {
    %c0_i32 = arith.constant 0 : i32
    %c0_i32_0 = arith.constant 0 : i32
    %c0_i32_1 = arith.constant 0 : i32
    return %c0_i32, %c0_i32_0 : i32, i32
  }
  func.func @transform_7(%arg0: i32) -> (i32, i32) {
    %c0_i32 = arith.constant 0 : i32
    %c0_i32_0 = arith.constant 0 : i32
    %c0_i32_1 = arith.constant 0 : i32
    return %c0_i32, %c0_i32_0 : i32, i32
  }
  func.func @transform_8(%arg0: i32) -> (i32, i32) {
    %c0_i32 = arith.constant 0 : i32
    %c0_i32_0 = arith.constant 0 : i32
    %c0_i32_1 = arith.constant 0 : i32
    return %c0_i32, %c0_i32_0 : i32, i32
  }
  func.func @transform_9(%arg0: i32) -> (i32, i32) {
    %c0_i32 = arith.constant 0 : i32
    %c0_i32_0 = arith.constant 0 : i32
    return %arg0, %c0_i32 : i32, i32
  }
}

</mosaic_0001>

<sc_bundles>
// kernel: kernel.12.cloned.1.call-start
scs
__scs_entry_jumppad:
0x0: {  	(pc) =	sbr.rel $0x88, $3  }
0x1: {  	(tag) =	ssettag $0x0;
	lr =	simm.s32 $0x1  }
0x2: {  	[smem:$0x3F96] =	sst lr;
	_ =	strace $0xD0000000  }
0x3: {  	_ = 	snop  }
0x4: {  	_ = 	snop  }
0x5: {  	_ = 	snop  }
0x6: {  	_ = 	snop  }
0x7: {  	_ = 	snop  }
__scs_overlays_trampoline_lowered:
0x8: {  	[smem:$0x3FA5] =	sst s0  }
0x9: {  	[smem:$0x3FA6] =	sst s1  }
0xa: {  	[smem:$0x3FA7] =	sst s2  }
0xb: {  	[smem:$0x3FA8] =	sst s3  }
0xc: {  	[smem:$0x3FA9] =	sst s4  }
0xd: {  	[smem:$0x3FAA] =	sst s5  }
0xe: {  	[smem:$0x3FAB] =	sst s6  }
0xf: {  	[smem:$0x3FAC] =	sst s7  }
0x10: {  	[smem:$0x3FAD] =	sst s8  }
0x11: {  	[smem:$0x3FAE] =	sst s9;
	s0 =	simm.s32 @!p0 $0x0  }
0x12: {  	s1 =	sld [smem:$0x3F94];
	s0 =	simm.s32 @p0 $0x1  }
0x13: {  	[smem:$0x3FAF] =	sst s0;
	s0 =	simm.s32 @!p1 $0x0  }
0x14: {  	s2 =	sld [smem:$0x3F93];
	s0 =	simm.s32 @p1 $0x1  }
0x15: {  	[smem:$0x3FB0] =	sst s0;
	s0 =	simm.s32 @!p2 $0x0  }
0x16: {  	s3 =	sld [smem:$0x3FDB];
	s0 =	simm.s32 @p2 $0x1  }
0x17: {  	s4 =	simm.s32 $0x1BF5;
	[smem:$0x3FB2] =	sst s0  }
0x18: {  	s0 =	sld [smem:$0x3F95];
	_ =	swait.ge [sflag:s4], $0x0  }
0x19: {  	s7 =	sld [smem:$0x3F96]  }
0x1a: {  	s8 =	sadd.s32 $0xFFFFE003, lr  }
0x1b: {  	s9 =	sadd.s32 $0xFFFFFEF7, lr;
	s5 =	simm.s32 $0xFFFFFFFF;
	p2 =	slt.u32 s8, $0xFFFFF086  }
0x1c: {  	p1 =	slt.u32 s9, $0xF7A;
	s5 =	simm.s32 @!p2 $0x0  }
0x1d: {  	s5 =	simm.s32 @p1 $0x1;
	p0 =	seq.s32 s7, s2  }
0x1e: {  	s7 =	smul.u32 @!p0 $0xF7A, s2;
	p2 =	seq.s32 @!p0 s5, $0x0  }
0x1f: {  	s9 =	smul.u32 $0xF7A, s1;
	s8 =	simm.s32 @!p0 $0x1BF5;
	p2 =	por !p2, p0  }
0x20: {  	[sflag:s8] =	ssyncset.s32 @!p0 $0xFFFFF086;
	s6 =	sadd.s32 @!p0 s3, s7;
	s7 =	simm.s32 @!p0 $0x108  }
0x21: {  	s3 =	sadd.s32 s3, s9;
	s6 =	sadd.s32 @!p0 $0x88, s6;
	s7 =	simm.s32 @p2 $0x1082  }
0x22: {  	[simem:s7], [sflag:s8] =	dma.local @!p0 [hbm:s6], $0xF7A  }
0x23: {  	s9 =	sor.u32 $0xD0000000, s2;
	s6 =	simm.s32 $0x108;
	_ =	swait.ge @!p0 [sflag:s8], $0x0  }
0x24: {  	s3 =	sadd.s32 $0x88, s3;
	s6 =	simm.s32 @!p1 $0x1082;
	[sflag:s4] =	ssyncset.s32 $0xFFFFF086  }
0x25: {  	[simem:s6], [sflag:s4] =	dma.local [hbm:s3], $0xF7A  }
0x26: {  	[smem:$0x3F96] =	sst s1;
	(tag) =	ssettag s2;
	_ =	strace s9  }
0x27: {  	s1 =	sld [smem:$0x3FA6]  }
0x28: {  	s2 =	sld [smem:$0x3FA7]  }
0x29: {  	s4 =	sld [smem:$0x3FA9]  }
0x2a: {  	p0 =	seq.s32 s5, $0x0;
	s5 =	sld [smem:$0x3FAA]  }
0x2b: {  	s6 =	sld [smem:$0x3FAB]  }
0x2c: {  	s7 =	sld [smem:$0x3FAC]  }
0x2d: {  	s3 =	simm.s32 $0x108;
	s8 =	sld [smem:$0x3FAD]  }
0x2e: {  	s3 =	simm.s32 @!p0 $0x1082;
	s9 =	sld [smem:$0x3FAE]  }
0x2f: {  	lr =	sadd.s32 s0, s3;
	s0 =	sld [smem:$0x3FA5]  }
0x30: {  	s3 =	sld [smem:$0x3FA8]  }
0x31: {  	[smem:$0x3FB1] =	sst s10  }
0x32: {  	s10 =	sld [smem:$0x3FAF];
	_ =	sdelay $0x3  }
0x33: {  	p0 =	seq.s32 s10, $0x1;
	s10 =	sld [smem:$0x3FB1];
	_ =	sdelay $0x3  }
0x34: {  	[smem:$0x3FB1] =	sst s10  }
0x35: {  	s10 =	sld [smem:$0x3FB0];
	_ =	sdelay $0x3  }
0x36: {  	p1 =	seq.s32 s10, $0x1;
	s10 =	sld [smem:$0x3FB1];
	_ =	sdelay $0x3  }
0x37: {  	[smem:$0x3FB1] =	sst s10  }
0x38: {  	s10 =	sld [smem:$0x3FB2]  }
0x39: {  	_ = 	snop;
	(pc) =	sbr.ind lr, $3  }
0x3a: {  	_ = 	snop  }
0x3b: {  	_ = 	snop  }
0x3c: {  	p2 =	seq.s32 s10, $0x1;
	s10 =	sld [smem:$0x3FB1]  }
0x3d: {  	_ =	shalt  }
0x3e: {  	_ =	shalt  }
0x3f: {  	_ =	shalt  }
0x40: {  	_ =	shalt  }
0x41: {  	_ =	shalt  }
0x42: {  	_ =	shalt  }
0x43: {  	_ =	shalt  }
0x44: {  	_ =	shalt  }
0x45: {  	_ =	shalt  }
0x46: {  	_ =	shalt  }
0x47: {  	_ =	shalt  }
0x48: {  	_ =	shalt  }
0x49: {  	_ =	shalt  }
0x4a: {  	_ =	shalt  }
0x4b: {  	_ =	shalt  }
0x4c: {  	_ =	shalt  }
0x4d: {  	_ =	shalt  }
0x4e: {  	_ =	shalt  }
0x4f: {  	_ =	shalt  }
0x50: {  	_ =	shalt  }
0x51: {  	_ =	shalt  }
0x52: {  	_ =	shalt  }
0x53: {  	_ =	shalt  }
0x54: {  	_ =	shalt  }
0x55: {  	_ =	shalt  }
0x56: {  	_ =	shalt  }
0x57: {  	_ =	shalt  }
0x58: {  	_ =	shalt  }
0x59: {  	_ =	shalt  }
0x5a: {  	_ =	shalt  }
0x5b: {  	_ =	shalt  }
0x5c: {  	_ =	shalt  }
0x5d: {  	_ =	shalt  }
0x5e: {  	_ =	shalt  }
0x5f: {  	_ =	shalt  }
0x60: {  	_ =	shalt  }
0x61: {  	_ =	shalt  }
0x62: {  	_ =	shalt  }
0x63: {  	_ =	shalt  }
0x64: {  	_ =	shalt  }
0x65: {  	_ =	shalt  }
0x66: {  	_ =	shalt  }
0x67: {  	_ =	shalt  }
0x68: {  	_ =	shalt  }
0x69: {  	_ =	shalt  }
0x6a: {  	_ =	shalt  }
0x6b: {  	_ =	shalt  }
0x6c: {  	_ =	shalt  }
0x6d: {  	_ =	shalt  }
0x6e: {  	_ =	shalt  }
0x6f: {  	_ =	shalt  }
0x70: {  	_ =	shalt  }
0x71: {  	_ =	shalt  }
0x72: {  	_ =	shalt  }
0x73: {  	_ =	shalt  }
0x74: {  	_ =	shalt  }
0x75: {  	_ =	shalt  }
0x76: {  	_ =	shalt  }
0x77: {  	_ =	shalt  }
0x78: {  	_ =	shalt  }
0x79: {  	_ =	shalt  }
0x7a: {  	_ =	shalt  }
0x7b: {  	_ =	shalt  }
0x7c: {  	_ =	shalt  }
0x7d: {  	_ =	shalt  }
0x7e: {  	_ =	shalt  }
0x7f: {  	_ =	shalt  }
0x80: {  	_ =	shalt  }
0x81: {  	_ =	shalt  }
0x82: {  	_ =	shalt  }
0x83: {  	_ =	shalt  }
0x84: {  	_ =	shalt  }
0x85: {  	_ =	shalt  }
0x86: {  	_ =	shalt  }
0x87: {  	_ =	shalt  }
.Lfunc_end0:
.L_simem_size_0:
called_computation.1_lowered:
.L_overlay_start_0:
0x88: {  	s2 =	sld [smem:$0x3FD9]  }
0x89: {  	s3 =	sld [smem:$0x3FFE];
	_ =	sdelay $0x1  }
0x8a: {  	s1 =	srdreg.scid  }
0x8b: {  	s0 =	sand.u32 $0x1, s1  }
0x8c: {  	s17 =	sshll.u32 s0, $0xA;
	s2 =	sadd.s32 s3, s2  }
0x8d: {  	s2 =	sadd.s32 s2, s17  }
0x8e: {  	[smem:$0x3FBD] =	sst s2  }
0x8f: {  	_ = 	snop  }
0x90: {  	s18 =	sld [smem:$0x3FD0];
	(tm) =	ssettm $0x1  }
0x91: {  	s19 =	sld [smem:$0x3FFB];
	_ =	sdelay $0x3  }
0x92: {  	_ =	strace s19  }
0x93: {  	s2 =	sld [smem:$0x3FFC];
	_ =	sdelay $0x3  }
0x94: {  	_ =	strace s2  }
0x95: {  	s2 =	sld [smem:$0x3FFD];
	_ =	sdelay $0x3  }
0x96: {  	_ =	strace s2  }
0x97: {  	_ =	strace $0x8FFFFFFF  }
0x98: {  	s20 =	sld [smem:$0x3FDB];
	_ =	sdelay $0x1  }
0x99: {  	s4 =	simm.s32 $_scs_section_size  }
0x9a: {  	s5 =	simm.s32 $_size__tile_overlayer_lowered;
	s6 =	simm.s32 $_tile_overlayer_lowered  }
0x9b: {  	s7 =	simm.s32 $0x1BFF;
	s21 =	sshll.u32 s6, $0x1;
	s4 =	sadd.s32 s4, s20  }
0x9c: {  	s22 =	simm.s32 $0x0;
	s5 =	sshll.u32 s5, $0x1;
	s6 =	sadd.s32 s21, s4  }
0x9d: {  	[timem:s22], [sflag:s7] =	dma.local [hbm:s6], s5  }
0x9e: {  	_ =	swait.ge [sflag:s7], s5  }
0x9f: {  	s5 =	ssub.s32 $0x0, s5;
	[sflag:s7] =	ssyncset.done $0x0  }
0xa0: {  	[sflag:s7] =	ssyncadd.s32 s5;
	_ =	sdelay $0x1  }
0xa1: {  	s23 =	simm.s32 $0x1B8B  }
0xa2: {  	_ =	swait.ge [sflag:s23], $0x1  }
0xa3: {  	[sflag:s23] =	ssyncset.done $0x0  }
0xa4: {  	[sflag:s23] =	ssyncadd.s32 $0xFFFFFFFF  }
0xa5: {  	s5 =	sld [smem:$0x0]  }
0xa6: {  	s6 =	sand.u32 $0xFFFFFFFE, s1  }
0xa7: {  	p0 =	sne.s32 s1, s6  }
0xa8: {  	s6 =	sshll.u32 @p0 s6, $0xE  }
0xa9: {  	s6 =	sadd.s32 @p0 $0x11B8D, s6;
	s7 =	sshll.u32 @p0 s5, $0x11  }
0xaa: {  	s6 =	sor.u32 @p0 s7, s6  }
0xab: {  	[sflag:s6] =	ssyncadd.remote.s32 @p0 $0x1;
	_ =	sdelay $0x1  }
0xac: {  	s6 =	simm.s32 @p0 $0x1B8D  }
0xad: {  	_ =	swait.eq @p0 [sflag:s6], $0x1  }
0xae: {  	[sflag:s6] =	ssyncadd.s32 @p0 $0xFFFFFFFF  }
0xaf: {  	s7 =	sshll.u32 @!p0 s1, $0xE  }
0xb0: {  	s7 =	sor.u32 @!p0 $0x4000, s7;
	s6 =	simm.s32 @!p0 $0x1B8D  }
0xb1: {  	s5 =	sshll.u32 @!p0 s5, $0x11;
	s7 =	sadd.s32 @!p0 $0x11B8D, s7;
	_ =	swait.eq @!p0 [sflag:s6], $0x1  }
0xb2: {  	s5 =	sor.u32 @!p0 s5, s7;
	[sflag:s6] =	ssyncadd.s32 @!p0 $0xFFFFFFFF  }
0xb3: {  	s25 =	simm.s32 $0x1B8E;
	s24 =	sld [smem:$0x3FFE];
	[sflag:s5] =	ssyncadd.remote.s32 @!p0 $0x1  }
0xb4: {  	s26 =	simm.s32 $execute0_lowered;
	[smem:$0x3FD2] =	sst s25  }
0xb5: {  	s6 =	sshll.u32 s26, $0x1;
	_ =	strace $0x80000049;
	[dreg:$0x1] =	wrdreg $0xFFFFFFFF  }
0xb6: {  	s28 =	simm.s32 $_size_execute0_lowered;
	s4 =	sadd.s32 s4, s6;
	[dreg:$0x0] =	wrdreg $0x0  }
0xb7: {  	s6 =	sshll.u32 s28, $0x1;
	[dreg:$0x2] =	wrdreg s4  }
0xb8: {  	[dreg:$0x3] =	wrdreg s6  }
0xb9: {  	[dreg:$0x4] =	wrdreg $0xC0  }
0xba: {  	_ =	task [dreg:s22], $0x5FFFF  }
0xbb: {  	[dreg:$0x1] =	wrdreg $0xFFFFFFFF  }
0xbc: {  	[dreg:$0x0] =	wrdreg $0x60  }
0xbd: {  	[dreg:$0x2] =	wrdreg s24  }
0xbe: {  	[dreg:$0x3] =	wrdreg s18  }
0xbf: {  	[dreg:$0x4] =	wrdreg $0xA8000  }
0xc0: {  	[dreg:$0x5] =	wrdreg $0xA  }
0xc1: {  	_ =	task.clear_ibuf [dreg:s22], $0x6FFFF;
	_ =	strace $0x90000049  }
0xc2: {  	s29 =	simm.s32 $0xA;
	_ =	strace $0x8000004B  }
0xc3: {  	_ =	swait.ge [sflag:s29], $0x1  }
0xc4: {  	[sflag:s29] =	ssyncadd.s32 $0xFFFFFFFF  }
0xc5: {  	_ =	strace $0x9000004B  }
0xc6: {  	_ =	sfence  }
0xc7: {  	s30 =	sld [smem:$0x0];
	_ =	sdelay $0x2  }
0xc8: {  	s31 =	sshll.u32 s1, $0xD;
	s1 =	sshrl.u32 s1, $0x2  }
0xc9: {  	s4 =	sand.u32 $0x4000, s31;
	s1 =	sadd.s32 s1, s30  }
0xca: {  	s0 =	sor.u32 s4, s0;
	s1 =	sshll.u32 s1, $0x11  }
0xcb: {  	s0 =	sor.u32 s1, s0  }
0xcc: {  	s0 =	sadd.s32 $0x8F2B, s0  }
0xcd: {  	[sflag:s0] =	ssyncadd.remote.s32 $0x1  }
0xce: {  	_ =	sfence.sel $0xFFFF  }
0xcf: {  	[dreg:$0x0] =	wrdreg $0xFFFFFFFF;
	(pc) =	sbr.abs _section_cstart, $3  }
0xd0: {  	[dreg:$0x1] =	wrdreg $0xFFFFFFFF  }
0xd1: {  	_ =	task.clear_ibuf [dreg:s22], $0x2FFFF;
	_ =	strace $0x9FFFFFFF  }
0xd2: {  	(tm) =	ssettm $0x7FFFFFFF  }
0xd3: {  	_ =	shalt  }
tec
execute0_lowered:
.L_overlay_start_1:
0x0: {  	(tag) =	ssettag $0x1  }
0x1: {  	s8 =	rddreg [dreg:$0x0]  }
0x2: {  	s1 =	rddreg [dreg:$0x1]  }
0x3: {  	s3 =	rddreg [dreg:$0x2]  }
0x4: {  	s0 =	rddreg [dreg:$0x3];
	s4 =	simm.s32 $0x0  }
0x5: {  	s2 =	stileid.u32;
	s6 =	srdreg.scid;
	s21 =	simm.s32 $0x1400  }
0x6: {  	s22 =	simm.s32 $0x80;
	s23 =	simm.s32 $0x6800;
	s24 =	simm.s32 $0x1  }
0x7: {  	s25 =	simm.s32 $0x1480;
	s26 =	simm.s32 $0x2;
	s28 =	simm.s32 $0x0  }
0x8: {  	[smem:$0x7FF] =	sst s4;
	s7 =	smul.u32 $0x50000, s2;
	s5 =	sadd.s32 $0x5F200, s8  }
0x9: {  	s17 =	sadd.s32 $0xA200, s8;
	s19 =	sand.u32 $0x1, s6;
	s18 =	sadd.s32 $0x5200, s8  }
0xa: {  	s6 =	sadd.s32 $0x87200, s8;
	s8 =	sadd.s32 $0xAF200, s8;
	s20 =	smul.u32 $0x500, s2  }
0xb: {  	s13 =	smul.u32 $0x2800, s2;
	_ =	strace $0x8000004A;
	s9 =	ssub.s32 $0x2, s19  }
0xc: {  	p0 =	sne.s32 s19, $0x0;
	s19 =	simm.s32 $0x2800;
	s7 =	sshrl.u32 s7, $0x2  }
.Ltmp0:
0xd: {  	s10 =	sshrl.u32 s9, $0x1;
	s15 =	sadd.s32 s17, s20;
	(pc) =	sbr.rel .LBB2_1-.Ltmp0, $4  }
0xe: {  	s16 =	sadd.s32 s18, s20;
	s20 =	sadd.s32 $0x280, s20;
	s7 =	sadd.s32 s7, s3  }
0xf: {  	s14 =	ssub.s32 s9, s10;
	s17 =	sadd.s32 s17, s20;
	s18 =	sadd.s32 s18, s20  }
0x10: {  	s20 =	simm.s32 $0x3;
	s9 =	sadd.s32 $0x4000, s7;
	s10 =	sadd.s32 $0x8000, s7  }
0x11: {  	v0 =	vimm.f32 $0.0e+00;
	s11 =	sadd.s32 $0xC000, s7;
	s12 =	sadd.s32 $0x10000, s7;
	s14 =	smax.u32 s14, $0x1  }
.LBB2_13:
0x12: {  	[spmem:s3] =	stream.indirect.scatter.add.f32 [tilespmem:s23], [sflag:$0x2], $0x80, s30, s22, $0xb8;
	[tilespmem:$0x1E800] =	vst v63  }
0x13: {  	s29 =	smov.u32 s8  }
.LBB2_14:
0x14: {  	_ =	swait.ge [sflag:s26], $0x4000  }
0x15: {  	[sflag:s26] =	ssyncset.done $0x0  }
0x16: {  	[sflag:s26] =	ssyncadd.s32 $0xFFFFC000  }
0x17: {  	s29 =	sadd.s32 s29, s13;
	_ =	swait.ge [sflag:s26], $0x4000  }
0x18: {  	s30 =	sshll.u32 s2, $0x6;
	s28 =	sadd.s32 $0x1, s28;
	[sflag:s26] =	ssyncset.done $0x0  }
0x19: {  	s31 =	sshrl.u32 s7, $0x3;
	p1 =	sne.s32 s28, s14;
	[sflag:s26] =	ssyncadd.s32 $0xFFFFC000  }
.Ltmp1:
0x1a: {  	s30 =	sor.u32 $0x1C03, s30;
	[bflag:$0x0] =	sbarrier.arrive $0xFFFF;
	(pc) =	sbr.rel @!p1 .LBB2_15-.Ltmp1, $4  }
0x1b: {  	[hbm:s29], [sflag:s30] =	dma.local [spmem:s31], $0x2800  }
0x1c: {  	_ =	swait.ge [sflag:s20], $0x2800  }
0x1d: {  	[sflag:s20] =	ssyncset.done $0x0  }
0x1e: {  	[sflag:s20] =	ssyncadd.s32 $0xFFFFD800  }
.LBB2_1:
0x1f: {  	s29 =	simm.s32 $0x0;
	s30 =	simm.s32 $0x200  }
.LBB2_2:
0x20: {  	p1 =	sne.s32 s30, $0xFE00;
	[tilespmem:s29+$0x2870] =	vst v0  }
0x21: {  	[tilespmem:s29+$0x2800] =	vst v0  }
0x22: {  	[tilespmem:s29+$0x2810] =	vst v0  }
.Ltmp2:
0x23: {  	[tilespmem:s29+$0x2820] =	vst v0;
	(pc) =	sbr.rel @p1 .LBB2_2-.Ltmp2, $4  }
0x24: {  	[tilespmem:s29+$0x2830] =	vst v0  }
0x25: {  	[tilespmem:s29+$0x2840] =	vst v0  }
0x26: {  	[tilespmem:s29+$0x2850] =	vst v0  }
0x27: {  	[tilespmem:s29+$0x2860] =	vst v0;
	s29 =	sshra.s32 s30, $0x2;
	s30 =	sadd.s32 $0x200, s30  }
0x28: {  	[tilespmem:s29+$0x2870] =	vst v0  }
0x29: {  	[tilespmem:s29+$0x2800] =	vst v0  }
0x2a: {  	[tilespmem:s29+$0x2810] =	vst v0  }
0x2b: {  	[tilespmem:s29+$0x2820] =	vst v0  }
0x2c: {  	[tilespmem:s29+$0x2830] =	vst v0  }
0x2d: {  	[tilespmem:s29+$0x2840] =	vst v0  }
0x2e: {  	[tilespmem:s29+$0x2850] =	vst v0  }
0x2f: {  	[tilespmem:s29+$0x2860] =	vst v0  }
0x30: {  	[spmem:s7] =	stream.linear.scatter [tilespmem:s19], [sflag:$0x3], $0x4000, $0x38;
	[tilespmem:$0x1E800] =	vst v63  }
0x31: {  	_ =	swait.ge [sflag:s20], $0x4000  }
0x32: {  	[sflag:s20] =	ssyncset.done $0x0  }
0x33: {  	[sflag:s20] =	ssyncadd.s32 $0xFFFFC000  }
0x34: {  	[spmem:s9] =	stream.linear.scatter [tilespmem:s19], [sflag:$0x3], $0x4000, $0x38;
	[tilespmem:$0x1E800] =	vst v63  }
0x35: {  	_ =	swait.ge [sflag:s20], $0x4000  }
0x36: {  	[sflag:s20] =	ssyncset.done $0x0  }
0x37: {  	[sflag:s20] =	ssyncadd.s32 $0xFFFFC000  }
0x38: {  	[spmem:s10] =	stream.linear.scatter [tilespmem:s19], [sflag:$0x3], $0x4000, $0x38;
	[tilespmem:$0x1E800] =	vst v63  }
0x39: {  	_ =	swait.ge [sflag:s20], $0x4000  }
0x3a: {  	[sflag:s20] =	ssyncset.done $0x0  }
0x3b: {  	[sflag:s20] =	ssyncadd.s32 $0xFFFFC000  }
0x3c: {  	[spmem:s11] =	stream.linear.scatter [tilespmem:s19], [sflag:$0x3], $0x4000, $0x38;
	[tilespmem:$0x1E800] =	vst v63  }
0x3d: {  	_ =	swait.ge [sflag:s20], $0x4000  }
0x3e: {  	[sflag:s20] =	ssyncset.done $0x0  }
0x3f: {  	[sflag:s20] =	ssyncadd.s32 $0xFFFFC000  }
0x40: {  	[spmem:s12] =	stream.linear.scatter [tilespmem:s19], [sflag:$0x3], $0x4000, $0x38;
	[tilespmem:$0x1E800] =	vst v63  }
.Ltmp3:
0x41: {  	_ =	swait.ge [sflag:s20], $0x4000;
	(pc) =	sbr.rel @p0 .LBB2_9-.Ltmp3, $3  }
0x42: {  	[sflag:s20] =	ssyncset.done $0x0  }
0x43: {  	[sflag:s20] =	ssyncadd.s32 $0xFFFFC000  }
0x44: {  	[bflag:$0x0] =	sbarrier.arrive $0xFFFF;
	_ =	sdelay $0x1  }
0x45: {  	[tilespmem:s4], [sflag:$0x3] =	stream.linear.gather [hbm4b:s15+s4], $0x1400, $0x38;
	[tilespmem:$0x1E800] =	vst v63  }
0x46: {  	_ =	swait.ge [sflag:s20], $0x1400  }
0x47: {  	[sflag:s20] =	ssyncset.done $0x0  }
0x48: {  	[sflag:s20] =	ssyncadd.s32 $0xFFFFEC00  }
0x49: {  	[tilespmem:s21], [sflag:$0x3] =	stream.linear.gather [hbm4b:s16+s4], $0x1400, $0x38;
	[tilespmem:$0x1E800] =	vst v63  }
0x4a: {  	_ =	swait.ge [sflag:s20], $0x1400  }
0x4b: {  	[sflag:s20] =	ssyncset.done $0x0  }
0x4c: {  	[sflag:s20] =	ssyncadd.s32 $0xFFFFEC00  }
0x4d: {  	[tilespmem:s19], [sflag:$0x1] =	stream.indirect.gather [hbm4b:s5+s22], $0x80, s4, s22, $0xb8;
	[tilespmem:$0x1E800] =	vst v63  }
0x4e: {  	_ = 	snop  }
0x4f: {  	[tilespmem:s23], [sflag:$0x1] =	stream.indirect.gather [hbm4b:s5+s22], $0x80, s22, s22, $0xb8;
	[tilespmem:$0x1E800] =	vst v63  }
0x50: {  	_ =	swait.ge [sflag:s24], $0x4000  }
0x51: {  	[sflag:s24] =	ssyncset.done $0x0  }
0x52: {  	[sflag:s24] =	ssyncadd.s32 $0xFFFFC000  }
0x53: {  	[spmem:s3] =	stream.indirect.scatter.add.f32 [tilespmem:s19], [sflag:$0x2], $0x80, s21, s22, $0xb8;
	[tilespmem:$0x1E800] =	vst v63  }
0x54: {  	_ =	swait.ge [sflag:s24], $0x4000  }
0x55: {  	[sflag:s24] =	ssyncset.done $0x0  }
0x56: {  	[sflag:s24] =	ssyncadd.s32 $0xFFFFC000  }
0x57: {  	[spmem:s3] =	stream.indirect.scatter.add.f32 [tilespmem:s23], [sflag:$0x2], $0x80, s25, s22, $0xb8;
	[tilespmem:$0x1E800] =	vst v63  }
0x58: {  	_ =	swait.ge [sflag:s26], $0x4000  }
0x59: {  	[sflag:s26] =	ssyncset.done $0x0  }
0x5a: {  	s29 =	simm.s32 $0x100;
	[sflag:s26] =	ssyncadd.s32 $0xFFFFC000  }
0x5b: {  	[tilespmem:s19], [sflag:$0x1] =	stream.indirect.gather [hbm4b:s5+s22], $0x80, s29, s22, $0xb8;
	[tilespmem:$0x1E800] =	vst v63  }
0x5c: {  	_ =	swait.ge [sflag:s26], $0x4000  }
0x5d: {  	[sflag:s26] =	ssyncset.done $0x0  }
0x5e: {  	s29 =	simm.s32 $0x180;
	[sflag:s26] =	ssyncadd.s32 $0xFFFFC000  }
0x5f: {  	[tilespmem:s23], [sflag:$0x1] =	stream.indirect.gather [hbm4b:s5+s22], $0x80, s29, s22, $0xb8;
	[tilespmem:$0x1E800] =	vst v63  }
0x60: {  	_ =	swait.ge [sflag:s24], $0x4000  }
0x61: {  	[sflag:s24] =	ssyncset.done $0x0  }
0x62: {  	s29 =	simm.s32 $0x1500;
	[sflag:s24] =	ssyncadd.s32 $0xFFFFC000  }
0x63: {  	[spmem:s3] =	stream.indirect.scatter.add.f32 [tilespmem:s19], [sflag:$0x2], $0x80, s29, s22, $0xb8;
	[tilespmem:$0x1E800] =	vst v63  }
0x64: {  	_ =	swait.ge [sflag:s24], $0x4000  }
0x65: {  	[sflag:s24] =	ssyncset.done $0x0  }
0x66: {  	s30 =	simm.s32 $0x1580;
	s29 =	simm.s32 $0xFFFFB800;
	[sflag:s24] =	ssyncadd.s32 $0xFFFFC000  }
.LBB2_5:
0x67: {  	[spmem:s3] =	stream.indirect.scatter.add.f32 [tilespmem:s23], [sflag:$0x2], $0x80, s30, s22, $0xb8;
	[tilespmem:$0x1E800] =	vst v63  }
0x68: {  	s30 =	smov.u32 s29  }
0x69: {  	p1 =	sne.s32 s29, $0xFFFFFC00;
	s29 =	sadd.s32 $0x400, s29;
	_ =	swait.ge [sflag:s26], $0x4000  }
0x6a: {  	s30 =	sshra.s32 s30, $0x2;
	[sflag:s26] =	ssyncset.done $0x0  }
0x6b: {  	s31 =	sadd.s32 $0x1400, s30;
	[sflag:s26] =	ssyncadd.s32 $0xFFFFC000  }
0x6c: {  	[tilespmem:s19], [sflag:$0x1] =	stream.indirect.gather [hbm4b:s5+s22], $0x80, s31, s22, $0xb8;
	[tilespmem:$0x1E800] =	vst v63  }
0x6d: {  	_ =	swait.ge [sflag:s26], $0x4000  }
0x6e: {  	[sflag:s26] =	ssyncset.done $0x0  }
0x6f: {  	s31 =	sadd.s32 $0x1480, s30;
	[sflag:s26] =	ssyncadd.s32 $0xFFFFC000  }
0x70: {  	[tilespmem:s23], [sflag:$0x1] =	stream.indirect.gather [hbm4b:s5+s22], $0x80, s31, s22, $0xb8;
	[tilespmem:$0x1E800] =	vst v63  }
0x71: {  	_ =	swait.ge [sflag:s24], $0x4000  }
0x72: {  	[sflag:s24] =	ssyncset.done $0x0  }
.Ltmp4:
0x73: {  	s31 =	sadd.s32 $0x2800, s30;
	[sflag:s24] =	ssyncadd.s32 $0xFFFFC000;
	(pc) =	sbr.rel @p1 .LBB2_5-.Ltmp4, $4  }
0x74: {  	[spmem:s3] =	stream.indirect.scatter.add.f32 [tilespmem:s19], [sflag:$0x2], $0x80, s31, s22, $0xb8;
	[tilespmem:$0x1E800] =	vst v63  }
0x75: {  	_ =	swait.ge [sflag:s24], $0x4000  }
0x76: {  	[sflag:s24] =	ssyncset.done $0x0  }
0x77: {  	s30 =	sadd.s32 $0x2880, s30;
	[sflag:s24] =	ssyncadd.s32 $0xFFFFC000  }
0x78: {  	[spmem:s3] =	stream.indirect.scatter.add.f32 [tilespmem:s23], [sflag:$0x2], $0x80, s30, s22, $0xb8;
	[tilespmem:$0x1E800] =	vst v63  }
0x79: {  	_ =	swait.ge [sflag:s26], $0x4000  }
0x7a: {  	[sflag:s26] =	ssyncset.done $0x0  }
0x7b: {  	[sflag:s26] =	ssyncadd.s32 $0xFFFFC000  }
0x7c: {  	_ =	swait.ge [sflag:s26], $0x4000  }
0x7d: {  	[sflag:s26] =	ssyncset.done $0x0  }
0x7e: {  	[sflag:s26] =	ssyncadd.s32 $0xFFFFC000  }
0x7f: {  	[tilespmem:s4], [sflag:$0x3] =	stream.linear.gather [hbm4b:s17+s4], $0x1400, $0x38;
	[tilespmem:$0x1E800] =	vst v63  }
0x80: {  	_ =	swait.ge [sflag:s20], $0x1400  }
0x81: {  	[sflag:s20] =	ssyncset.done $0x0  }
0x82: {  	[sflag:s20] =	ssyncadd.s32 $0xFFFFEC00  }
0x83: {  	[tilespmem:s21], [sflag:$0x3] =	stream.linear.gather [hbm4b:s18+s4], $0x1400, $0x38;
	[tilespmem:$0x1E800] =	vst v63  }
0x84: {  	_ =	swait.ge [sflag:s20], $0x1400  }
0x85: {  	[sflag:s20] =	ssyncset.done $0x0  }
0x86: {  	[sflag:s20] =	ssyncadd.s32 $0xFFFFEC00  }
0x87: {  	[tilespmem:s19], [sflag:$0x1] =	stream.indirect.gather [hbm4b:s5+s22], $0x80, s4, s22, $0xb8;
	[tilespmem:$0x1E800] =	vst v63  }
0x88: {  	_ = 	snop  }
0x89: {  	[tilespmem:s23], [sflag:$0x1] =	stream.indirect.gather [hbm4b:s5+s22], $0x80, s22, s22, $0xb8;
	[tilespmem:$0x1E800] =	vst v63  }
0x8a: {  	_ =	swait.ge [sflag:s24], $0x4000  }
0x8b: {  	[sflag:s24] =	ssyncset.done $0x0  }
0x8c: {  	[sflag:s24] =	ssyncadd.s32 $0xFFFFC000  }
0x8d: {  	[spmem:s3] =	stream.indirect.scatter.add.f32 [tilespmem:s19], [sflag:$0x2], $0x80, s21, s22, $0xb8;
	[tilespmem:$0x1E800] =	vst v63  }
0x8e: {  	_ =	swait.ge [sflag:s24], $0x4000  }
0x8f: {  	[sflag:s24] =	ssyncset.done $0x0  }
0x90: {  	[sflag:s24] =	ssyncadd.s32 $0xFFFFC000  }
0x91: {  	[spmem:s3] =	stream.indirect.scatter.add.f32 [tilespmem:s23], [sflag:$0x2], $0x80, s25, s22, $0xb8;
	[tilespmem:$0x1E800] =	vst v63  }
0x92: {  	_ =	swait.ge [sflag:s26], $0x4000  }
0x93: {  	[sflag:s26] =	ssyncset.done $0x0  }
0x94: {  	s29 =	simm.s32 $0x100;
	[sflag:s26] =	ssyncadd.s32 $0xFFFFC000  }
0x95: {  	[tilespmem:s19], [sflag:$0x1] =	stream.indirect.gather [hbm4b:s5+s22], $0x80, s29, s22, $0xb8;
	[tilespmem:$0x1E800] =	vst v63  }
0x96: {  	_ =	swait.ge [sflag:s26], $0x4000  }
0x97: {  	[sflag:s26] =	ssyncset.done $0x0  }
0x98: {  	s29 =	simm.s32 $0x180;
	[sflag:s26] =	ssyncadd.s32 $0xFFFFC000  }
0x99: {  	[tilespmem:s23], [sflag:$0x1] =	stream.indirect.gather [hbm4b:s5+s22], $0x80, s29, s22, $0xb8;
	[tilespmem:$0x1E800] =	vst v63  }
0x9a: {  	_ =	swait.ge [sflag:s24], $0x4000  }
0x9b: {  	[sflag:s24] =	ssyncset.done $0x0  }
0x9c: {  	s29 =	simm.s32 $0x1500;
	[sflag:s24] =	ssyncadd.s32 $0xFFFFC000  }
0x9d: {  	[spmem:s3] =	stream.indirect.scatter.add.f32 [tilespmem:s19], [sflag:$0x2], $0x80, s29, s22, $0xb8;
	[tilespmem:$0x1E800] =	vst v63  }
0x9e: {  	_ =	swait.ge [sflag:s24], $0x4000  }
0x9f: {  	[sflag:s24] =	ssyncset.done $0x0  }
0xa0: {  	s30 =	simm.s32 $0x1580;
	s29 =	simm.s32 $0xFFFFB800;
	[sflag:s24] =	ssyncadd.s32 $0xFFFFC000  }
.LBB2_7:
0xa1: {  	[spmem:s3] =	stream.indirect.scatter.add.f32 [tilespmem:s23], [sflag:$0x2], $0x80, s30, s22, $0xb8;
	[tilespmem:$0x1E800] =	vst v63  }
0xa2: {  	s30 =	smov.u32 s29  }
0xa3: {  	p1 =	seq.s32 s29, $0xFFFFFC00;
	s29 =	sadd.s32 $0x400, s29;
	_ =	swait.ge [sflag:s26], $0x4000  }
0xa4: {  	s30 =	sshra.s32 s30, $0x2;
	[sflag:s26] =	ssyncset.done $0x0  }
0xa5: {  	s31 =	sadd.s32 $0x1400, s30;
	[sflag:s26] =	ssyncadd.s32 $0xFFFFC000  }
0xa6: {  	[tilespmem:s19], [sflag:$0x1] =	stream.indirect.gather [hbm4b:s5+s22], $0x80, s31, s22, $0xb8;
	[tilespmem:$0x1E800] =	vst v63  }
0xa7: {  	_ =	swait.ge [sflag:s26], $0x4000  }
0xa8: {  	[sflag:s26] =	ssyncset.done $0x0  }
0xa9: {  	s31 =	sadd.s32 $0x1480, s30;
	[sflag:s26] =	ssyncadd.s32 $0xFFFFC000  }
0xaa: {  	[tilespmem:s23], [sflag:$0x1] =	stream.indirect.gather [hbm4b:s5+s22], $0x80, s31, s22, $0xb8;
	[tilespmem:$0x1E800] =	vst v63  }
0xab: {  	_ =	swait.ge [sflag:s24], $0x4000  }
0xac: {  	[sflag:s24] =	ssyncset.done $0x0  }
.Ltmp5:
0xad: {  	s31 =	sadd.s32 $0x2800, s30;
	[sflag:s24] =	ssyncadd.s32 $0xFFFFC000;
	(pc) =	sbr.rel @!p1 .LBB2_7-.Ltmp5, $4  }
0xae: {  	[spmem:s3] =	stream.indirect.scatter.add.f32 [tilespmem:s19], [sflag:$0x2], $0x80, s31, s22, $0xb8;
	[tilespmem:$0x1E800] =	vst v63  }
0xaf: {  	_ =	swait.ge [sflag:s24], $0x4000  }
0xb0: {  	[sflag:s24] =	ssyncset.done $0x0  }
0xb1: {  	s30 =	sadd.s32 $0x2880, s30;
	[sflag:s24] =	ssyncadd.s32 $0xFFFFC000  }
.Ltmp6:
0xb2: {  	(pc) =	sbr.rel .LBB2_14-.Ltmp6, $3  }
0xb3: {  	_ =	sdelay $0x1  }
0xb4: {  	[spmem:s3] =	stream.indirect.scatter.add.f32 [tilespmem:s23], [sflag:$0x2], $0x80, s30, s22, $0xb8;
	[tilespmem:$0x1E800] =	vst v63  }
0xb5: {  	s29 =	smov.u32 s6  }
.LBB2_9:
0xb6: {  	[tilespmem:s4], [sflag:$0x3] =	stream.linear.gather [hbm4b:s15+s4], $0x1400, $0x38;
	[tilespmem:$0x1E800] =	vst v63  }
0xb7: {  	_ =	swait.ge [sflag:s20], $0x1400  }
0xb8: {  	[sflag:s20] =	ssyncset.done $0x0  }
0xb9: {  	[sflag:s20] =	ssyncadd.s32 $0xFFFFEC00  }
0xba: {  	[tilespmem:s21], [sflag:$0x3] =	stream.linear.gather [hbm4b:s16+s4], $0x1400, $0x38;
	[tilespmem:$0x1E800] =	vst v63  }
0xbb: {  	_ =	swait.ge [sflag:s20], $0x1400  }
0xbc: {  	[sflag:s20] =	ssyncset.done $0x0  }
0xbd: {  	[sflag:s20] =	ssyncadd.s32 $0xFFFFEC00  }
0xbe: {  	[tilespmem:s19], [sflag:$0x1] =	stream.indirect.gather [hbm4b:s1+s22], $0x80, s4, s22, $0xb8;
	[tilespmem:$0x1E800] =	vst v63  }
0xbf: {  	_ = 	snop  }
0xc0: {  	[tilespmem:s23], [sflag:$0x1] =	stream.indirect.gather [hbm4b:s1+s22], $0x80, s22, s22, $0xb8;
	[tilespmem:$0x1E800] =	vst v63  }
0xc1: {  	_ =	swait.ge [sflag:s24], $0x4000  }
0xc2: {  	[sflag:s24] =	ssyncset.done $0x0  }
0xc3: {  	[sflag:s24] =	ssyncadd.s32 $0xFFFFC000  }
0xc4: {  	[spmem:s3] =	stream.indirect.scatter.add.f32 [tilespmem:s19], [sflag:$0x2], $0x80, s21, s22, $0xb8;
	[tilespmem:$0x1E800] =	vst v63  }
0xc5: {  	_ =	swait.ge [sflag:s24], $0x4000  }
0xc6: {  	[sflag:s24] =	ssyncset.done $0x0  }
0xc7: {  	[sflag:s24] =	ssyncadd.s32 $0xFFFFC000  }
0xc8: {  	[spmem:s3] =	stream.indirect.scatter.add.f32 [tilespmem:s23], [sflag:$0x2], $0x80, s25, s22, $0xb8;
	[tilespmem:$0x1E800] =	vst v63  }
0xc9: {  	_ =	swait.ge [sflag:s26], $0x4000  }
0xca: {  	[sflag:s26] =	ssyncset.done $0x0  }
0xcb: {  	s29 =	simm.s32 $0x100;
	[sflag:s26] =	ssyncadd.s32 $0xFFFFC000  }
0xcc: {  	[tilespmem:s19], [sflag:$0x1] =	stream.indirect.gather [hbm4b:s1+s22], $0x80, s29, s22, $0xb8;
	[tilespmem:$0x1E800] =	vst v63  }
0xcd: {  	_ =	swait.ge [sflag:s26], $0x4000  }
0xce: {  	[sflag:s26] =	ssyncset.done $0x0  }
0xcf: {  	s29 =	simm.s32 $0x180;
	[sflag:s26] =	ssyncadd.s32 $0xFFFFC000  }
0xd0: {  	[tilespmem:s23], [sflag:$0x1] =	stream.indirect.gather [hbm4b:s1+s22], $0x80, s29, s22, $0xb8;
	[tilespmem:$0x1E800] =	vst v63  }
0xd1: {  	_ =	swait.ge [sflag:s24], $0x4000  }
0xd2: {  	[sflag:s24] =	ssyncset.done $0x0  }
0xd3: {  	s29 =	simm.s32 $0x1500;
	[sflag:s24] =	ssyncadd.s32 $0xFFFFC000  }
0xd4: {  	[spmem:s3] =	stream.indirect.scatter.add.f32 [tilespmem:s19], [sflag:$0x2], $0x80, s29, s22, $0xb8;
	[tilespmem:$0x1E800] =	vst v63  }
0xd5: {  	_ =	swait.ge [sflag:s24], $0x4000  }
0xd6: {  	[sflag:s24] =	ssyncset.done $0x0  }
0xd7: {  	s30 =	simm.s32 $0x1580;
	s29 =	simm.s32 $0xFFFFB800;
	[sflag:s24] =	ssyncadd.s32 $0xFFFFC000  }
.LBB2_10:
0xd8: {  	[spmem:s3] =	stream.indirect.scatter.add.f32 [tilespmem:s23], [sflag:$0x2], $0x80, s30, s22, $0xb8;
	[tilespmem:$0x1E800] =	vst v63  }
0xd9: {  	s30 =	smov.u32 s29  }
0xda: {  	p1 =	sne.s32 s29, $0xFFFFFC00;
	s29 =	sadd.s32 $0x400, s29;
	_ =	swait.ge [sflag:s26], $0x4000  }
0xdb: {  	s30 =	sshra.s32 s30, $0x2;
	[sflag:s26] =	ssyncset.done $0x0  }
0xdc: {  	s31 =	sadd.s32 $0x1400, s30;
	[sflag:s26] =	ssyncadd.s32 $0xFFFFC000  }
0xdd: {  	[tilespmem:s19], [sflag:$0x1] =	stream.indirect.gather [hbm4b:s1+s22], $0x80, s31, s22, $0xb8;
	[tilespmem:$0x1E800] =	vst v63  }
0xde: {  	_ =	swait.ge [sflag:s26], $0x4000  }
0xdf: {  	[sflag:s26] =	ssyncset.done $0x0  }
0xe0: {  	s31 =	sadd.s32 $0x1480, s30;
	[sflag:s26] =	ssyncadd.s32 $0xFFFFC000  }
0xe1: {  	[tilespmem:s23], [sflag:$0x1] =	stream.indirect.gather [hbm4b:s1+s22], $0x80, s31, s22, $0xb8;
	[tilespmem:$0x1E800] =	vst v63  }
0xe2: {  	_ =	swait.ge [sflag:s24], $0x4000  }
0xe3: {  	[sflag:s24] =	ssyncset.done $0x0  }
.Ltmp7:
0xe4: {  	s31 =	sadd.s32 $0x2800, s30;
	[sflag:s24] =	ssyncadd.s32 $0xFFFFC000;
	(pc) =	sbr.rel @p1 .LBB2_10-.Ltmp7, $4  }
0xe5: {  	[spmem:s3] =	stream.indirect.scatter.add.f32 [tilespmem:s19], [sflag:$0x2], $0x80, s31, s22, $0xb8;
	[tilespmem:$0x1E800] =	vst v63  }
0xe6: {  	_ =	swait.ge [sflag:s24], $0x4000  }
0xe7: {  	[sflag:s24] =	ssyncset.done $0x0  }
0xe8: {  	s30 =	sadd.s32 $0x2880, s30;
	[sflag:s24] =	ssyncadd.s32 $0xFFFFC000  }
0xe9: {  	[spmem:s3] =	stream.indirect.scatter.add.f32 [tilespmem:s23], [sflag:$0x2], $0x80, s30, s22, $0xb8;
	[tilespmem:$0x1E800] =	vst v63  }
0xea: {  	_ =	swait.ge [sflag:s26], $0x4000  }
0xeb: {  	[sflag:s26] =	ssyncset.done $0x0  }
0xec: {  	[sflag:s26] =	ssyncadd.s32 $0xFFFFC000  }
0xed: {  	_ =	swait.ge [sflag:s26], $0x4000  }
0xee: {  	[sflag:s26] =	ssyncset.done $0x0  }
0xef: {  	[sflag:s26] =	ssyncadd.s32 $0xFFFFC000  }
0xf0: {  	[tilespmem:s4], [sflag:$0x3] =	stream.linear.gather [hbm4b:s17+s4], $0x1400, $0x38;
	[tilespmem:$0x1E800] =	vst v63  }
0xf1: {  	_ =	swait.ge [sflag:s20], $0x1400  }
0xf2: {  	[sflag:s20] =	ssyncset.done $0x0  }
0xf3: {  	[sflag:s20] =	ssyncadd.s32 $0xFFFFEC00  }
0xf4: {  	[tilespmem:s21], [sflag:$0x3] =	stream.linear.gather [hbm4b:s18+s4], $0x1400, $0x38;
	[tilespmem:$0x1E800] =	vst v63  }
0xf5: {  	_ =	swait.ge [sflag:s20], $0x1400  }
0xf6: {  	[sflag:s20] =	ssyncset.done $0x0  }
0xf7: {  	[sflag:s20] =	ssyncadd.s32 $0xFFFFEC00  }
0xf8: {  	[tilespmem:s19], [sflag:$0x1] =	stream.indirect.gather [hbm4b:s1+s22], $0x80, s4, s22, $0xb8;
	[tilespmem:$0x1E800] =	vst v63  }
0xf9: {  	_ = 	snop  }
0xfa: {  	[tilespmem:s23], [sflag:$0x1] =	stream.indirect.gather [hbm4b:s1+s22], $0x80, s22, s22, $0xb8;
	[tilespmem:$0x1E800] =	vst v63  }
0xfb: {  	_ =	swait.ge [sflag:s24], $0x4000  }
0xfc: {  	[sflag:s24] =	ssyncset.done $0x0  }
0xfd: {  	[sflag:s24] =	ssyncadd.s32 $0xFFFFC000  }
0xfe: {  	[spmem:s3] =	stream.indirect.scatter.add.f32 [tilespmem:s19], [sflag:$0x2], $0x80, s21, s22, $0xb8;
	[tilespmem:$0x1E800] =	vst v63  }
0xff: {  	_ =	swait.ge [sflag:s24], $0x4000  }
0x100: {  	[sflag:s24] =	ssyncset.done $0x0  }
0x101: {  	[sflag:s24] =	ssyncadd.s32 $0xFFFFC000  }
0x102: {  	[spmem:s3] =	stream.indirect.scatter.add.f32 [tilespmem:s23], [sflag:$0x2], $0x80, s25, s22, $0xb8;
	[tilespmem:$0x1E800] =	vst v63  }
0x103: {  	_ =	swait.ge [sflag:s26], $0x4000  }
0x104: {  	[sflag:s26] =	ssyncset.done $0x0  }
0x105: {  	s29 =	simm.s32 $0x100;
	[sflag:s26] =	ssyncadd.s32 $0xFFFFC000  }
0x106: {  	[tilespmem:s19], [sflag:$0x1] =	stream.indirect.gather [hbm4b:s1+s22], $0x80, s29, s22, $0xb8;
	[tilespmem:$0x1E800] =	vst v63  }
0x107: {  	_ =	swait.ge [sflag:s26], $0x4000  }
0x108: {  	[sflag:s26] =	ssyncset.done $0x0  }
0x109: {  	s29 =	simm.s32 $0x180;
	[sflag:s26] =	ssyncadd.s32 $0xFFFFC000  }
0x10a: {  	[tilespmem:s23], [sflag:$0x1] =	stream.indirect.gather [hbm4b:s1+s22], $0x80, s29, s22, $0xb8;
	[tilespmem:$0x1E800] =	vst v63  }
0x10b: {  	_ =	swait.ge [sflag:s24], $0x4000  }
0x10c: {  	[sflag:s24] =	ssyncset.done $0x0  }
0x10d: {  	s29 =	simm.s32 $0x1500;
	[sflag:s24] =	ssyncadd.s32 $0xFFFFC000  }
0x10e: {  	[spmem:s3] =	stream.indirect.scatter.add.f32 [tilespmem:s19], [sflag:$0x2], $0x80, s29, s22, $0xb8;
	[tilespmem:$0x1E800] =	vst v63  }
0x10f: {  	_ =	swait.ge [sflag:s24], $0x4000  }
0x110: {  	[sflag:s24] =	ssyncset.done $0x0  }
0x111: {  	s30 =	simm.s32 $0x1580;
	s29 =	simm.s32 $0xFFFFB800;
	[sflag:s24] =	ssyncadd.s32 $0xFFFFC000  }
.LBB2_12:
0x112: {  	[spmem:s3] =	stream.indirect.scatter.add.f32 [tilespmem:s23], [sflag:$0x2], $0x80, s30, s22, $0xb8;
	[tilespmem:$0x1E800] =	vst v63  }
0x113: {  	s30 =	smov.u32 s29  }
0x114: {  	p1 =	sne.s32 s29, $0xFFFFFC00;
	s29 =	sadd.s32 $0x400, s29;
	_ =	swait.ge [sflag:s26], $0x4000  }
0x115: {  	s30 =	sshra.s32 s30, $0x2;
	[sflag:s26] =	ssyncset.done $0x0  }
0x116: {  	s31 =	sadd.s32 $0x1400, s30;
	[sflag:s26] =	ssyncadd.s32 $0xFFFFC000  }
0x117: {  	[tilespmem:s19], [sflag:$0x1] =	stream.indirect.gather [hbm4b:s1+s22], $0x80, s31, s22, $0xb8;
	[tilespmem:$0x1E800] =	vst v63  }
0x118: {  	_ =	swait.ge [sflag:s26], $0x4000  }
0x119: {  	[sflag:s26] =	ssyncset.done $0x0  }
0x11a: {  	s31 =	sadd.s32 $0x1480, s30;
	[sflag:s26] =	ssyncadd.s32 $0xFFFFC000  }
0x11b: {  	[tilespmem:s23], [sflag:$0x1] =	stream.indirect.gather [hbm4b:s1+s22], $0x80, s31, s22, $0xb8;
	[tilespmem:$0x1E800] =	vst v63  }
0x11c: {  	_ =	swait.ge [sflag:s24], $0x4000  }
0x11d: {  	[sflag:s24] =	ssyncset.done $0x0  }
.Ltmp8:
0x11e: {  	s31 =	sadd.s32 $0x2800, s30;
	[sflag:s24] =	ssyncadd.s32 $0xFFFFC000;
	(pc) =	sbr.rel @p1 .LBB2_12-.Ltmp8, $4  }
0x11f: {  	[spmem:s3] =	stream.indirect.scatter.add.f32 [tilespmem:s19], [sflag:$0x2], $0x80, s31, s22, $0xb8;
	[tilespmem:$0x1E800] =	vst v63  }
0x120: {  	_ =	swait.ge [sflag:s24], $0x4000  }
0x121: {  	[sflag:s24] =	ssyncset.done $0x0  }
0x122: {  	s30 =	sadd.s32 $0x2880, s30;
	[sflag:s24] =	ssyncadd.s32 $0xFFFFC000  }
.Ltmp9:
0x123: {  	_ = 	snop;
	(pc) =	sbr.rel .LBB2_13-.Ltmp9, $1  }
0x124: {  	_ =	sdelay $0x3  }
.LBB2_15:
0x125: {  	_ =	sfence.sel $0x180000  }
0x126: {  	[bflag:$0x0] =	sbarrier.arrive $0xFFFF  }
0x127: {  	p0 =	sne.s32 s2, $0x0;
	_ =	strace $0x9000004A  }
0x128: {  	s0 =	sadd.s32 @!p0 $0x100000, s0;
	[bflag:$0x2] =	sbarrier.arrive $0xFFFF  }
0x129: {  	[sflag:s0] =	ssyncadd.tile.s32 @!p0 $0x1;
	_ =	shalt  }
.Lfunc_end2:
_tile_overlayer_lowered:
.L_overlay_start_2:
0x12a: {  	(tag) =	ssettag $0x2  }
0x12b: {  	s0 =	rddreg [dreg:$0x0];
	s2 =	stileid.u32  }
0x12c: {  	s1 =	rddreg [dreg:$0x1];
	p0 =	sne.s32 s2, $0x0  }
0x12d: {  	s3 =	rddreg [dreg:$0x2];
	[bflag:$0x3] =	sbarrier.arrive $0xFFFF;
	s2 =	simm.s32 @!p0 $0x1C03  }
0x12e: {  	[timem:s3], [sflag:s2] =	dma.local @!p0 [hbm:s0], s1  }
0x12f: {  	s0 =	simm.s32 @!p0 $0x3  }
0x130: {  	_ =	swait.ge @!p0 [sflag:s0], s1  }
0x131: {  	s1 =	ssub.s32 @!p0 $0x0, s1;
	[sflag:s0] =	ssyncset.done @!p0 $0x0  }
0x132: {  	[sflag:s0] =	ssyncadd.s32 @!p0 s1  }
0x133: {  	[bflag:$0x3] =	sbarrier.arrive $0xFFFF  }
0x134: {  	_ =	shalt  }

// kernel: kernel.15.cloned.1.call-start
scs
__scs_entry_jumppad:
0x0: {  	(pc) =	sbr.rel $0x88, $3  }
0x1: {  	(tag) =	ssettag $0x0;
	lr =	simm.s32 $0x1  }
0x2: {  	[smem:$0x3F96] =	sst lr;
	_ =	strace $0xD0000000  }
0x3: {  	_ = 	snop  }
0x4: {  	_ = 	snop  }
0x5: {  	_ = 	snop  }
0x6: {  	_ = 	snop  }
0x7: {  	_ = 	snop  }
__scs_overlays_trampoline_lowered:
0x8: {  	[smem:$0x3FA5] =	sst s0  }
0x9: {  	[smem:$0x3FA6] =	sst s1  }
0xa: {  	[smem:$0x3FA7] =	sst s2  }
0xb: {  	[smem:$0x3FA8] =	sst s3  }
0xc: {  	[smem:$0x3FA9] =	sst s4  }
0xd: {  	[smem:$0x3FAA] =	sst s5  }
0xe: {  	[smem:$0x3FAB] =	sst s6  }
0xf: {  	[smem:$0x3FAC] =	sst s7  }
0x10: {  	[smem:$0x3FAD] =	sst s8  }
0x11: {  	[smem:$0x3FAE] =	sst s9;
	s0 =	simm.s32 @!p0 $0x0  }
0x12: {  	s1 =	sld [smem:$0x3F94];
	s0 =	simm.s32 @p0 $0x1  }
0x13: {  	[smem:$0x3FAF] =	sst s0;
	s0 =	simm.s32 @!p1 $0x0  }
0x14: {  	s2 =	sld [smem:$0x3F93];
	s0 =	simm.s32 @p1 $0x1  }
0x15: {  	[smem:$0x3FB0] =	sst s0;
	s0 =	simm.s32 @!p2 $0x0  }
0x16: {  	s3 =	sld [smem:$0x3FDB];
	s0 =	simm.s32 @p2 $0x1  }
0x17: {  	s4 =	simm.s32 $0x1BF5;
	[smem:$0x3FB2] =	sst s0  }
0x18: {  	s0 =	sld [smem:$0x3F95];
	_ =	swait.ge [sflag:s4], $0x0  }
0x19: {  	s7 =	sld [smem:$0x3F96]  }
0x1a: {  	s8 =	sadd.s32 $0xFFFFE003, lr  }
0x1b: {  	s9 =	sadd.s32 $0xFFFFFEF7, lr;
	s5 =	simm.s32 $0xFFFFFFFF;
	p2 =	slt.u32 s8, $0xFFFFF086  }
0x1c: {  	p1 =	slt.u32 s9, $0xF7A;
	s5 =	simm.s32 @!p2 $0x0  }
0x1d: {  	s5 =	simm.s32 @p1 $0x1;
	p0 =	seq.s32 s7, s2  }
0x1e: {  	s7 =	smul.u32 @!p0 $0xF7A, s2;
	p2 =	seq.s32 @!p0 s5, $0x0  }
0x1f: {  	s9 =	smul.u32 $0xF7A, s1;
	s8 =	simm.s32 @!p0 $0x1BF5;
	p2 =	por !p2, p0  }
0x20: {  	[sflag:s8] =	ssyncset.s32 @!p0 $0xFFFFF086;
	s6 =	sadd.s32 @!p0 s3, s7;
	s7 =	simm.s32 @!p0 $0x108  }
0x21: {  	s3 =	sadd.s32 s3, s9;
	s6 =	sadd.s32 @!p0 $0x88, s6;
	s7 =	simm.s32 @p2 $0x1082  }
0x22: {  	[simem:s7], [sflag:s8] =	dma.local @!p0 [hbm:s6], $0xF7A  }
0x23: {  	s9 =	sor.u32 $0xD0000000, s2;
	s6 =	simm.s32 $0x108;
	_ =	swait.ge @!p0 [sflag:s8], $0x0  }
0x24: {  	s3 =	sadd.s32 $0x88, s3;
	s6 =	simm.s32 @!p1 $0x1082;
	[sflag:s4] =	ssyncset.s32 $0xFFFFF086  }
0x25: {  	[simem:s6], [sflag:s4] =	dma.local [hbm:s3], $0xF7A  }
0x26: {  	[smem:$0x3F96] =	sst s1;
	(tag) =	ssettag s2;
	_ =	strace s9  }
0x27: {  	s1 =	sld [smem:$0x3FA6]  }
0x28: {  	s2 =	sld [smem:$0x3FA7]  }
0x29: {  	s4 =	sld [smem:$0x3FA9]  }
0x2a: {  	p0 =	seq.s32 s5, $0x0;
	s5 =	sld [smem:$0x3FAA]  }
0x2b: {  	s6 =	sld [smem:$0x3FAB]  }
0x2c: {  	s7 =	sld [smem:$0x3FAC]  }
0x2d: {  	s3 =	simm.s32 $0x108;
	s8 =	sld [smem:$0x3FAD]  }
0x2e: {  	s3 =	simm.s32 @!p0 $0x1082;
	s9 =	sld [smem:$0x3FAE]  }
0x2f: {  	lr =	sadd.s32 s0, s3;
	s0 =	sld [smem:$0x3FA5]  }
0x30: {  	s3 =	sld [smem:$0x3FA8]  }
0x31: {  	[smem:$0x3FB1] =	sst s10  }
0x32: {  	s10 =	sld [smem:$0x3FAF];
	_ =	sdelay $0x3  }
0x33: {  	p0 =	seq.s32 s10, $0x1;
	s10 =	sld [smem:$0x3FB1];
	_ =	sdelay $0x3  }
0x34: {  	[smem:$0x3FB1] =	sst s10  }
0x35: {  	s10 =	sld [smem:$0x3FB0];
	_ =	sdelay $0x3  }
0x36: {  	p1 =	seq.s32 s10, $0x1;
	s10 =	sld [smem:$0x3FB1];
	_ =	sdelay $0x3  }
0x37: {  	[smem:$0x3FB1] =	sst s10  }
0x38: {  	s10 =	sld [smem:$0x3FB2]  }
0x39: {  	_ = 	snop;
	(pc) =	sbr.ind lr, $3  }
0x3a: {  	_ = 	snop  }
0x3b: {  	_ = 	snop  }
0x3c: {  	p2 =	seq.s32 s10, $0x1;
	s10 =	sld [smem:$0x3FB1]  }
0x3d: {  	_ =	shalt  }
0x3e: {  	_ =	shalt  }
0x3f: {  	_ =	shalt  }
0x40: {  	_ =	shalt  }
0x41: {  	_ =	shalt  }
0x42: {  	_ =	shalt  }
0x43: {  	_ =	shalt  }
0x44: {  	_ =	shalt  }
0x45: {  	_ =	shalt  }
0x46: {  	_ =	shalt  }
0x47: {  	_ =	shalt  }
0x48: {  	_ =	shalt  }
0x49: {  	_ =	shalt  }
0x4a: {  	_ =	shalt  }
0x4b: {  	_ =	shalt  }
0x4c: {  	_ =	shalt  }
0x4d: {  	_ =	shalt  }
0x4e: {  	_ =	shalt  }
0x4f: {  	_ =	shalt  }
0x50: {  	_ =	shalt  }
0x51: {  	_ =	shalt  }
0x52: {  	_ =	shalt  }
0x53: {  	_ =	shalt  }
0x54: {  	_ =	shalt  }
0x55: {  	_ =	shalt  }
0x56: {  	_ =	shalt  }
0x57: {  	_ =	shalt  }
0x58: {  	_ =	shalt  }
0x59: {  	_ =	shalt  }
0x5a: {  	_ =	shalt  }
0x5b: {  	_ =	shalt  }
0x5c: {  	_ =	shalt  }
0x5d: {  	_ =	shalt  }
0x5e: {  	_ =	shalt  }
0x5f: {  	_ =	shalt  }
0x60: {  	_ =	shalt  }
0x61: {  	_ =	shalt  }
0x62: {  	_ =	shalt  }
0x63: {  	_ =	shalt  }
0x64: {  	_ =	shalt  }
0x65: {  	_ =	shalt  }
0x66: {  	_ =	shalt  }
0x67: {  	_ =	shalt  }
0x68: {  	_ =	shalt  }
0x69: {  	_ =	shalt  }
0x6a: {  	_ =	shalt  }
0x6b: {  	_ =	shalt  }
0x6c: {  	_ =	shalt  }
0x6d: {  	_ =	shalt  }
0x6e: {  	_ =	shalt  }
0x6f: {  	_ =	shalt  }
0x70: {  	_ =	shalt  }
0x71: {  	_ =	shalt  }
0x72: {  	_ =	shalt  }
0x73: {  	_ =	shalt  }
0x74: {  	_ =	shalt  }
0x75: {  	_ =	shalt  }
0x76: {  	_ =	shalt  }
0x77: {  	_ =	shalt  }
0x78: {  	_ =	shalt  }
0x79: {  	_ =	shalt  }
0x7a: {  	_ =	shalt  }
0x7b: {  	_ =	shalt  }
0x7c: {  	_ =	shalt  }
0x7d: {  	_ =	shalt  }
0x7e: {  	_ =	shalt  }
0x7f: {  	_ =	shalt  }
0x80: {  	_ =	shalt  }
0x81: {  	_ =	shalt  }
0x82: {  	_ =	shalt  }
0x83: {  	_ =	shalt  }
0x84: {  	_ =	shalt  }
0x85: {  	_ =	shalt  }
0x86: {  	_ =	shalt  }
0x87: {  	_ =	shalt  }
.Lfunc_end0:
.L_simem_size_0:
called_computation.2_lowered:
.L_overlay_start_0:
0x88: {  	s2 =	sld [smem:$0x3FD9]  }
0x89: {  	s3 =	sld [smem:$0x3FFE];
	_ =	sdelay $0x1  }
0x8a: {  	s1 =	srdreg.scid  }
0x8b: {  	s0 =	sand.u32 $0x1, s1  }
0x8c: {  	s17 =	sshll.u32 s0, $0xA;
	s2 =	sadd.s32 s3, s2  }
0x8d: {  	s2 =	sadd.s32 s2, s17  }
0x8e: {  	[smem:$0x3FBD] =	sst s2  }
0x8f: {  	_ = 	snop  }
0x90: {  	s2 =	sld [smem:$0x3FD0];
	(tm) =	ssettm $0x1  }
0x91: {  	s18 =	sld [smem:$0x3FFB];
	_ =	sdelay $0x3  }
0x92: {  	_ =	strace s18  }
0x93: {  	s3 =	sld [smem:$0x3FFC];
	_ =	sdelay $0x3  }
0x94: {  	_ =	strace s3  }
0x95: {  	s3 =	sld [smem:$0x3FFD];
	_ =	sdelay $0x3  }
0x96: {  	_ =	strace s3  }
0x97: {  	_ =	strace $0x8FFFFFFF  }
0x98: {  	s19 =	sld [smem:$0x3FDB];
	_ =	sdelay $0x1  }
0x99: {  	s4 =	simm.s32 $_scs_section_size  }
0x9a: {  	s5 =	simm.s32 $_size__tile_overlayer_lowered;
	s6 =	simm.s32 $_tile_overlayer_lowered  }
0x9b: {  	s22 =	simm.s32 $0x1BFF;
	s21 =	sshll.u32 s6, $0x1;
	s3 =	sadd.s32 s4, s19  }
0x9c: {  	s7 =	simm.s32 $0x0;
	s20 =	sshll.u32 s5, $0x1;
	s5 =	sadd.s32 s21, s3  }
0x9d: {  	[timem:s7], [sflag:s22] =	dma.local [hbm:s5], s20  }
0x9e: {  	_ =	swait.ge [sflag:s22], s20  }
0x9f: {  	s4 =	ssub.s32 $0x0, s20;
	[sflag:s22] =	ssyncset.done $0x0  }
0xa0: {  	[sflag:s22] =	ssyncadd.s32 s4;
	_ =	sdelay $0x1  }
0xa1: {  	s23 =	simm.s32 $0x1B8B  }
0xa2: {  	_ =	swait.ge [sflag:s23], $0x1  }
0xa3: {  	[sflag:s23] =	ssyncset.done $0x0  }
0xa4: {  	s25 =	simm.s32 $0x1B8E;
	s24 =	sld [smem:$0x3FFE];
	[sflag:s23] =	ssyncadd.s32 $0xFFFFFFFF  }
0xa5: {  	s26 =	simm.s32 $execute0_lowered;
	[smem:$0x3FD2] =	sst s25  }
0xa6: {  	s5 =	sshll.u32 s26, $0x1;
	_ =	strace $0x8000004C;
	[dreg:$0x1] =	wrdreg $0xFFFFFFFF  }
0xa7: {  	s28 =	simm.s32 $_size_execute0_lowered;
	s3 =	sadd.s32 s3, s5;
	[dreg:$0x0] =	wrdreg $0x0  }
0xa8: {  	s5 =	sshll.u32 s28, $0x1;
	[dreg:$0x2] =	wrdreg s3  }
0xa9: {  	[dreg:$0x3] =	wrdreg s5  }
0xaa: {  	[dreg:$0x4] =	wrdreg $0xC0  }
0xab: {  	_ =	task [dreg:s7], $0x5FFFF  }
0xac: {  	[dreg:$0x1] =	wrdreg $0xFFFFFFFF  }
0xad: {  	[dreg:$0x0] =	wrdreg $0x60  }
0xae: {  	[dreg:$0x2] =	wrdreg s2  }
0xaf: {  	[dreg:$0x3] =	wrdreg s24  }
0xb0: {  	[dreg:$0x4] =	wrdreg $0xA8000  }
0xb1: {  	[dreg:$0x5] =	wrdreg $0x9  }
0xb2: {  	_ =	task.clear_ibuf [dreg:s7], $0x6FFFF;
	_ =	strace $0x9000004C  }
0xb3: {  	s29 =	simm.s32 $0x9;
	_ =	strace $0x8000004E  }
0xb4: {  	_ =	swait.ge [sflag:s29], $0x1  }
0xb5: {  	[sflag:s29] =	ssyncadd.s32 $0xFFFFFFFF  }
0xb6: {  	_ =	strace $0x9000004E  }
0xb7: {  	_ =	sfence  }
0xb8: {  	s30 =	sld [smem:$0x0];
	_ =	sdelay $0x2  }
0xb9: {  	s31 =	sshll.u32 s1, $0xD;
	s1 =	sshrl.u32 s1, $0x2  }
0xba: {  	s3 =	sand.u32 $0x4000, s31;
	s1 =	sadd.s32 s1, s30  }
0xbb: {  	s0 =	sor.u32 s3, s0;
	s1 =	sshll.u32 s1, $0x11  }
0xbc: {  	s0 =	sor.u32 s1, s0  }
0xbd: {  	s0 =	sadd.s32 $0x8F2B, s0  }
0xbe: {  	[sflag:s0] =	ssyncadd.remote.s32 $0x1  }
0xbf: {  	_ =	sfence.sel $0xFFFF  }
0xc0: {  	[dreg:$0x0] =	wrdreg $0xFFFFFFFF;
	(pc) =	sbr.abs _section_cstart, $3  }
0xc1: {  	[dreg:$0x1] =	wrdreg $0xFFFFFFFF  }
0xc2: {  	_ =	task.clear_ibuf [dreg:s7], $0x2FFFF;
	_ =	strace $0x9FFFFFFF  }
0xc3: {  	(tm) =	ssettm $0x7FFFFFFF  }
tec
execute0_lowered:
.L_overlay_start_1:
0x0: {  	(tag) =	ssettag $0x1  }
0x1: {  	s1 =	rddreg [dreg:$0x0]  }
0x2: {  	s8 =	rddreg [dreg:$0x1]  }
0x3: {  	s3 =	rddreg [dreg:$0x2]  }
0x4: {  	s0 =	rddreg [dreg:$0x3];
	s4 =	simm.s32 $0x0  }
0x5: {  	s2 =	stileid.u32;
	s6 =	srdreg.scid;
	s21 =	simm.s32 $0x1400  }
0x6: {  	s22 =	simm.s32 $0x80;
	s23 =	simm.s32 $0x6800;
	s24 =	simm.s32 $0x1  }
0x7: {  	s25 =	simm.s32 $0x1480;
	s26 =	simm.s32 $0x2;
	s28 =	simm.s32 $0x0  }
0x8: {  	[smem:$0x7FF] =	sst s4;
	s7 =	smul.u32 $0x50000, s2;
	s5 =	sadd.s32 $0x5F200, s8  }
0x9: {  	s17 =	sadd.s32 $0xA200, s8;
	s19 =	sand.u32 $0x1, s6;
	s18 =	sadd.s32 $0x5200, s8  }
0xa: {  	s6 =	sadd.s32 $0x87200, s8;
	s8 =	sadd.s32 $0xAF200, s8;
	s20 =	smul.u32 $0x500, s2  }
0xb: {  	s13 =	smul.u32 $0x2800, s2;
	_ =	strace $0x8000004D;
	s9 =	ssub.s32 $0x2, s19  }
0xc: {  	p0 =	sne.s32 s19, $0x0;
	s19 =	simm.s32 $0x2800;
	s7 =	sshrl.u32 s7, $0x2  }
.Ltmp0:
0xd: {  	s10 =	sshrl.u32 s9, $0x1;
	s15 =	sadd.s32 s17, s20;
	(pc) =	sbr.rel .LBB2_1-.Ltmp0, $4  }
0xe: {  	s16 =	sadd.s32 s18, s20;
	s20 =	sadd.s32 $0x280, s20;
	s7 =	sadd.s32 s7, s3  }
0xf: {  	s14 =	ssub.s32 s9, s10;
	s17 =	sadd.s32 s17, s20;
	s18 =	sadd.s32 s18, s20  }
0x10: {  	s20 =	simm.s32 $0x3;
	s9 =	sadd.s32 $0x4000, s7;
	s10 =	sadd.s32 $0x8000, s7  }
0x11: {  	v0 =	vimm.f32 $0.0e+00;
	s11 =	sadd.s32 $0xC000, s7;
	s12 =	sadd.s32 $0x10000, s7;
	s14 =	smax.u32 s14, $0x1  }
.LBB2_13:
0x12: {  	[spmem:s3] =	stream.indirect.scatter.add.f32 [tilespmem:s23], [sflag:$0x2], $0x80, s30, s22, $0xb8;
	[tilespmem:$0x1E800] =	vst v63  }
0x13: {  	s29 =	smov.u32 s8  }
.LBB2_14:
0x14: {  	_ =	swait.ge [sflag:s26], $0x4000  }
0x15: {  	[sflag:s26] =	ssyncset.done $0x0  }
0x16: {  	[sflag:s26] =	ssyncadd.s32 $0xFFFFC000  }
0x17: {  	s29 =	sadd.s32 s29, s13;
	_ =	swait.ge [sflag:s26], $0x4000  }
0x18: {  	s30 =	sshll.u32 s2, $0x6;
	s28 =	sadd.s32 $0x1, s28;
	[sflag:s26] =	ssyncset.done $0x0  }
0x19: {  	s31 =	sshrl.u32 s7, $0x3;
	p1 =	sne.s32 s28, s14;
	[sflag:s26] =	ssyncadd.s32 $0xFFFFC000  }
.Ltmp1:
0x1a: {  	s30 =	sor.u32 $0x1C03, s30;
	[bflag:$0x0] =	sbarrier.arrive $0xFFFF;
	(pc) =	sbr.rel @!p1 .LBB2_15-.Ltmp1, $4  }
0x1b: {  	[hbm:s29], [sflag:s30] =	dma.local [spmem:s31], $0x2800  }
0x1c: {  	_ =	swait.ge [sflag:s20], $0x2800  }
0x1d: {  	[sflag:s20] =	ssyncset.done $0x0  }
0x1e: {  	[sflag:s20] =	ssyncadd.s32 $0xFFFFD800  }
.LBB2_1:
0x1f: {  	s29 =	simm.s32 $0x0;
	s30 =	simm.s32 $0x200  }
.LBB2_2:
0x20: {  	p1 =	sne.s32 s30, $0xFE00;
	[tilespmem:s29+$0x2870] =	vst v0  }
0x21: {  	[tilespmem:s29+$0x2800] =	vst v0  }
0x22: {  	[tilespmem:s29+$0x2810] =	vst v0  }
.Ltmp2:
0x23: {  	[tilespmem:s29+$0x2820] =	vst v0;
	(pc) =	sbr.rel @p1 .LBB2_2-.Ltmp2, $4  }
0x24: {  	[tilespmem:s29+$0x2830] =	vst v0  }
0x25: {  	[tilespmem:s29+$0x2840] =	vst v0  }
0x26: {  	[tilespmem:s29+$0x2850] =	vst v0  }
0x27: {  	[tilespmem:s29+$0x2860] =	vst v0;
	s29 =	sshra.s32 s30, $0x2;
	s30 =	sadd.s32 $0x200, s30  }
0x28: {  	[tilespmem:s29+$0x2870] =	vst v0  }
0x29: {  	[tilespmem:s29+$0x2800] =	vst v0  }
0x2a: {  	[tilespmem:s29+$0x2810] =	vst v0  }
0x2b: {  	[tilespmem:s29+$0x2820] =	vst v0  }
0x2c: {  	[tilespmem:s29+$0x2830] =	vst v0  }
0x2d: {  	[tilespmem:s29+$0x2840] =	vst v0  }
0x2e: {  	[tilespmem:s29+$0x2850] =	vst v0  }
0x2f: {  	[tilespmem:s29+$0x2860] =	vst v0  }
0x30: {  	[spmem:s7] =	stream.linear.scatter [tilespmem:s19], [sflag:$0x3], $0x4000, $0x38;
	[tilespmem:$0x1E800] =	vst v63  }
0x31: {  	_ =	swait.ge [sflag:s20], $0x4000  }
0x32: {  	[sflag:s20] =	ssyncset.done $0x0  }
0x33: {  	[sflag:s20] =	ssyncadd.s32 $0xFFFFC000  }
0x34: {  	[spmem:s9] =	stream.linear.scatter [tilespmem:s19], [sflag:$0x3], $0x4000, $0x38;
	[tilespmem:$0x1E800] =	vst v63  }
0x35: {  	_ =	swait.ge [sflag:s20], $0x4000  }
0x36: {  	[sflag:s20] =	ssyncset.done $0x0  }
0x37: {  	[sflag:s20] =	ssyncadd.s32 $0xFFFFC000  }
0x38: {  	[spmem:s10] =	stream.linear.scatter [tilespmem:s19], [sflag:$0x3], $0x4000, $0x38;
	[tilespmem:$0x1E800] =	vst v63  }
0x39: {  	_ =	swait.ge [sflag:s20], $0x4000  }
0x3a: {  	[sflag:s20] =	ssyncset.done $0x0  }
0x3b: {  	[sflag:s20] =	ssyncadd.s32 $0xFFFFC000  }
0x3c: {  	[spmem:s11] =	stream.linear.scatter [tilespmem:s19], [sflag:$0x3], $0x4000, $0x38;
	[tilespmem:$0x1E800] =	vst v63  }
0x3d: {  	_ =	swait.ge [sflag:s20], $0x4000  }
0x3e: {  	[sflag:s20] =	ssyncset.done $0x0  }
0x3f: {  	[sflag:s20] =	ssyncadd.s32 $0xFFFFC000  }
0x40: {  	[spmem:s12] =	stream.linear.scatter [tilespmem:s19], [sflag:$0x3], $0x4000, $0x38;
	[tilespmem:$0x1E800] =	vst v63  }
.Ltmp3:
0x41: {  	_ =	swait.ge [sflag:s20], $0x4000;
	(pc) =	sbr.rel @p0 .LBB2_9-.Ltmp3, $3  }
0x42: {  	[sflag:s20] =	ssyncset.done $0x0  }
0x43: {  	[sflag:s20] =	ssyncadd.s32 $0xFFFFC000  }
0x44: {  	[bflag:$0x0] =	sbarrier.arrive $0xFFFF;
	_ =	sdelay $0x1  }
0x45: {  	[tilespmem:s4], [sflag:$0x3] =	stream.linear.gather [hbm4b:s15+s4], $0x1400, $0x38;
	[tilespmem:$0x1E800] =	vst v63  }
0x46: {  	_ =	swait.ge [sflag:s20], $0x1400  }
0x47: {  	[sflag:s20] =	ssyncset.done $0x0  }
0x48: {  	[sflag:s20] =	ssyncadd.s32 $0xFFFFEC00  }
0x49: {  	[tilespmem:s21], [sflag:$0x3] =	stream.linear.gather [hbm4b:s16+s4], $0x1400, $0x38;
	[tilespmem:$0x1E800] =	vst v63  }
0x4a: {  	_ =	swait.ge [sflag:s20], $0x1400  }
0x4b: {  	[sflag:s20] =	ssyncset.done $0x0  }
0x4c: {  	[sflag:s20] =	ssyncadd.s32 $0xFFFFEC00  }
0x4d: {  	[tilespmem:s19], [sflag:$0x1] =	stream.indirect.gather [hbm4b:s1+s22], $0x80, s4, s22, $0xb8;
	[tilespmem:$0x1E800] =	vst v63  }
0x4e: {  	_ = 	snop  }
0x4f: {  	[tilespmem:s23], [sflag:$0x1] =	stream.indirect.gather [hbm4b:s1+s22], $0x80, s22, s22, $0xb8;
	[tilespmem:$0x1E800] =	vst v63  }
0x50: {  	_ =	swait.ge [sflag:s24], $0x4000  }
0x51: {  	[sflag:s24] =	ssyncset.done $0x0  }
0x52: {  	[sflag:s24] =	ssyncadd.s32 $0xFFFFC000  }
0x53: {  	[spmem:s3] =	stream.indirect.scatter.add.f32 [tilespmem:s19], [sflag:$0x2], $0x80, s21, s22, $0xb8;
	[tilespmem:$0x1E800] =	vst v63  }
0x54: {  	_ =	swait.ge [sflag:s24], $0x4000  }
0x55: {  	[sflag:s24] =	ssyncset.done $0x0  }
0x56: {  	[sflag:s24] =	ssyncadd.s32 $0xFFFFC000  }
0x57: {  	[spmem:s3] =	stream.indirect.scatter.add.f32 [tilespmem:s23], [sflag:$0x2], $0x80, s25, s22, $0xb8;
	[tilespmem:$0x1E800] =	vst v63  }
0x58: {  	_ =	swait.ge [sflag:s26], $0x4000  }
0x59: {  	[sflag:s26] =	ssyncset.done $0x0  }
0x5a: {  	s29 =	simm.s32 $0x100;
	[sflag:s26] =	ssyncadd.s32 $0xFFFFC000  }
0x5b: {  	[tilespmem:s19], [sflag:$0x1] =	stream.indirect.gather [hbm4b:s1+s22], $0x80, s29, s22, $0xb8;
	[tilespmem:$0x1E800] =	vst v63  }
0x5c: {  	_ =	swait.ge [sflag:s26], $0x4000  }
0x5d: {  	[sflag:s26] =	ssyncset.done $0x0  }
0x5e: {  	s29 =	simm.s32 $0x180;
	[sflag:s26] =	ssyncadd.s32 $0xFFFFC000  }
0x5f: {  	[tilespmem:s23], [sflag:$0x1] =	stream.indirect.gather [hbm4b:s1+s22], $0x80, s29, s22, $0xb8;
	[tilespmem:$0x1E800] =	vst v63  }
0x60: {  	_ =	swait.ge [sflag:s24], $0x4000  }
0x61: {  	[sflag:s24] =	ssyncset.done $0x0  }
0x62: {  	s29 =	simm.s32 $0x1500;
	[sflag:s24] =	ssyncadd.s32 $0xFFFFC000  }
0x63: {  	[spmem:s3] =	stream.indirect.scatter.add.f32 [tilespmem:s19], [sflag:$0x2], $0x80, s29, s22, $0xb8;
	[tilespmem:$0x1E800] =	vst v63  }
0x64: {  	_ =	swait.ge [sflag:s24], $0x4000  }
0x65: {  	[sflag:s24] =	ssyncset.done $0x0  }
0x66: {  	s30 =	simm.s32 $0x1580;
	s29 =	simm.s32 $0xFFFFB800;
	[sflag:s24] =	ssyncadd.s32 $0xFFFFC000  }
.LBB2_5:
0x67: {  	[spmem:s3] =	stream.indirect.scatter.add.f32 [tilespmem:s23], [sflag:$0x2], $0x80, s30, s22, $0xb8;
	[tilespmem:$0x1E800] =	vst v63  }
0x68: {  	s30 =	smov.u32 s29  }
0x69: {  	p1 =	sne.s32 s29, $0xFFFFFC00;
	s29 =	sadd.s32 $0x400, s29;
	_ =	swait.ge [sflag:s26], $0x4000  }
0x6a: {  	s30 =	sshra.s32 s30, $0x2;
	[sflag:s26] =	ssyncset.done $0x0  }
0x6b: {  	s31 =	sadd.s32 $0x1400, s30;
	[sflag:s26] =	ssyncadd.s32 $0xFFFFC000  }
0x6c: {  	[tilespmem:s19], [sflag:$0x1] =	stream.indirect.gather [hbm4b:s1+s22], $0x80, s31, s22, $0xb8;
	[tilespmem:$0x1E800] =	vst v63  }
0x6d: {  	_ =	swait.ge [sflag:s26], $0x4000  }
0x6e: {  	[sflag:s26] =	ssyncset.done $0x0  }
0x6f: {  	s31 =	sadd.s32 $0x1480, s30;
	[sflag:s26] =	ssyncadd.s32 $0xFFFFC000  }
0x70: {  	[tilespmem:s23], [sflag:$0x1] =	stream.indirect.gather [hbm4b:s1+s22], $0x80, s31, s22, $0xb8;
	[tilespmem:$0x1E800] =	vst v63  }
0x71: {  	_ =	swait.ge [sflag:s24], $0x4000  }
0x72: {  	[sflag:s24] =	ssyncset.done $0x0  }
.Ltmp4:
0x73: {  	s31 =	sadd.s32 $0x2800, s30;
	[sflag:s24] =	ssyncadd.s32 $0xFFFFC000;
	(pc) =	sbr.rel @p1 .LBB2_5-.Ltmp4, $4  }
0x74: {  	[spmem:s3] =	stream.indirect.scatter.add.f32 [tilespmem:s19], [sflag:$0x2], $0x80, s31, s22, $0xb8;
	[tilespmem:$0x1E800] =	vst v63  }
0x75: {  	_ =	swait.ge [sflag:s24], $0x4000  }
0x76: {  	[sflag:s24] =	ssyncset.done $0x0  }
0x77: {  	s30 =	sadd.s32 $0x2880, s30;
	[sflag:s24] =	ssyncadd.s32 $0xFFFFC000  }
0x78: {  	[spmem:s3] =	stream.indirect.scatter.add.f32 [tilespmem:s23], [sflag:$0x2], $0x80, s30, s22, $0xb8;
	[tilespmem:$0x1E800] =	vst v63  }
0x79: {  	_ =	swait.ge [sflag:s26], $0x4000  }
0x7a: {  	[sflag:s26] =	ssyncset.done $0x0  }
0x7b: {  	[sflag:s26] =	ssyncadd.s32 $0xFFFFC000  }
0x7c: {  	_ =	swait.ge [sflag:s26], $0x4000  }
0x7d: {  	[sflag:s26] =	ssyncset.done $0x0  }
0x7e: {  	[sflag:s26] =	ssyncadd.s32 $0xFFFFC000  }
0x7f: {  	[tilespmem:s4], [sflag:$0x3] =	stream.linear.gather [hbm4b:s17+s4], $0x1400, $0x38;
	[tilespmem:$0x1E800] =	vst v63  }
0x80: {  	_ =	swait.ge [sflag:s20], $0x1400  }
0x81: {  	[sflag:s20] =	ssyncset.done $0x0  }
0x82: {  	[sflag:s20] =	ssyncadd.s32 $0xFFFFEC00  }
0x83: {  	[tilespmem:s21], [sflag:$0x3] =	stream.linear.gather [hbm4b:s18+s4], $0x1400, $0x38;
	[tilespmem:$0x1E800] =	vst v63  }
0x84: {  	_ =	swait.ge [sflag:s20], $0x1400  }
0x85: {  	[sflag:s20] =	ssyncset.done $0x0  }
0x86: {  	[sflag:s20] =	ssyncadd.s32 $0xFFFFEC00  }
0x87: {  	[tilespmem:s19], [sflag:$0x1] =	stream.indirect.gather [hbm4b:s1+s22], $0x80, s4, s22, $0xb8;
	[tilespmem:$0x1E800] =	vst v63  }
0x88: {  	_ = 	snop  }
0x89: {  	[tilespmem:s23], [sflag:$0x1] =	stream.indirect.gather [hbm4b:s1+s22], $0x80, s22, s22, $0xb8;
	[tilespmem:$0x1E800] =	vst v63  }
0x8a: {  	_ =	swait.ge [sflag:s24], $0x4000  }
0x8b: {  	[sflag:s24] =	ssyncset.done $0x0  }
0x8c: {  	[sflag:s24] =	ssyncadd.s32 $0xFFFFC000  }
0x8d: {  	[spmem:s3] =	stream.indirect.scatter.add.f32 [tilespmem:s19], [sflag:$0x2], $0x80, s21, s22, $0xb8;
	[tilespmem:$0x1E800] =	vst v63  }
0x8e: {  	_ =	swait.ge [sflag:s24], $0x4000  }
0x8f: {  	[sflag:s24] =	ssyncset.done $0x0  }
0x90: {  	[sflag:s24] =	ssyncadd.s32 $0xFFFFC000  }
0x91: {  	[spmem:s3] =	stream.indirect.scatter.add.f32 [tilespmem:s23], [sflag:$0x2], $0x80, s25, s22, $0xb8;
	[tilespmem:$0x1E800] =	vst v63  }
0x92: {  	_ =	swait.ge [sflag:s26], $0x4000  }
0x93: {  	[sflag:s26] =	ssyncset.done $0x0  }
0x94: {  	s29 =	simm.s32 $0x100;
	[sflag:s26] =	ssyncadd.s32 $0xFFFFC000  }
0x95: {  	[tilespmem:s19], [sflag:$0x1] =	stream.indirect.gather [hbm4b:s1+s22], $0x80, s29, s22, $0xb8;
	[tilespmem:$0x1E800] =	vst v63  }
0x96: {  	_ =	swait.ge [sflag:s26], $0x4000  }
0x97: {  	[sflag:s26] =	ssyncset.done $0x0  }
0x98: {  	s29 =	simm.s32 $0x180;
	[sflag:s26] =	ssyncadd.s32 $0xFFFFC000  }
0x99: {  	[tilespmem:s23], [sflag:$0x1] =	stream.indirect.gather [hbm4b:s1+s22], $0x80, s29, s22, $0xb8;
	[tilespmem:$0x1E800] =	vst v63  }
0x9a: {  	_ =	swait.ge [sflag:s24], $0x4000  }
0x9b: {  	[sflag:s24] =	ssyncset.done $0x0  }
0x9c: {  	s29 =	simm.s32 $0x1500;
	[sflag:s24] =	ssyncadd.s32 $0xFFFFC000  }
0x9d: {  	[spmem:s3] =	stream.indirect.scatter.add.f32 [tilespmem:s19], [sflag:$0x2], $0x80, s29, s22, $0xb8;
	[tilespmem:$0x1E800] =	vst v63  }
0x9e: {  	_ =	swait.ge [sflag:s24], $0x4000  }
0x9f: {  	[sflag:s24] =	ssyncset.done $0x0  }
0xa0: {  	s30 =	simm.s32 $0x1580;
	s29 =	simm.s32 $0xFFFFB800;
	[sflag:s24] =	ssyncadd.s32 $0xFFFFC000  }
.LBB2_7:
0xa1: {  	[spmem:s3] =	stream.indirect.scatter.add.f32 [tilespmem:s23], [sflag:$0x2], $0x80, s30, s22, $0xb8;
	[tilespmem:$0x1E800] =	vst v63  }
0xa2: {  	s30 =	smov.u32 s29  }
0xa3: {  	p1 =	seq.s32 s29, $0xFFFFFC00;
	s29 =	sadd.s32 $0x400, s29;
	_ =	swait.ge [sflag:s26], $0x4000  }
0xa4: {  	s30 =	sshra.s32 s30, $0x2;
	[sflag:s26] =	ssyncset.done $0x0  }
0xa5: {  	s31 =	sadd.s32 $0x1400, s30;
	[sflag:s26] =	ssyncadd.s32 $0xFFFFC000  }
0xa6: {  	[tilespmem:s19], [sflag:$0x1] =	stream.indirect.gather [hbm4b:s1+s22], $0x80, s31, s22, $0xb8;
	[tilespmem:$0x1E800] =	vst v63  }
0xa7: {  	_ =	swait.ge [sflag:s26], $0x4000  }
0xa8: {  	[sflag:s26] =	ssyncset.done $0x0  }
0xa9: {  	s31 =	sadd.s32 $0x1480, s30;
	[sflag:s26] =	ssyncadd.s32 $0xFFFFC000  }
0xaa: {  	[tilespmem:s23], [sflag:$0x1] =	stream.indirect.gather [hbm4b:s1+s22], $0x80, s31, s22, $0xb8;
	[tilespmem:$0x1E800] =	vst v63  }
0xab: {  	_ =	swait.ge [sflag:s24], $0x4000  }
0xac: {  	[sflag:s24] =	ssyncset.done $0x0  }
.Ltmp5:
0xad: {  	s31 =	sadd.s32 $0x2800, s30;
	[sflag:s24] =	ssyncadd.s32 $0xFFFFC000;
	(pc) =	sbr.rel @!p1 .LBB2_7-.Ltmp5, $4  }
0xae: {  	[spmem:s3] =	stream.indirect.scatter.add.f32 [tilespmem:s19], [sflag:$0x2], $0x80, s31, s22, $0xb8;
	[tilespmem:$0x1E800] =	vst v63  }
0xaf: {  	_ =	swait.ge [sflag:s24], $0x4000  }
0xb0: {  	[sflag:s24] =	ssyncset.done $0x0  }
0xb1: {  	s30 =	sadd.s32 $0x2880, s30;
	[sflag:s24] =	ssyncadd.s32 $0xFFFFC000  }
.Ltmp6:
0xb2: {  	(pc) =	sbr.rel .LBB2_14-.Ltmp6, $3  }
0xb3: {  	_ =	sdelay $0x1  }
0xb4: {  	[spmem:s3] =	stream.indirect.scatter.add.f32 [tilespmem:s23], [sflag:$0x2], $0x80, s30, s22, $0xb8;
	[tilespmem:$0x1E800] =	vst v63  }
0xb5: {  	s29 =	smov.u32 s6  }
.LBB2_9:
0xb6: {  	[tilespmem:s4], [sflag:$0x3] =	stream.linear.gather [hbm4b:s15+s4], $0x1400, $0x38;
	[tilespmem:$0x1E800] =	vst v63  }
0xb7: {  	_ =	swait.ge [sflag:s20], $0x1400  }
0xb8: {  	[sflag:s20] =	ssyncset.done $0x0  }
0xb9: {  	[sflag:s20] =	ssyncadd.s32 $0xFFFFEC00  }
0xba: {  	[tilespmem:s21], [sflag:$0x3] =	stream.linear.gather [hbm4b:s16+s4], $0x1400, $0x38;
	[tilespmem:$0x1E800] =	vst v63  }
0xbb: {  	_ =	swait.ge [sflag:s20], $0x1400  }
0xbc: {  	[sflag:s20] =	ssyncset.done $0x0  }
0xbd: {  	[sflag:s20] =	ssyncadd.s32 $0xFFFFEC00  }
0xbe: {  	[tilespmem:s19], [sflag:$0x1] =	stream.indirect.gather [hbm4b:s5+s22], $0x80, s4, s22, $0xb8;
	[tilespmem:$0x1E800] =	vst v63  }
0xbf: {  	_ = 	snop  }
0xc0: {  	[tilespmem:s23], [sflag:$0x1] =	stream.indirect.gather [hbm4b:s5+s22], $0x80, s22, s22, $0xb8;
	[tilespmem:$0x1E800] =	vst v63  }
0xc1: {  	_ =	swait.ge [sflag:s24], $0x4000  }
0xc2: {  	[sflag:s24] =	ssyncset.done $0x0  }
0xc3: {  	[sflag:s24] =	ssyncadd.s32 $0xFFFFC000  }
0xc4: {  	[spmem:s3] =	stream.indirect.scatter.add.f32 [tilespmem:s19], [sflag:$0x2], $0x80, s21, s22, $0xb8;
	[tilespmem:$0x1E800] =	vst v63  }
0xc5: {  	_ =	swait.ge [sflag:s24], $0x4000  }
0xc6: {  	[sflag:s24] =	ssyncset.done $0x0  }
0xc7: {  	[sflag:s24] =	ssyncadd.s32 $0xFFFFC000  }
0xc8: {  	[spmem:s3] =	stream.indirect.scatter.add.f32 [tilespmem:s23], [sflag:$0x2], $0x80, s25, s22, $0xb8;
	[tilespmem:$0x1E800] =	vst v63  }
0xc9: {  	_ =	swait.ge [sflag:s26], $0x4000  }
0xca: {  	[sflag:s26] =	ssyncset.done $0x0  }
0xcb: {  	s29 =	simm.s32 $0x100;
	[sflag:s26] =	ssyncadd.s32 $0xFFFFC000  }
0xcc: {  	[tilespmem:s19], [sflag:$0x1] =	stream.indirect.gather [hbm4b:s5+s22], $0x80, s29, s22, $0xb8;
	[tilespmem:$0x1E800] =	vst v63  }
0xcd: {  	_ =	swait.ge [sflag:s26], $0x4000  }
0xce: {  	[sflag:s26] =	ssyncset.done $0x0  }
0xcf: {  	s29 =	simm.s32 $0x180;
	[sflag:s26] =	ssyncadd.s32 $0xFFFFC000  }
0xd0: {  	[tilespmem:s23], [sflag:$0x1] =	stream.indirect.gather [hbm4b:s5+s22], $0x80, s29, s22, $0xb8;
	[tilespmem:$0x1E800] =	vst v63  }
0xd1: {  	_ =	swait.ge [sflag:s24], $0x4000  }
0xd2: {  	[sflag:s24] =	ssyncset.done $0x0  }
0xd3: {  	s29 =	simm.s32 $0x1500;
	[sflag:s24] =	ssyncadd.s32 $0xFFFFC000  }
0xd4: {  	[spmem:s3] =	stream.indirect.scatter.add.f32 [tilespmem:s19], [sflag:$0x2], $0x80, s29, s22, $0xb8;
	[tilespmem:$0x1E800] =	vst v63  }
0xd5: {  	_ =	swait.ge [sflag:s24], $0x4000  }
0xd6: {  	[sflag:s24] =	ssyncset.done $0x0  }
0xd7: {  	s30 =	simm.s32 $0x1580;
	s29 =	simm.s32 $0xFFFFB800;
	[sflag:s24] =	ssyncadd.s32 $0xFFFFC000  }
.LBB2_10:
0xd8: {  	[spmem:s3] =	stream.indirect.scatter.add.f32 [tilespmem:s23], [sflag:$0x2], $0x80, s30, s22, $0xb8;
	[tilespmem:$0x1E800] =	vst v63  }
0xd9: {  	s30 =	smov.u32 s29  }
0xda: {  	p1 =	sne.s32 s29, $0xFFFFFC00;
	s29 =	sadd.s32 $0x400, s29;
	_ =	swait.ge [sflag:s26], $0x4000  }
0xdb: {  	s30 =	sshra.s32 s30, $0x2;
	[sflag:s26] =	ssyncset.done $0x0  }
0xdc: {  	s31 =	sadd.s32 $0x1400, s30;
	[sflag:s26] =	ssyncadd.s32 $0xFFFFC000  }
0xdd: {  	[tilespmem:s19], [sflag:$0x1] =	stream.indirect.gather [hbm4b:s5+s22], $0x80, s31, s22, $0xb8;
	[tilespmem:$0x1E800] =	vst v63  }
0xde: {  	_ =	swait.ge [sflag:s26], $0x4000  }
0xdf: {  	[sflag:s26] =	ssyncset.done $0x0  }
0xe0: {  	s31 =	sadd.s32 $0x1480, s30;
	[sflag:s26] =	ssyncadd.s32 $0xFFFFC000  }
0xe1: {  	[tilespmem:s23], [sflag:$0x1] =	stream.indirect.gather [hbm4b:s5+s22], $0x80, s31, s22, $0xb8;
	[tilespmem:$0x1E800] =	vst v63  }
0xe2: {  	_ =	swait.ge [sflag:s24], $0x4000  }
0xe3: {  	[sflag:s24] =	ssyncset.done $0x0  }
.Ltmp7:
0xe4: {  	s31 =	sadd.s32 $0x2800, s30;
	[sflag:s24] =	ssyncadd.s32 $0xFFFFC000;
	(pc) =	sbr.rel @p1 .LBB2_10-.Ltmp7, $4  }
0xe5: {  	[spmem:s3] =	stream.indirect.scatter.add.f32 [tilespmem:s19], [sflag:$0x2], $0x80, s31, s22, $0xb8;
	[tilespmem:$0x1E800] =	vst v63  }
0xe6: {  	_ =	swait.ge [sflag:s24], $0x4000  }
0xe7: {  	[sflag:s24] =	ssyncset.done $0x0  }
0xe8: {  	s30 =	sadd.s32 $0x2880, s30;
	[sflag:s24] =	ssyncadd.s32 $0xFFFFC000  }
0xe9: {  	[spmem:s3] =	stream.indirect.scatter.add.f32 [tilespmem:s23], [sflag:$0x2], $0x80, s30, s22, $0xb8;
	[tilespmem:$0x1E800] =	vst v63  }
0xea: {  	_ =	swait.ge [sflag:s26], $0x4000  }
0xeb: {  	[sflag:s26] =	ssyncset.done $0x0  }
0xec: {  	[sflag:s26] =	ssyncadd.s32 $0xFFFFC000  }
0xed: {  	_ =	swait.ge [sflag:s26], $0x4000  }
0xee: {  	[sflag:s26] =	ssyncset.done $0x0  }
0xef: {  	[sflag:s26] =	ssyncadd.s32 $0xFFFFC000  }
0xf0: {  	[tilespmem:s4], [sflag:$0x3] =	stream.linear.gather [hbm4b:s17+s4], $0x1400, $0x38;
	[tilespmem:$0x1E800] =	vst v63  }
0xf1: {  	_ =	swait.ge [sflag:s20], $0x1400  }
0xf2: {  	[sflag:s20] =	ssyncset.done $0x0  }
0xf3: {  	[sflag:s20] =	ssyncadd.s32 $0xFFFFEC00  }
0xf4: {  	[tilespmem:s21], [sflag:$0x3] =	stream.linear.gather [hbm4b:s18+s4], $0x1400, $0x38;
	[tilespmem:$0x1E800] =	vst v63  }
0xf5: {  	_ =	swait.ge [sflag:s20], $0x1400  }
0xf6: {  	[sflag:s20] =	ssyncset.done $0x0  }
0xf7: {  	[sflag:s20] =	ssyncadd.s32 $0xFFFFEC00  }
0xf8: {  	[tilespmem:s19], [sflag:$0x1] =	stream.indirect.gather [hbm4b:s5+s22], $0x80, s4, s22, $0xb8;
	[tilespmem:$0x1E800] =	vst v63  }
0xf9: {  	_ = 	snop  }
0xfa: {  	[tilespmem:s23], [sflag:$0x1] =	stream.indirect.gather [hbm4b:s5+s22], $0x80, s22, s22, $0xb8;
	[tilespmem:$0x1E800] =	vst v63  }
0xfb: {  	_ =	swait.ge [sflag:s24], $0x4000  }
0xfc: {  	[sflag:s24] =	ssyncset.done $0x0  }
0xfd: {  	[sflag:s24] =	ssyncadd.s32 $0xFFFFC000  }
0xfe: {  	[spmem:s3] =	stream.indirect.scatter.add.f32 [tilespmem:s19], [sflag:$0x2], $0x80, s21, s22, $0xb8;
	[tilespmem:$0x1E800] =	vst v63  }
0xff: {  	_ =	swait.ge [sflag:s24], $0x4000  }
0x100: {  	[sflag:s24] =	ssyncset.done $0x0  }
0x101: {  	[sflag:s24] =	ssyncadd.s32 $0xFFFFC000  }
0x102: {  	[spmem:s3] =	stream.indirect.scatter.add.f32 [tilespmem:s23], [sflag:$0x2], $0x80, s25, s22, $0xb8;
	[tilespmem:$0x1E800] =	vst v63  }
0x103: {  	_ =	swait.ge [sflag:s26], $0x4000  }
0x104: {  	[sflag:s26] =	ssyncset.done $0x0  }
0x105: {  	s29 =	simm.s32 $0x100;
	[sflag:s26] =	ssyncadd.s32 $0xFFFFC000  }
0x106: {  	[tilespmem:s19], [sflag:$0x1] =	stream.indirect.gather [hbm4b:s5+s22], $0x80, s29, s22, $0xb8;
	[tilespmem:$0x1E800] =	vst v63  }
0x107: {  	_ =	swait.ge [sflag:s26], $0x4000  }
0x108: {  	[sflag:s26] =	ssyncset.done $0x0  }
0x109: {  	s29 =	simm.s32 $0x180;
	[sflag:s26] =	ssyncadd.s32 $0xFFFFC000  }
0x10a: {  	[tilespmem:s23], [sflag:$0x1] =	stream.indirect.gather [hbm4b:s5+s22], $0x80, s29, s22, $0xb8;
	[tilespmem:$0x1E800] =	vst v63  }
0x10b: {  	_ =	swait.ge [sflag:s24], $0x4000  }
0x10c: {  	[sflag:s24] =	ssyncset.done $0x0  }
0x10d: {  	s29 =	simm.s32 $0x1500;
	[sflag:s24] =	ssyncadd.s32 $0xFFFFC000  }
0x10e: {  	[spmem:s3] =	stream.indirect.scatter.add.f32 [tilespmem:s19], [sflag:$0x2], $0x80, s29, s22, $0xb8;
	[tilespmem:$0x1E800] =	vst v63  }
0x10f: {  	_ =	swait.ge [sflag:s24], $0x4000  }
0x110: {  	[sflag:s24] =	ssyncset.done $0x0  }
0x111: {  	s30 =	simm.s32 $0x1580;
	s29 =	simm.s32 $0xFFFFB800;
	[sflag:s24] =	ssyncadd.s32 $0xFFFFC000  }
.LBB2_12:
0x112: {  	[spmem:s3] =	stream.indirect.scatter.add.f32 [tilespmem:s23], [sflag:$0x2], $0x80, s30, s22, $0xb8;
	[tilespmem:$0x1E800] =	vst v63  }
0x113: {  	s30 =	smov.u32 s29  }
0x114: {  	p1 =	sne.s32 s29, $0xFFFFFC00;
	s29 =	sadd.s32 $0x400, s29;
	_ =	swait.ge [sflag:s26], $0x4000  }
0x115: {  	s30 =	sshra.s32 s30, $0x2;
	[sflag:s26] =	ssyncset.done $0x0  }
0x116: {  	s31 =	sadd.s32 $0x1400, s30;
	[sflag:s26] =	ssyncadd.s32 $0xFFFFC000  }
0x117: {  	[tilespmem:s19], [sflag:$0x1] =	stream.indirect.gather [hbm4b:s5+s22], $0x80, s31, s22, $0xb8;
	[tilespmem:$0x1E800] =	vst v63  }
0x118: {  	_ =	swait.ge [sflag:s26], $0x4000  }
0x119: {  	[sflag:s26] =	ssyncset.done $0x0  }
0x11a: {  	s31 =	sadd.s32 $0x1480, s30;
	[sflag:s26] =	ssyncadd.s32 $0xFFFFC000  }
0x11b: {  	[tilespmem:s23], [sflag:$0x1] =	stream.indirect.gather [hbm4b:s5+s22], $0x80, s31, s22, $0xb8;
	[tilespmem:$0x1E800] =	vst v63  }
0x11c: {  	_ =	swait.ge [sflag:s24], $0x4000  }
0x11d: {  	[sflag:s24] =	ssyncset.done $0x0  }
.Ltmp8:
0x11e: {  	s31 =	sadd.s32 $0x2800, s30;
	[sflag:s24] =	ssyncadd.s32 $0xFFFFC000;
	(pc) =	sbr.rel @p1 .LBB2_12-.Ltmp8, $4  }
0x11f: {  	[spmem:s3] =	stream.indirect.scatter.add.f32 [tilespmem:s19], [sflag:$0x2], $0x80, s31, s22, $0xb8;
	[tilespmem:$0x1E800] =	vst v63  }
0x120: {  	_ =	swait.ge [sflag:s24], $0x4000  }
0x121: {  	[sflag:s24] =	ssyncset.done $0x0  }
0x122: {  	s30 =	sadd.s32 $0x2880, s30;
	[sflag:s24] =	ssyncadd.s32 $0xFFFFC000  }
.Ltmp9:
0x123: {  	_ = 	snop;
	(pc) =	sbr.rel .LBB2_13-.Ltmp9, $1  }
0x124: {  	_ =	sdelay $0x3  }
.LBB2_15:
0x125: {  	_ =	sfence.sel $0x180000  }
0x126: {  	[bflag:$0x0] =	sbarrier.arrive $0xFFFF  }
0x127: {  	p0 =	sne.s32 s2, $0x0;
	_ =	strace $0x9000004D  }
0x128: {  	s0 =	sadd.s32 @!p0 $0x100000, s0;
	[bflag:$0x2] =	sbarrier.arrive $0xFFFF  }
0x129: {  	[sflag:s0] =	ssyncadd.tile.s32 @!p0 $0x1;
	_ =	shalt  }
.Lfunc_end2:
_tile_overlayer_lowered:
.L_overlay_start_2:
0x12a: {  	(tag) =	ssettag $0x2  }
0x12b: {  	s0 =	rddreg [dreg:$0x0];
	s2 =	stileid.u32  }
0x12c: {  	s1 =	rddreg [dreg:$0x1];
	p0 =	sne.s32 s2, $0x0  }
0x12d: {  	s3 =	rddreg [dreg:$0x2];
	[bflag:$0x3] =	sbarrier.arrive $0xFFFF;
	s2 =	simm.s32 @!p0 $0x1C03  }
0x12e: {  	[timem:s3], [sflag:s2] =	dma.local @!p0 [hbm:s0], s1  }
0x12f: {  	s0 =	simm.s32 @!p0 $0x3  }
0x130: {  	_ =	swait.ge @!p0 [sflag:s0], s1  }
0x131: {  	s1 =	ssub.s32 @!p0 $0x0, s1;
	[sflag:s0] =	ssyncset.done @!p0 $0x0  }
0x132: {  	[sflag:s0] =	ssyncadd.s32 @!p0 s1  }
0x133: {  	[bflag:$0x3] =	sbarrier.arrive $0xFFFF  }
0x134: {  	_ =	shalt  }

// kernel: kernel.18.cloned.1.call-start
scs
__scs_entry_jumppad:
0x0: {  	(pc) =	sbr.rel $0x88, $3  }
0x1: {  	(tag) =	ssettag $0x0;
	lr =	simm.s32 $0x1  }
0x2: {  	[smem:$0x3F96] =	sst lr;
	_ =	strace $0xD0000000  }
0x3: {  	_ = 	snop  }
0x4: {  	_ = 	snop  }
0x5: {  	_ = 	snop  }
0x6: {  	_ = 	snop  }
0x7: {  	_ = 	snop  }
__scs_overlays_trampoline_lowered:
0x8: {  	[smem:$0x3FA5] =	sst s0  }
0x9: {  	[smem:$0x3FA6] =	sst s1  }
0xa: {  	[smem:$0x3FA7] =	sst s2  }
0xb: {  	[smem:$0x3FA8] =	sst s3  }
0xc: {  	[smem:$0x3FA9] =	sst s4  }
0xd: {  	[smem:$0x3FAA] =	sst s5  }
0xe: {  	[smem:$0x3FAB] =	sst s6  }
0xf: {  	[smem:$0x3FAC] =	sst s7  }
0x10: {  	[smem:$0x3FAD] =	sst s8  }
0x11: {  	[smem:$0x3FAE] =	sst s9;
	s0 =	simm.s32 @!p0 $0x0  }
0x12: {  	s1 =	sld [smem:$0x3F94];
	s0 =	simm.s32 @p0 $0x1  }
0x13: {  	[smem:$0x3FAF] =	sst s0;
	s0 =	simm.s32 @!p1 $0x0  }
0x14: {  	s2 =	sld [smem:$0x3F93];
	s0 =	simm.s32 @p1 $0x1  }
0x15: {  	[smem:$0x3FB0] =	sst s0;
	s0 =	simm.s32 @!p2 $0x0  }
0x16: {  	s3 =	sld [smem:$0x3FDB];
	s0 =	simm.s32 @p2 $0x1  }
0x17: {  	s4 =	simm.s32 $0x1BF5;
	[smem:$0x3FB2] =	sst s0  }
0x18: {  	s0 =	sld [smem:$0x3F95];
	_ =	swait.ge [sflag:s4], $0x0  }
0x19: {  	s7 =	sld [smem:$0x3F96]  }
0x1a: {  	s8 =	sadd.s32 $0xFFFFE003, lr  }
0x1b: {  	s9 =	sadd.s32 $0xFFFFFEF7, lr;
	s5 =	simm.s32 $0xFFFFFFFF;
	p2 =	slt.u32 s8, $0xFFFFF086  }
0x1c: {  	p1 =	slt.u32 s9, $0xF7A;
	s5 =	simm.s32 @!p2 $0x0  }
0x1d: {  	s5 =	simm.s32 @p1 $0x1;
	p0 =	seq.s32 s7, s2  }
0x1e: {  	s7 =	smul.u32 @!p0 $0xF7A, s2;
	p2 =	seq.s32 @!p0 s5, $0x0  }
0x1f: {  	s9 =	smul.u32 $0xF7A, s1;
	s8 =	simm.s32 @!p0 $0x1BF5;
	p2 =	por !p2, p0  }
0x20: {  	[sflag:s8] =	ssyncset.s32 @!p0 $0xFFFFF086;
	s6 =	sadd.s32 @!p0 s3, s7;
	s7 =	simm.s32 @!p0 $0x108  }
0x21: {  	s3 =	sadd.s32 s3, s9;
	s6 =	sadd.s32 @!p0 $0x88, s6;
	s7 =	simm.s32 @p2 $0x1082  }
0x22: {  	[simem:s7], [sflag:s8] =	dma.local @!p0 [hbm:s6], $0xF7A  }
0x23: {  	s9 =	sor.u32 $0xD0000000, s2;
	s6 =	simm.s32 $0x108;
	_ =	swait.ge @!p0 [sflag:s8], $0x0  }
0x24: {  	s3 =	sadd.s32 $0x88, s3;
	s6 =	simm.s32 @!p1 $0x1082;
	[sflag:s4] =	ssyncset.s32 $0xFFFFF086  }
0x25: {  	[simem:s6], [sflag:s4] =	dma.local [hbm:s3], $0xF7A  }
0x26: {  	[smem:$0x3F96] =	sst s1;
	(tag) =	ssettag s2;
	_ =	strace s9  }
0x27: {  	s1 =	sld [smem:$0x3FA6]  }
0x28: {  	s2 =	sld [smem:$0x3FA7]  }
0x29: {  	s4 =	sld [smem:$0x3FA9]  }
0x2a: {  	p0 =	seq.s32 s5, $0x0;
	s5 =	sld [smem:$0x3FAA]  }
0x2b: {  	s6 =	sld [smem:$0x3FAB]  }
0x2c: {  	s7 =	sld [smem:$0x3FAC]  }
0x2d: {  	s3 =	simm.s32 $0x108;
	s8 =	sld [smem:$0x3FAD]  }
0x2e: {  	s3 =	simm.s32 @!p0 $0x1082;
	s9 =	sld [smem:$0x3FAE]  }
0x2f: {  	lr =	sadd.s32 s0, s3;
	s0 =	sld [smem:$0x3FA5]  }
0x30: {  	s3 =	sld [smem:$0x3FA8]  }
0x31: {  	[smem:$0x3FB1] =	sst s10  }
0x32: {  	s10 =	sld [smem:$0x3FAF];
	_ =	sdelay $0x3  }
0x33: {  	p0 =	seq.s32 s10, $0x1;
	s10 =	sld [smem:$0x3FB1];
	_ =	sdelay $0x3  }
0x34: {  	[smem:$0x3FB1] =	sst s10  }
0x35: {  	s10 =	sld [smem:$0x3FB0];
	_ =	sdelay $0x3  }
0x36: {  	p1 =	seq.s32 s10, $0x1;
	s10 =	sld [smem:$0x3FB1];
	_ =	sdelay $0x3  }
0x37: {  	[smem:$0x3FB1] =	sst s10  }
0x38: {  	s10 =	sld [smem:$0x3FB2]  }
0x39: {  	_ = 	snop;
	(pc) =	sbr.ind lr, $3  }
0x3a: {  	_ = 	snop  }
0x3b: {  	_ = 	snop  }
0x3c: {  	p2 =	seq.s32 s10, $0x1;
	s10 =	sld [smem:$0x3FB1]  }
0x3d: {  	_ =	shalt  }
0x3e: {  	_ =	shalt  }
0x3f: {  	_ =	shalt  }
0x40: {  	_ =	shalt  }
0x41: {  	_ =	shalt  }
0x42: {  	_ =	shalt  }
0x43: {  	_ =	shalt  }
0x44: {  	_ =	shalt  }
0x45: {  	_ =	shalt  }
0x46: {  	_ =	shalt  }
0x47: {  	_ =	shalt  }
0x48: {  	_ =	shalt  }
0x49: {  	_ =	shalt  }
0x4a: {  	_ =	shalt  }
0x4b: {  	_ =	shalt  }
0x4c: {  	_ =	shalt  }
0x4d: {  	_ =	shalt  }
0x4e: {  	_ =	shalt  }
0x4f: {  	_ =	shalt  }
0x50: {  	_ =	shalt  }
0x51: {  	_ =	shalt  }
0x52: {  	_ =	shalt  }
0x53: {  	_ =	shalt  }
0x54: {  	_ =	shalt  }
0x55: {  	_ =	shalt  }
0x56: {  	_ =	shalt  }
0x57: {  	_ =	shalt  }
0x58: {  	_ =	shalt  }
0x59: {  	_ =	shalt  }
0x5a: {  	_ =	shalt  }
0x5b: {  	_ =	shalt  }
0x5c: {  	_ =	shalt  }
0x5d: {  	_ =	shalt  }
0x5e: {  	_ =	shalt  }
0x5f: {  	_ =	shalt  }
0x60: {  	_ =	shalt  }
0x61: {  	_ =	shalt  }
0x62: {  	_ =	shalt  }
0x63: {  	_ =	shalt  }
0x64: {  	_ =	shalt  }
0x65: {  	_ =	shalt  }
0x66: {  	_ =	shalt  }
0x67: {  	_ =	shalt  }
0x68: {  	_ =	shalt  }
0x69: {  	_ =	shalt  }
0x6a: {  	_ =	shalt  }
0x6b: {  	_ =	shalt  }
0x6c: {  	_ =	shalt  }
0x6d: {  	_ =	shalt  }
0x6e: {  	_ =	shalt  }
0x6f: {  	_ =	shalt  }
0x70: {  	_ =	shalt  }
0x71: {  	_ =	shalt  }
0x72: {  	_ =	shalt  }
0x73: {  	_ =	shalt  }
0x74: {  	_ =	shalt  }
0x75: {  	_ =	shalt  }
0x76: {  	_ =	shalt  }
0x77: {  	_ =	shalt  }
0x78: {  	_ =	shalt  }
0x79: {  	_ =	shalt  }
0x7a: {  	_ =	shalt  }
0x7b: {  	_ =	shalt  }
0x7c: {  	_ =	shalt  }
0x7d: {  	_ =	shalt  }
0x7e: {  	_ =	shalt  }
0x7f: {  	_ =	shalt  }
0x80: {  	_ =	shalt  }
0x81: {  	_ =	shalt  }
0x82: {  	_ =	shalt  }
0x83: {  	_ =	shalt  }
0x84: {  	_ =	shalt  }
0x85: {  	_ =	shalt  }
0x86: {  	_ =	shalt  }
0x87: {  	_ =	shalt  }
.Lfunc_end0:
.L_simem_size_0:
called_computation.3_lowered:
.L_overlay_start_0:
0x88: {  	s2 =	sld [smem:$0x3FD9]  }
0x89: {  	s3 =	sld [smem:$0x3FFE];
	_ =	sdelay $0x1  }
0x8a: {  	s1 =	srdreg.scid  }
0x8b: {  	s0 =	sand.u32 $0x1, s1  }
0x8c: {  	s17 =	sshll.u32 s0, $0xA;
	s2 =	sadd.s32 s3, s2  }
0x8d: {  	s2 =	sadd.s32 s2, s17  }
0x8e: {  	[smem:$0x3FBD] =	sst s2  }
0x8f: {  	_ = 	snop  }
0x90: {  	s2 =	sld [smem:$0x3FD0];
	(tm) =	ssettm $0x1  }
0x91: {  	s18 =	sld [smem:$0x3FFB];
	_ =	sdelay $0x3  }
0x92: {  	_ =	strace s18  }
0x93: {  	s3 =	sld [smem:$0x3FFC];
	_ =	sdelay $0x3  }
0x94: {  	_ =	strace s3  }
0x95: {  	s3 =	sld [smem:$0x3FFD];
	_ =	sdelay $0x3  }
0x96: {  	_ =	strace s3  }
0x97: {  	_ =	strace $0x8FFFFFFF  }
0x98: {  	s19 =	sld [smem:$0x3FDB];
	_ =	sdelay $0x1  }
0x99: {  	s4 =	simm.s32 $_scs_section_size  }
0x9a: {  	s5 =	simm.s32 $_size__tile_overlayer_lowered;
	s6 =	simm.s32 $_tile_overlayer_lowered  }
0x9b: {  	s22 =	simm.s32 $0x1BFF;
	s21 =	sshll.u32 s6, $0x1;
	s3 =	sadd.s32 s4, s19  }
0x9c: {  	s7 =	simm.s32 $0x0;
	s20 =	sshll.u32 s5, $0x1;
	s5 =	sadd.s32 s21, s3  }
0x9d: {  	[timem:s7], [sflag:s22] =	dma.local [hbm:s5], s20  }
0x9e: {  	_ =	swait.ge [sflag:s22], s20  }
0x9f: {  	s4 =	ssub.s32 $0x0, s20;
	[sflag:s22] =	ssyncset.done $0x0  }
0xa0: {  	[sflag:s22] =	ssyncadd.s32 s4;
	_ =	sdelay $0x1  }
0xa1: {  	s23 =	simm.s32 $0x1B8B  }
0xa2: {  	_ =	swait.ge [sflag:s23], $0x1  }
0xa3: {  	[sflag:s23] =	ssyncset.done $0x0  }
0xa4: {  	s25 =	simm.s32 $0x1B8E;
	s24 =	sld [smem:$0x3FFE];
	[sflag:s23] =	ssyncadd.s32 $0xFFFFFFFF  }
0xa5: {  	s26 =	simm.s32 $execute0_lowered;
	[smem:$0x3FD2] =	sst s25  }
0xa6: {  	s5 =	sshll.u32 s26, $0x1;
	_ =	strace $0x8000004F;
	[dreg:$0x1] =	wrdreg $0xFFFFFFFF  }
0xa7: {  	s28 =	simm.s32 $_size_execute0_lowered;
	s3 =	sadd.s32 s3, s5;
	[dreg:$0x0] =	wrdreg $0x0  }
0xa8: {  	s5 =	sshll.u32 s28, $0x1;
	[dreg:$0x2] =	wrdreg s3  }
0xa9: {  	[dreg:$0x3] =	wrdreg s5  }
0xaa: {  	[dreg:$0x4] =	wrdreg $0xC0  }
0xab: {  	_ =	task [dreg:s7], $0x5FFFF  }
0xac: {  	[dreg:$0x1] =	wrdreg $0xFFFFFFFF  }
0xad: {  	[dreg:$0x0] =	wrdreg $0x60  }
0xae: {  	[dreg:$0x2] =	wrdreg s2  }
0xaf: {  	[dreg:$0x3] =	wrdreg s24  }
0xb0: {  	[dreg:$0x4] =	wrdreg $0xA8000  }
0xb1: {  	[dreg:$0x5] =	wrdreg $0x9  }
0xb2: {  	_ =	task.clear_ibuf [dreg:s7], $0x6FFFF;
	_ =	strace $0x9000004F  }
0xb3: {  	s29 =	simm.s32 $0x9;
	_ =	strace $0x80000051  }
0xb4: {  	_ =	swait.ge [sflag:s29], $0x1  }
0xb5: {  	[sflag:s29] =	ssyncadd.s32 $0xFFFFFFFF  }
0xb6: {  	_ =	strace $0x90000051  }
0xb7: {  	_ =	sfence  }
0xb8: {  	s30 =	sld [smem:$0x0];
	_ =	sdelay $0x2  }
0xb9: {  	s31 =	sshll.u32 s1, $0xD;
	s1 =	sshrl.u32 s1, $0x2  }
0xba: {  	s3 =	sand.u32 $0x4000, s31;
	s1 =	sadd.s32 s1, s30  }
0xbb: {  	s0 =	sor.u32 s3, s0;
	s1 =	sshll.u32 s1, $0x11  }
0xbc: {  	s0 =	sor.u32 s1, s0  }
0xbd: {  	s0 =	sadd.s32 $0x8F2B, s0  }
0xbe: {  	[sflag:s0] =	ssyncadd.remote.s32 $0x1  }
0xbf: {  	_ =	sfence.sel $0xFFFF  }
0xc0: {  	[dreg:$0x0] =	wrdreg $0xFFFFFFFF;
	(pc) =	sbr.abs _section_cstart, $3  }
0xc1: {  	[dreg:$0x1] =	wrdreg $0xFFFFFFFF  }
0xc2: {  	_ =	task.clear_ibuf [dreg:s7], $0x2FFFF;
	_ =	strace $0x9FFFFFFF  }
0xc3: {  	(tm) =	ssettm $0x7FFFFFFF  }
tec
execute0_lowered:
.L_overlay_start_1:
0x0: {  	(tag) =	ssettag $0x1  }
0x1: {  	s1 =	rddreg [dreg:$0x0]  }
0x2: {  	s8 =	rddreg [dreg:$0x1]  }
0x3: {  	s3 =	rddreg [dreg:$0x2]  }
0x4: {  	s0 =	rddreg [dreg:$0x3];
	s4 =	simm.s32 $0x0  }
0x5: {  	s2 =	stileid.u32;
	s6 =	srdreg.scid;
	s21 =	simm.s32 $0x1400  }
0x6: {  	s22 =	simm.s32 $0x80;
	s23 =	simm.s32 $0x6800;
	s24 =	simm.s32 $0x1  }
0x7: {  	s25 =	simm.s32 $0x1480;
	s26 =	simm.s32 $0x2;
	s28 =	simm.s32 $0x0  }
0x8: {  	[smem:$0x7FF] =	sst s4;
	s7 =	smul.u32 $0x50000, s2;
	s5 =	sadd.s32 $0x5F200, s8  }
0x9: {  	s17 =	sadd.s32 $0xA200, s8;
	s19 =	sand.u32 $0x1, s6;
	s18 =	sadd.s32 $0x5200, s8  }
0xa: {  	s6 =	sadd.s32 $0x87200, s8;
	s8 =	sadd.s32 $0xAF200, s8;
	s20 =	smul.u32 $0x500, s2  }
0xb: {  	s13 =	smul.u32 $0x2800, s2;
	_ =	strace $0x80000050;
	s9 =	ssub.s32 $0x2, s19  }
0xc: {  	p0 =	sne.s32 s19, $0x0;
	s19 =	simm.s32 $0x2800;
	s7 =	sshrl.u32 s7, $0x2  }
.Ltmp0:
0xd: {  	s10 =	sshrl.u32 s9, $0x1;
	s15 =	sadd.s32 s17, s20;
	(pc) =	sbr.rel .LBB2_1-.Ltmp0, $4  }
0xe: {  	s16 =	sadd.s32 s18, s20;
	s20 =	sadd.s32 $0x280, s20;
	s7 =	sadd.s32 s7, s3  }
0xf: {  	s14 =	ssub.s32 s9, s10;
	s17 =	sadd.s32 s17, s20;
	s18 =	sadd.s32 s18, s20  }
0x10: {  	s20 =	simm.s32 $0x3;
	s9 =	sadd.s32 $0x4000, s7;
	s10 =	sadd.s32 $0x8000, s7  }
0x11: {  	v0 =	vimm.f32 $0.0e+00;
	s11 =	sadd.s32 $0xC000, s7;
	s12 =	sadd.s32 $0x10000, s7;
	s14 =	smax.u32 s14, $0x1  }
.LBB2_13:
0x12: {  	[spmem:s3] =	stream.indirect.scatter.add.f32 [tilespmem:s23], [sflag:$0x2], $0x80, s30, s22, $0xb8;
	[tilespmem:$0x1E800] =	vst v63  }
0x13: {  	s29 =	smov.u32 s8  }
.LBB2_14:
0x14: {  	_ =	swait.ge [sflag:s26], $0x4000  }
0x15: {  	[sflag:s26] =	ssyncset.done $0x0  }
0x16: {  	[sflag:s26] =	ssyncadd.s32 $0xFFFFC000  }
0x17: {  	s29 =	sadd.s32 s29, s13;
	_ =	swait.ge [sflag:s26], $0x4000  }
0x18: {  	s30 =	sshll.u32 s2, $0x6;
	s28 =	sadd.s32 $0x1, s28;
	[sflag:s26] =	ssyncset.done $0x0  }
0x19: {  	s31 =	sshrl.u32 s7, $0x3;
	p1 =	sne.s32 s28, s14;
	[sflag:s26] =	ssyncadd.s32 $0xFFFFC000  }
.Ltmp1:
0x1a: {  	s30 =	sor.u32 $0x1C03, s30;
	[bflag:$0x0] =	sbarrier.arrive $0xFFFF;
	(pc) =	sbr.rel @!p1 .LBB2_15-.Ltmp1, $4  }
0x1b: {  	[hbm:s29], [sflag:s30] =	dma.local [spmem:s31], $0x2800  }
0x1c: {  	_ =	swait.ge [sflag:s20], $0x2800  }
0x1d: {  	[sflag:s20] =	ssyncset.done $0x0  }
0x1e: {  	[sflag:s20] =	ssyncadd.s32 $0xFFFFD800  }
.LBB2_1:
0x1f: {  	s29 =	simm.s32 $0x0;
	s30 =	simm.s32 $0x200  }
.LBB2_2:
0x20: {  	p1 =	sne.s32 s30, $0xFE00;
	[tilespmem:s29+$0x2870] =	vst v0  }
0x21: {  	[tilespmem:s29+$0x2800] =	vst v0  }
0x22: {  	[tilespmem:s29+$0x2810] =	vst v0  }
.Ltmp2:
0x23: {  	[tilespmem:s29+$0x2820] =	vst v0;
	(pc) =	sbr.rel @p1 .LBB2_2-.Ltmp2, $4  }
0x24: {  	[tilespmem:s29+$0x2830] =	vst v0  }
0x25: {  	[tilespmem:s29+$0x2840] =	vst v0  }
0x26: {  	[tilespmem:s29+$0x2850] =	vst v0  }
0x27: {  	[tilespmem:s29+$0x2860] =	vst v0;
	s29 =	sshra.s32 s30, $0x2;
	s30 =	sadd.s32 $0x200, s30  }
0x28: {  	[tilespmem:s29+$0x2870] =	vst v0  }
0x29: {  	[tilespmem:s29+$0x2800] =	vst v0  }
0x2a: {  	[tilespmem:s29+$0x2810] =	vst v0  }
0x2b: {  	[tilespmem:s29+$0x2820] =	vst v0  }
0x2c: {  	[tilespmem:s29+$0x2830] =	vst v0  }
0x2d: {  	[tilespmem:s29+$0x2840] =	vst v0  }
0x2e: {  	[tilespmem:s29+$0x2850] =	vst v0  }
0x2f: {  	[tilespmem:s29+$0x2860] =	vst v0  }
0x30: {  	[spmem:s7] =	stream.linear.scatter [tilespmem:s19], [sflag:$0x3], $0x4000, $0x38;
	[tilespmem:$0x1E800] =	vst v63  }
0x31: {  	_ =	swait.ge [sflag:s20], $0x4000  }
0x32: {  	[sflag:s20] =	ssyncset.done $0x0  }
0x33: {  	[sflag:s20] =	ssyncadd.s32 $0xFFFFC000  }
0x34: {  	[spmem:s9] =	stream.linear.scatter [tilespmem:s19], [sflag:$0x3], $0x4000, $0x38;
	[tilespmem:$0x1E800] =	vst v63  }
0x35: {  	_ =	swait.ge [sflag:s20], $0x4000  }
0x36: {  	[sflag:s20] =	ssyncset.done $0x0  }
0x37: {  	[sflag:s20] =	ssyncadd.s32 $0xFFFFC000  }
0x38: {  	[spmem:s10] =	stream.linear.scatter [tilespmem:s19], [sflag:$0x3], $0x4000, $0x38;
	[tilespmem:$0x1E800] =	vst v63  }
0x39: {  	_ =	swait.ge [sflag:s20], $0x4000  }
0x3a: {  	[sflag:s20] =	ssyncset.done $0x0  }
0x3b: {  	[sflag:s20] =	ssyncadd.s32 $0xFFFFC000  }
0x3c: {  	[spmem:s11] =	stream.linear.scatter [tilespmem:s19], [sflag:$0x3], $0x4000, $0x38;
	[tilespmem:$0x1E800] =	vst v63  }
0x3d: {  	_ =	swait.ge [sflag:s20], $0x4000  }
0x3e: {  	[sflag:s20] =	ssyncset.done $0x0  }
0x3f: {  	[sflag:s20] =	ssyncadd.s32 $0xFFFFC000  }
0x40: {  	[spmem:s12] =	stream.linear.scatter [tilespmem:s19], [sflag:$0x3], $0x4000, $0x38;
	[tilespmem:$0x1E800] =	vst v63  }
.Ltmp3:
0x41: {  	_ =	swait.ge [sflag:s20], $0x4000;
	(pc) =	sbr.rel @p0 .LBB2_9-.Ltmp3, $3  }
0x42: {  	[sflag:s20] =	ssyncset.done $0x0  }
0x43: {  	[sflag:s20] =	ssyncadd.s32 $0xFFFFC000  }
0x44: {  	[bflag:$0x0] =	sbarrier.arrive $0xFFFF;
	_ =	sdelay $0x1  }
0x45: {  	[tilespmem:s4], [sflag:$0x3] =	stream.linear.gather [hbm4b:s15+s4], $0x1400, $0x38;
	[tilespmem:$0x1E800] =	vst v63  }
0x46: {  	_ =	swait.ge [sflag:s20], $0x1400  }
0x47: {  	[sflag:s20] =	ssyncset.done $0x0  }
0x48: {  	[sflag:s20] =	ssyncadd.s32 $0xFFFFEC00  }
0x49: {  	[tilespmem:s21], [sflag:$0x3] =	stream.linear.gather [hbm4b:s16+s4], $0x1400, $0x38;
	[tilespmem:$0x1E800] =	vst v63  }
0x4a: {  	_ =	swait.ge [sflag:s20], $0x1400  }
0x4b: {  	[sflag:s20] =	ssyncset.done $0x0  }
0x4c: {  	[sflag:s20] =	ssyncadd.s32 $0xFFFFEC00  }
0x4d: {  	[tilespmem:s19], [sflag:$0x1] =	stream.indirect.gather [hbm4b:s1+s22], $0x80, s4, s22, $0xb8;
	[tilespmem:$0x1E800] =	vst v63  }
0x4e: {  	_ = 	snop  }
0x4f: {  	[tilespmem:s23], [sflag:$0x1] =	stream.indirect.gather [hbm4b:s1+s22], $0x80, s22, s22, $0xb8;
	[tilespmem:$0x1E800] =	vst v63  }
0x50: {  	_ =	swait.ge [sflag:s24], $0x4000  }
0x51: {  	[sflag:s24] =	ssyncset.done $0x0  }
0x52: {  	[sflag:s24] =	ssyncadd.s32 $0xFFFFC000  }
0x53: {  	[spmem:s3] =	stream.indirect.scatter.add.f32 [tilespmem:s19], [sflag:$0x2], $0x80, s21, s22, $0xb8;
	[tilespmem:$0x1E800] =	vst v63  }
0x54: {  	_ =	swait.ge [sflag:s24], $0x4000  }
0x55: {  	[sflag:s24] =	ssyncset.done $0x0  }
0x56: {  	[sflag:s24] =	ssyncadd.s32 $0xFFFFC000  }
0x57: {  	[spmem:s3] =	stream.indirect.scatter.add.f32 [tilespmem:s23], [sflag:$0x2], $0x80, s25, s22, $0xb8;
	[tilespmem:$0x1E800] =	vst v63  }
0x58: {  	_ =	swait.ge [sflag:s26], $0x4000  }
0x59: {  	[sflag:s26] =	ssyncset.done $0x0  }
0x5a: {  	s29 =	simm.s32 $0x100;
	[sflag:s26] =	ssyncadd.s32 $0xFFFFC000  }
0x5b: {  	[tilespmem:s19], [sflag:$0x1] =	stream.indirect.gather [hbm4b:s1+s22], $0x80, s29, s22, $0xb8;
	[tilespmem:$0x1E800] =	vst v63  }
0x5c: {  	_ =	swait.ge [sflag:s26], $0x4000  }
0x5d: {  	[sflag:s26] =	ssyncset.done $0x0  }
0x5e: {  	s29 =	simm.s32 $0x180;
	[sflag:s26] =	ssyncadd.s32 $0xFFFFC000  }
0x5f: {  	[tilespmem:s23], [sflag:$0x1] =	stream.indirect.gather [hbm4b:s1+s22], $0x80, s29, s22, $0xb8;
	[tilespmem:$0x1E800] =	vst v63  }
0x60: {  	_ =	swait.ge [sflag:s24], $0x4000  }
0x61: {  	[sflag:s24] =	ssyncset.done $0x0  }
0x62: {  	s29 =	simm.s32 $0x1500;
	[sflag:s24] =	ssyncadd.s32 $0xFFFFC000  }
0x63: {  	[spmem:s3] =	stream.indirect.scatter.add.f32 [tilespmem:s19], [sflag:$0x2], $0x80, s29, s22, $0xb8;
	[tilespmem:$0x1E800] =	vst v63  }
0x64: {  	_ =	swait.ge [sflag:s24], $0x4000  }
0x65: {  	[sflag:s24] =	ssyncset.done $0x0  }
0x66: {  	s30 =	simm.s32 $0x1580;
	s29 =	simm.s32 $0xFFFFB800;
	[sflag:s24] =	ssyncadd.s32 $0xFFFFC000  }
.LBB2_5:
0x67: {  	[spmem:s3] =	stream.indirect.scatter.add.f32 [tilespmem:s23], [sflag:$0x2], $0x80, s30, s22, $0xb8;
	[tilespmem:$0x1E800] =	vst v63  }
0x68: {  	s30 =	smov.u32 s29  }
0x69: {  	p1 =	sne.s32 s29, $0xFFFFFC00;
	s29 =	sadd.s32 $0x400, s29;
	_ =	swait.ge [sflag:s26], $0x4000  }
0x6a: {  	s30 =	sshra.s32 s30, $0x2;
	[sflag:s26] =	ssyncset.done $0x0  }
0x6b: {  	s31 =	sadd.s32 $0x1400, s30;
	[sflag:s26] =	ssyncadd.s32 $0xFFFFC000  }
0x6c: {  	[tilespmem:s19], [sflag:$0x1] =	stream.indirect.gather [hbm4b:s1+s22], $0x80, s31, s22, $0xb8;
	[tilespmem:$0x1E800] =	vst v63  }
0x6d: {  	_ =	swait.ge [sflag:s26], $0x4000  }
0x6e: {  	[sflag:s26] =	ssyncset.done $0x0  }
0x6f: {  	s31 =	sadd.s32 $0x1480, s30;
	[sflag:s26] =	ssyncadd.s32 $0xFFFFC000  }
0x70: {  	[tilespmem:s23], [sflag:$0x1] =	stream.indirect.gather [hbm4b:s1+s22], $0x80, s31, s22, $0xb8;
	[tilespmem:$0x1E800] =	vst v63  }
0x71: {  	_ =	swait.ge [sflag:s24], $0x4000  }
0x72: {  	[sflag:s24] =	ssyncset.done $0x0  }
.Ltmp4:
0x73: {  	s31 =	sadd.s32 $0x2800, s30;
	[sflag:s24] =	ssyncadd.s32 $0xFFFFC000;
	(pc) =	sbr.rel @p1 .LBB2_5-.Ltmp4, $4  }
0x74: {  	[spmem:s3] =	stream.indirect.scatter.add.f32 [tilespmem:s19], [sflag:$0x2], $0x80, s31, s22, $0xb8;
	[tilespmem:$0x1E800] =	vst v63  }
0x75: {  	_ =	swait.ge [sflag:s24], $0x4000  }
0x76: {  	[sflag:s24] =	ssyncset.done $0x0  }
0x77: {  	s30 =	sadd.s32 $0x2880, s30;
	[sflag:s24] =	ssyncadd.s32 $0xFFFFC000  }
0x78: {  	[spmem:s3] =	stream.indirect.scatter.add.f32 [tilespmem:s23], [sflag:$0x2], $0x80, s30, s22, $0xb8;
	[tilespmem:$0x1E800] =	vst v63  }
0x79: {  	_ =	swait.ge [sflag:s26], $0x4000  }
0x7a: {  	[sflag:s26] =	ssyncset.done $0x0  }
0x7b: {  	[sflag:s26] =	ssyncadd.s32 $0xFFFFC000  }
0x7c: {  	_ =	swait.ge [sflag:s26], $0x4000  }
0x7d: {  	[sflag:s26] =	ssyncset.done $0x0  }
0x7e: {  	[sflag:s26] =	ssyncadd.s32 $0xFFFFC000  }
0x7f: {  	[tilespmem:s4], [sflag:$0x3] =	stream.linear.gather [hbm4b:s17+s4], $0x1400, $0x38;
	[tilespmem:$0x1E800] =	vst v63  }
0x80: {  	_ =	swait.ge [sflag:s20], $0x1400  }
0x81: {  	[sflag:s20] =	ssyncset.done $0x0  }
0x82: {  	[sflag:s20] =	ssyncadd.s32 $0xFFFFEC00  }
0x83: {  	[tilespmem:s21], [sflag:$0x3] =	stream.linear.gather [hbm4b:s18+s4], $0x1400, $0x38;
	[tilespmem:$0x1E800] =	vst v63  }
0x84: {  	_ =	swait.ge [sflag:s20], $0x1400  }
0x85: {  	[sflag:s20] =	ssyncset.done $0x0  }
0x86: {  	[sflag:s20] =	ssyncadd.s32 $0xFFFFEC00  }
0x87: {  	[tilespmem:s19], [sflag:$0x1] =	stream.indirect.gather [hbm4b:s1+s22], $0x80, s4, s22, $0xb8;
	[tilespmem:$0x1E800] =	vst v63  }
0x88: {  	_ = 	snop  }
0x89: {  	[tilespmem:s23], [sflag:$0x1] =	stream.indirect.gather [hbm4b:s1+s22], $0x80, s22, s22, $0xb8;
	[tilespmem:$0x1E800] =	vst v63  }
0x8a: {  	_ =	swait.ge [sflag:s24], $0x4000  }
0x8b: {  	[sflag:s24] =	ssyncset.done $0x0  }
0x8c: {  	[sflag:s24] =	ssyncadd.s32 $0xFFFFC000  }
0x8d: {  	[spmem:s3] =	stream.indirect.scatter.add.f32 [tilespmem:s19], [sflag:$0x2], $0x80, s21, s22, $0xb8;
	[tilespmem:$0x1E800] =	vst v63  }
0x8e: {  	_ =	swait.ge [sflag:s24], $0x4000  }
0x8f: {  	[sflag:s24] =	ssyncset.done $0x0  }
0x90: {  	[sflag:s24] =	ssyncadd.s32 $0xFFFFC000  }
0x91: {  	[spmem:s3] =	stream.indirect.scatter.add.f32 [tilespmem:s23], [sflag:$0x2], $0x80, s25, s22, $0xb8;
	[tilespmem:$0x1E800] =	vst v63  }
0x92: {  	_ =	swait.ge [sflag:s26], $0x4000  }
0x93: {  	[sflag:s26] =	ssyncset.done $0x0  }
0x94: {  	s29 =	simm.s32 $0x100;
	[sflag:s26] =	ssyncadd.s32 $0xFFFFC000  }
0x95: {  	[tilespmem:s19], [sflag:$0x1] =	stream.indirect.gather [hbm4b:s1+s22], $0x80, s29, s22, $0xb8;
	[tilespmem:$0x1E800] =	vst v63  }
0x96: {  	_ =	swait.ge [sflag:s26], $0x4000  }
0x97: {  	[sflag:s26] =	ssyncset.done $0x0  }
0x98: {  	s29 =	simm.s32 $0x180;
	[sflag:s26] =	ssyncadd.s32 $0xFFFFC000  }
0x99: {  	[tilespmem:s23], [sflag:$0x1] =	stream.indirect.gather [hbm4b:s1+s22], $0x80, s29, s22, $0xb8;
	[tilespmem:$0x1E800] =	vst v63  }
0x9a: {  	_ =	swait.ge [sflag:s24], $0x4000  }
0x9b: {  	[sflag:s24] =	ssyncset.done $0x0  }
0x9c: {  	s29 =	simm.s32 $0x1500;
	[sflag:s24] =	ssyncadd.s32 $0xFFFFC000  }
0x9d: {  	[spmem:s3] =	stream.indirect.scatter.add.f32 [tilespmem:s19], [sflag:$0x2], $0x80, s29, s22, $0xb8;
	[tilespmem:$0x1E800] =	vst v63  }
0x9e: {  	_ =	swait.ge [sflag:s24], $0x4000  }
0x9f: {  	[sflag:s24] =	ssyncset.done $0x0  }
0xa0: {  	s30 =	simm.s32 $0x1580;
	s29 =	simm.s32 $0xFFFFB800;
	[sflag:s24] =	ssyncadd.s32 $0xFFFFC000  }
.LBB2_7:
0xa1: {  	[spmem:s3] =	stream.indirect.scatter.add.f32 [tilespmem:s23], [sflag:$0x2], $0x80, s30, s22, $0xb8;
	[tilespmem:$0x1E800] =	vst v63  }
0xa2: {  	s30 =	smov.u32 s29  }
0xa3: {  	p1 =	seq.s32 s29, $0xFFFFFC00;
	s29 =	sadd.s32 $0x400, s29;
	_ =	swait.ge [sflag:s26], $0x4000  }
0xa4: {  	s30 =	sshra.s32 s30, $0x2;
	[sflag:s26] =	ssyncset.done $0x0  }
0xa5: {  	s31 =	sadd.s32 $0x1400, s30;
	[sflag:s26] =	ssyncadd.s32 $0xFFFFC000  }
0xa6: {  	[tilespmem:s19], [sflag:$0x1] =	stream.indirect.gather [hbm4b:s1+s22], $0x80, s31, s22, $0xb8;
	[tilespmem:$0x1E800] =	vst v63  }
0xa7: {  	_ =	swait.ge [sflag:s26], $0x4000  }
0xa8: {  	[sflag:s26] =	ssyncset.done $0x0  }
0xa9: {  	s31 =	sadd.s32 $0x1480, s30;
	[sflag:s26] =	ssyncadd.s32 $0xFFFFC000  }
0xaa: {  	[tilespmem:s23], [sflag:$0x1] =	stream.indirect.gather [hbm4b:s1+s22], $0x80, s31, s22, $0xb8;
	[tilespmem:$0x1E800] =	vst v63  }
0xab: {  	_ =	swait.ge [sflag:s24], $0x4000  }
0xac: {  	[sflag:s24] =	ssyncset.done $0x0  }
.Ltmp5:
0xad: {  	s31 =	sadd.s32 $0x2800, s30;
	[sflag:s24] =	ssyncadd.s32 $0xFFFFC000;
	(pc) =	sbr.rel @!p1 .LBB2_7-.Ltmp5, $4  }
0xae: {  	[spmem:s3] =	stream.indirect.scatter.add.f32 [tilespmem:s19], [sflag:$0x2], $0x80, s31, s22, $0xb8;
	[tilespmem:$0x1E800] =	vst v63  }
0xaf: {  	_ =	swait.ge [sflag:s24], $0x4000  }
0xb0: {  	[sflag:s24] =	ssyncset.done $0x0  }
0xb1: {  	s30 =	sadd.s32 $0x2880, s30;
	[sflag:s24] =	ssyncadd.s32 $0xFFFFC000  }
.Ltmp6:
0xb2: {  	(pc) =	sbr.rel .LBB2_14-.Ltmp6, $3  }
0xb3: {  	_ =	sdelay $0x1  }
0xb4: {  	[spmem:s3] =	stream.indirect.scatter.add.f32 [tilespmem:s23], [sflag:$0x2], $0x80, s30, s22, $0xb8;
	[tilespmem:$0x1E800] =	vst v63  }
0xb5: {  	s29 =	smov.u32 s6  }
.LBB2_9:
0xb6: {  	[tilespmem:s4], [sflag:$0x3] =	stream.linear.gather [hbm4b:s15+s4], $0x1400, $0x38;
	[tilespmem:$0x1E800] =	vst v63  }
0xb7: {  	_ =	swait.ge [sflag:s20], $0x1400  }
0xb8: {  	[sflag:s20] =	ssyncset.done $0x0  }
0xb9: {  	[sflag:s20] =	ssyncadd.s32 $0xFFFFEC00  }
0xba: {  	[tilespmem:s21], [sflag:$0x3] =	stream.linear.gather [hbm4b:s16+s4], $0x1400, $0x38;
	[tilespmem:$0x1E800] =	vst v63  }
0xbb: {  	_ =	swait.ge [sflag:s20], $0x1400  }
0xbc: {  	[sflag:s20] =	ssyncset.done $0x0  }
0xbd: {  	[sflag:s20] =	ssyncadd.s32 $0xFFFFEC00  }
0xbe: {  	[tilespmem:s19], [sflag:$0x1] =	stream.indirect.gather [hbm4b:s5+s22], $0x80, s4, s22, $0xb8;
	[tilespmem:$0x1E800] =	vst v63  }
0xbf: {  	_ = 	snop  }
0xc0: {  	[tilespmem:s23], [sflag:$0x1] =	stream.indirect.gather [hbm4b:s5+s22], $0x80, s22, s22, $0xb8;
	[tilespmem:$0x1E800] =	vst v63  }
0xc1: {  	_ =	swait.ge [sflag:s24], $0x4000  }
0xc2: {  	[sflag:s24] =	ssyncset.done $0x0  }
0xc3: {  	[sflag:s24] =	ssyncadd.s32 $0xFFFFC000  }
0xc4: {  	[spmem:s3] =	stream.indirect.scatter.add.f32 [tilespmem:s19], [sflag:$0x2], $0x80, s21, s22, $0xb8;
	[tilespmem:$0x1E800] =	vst v63  }
0xc5: {  	_ =	swait.ge [sflag:s24], $0x4000  }
0xc6: {  	[sflag:s24] =	ssyncset.done $0x0  }
0xc7: {  	[sflag:s24] =	ssyncadd.s32 $0xFFFFC000  }
0xc8: {  	[spmem:s3] =	stream.indirect.scatter.add.f32 [tilespmem:s23], [sflag:$0x2], $0x80, s25, s22, $0xb8;
	[tilespmem:$0x1E800] =	vst v63  }
0xc9: {  	_ =	swait.ge [sflag:s26], $0x4000  }
0xca: {  	[sflag:s26] =	ssyncset.done $0x0  }
0xcb: {  	s29 =	simm.s32 $0x100;
	[sflag:s26] =	ssyncadd.s32 $0xFFFFC000  }
0xcc: {  	[tilespmem:s19], [sflag:$0x1] =	stream.indirect.gather [hbm4b:s5+s22], $0x80, s29, s22, $0xb8;
	[tilespmem:$0x1E800] =	vst v63  }
0xcd: {  	_ =	swait.ge [sflag:s26], $0x4000  }
0xce: {  	[sflag:s26] =	ssyncset.done $0x0  }
0xcf: {  	s29 =	simm.s32 $0x180;
	[sflag:s26] =	ssyncadd.s32 $0xFFFFC000  }
0xd0: {  	[tilespmem:s23], [sflag:$0x1] =	stream.indirect.gather [hbm4b:s5+s22], $0x80, s29, s22, $0xb8;
	[tilespmem:$0x1E800] =	vst v63  }
0xd1: {  	_ =	swait.ge [sflag:s24], $0x4000  }
0xd2: {  	[sflag:s24] =	ssyncset.done $0x0  }
0xd3: {  	s29 =	simm.s32 $0x1500;
	[sflag:s24] =	ssyncadd.s32 $0xFFFFC000  }
0xd4: {  	[spmem:s3] =	stream.indirect.scatter.add.f32 [tilespmem:s19], [sflag:$0x2], $0x80, s29, s22, $0xb8;
	[tilespmem:$0x1E800] =	vst v63  }
0xd5: {  	_ =	swait.ge [sflag:s24], $0x4000  }
0xd6: {  	[sflag:s24] =	ssyncset.done $0x0  }
0xd7: {  	s30 =	simm.s32 $0x1580;
	s29 =	simm.s32 $0xFFFFB800;
	[sflag:s24] =	ssyncadd.s32 $0xFFFFC000  }
.LBB2_10:
0xd8: {  	[spmem:s3] =	stream.indirect.scatter.add.f32 [tilespmem:s23], [sflag:$0x2], $0x80, s30, s22, $0xb8;
	[tilespmem:$0x1E800] =	vst v63  }
0xd9: {  	s30 =	smov.u32 s29  }
0xda: {  	p1 =	sne.s32 s29, $0xFFFFFC00;
	s29 =	sadd.s32 $0x400, s29;
	_ =	swait.ge [sflag:s26], $0x4000  }
0xdb: {  	s30 =	sshra.s32 s30, $0x2;
	[sflag:s26] =	ssyncset.done $0x0  }
0xdc: {  	s31 =	sadd.s32 $0x1400, s30;
	[sflag:s26] =	ssyncadd.s32 $0xFFFFC000  }
0xdd: {  	[tilespmem:s19], [sflag:$0x1] =	stream.indirect.gather [hbm4b:s5+s22], $0x80, s31, s22, $0xb8;
	[tilespmem:$0x1E800] =	vst v63  }
0xde: {  	_ =	swait.ge [sflag:s26], $0x4000  }
0xdf: {  	[sflag:s26] =	ssyncset.done $0x0  }
0xe0: {  	s31 =	sadd.s32 $0x1480, s30;
	[sflag:s26] =	ssyncadd.s32 $0xFFFFC000  }
0xe1: {  	[tilespmem:s23], [sflag:$0x1] =	stream.indirect.gather [hbm4b:s5+s22], $0x80, s31, s22, $0xb8;
	[tilespmem:$0x1E800] =	vst v63  }
0xe2: {  	_ =	swait.ge [sflag:s24], $0x4000  }
0xe3: {  	[sflag:s24] =	ssyncset.done $0x0  }
.Ltmp7:
0xe4: {  	s31 =	sadd.s32 $0x2800, s30;
	[sflag:s24] =	ssyncadd.s32 $0xFFFFC000;
	(pc) =	sbr.rel @p1 .LBB2_10-.Ltmp7, $4  }
0xe5: {  	[spmem:s3] =	stream.indirect.scatter.add.f32 [tilespmem:s19], [sflag:$0x2], $0x80, s31, s22, $0xb8;
	[tilespmem:$0x1E800] =	vst v63  }
0xe6: {  	_ =	swait.ge [sflag:s24], $0x4000  }
0xe7: {  	[sflag:s24] =	ssyncset.done $0x0  }
0xe8: {  	s30 =	sadd.s32 $0x2880, s30;
	[sflag:s24] =	ssyncadd.s32 $0xFFFFC000  }
0xe9: {  	[spmem:s3] =	stream.indirect.scatter.add.f32 [tilespmem:s23], [sflag:$0x2], $0x80, s30, s22, $0xb8;
	[tilespmem:$0x1E800] =	vst v63  }
0xea: {  	_ =	swait.ge [sflag:s26], $0x4000  }
0xeb: {  	[sflag:s26] =	ssyncset.done $0x0  }
0xec: {  	[sflag:s26] =	ssyncadd.s32 $0xFFFFC000  }
0xed: {  	_ =	swait.ge [sflag:s26], $0x4000  }
0xee: {  	[sflag:s26] =	ssyncset.done $0x0  }
0xef: {  	[sflag:s26] =	ssyncadd.s32 $0xFFFFC000  }
0xf0: {  	[tilespmem:s4], [sflag:$0x3] =	stream.linear.gather [hbm4b:s17+s4], $0x1400, $0x38;
	[tilespmem:$0x1E800] =	vst v63  }
0xf1: {  	_ =	swait.ge [sflag:s20], $0x1400  }
0xf2: {  	[sflag:s20] =	ssyncset.done $0x0  }
0xf3: {  	[sflag:s20] =	ssyncadd.s32 $0xFFFFEC00  }
0xf4: {  	[tilespmem:s21], [sflag:$0x3] =	stream.linear.gather [hbm4b:s18+s4], $0x1400, $0x38;
	[tilespmem:$0x1E800] =	vst v63  }
0xf5: {  	_ =	swait.ge [sflag:s20], $0x1400  }
0xf6: {  	[sflag:s20] =	ssyncset.done $0x0  }
0xf7: {  	[sflag:s20] =	ssyncadd.s32 $0xFFFFEC00  }
0xf8: {  	[tilespmem:s19], [sflag:$0x1] =	stream.indirect.gather [hbm4b:s5+s22], $0x80, s4, s22, $0xb8;
	[tilespmem:$0x1E800] =	vst v63  }
0xf9: {  	_ = 	snop  }
0xfa: {  	[tilespmem:s23], [sflag:$0x1] =	stream.indirect.gather [hbm4b:s5+s22], $0x80, s22, s22, $0xb8;
	[tilespmem:$0x1E800] =	vst v63  }
0xfb: {  	_ =	swait.ge [sflag:s24], $0x4000  }
0xfc: {  	[sflag:s24] =	ssyncset.done $0x0  }
0xfd: {  	[sflag:s24] =	ssyncadd.s32 $0xFFFFC000  }
0xfe: {  	[spmem:s3] =	stream.indirect.scatter.add.f32 [tilespmem:s19], [sflag:$0x2], $0x80, s21, s22, $0xb8;
	[tilespmem:$0x1E800] =	vst v63  }
0xff: {  	_ =	swait.ge [sflag:s24], $0x4000  }
0x100: {  	[sflag:s24] =	ssyncset.done $0x0  }
0x101: {  	[sflag:s24] =	ssyncadd.s32 $0xFFFFC000  }
0x102: {  	[spmem:s3] =	stream.indirect.scatter.add.f32 [tilespmem:s23], [sflag:$0x2], $0x80, s25, s22, $0xb8;
	[tilespmem:$0x1E800] =	vst v63  }
0x103: {  	_ =	swait.ge [sflag:s26], $0x4000  }
0x104: {  	[sflag:s26] =	ssyncset.done $0x0  }
0x105: {  	s29 =	simm.s32 $0x100;
	[sflag:s26] =	ssyncadd.s32 $0xFFFFC000  }
0x106: {  	[tilespmem:s19], [sflag:$0x1] =	stream.indirect.gather [hbm4b:s5+s22], $0x80, s29, s22, $0xb8;
	[tilespmem:$0x1E800] =	vst v63  }
0x107: {  	_ =	swait.ge [sflag:s26], $0x4000  }
0x108: {  	[sflag:s26] =	ssyncset.done $0x0  }
0x109: {  	s29 =	simm.s32 $0x180;
	[sflag:s26] =	ssyncadd.s32 $0xFFFFC000  }
0x10a: {  	[tilespmem:s23], [sflag:$0x1] =	stream.indirect.gather [hbm4b:s5+s22], $0x80, s29, s22, $0xb8;
	[tilespmem:$0x1E800] =	vst v63  }
0x10b: {  	_ =	swait.ge [sflag:s24], $0x4000  }
0x10c: {  	[sflag:s24] =	ssyncset.done $0x0  }
0x10d: {  	s29 =	simm.s32 $0x1500;
	[sflag:s24] =	ssyncadd.s32 $0xFFFFC000  }
0x10e: {  	[spmem:s3] =	stream.indirect.scatter.add.f32 [tilespmem:s19], [sflag:$0x2], $0x80, s29, s22, $0xb8;
	[tilespmem:$0x1E800] =	vst v63  }
0x10f: {  	_ =	swait.ge [sflag:s24], $0x4000  }
0x110: {  	[sflag:s24] =	ssyncset.done $0x0  }
0x111: {  	s30 =	simm.s32 $0x1580;
	s29 =	simm.s32 $0xFFFFB800;
	[sflag:s24] =	ssyncadd.s32 $0xFFFFC000  }
.LBB2_12:
0x112: {  	[spmem:s3] =	stream.indirect.scatter.add.f32 [tilespmem:s23], [sflag:$0x2], $0x80, s30, s22, $0xb8;
	[tilespmem:$0x1E800] =	vst v63  }
0x113: {  	s30 =	smov.u32 s29  }
0x114: {  	p1 =	sne.s32 s29, $0xFFFFFC00;
	s29 =	sadd.s32 $0x400, s29;
	_ =	swait.ge [sflag:s26], $0x4000  }
0x115: {  	s30 =	sshra.s32 s30, $0x2;
	[sflag:s26] =	ssyncset.done $0x0  }
0x116: {  	s31 =	sadd.s32 $0x1400, s30;
	[sflag:s26] =	ssyncadd.s32 $0xFFFFC000  }
0x117: {  	[tilespmem:s19], [sflag:$0x1] =	stream.indirect.gather [hbm4b:s5+s22], $0x80, s31, s22, $0xb8;
	[tilespmem:$0x1E800] =	vst v63  }
0x118: {  	_ =	swait.ge [sflag:s26], $0x4000  }
0x119: {  	[sflag:s26] =	ssyncset.done $0x0  }
0x11a: {  	s31 =	sadd.s32 $0x1480, s30;
	[sflag:s26] =	ssyncadd.s32 $0xFFFFC000  }
0x11b: {  	[tilespmem:s23], [sflag:$0x1] =	stream.indirect.gather [hbm4b:s5+s22], $0x80, s31, s22, $0xb8;
	[tilespmem:$0x1E800] =	vst v63  }
0x11c: {  	_ =	swait.ge [sflag:s24], $0x4000  }
0x11d: {  	[sflag:s24] =	ssyncset.done $0x0  }
.Ltmp8:
0x11e: {  	s31 =	sadd.s32 $0x2800, s30;
	[sflag:s24] =	ssyncadd.s32 $0xFFFFC000;
	(pc) =	sbr.rel @p1 .LBB2_12-.Ltmp8, $4  }
0x11f: {  	[spmem:s3] =	stream.indirect.scatter.add.f32 [tilespmem:s19], [sflag:$0x2], $0x80, s31, s22, $0xb8;
	[tilespmem:$0x1E800] =	vst v63  }
0x120: {  	_ =	swait.ge [sflag:s24], $0x4000  }
0x121: {  	[sflag:s24] =	ssyncset.done $0x0  }
0x122: {  	s30 =	sadd.s32 $0x2880, s30;
	[sflag:s24] =	ssyncadd.s32 $0xFFFFC000  }
.Ltmp9:
0x123: {  	_ = 	snop;
	(pc) =	sbr.rel .LBB2_13-.Ltmp9, $1  }
0x124: {  	_ =	sdelay $0x3  }
.LBB2_15:
0x125: {  	_ =	sfence.sel $0x180000  }
0x126: {  	[bflag:$0x0] =	sbarrier.arrive $0xFFFF  }
0x127: {  	p0 =	sne.s32 s2, $0x0;
	_ =	strace $0x90000050  }
0x128: {  	s0 =	sadd.s32 @!p0 $0x100000, s0;
	[bflag:$0x2] =	sbarrier.arrive $0xFFFF  }
0x129: {  	[sflag:s0] =	ssyncadd.tile.s32 @!p0 $0x1;
	_ =	shalt  }
.Lfunc_end2:
_tile_overlayer_lowered:
.L_overlay_start_2:
0x12a: {  	(tag) =	ssettag $0x2  }
0x12b: {  	s0 =	rddreg [dreg:$0x0];
	s2 =	stileid.u32  }
0x12c: {  	s1 =	rddreg [dreg:$0x1];
	p0 =	sne.s32 s2, $0x0  }
0x12d: {  	s3 =	rddreg [dreg:$0x2];
	[bflag:$0x3] =	sbarrier.arrive $0xFFFF;
	s2 =	simm.s32 @!p0 $0x1C03  }
0x12e: {  	[timem:s3], [sflag:s2] =	dma.local @!p0 [hbm:s0], s1  }
0x12f: {  	s0 =	simm.s32 @!p0 $0x3  }
0x130: {  	_ =	swait.ge @!p0 [sflag:s0], s1  }
0x131: {  	s1 =	ssub.s32 @!p0 $0x0, s1;
	[sflag:s0] =	ssyncset.done @!p0 $0x0  }
0x132: {  	[sflag:s0] =	ssyncadd.s32 @!p0 s1  }
0x133: {  	[bflag:$0x3] =	sbarrier.arrive $0xFFFF  }
0x134: {  	_ =	shalt  }

// kernel: kernel.9.cloned.1.call-start
scs
__scs_entry_jumppad:
0x0: {  	(pc) =	sbr.rel $0x88, $3  }
0x1: {  	(tag) =	ssettag $0x0;
	lr =	simm.s32 $0x1  }
0x2: {  	[smem:$0x3F96] =	sst lr;
	_ =	strace $0xD0000000  }
0x3: {  	_ = 	snop  }
0x4: {  	_ = 	snop  }
0x5: {  	_ = 	snop  }
0x6: {  	_ = 	snop  }
0x7: {  	_ = 	snop  }
__scs_overlays_trampoline_lowered:
0x8: {  	[smem:$0x3FA5] =	sst s0  }
0x9: {  	[smem:$0x3FA6] =	sst s1  }
0xa: {  	[smem:$0x3FA7] =	sst s2  }
0xb: {  	[smem:$0x3FA8] =	sst s3  }
0xc: {  	[smem:$0x3FA9] =	sst s4  }
0xd: {  	[smem:$0x3FAA] =	sst s5  }
0xe: {  	[smem:$0x3FAB] =	sst s6  }
0xf: {  	[smem:$0x3FAC] =	sst s7  }
0x10: {  	[smem:$0x3FAD] =	sst s8  }
0x11: {  	[smem:$0x3FAE] =	sst s9;
	s0 =	simm.s32 @!p0 $0x0  }
0x12: {  	s1 =	sld [smem:$0x3F94];
	s0 =	simm.s32 @p0 $0x1  }
0x13: {  	[smem:$0x3FAF] =	sst s0;
	s0 =	simm.s32 @!p1 $0x0  }
0x14: {  	s2 =	sld [smem:$0x3F93];
	s0 =	simm.s32 @p1 $0x1  }
0x15: {  	[smem:$0x3FB0] =	sst s0;
	s0 =	simm.s32 @!p2 $0x0  }
0x16: {  	s3 =	sld [smem:$0x3FDB];
	s0 =	simm.s32 @p2 $0x1  }
0x17: {  	s4 =	simm.s32 $0x1BF5;
	[smem:$0x3FB2] =	sst s0  }
0x18: {  	s0 =	sld [smem:$0x3F95];
	_ =	swait.ge [sflag:s4], $0x0  }
0x19: {  	s7 =	sld [smem:$0x3F96]  }
0x1a: {  	s8 =	sadd.s32 $0xFFFFE003, lr  }
0x1b: {  	s9 =	sadd.s32 $0xFFFFFEF7, lr;
	s5 =	simm.s32 $0xFFFFFFFF;
	p2 =	slt.u32 s8, $0xFFFFF086  }
0x1c: {  	p1 =	slt.u32 s9, $0xF7A;
	s5 =	simm.s32 @!p2 $0x0  }
0x1d: {  	s5 =	simm.s32 @p1 $0x1;
	p0 =	seq.s32 s7, s2  }
0x1e: {  	s7 =	smul.u32 @!p0 $0xF7A, s2;
	p2 =	seq.s32 @!p0 s5, $0x0  }
0x1f: {  	s9 =	smul.u32 $0xF7A, s1;
	s8 =	simm.s32 @!p0 $0x1BF5;
	p2 =	por !p2, p0  }
0x20: {  	[sflag:s8] =	ssyncset.s32 @!p0 $0xFFFFF086;
	s6 =	sadd.s32 @!p0 s3, s7;
	s7 =	simm.s32 @!p0 $0x108  }
0x21: {  	s3 =	sadd.s32 s3, s9;
	s6 =	sadd.s32 @!p0 $0x88, s6;
	s7 =	simm.s32 @p2 $0x1082  }
0x22: {  	[simem:s7], [sflag:s8] =	dma.local @!p0 [hbm:s6], $0xF7A  }
0x23: {  	s9 =	sor.u32 $0xD0000000, s2;
	s6 =	simm.s32 $0x108;
	_ =	swait.ge @!p0 [sflag:s8], $0x0  }
0x24: {  	s3 =	sadd.s32 $0x88, s3;
	s6 =	simm.s32 @!p1 $0x1082;
	[sflag:s4] =	ssyncset.s32 $0xFFFFF086  }
0x25: {  	[simem:s6], [sflag:s4] =	dma.local [hbm:s3], $0xF7A  }
0x26: {  	[smem:$0x3F96] =	sst s1;
	(tag) =	ssettag s2;
	_ =	strace s9  }
0x27: {  	s1 =	sld [smem:$0x3FA6]  }
0x28: {  	s2 =	sld [smem:$0x3FA7]  }
0x29: {  	s4 =	sld [smem:$0x3FA9]  }
0x2a: {  	p0 =	seq.s32 s5, $0x0;
	s5 =	sld [smem:$0x3FAA]  }
0x2b: {  	s6 =	sld [smem:$0x3FAB]  }
0x2c: {  	s7 =	sld [smem:$0x3FAC]  }
0x2d: {  	s3 =	simm.s32 $0x108;
	s8 =	sld [smem:$0x3FAD]  }
0x2e: {  	s3 =	simm.s32 @!p0 $0x1082;
	s9 =	sld [smem:$0x3FAE]  }
0x2f: {  	lr =	sadd.s32 s0, s3;
	s0 =	sld [smem:$0x3FA5]  }
0x30: {  	s3 =	sld [smem:$0x3FA8]  }
0x31: {  	[smem:$0x3FB1] =	sst s10  }
0x32: {  	s10 =	sld [smem:$0x3FAF];
	_ =	sdelay $0x3  }
0x33: {  	p0 =	seq.s32 s10, $0x1;
	s10 =	sld [smem:$0x3FB1];
	_ =	sdelay $0x3  }
0x34: {  	[smem:$0x3FB1] =	sst s10  }
0x35: {  	s10 =	sld [smem:$0x3FB0];
	_ =	sdelay $0x3  }
0x36: {  	p1 =	seq.s32 s10, $0x1;
	s10 =	sld [smem:$0x3FB1];
	_ =	sdelay $0x3  }
0x37: {  	[smem:$0x3FB1] =	sst s10  }
0x38: {  	s10 =	sld [smem:$0x3FB2]  }
0x39: {  	_ = 	snop;
	(pc) =	sbr.ind lr, $3  }
0x3a: {  	_ = 	snop  }
0x3b: {  	_ = 	snop  }
0x3c: {  	p2 =	seq.s32 s10, $0x1;
	s10 =	sld [smem:$0x3FB1]  }
0x3d: {  	_ =	shalt  }
0x3e: {  	_ =	shalt  }
0x3f: {  	_ =	shalt  }
0x40: {  	_ =	shalt  }
0x41: {  	_ =	shalt  }
0x42: {  	_ =	shalt  }
0x43: {  	_ =	shalt  }
0x44: {  	_ =	shalt  }
0x45: {  	_ =	shalt  }
0x46: {  	_ =	shalt  }
0x47: {  	_ =	shalt  }
0x48: {  	_ =	shalt  }
0x49: {  	_ =	shalt  }
0x4a: {  	_ =	shalt  }
0x4b: {  	_ =	shalt  }
0x4c: {  	_ =	shalt  }
0x4d: {  	_ =	shalt  }
0x4e: {  	_ =	shalt  }
0x4f: {  	_ =	shalt  }
0x50: {  	_ =	shalt  }
0x51: {  	_ =	shalt  }
0x52: {  	_ =	shalt  }
0x53: {  	_ =	shalt  }
0x54: {  	_ =	shalt  }
0x55: {  	_ =	shalt  }
0x56: {  	_ =	shalt  }
0x57: {  	_ =	shalt  }
0x58: {  	_ =	shalt  }
0x59: {  	_ =	shalt  }
0x5a: {  	_ =	shalt  }
0x5b: {  	_ =	shalt  }
0x5c: {  	_ =	shalt  }
0x5d: {  	_ =	shalt  }
0x5e: {  	_ =	shalt  }
0x5f: {  	_ =	shalt  }
0x60: {  	_ =	shalt  }
0x61: {  	_ =	shalt  }
0x62: {  	_ =	shalt  }
0x63: {  	_ =	shalt  }
0x64: {  	_ =	shalt  }
0x65: {  	_ =	shalt  }
0x66: {  	_ =	shalt  }
0x67: {  	_ =	shalt  }
0x68: {  	_ =	shalt  }
0x69: {  	_ =	shalt  }
0x6a: {  	_ =	shalt  }
0x6b: {  	_ =	shalt  }
0x6c: {  	_ =	shalt  }
0x6d: {  	_ =	shalt  }
0x6e: {  	_ =	shalt  }
0x6f: {  	_ =	shalt  }
0x70: {  	_ =	shalt  }
0x71: {  	_ =	shalt  }
0x72: {  	_ =	shalt  }
0x73: {  	_ =	shalt  }
0x74: {  	_ =	shalt  }
0x75: {  	_ =	shalt  }
0x76: {  	_ =	shalt  }
0x77: {  	_ =	shalt  }
0x78: {  	_ =	shalt  }
0x79: {  	_ =	shalt  }
0x7a: {  	_ =	shalt  }
0x7b: {  	_ =	shalt  }
0x7c: {  	_ =	shalt  }
0x7d: {  	_ =	shalt  }
0x7e: {  	_ =	shalt  }
0x7f: {  	_ =	shalt  }
0x80: {  	_ =	shalt  }
0x81: {  	_ =	shalt  }
0x82: {  	_ =	shalt  }
0x83: {  	_ =	shalt  }
0x84: {  	_ =	shalt  }
0x85: {  	_ =	shalt  }
0x86: {  	_ =	shalt  }
0x87: {  	_ =	shalt  }
.Lfunc_end0:
.L_simem_size_0:
called_computation_lowered:
.L_overlay_start_0:
0x88: {  	s2 =	sld [smem:$0x3FD9]  }
0x89: {  	s3 =	sld [smem:$0x3FFE];
	_ =	sdelay $0x1  }
0x8a: {  	s1 =	srdreg.scid  }
0x8b: {  	s0 =	sand.u32 $0x1, s1  }
0x8c: {  	s16 =	sshll.u32 s0, $0xA;
	s2 =	sadd.s32 s3, s2  }
0x8d: {  	s2 =	sadd.s32 s2, s16  }
0x8e: {  	[smem:$0x3FBD] =	sst s2  }
0x8f: {  	_ = 	snop  }
0x90: {  	(tm) =	ssettm $0x1  }
0x91: {  	s17 =	sld [smem:$0x3FFB];
	_ =	sdelay $0x3  }
0x92: {  	_ =	strace s17  }
0x93: {  	s2 =	sld [smem:$0x3FFC];
	_ =	sdelay $0x3  }
0x94: {  	_ =	strace s2  }
0x95: {  	s2 =	sld [smem:$0x3FFD];
	_ =	sdelay $0x3  }
0x96: {  	_ =	strace s2  }
0x97: {  	_ =	strace $0x8FFFFFFF  }
0x98: {  	s18 =	sld [smem:$0x3FDB];
	_ =	sdelay $0x1  }
0x99: {  	s19 =	simm.s32 $_scs_section_size  }
0x9a: {  	s4 =	simm.s32 $_size__tile_overlayer_lowered;
	s5 =	simm.s32 $_tile_overlayer_lowered  }
0x9b: {  	s22 =	simm.s32 $0x1BFF;
	s21 =	sshll.u32 s5, $0x1;
	s2 =	sadd.s32 s19, s18  }
0x9c: {  	s6 =	simm.s32 $0x0;
	s20 =	sshll.u32 s4, $0x1;
	s4 =	sadd.s32 s21, s2  }
0x9d: {  	[timem:s6], [sflag:s22] =	dma.local [hbm:s4], s20  }
0x9e: {  	_ =	swait.ge [sflag:s22], s20  }
0x9f: {  	s3 =	ssub.s32 $0x0, s20;
	[sflag:s22] =	ssyncset.done $0x0  }
0xa0: {  	[sflag:s22] =	ssyncadd.s32 s3;
	_ =	sdelay $0x1  }
0xa1: {  	s23 =	simm.s32 $0x1B8B  }
0xa2: {  	_ =	swait.ge [sflag:s23], $0x1  }
0xa3: {  	[sflag:s23] =	ssyncset.done $0x0  }
0xa4: {  	s25 =	simm.s32 $0x1B8E;
	s24 =	sld [smem:$0x3FFE];
	[sflag:s23] =	ssyncadd.s32 $0xFFFFFFFF  }
0xa5: {  	s26 =	simm.s32 $execute0_lowered;
	[smem:$0x3FD2] =	sst s25  }
0xa6: {  	s4 =	sshll.u32 s26, $0x1;
	_ =	strace $0x80000046;
	[dreg:$0x1] =	wrdreg $0xFFFFFFFF  }
0xa7: {  	s28 =	simm.s32 $_size_execute0_lowered;
	s2 =	sadd.s32 s2, s4;
	[dreg:$0x0] =	wrdreg $0x0  }
0xa8: {  	s4 =	sshll.u32 s28, $0x1;
	[dreg:$0x2] =	wrdreg s2  }
0xa9: {  	[dreg:$0x3] =	wrdreg s4  }
0xaa: {  	[dreg:$0x4] =	wrdreg $0xC0  }
0xab: {  	_ =	task [dreg:s6], $0x5FFFF  }
0xac: {  	[dreg:$0x1] =	wrdreg $0xFFFFFFFF  }
0xad: {  	[dreg:$0x0] =	wrdreg $0x60  }
0xae: {  	[dreg:$0x2] =	wrdreg s24  }
0xaf: {  	[dreg:$0x3] =	wrdreg $0x54000  }
0xb0: {  	[dreg:$0x4] =	wrdreg $0x9  }
0xb1: {  	_ =	task.clear_ibuf [dreg:s6], $0x5FFFF;
	_ =	strace $0x90000046  }
0xb2: {  	s29 =	simm.s32 $0x9;
	_ =	strace $0x80000048  }
0xb3: {  	_ =	swait.ge [sflag:s29], $0x1  }
0xb4: {  	[sflag:s29] =	ssyncadd.s32 $0xFFFFFFFF  }
0xb5: {  	_ =	strace $0x90000048  }
0xb6: {  	_ =	sfence  }
0xb7: {  	s30 =	sld [smem:$0x0];
	_ =	sdelay $0x2  }
0xb8: {  	s31 =	sshll.u32 s1, $0xD;
	s1 =	sshrl.u32 s1, $0x2  }
0xb9: {  	s3 =	sand.u32 $0x4000, s31;
	s1 =	sadd.s32 s1, s30  }
0xba: {  	s0 =	sor.u32 s3, s0;
	s1 =	sshll.u32 s1, $0x11  }
0xbb: {  	s0 =	sor.u32 s1, s0  }
0xbc: {  	s0 =	sadd.s32 $0x8F2B, s0  }
0xbd: {  	[sflag:s0] =	ssyncadd.remote.s32 $0x1  }
0xbe: {  	_ =	sfence.sel $0xFFFF  }
0xbf: {  	[dreg:$0x0] =	wrdreg $0xFFFFFFFF;
	(pc) =	sbr.abs _section_cstart, $3  }
0xc0: {  	[dreg:$0x1] =	wrdreg $0xFFFFFFFF  }
0xc1: {  	_ =	task.clear_ibuf [dreg:s6], $0x2FFFF;
	_ =	strace $0x9FFFFFFF  }
0xc2: {  	(tm) =	ssettm $0x7FFFFFFF  }
0xc3: {  	_ =	shalt  }
tec
execute0_lowered:
.L_overlay_start_1:
0x0: {  	(tag) =	ssettag $0x1  }
0x1: {  	s0 =	srdreg.scid  }
0x2: {  	s5 =	rddreg [dreg:$0x0];
	s4 =	sand.u32 $0x1, s0;
	s0 =	stileid.u32  }
0x3: {  	s2 =	rddreg [dreg:$0x1];
	s3 =	simm.s32 $0x0;
	s7 =	smul.u32 $0x280, s0  }
0x4: {  	s13 =	simm.s32 $0x1;
	s14 =	simm.s32 $0x80;
	s8 =	smul.u32 $0x2800, s4  }
0x5: {  	[smem:$0x7FF] =	sst s3;
	s1 =	sshll.u32 s4, $0x4;
	s9 =	smul.u32 $0x50000, s0  }
0x6: {  	s29 =	ssub.s32 $0x2, s4;
	s15 =	sshll.u32 s0, $0x6;
	s1 =	sor.u32 s0, s1  }
0x7: {  	s31 =	sshrl.u32 s29, $0x1;
	s15 =	sor.u32 $0x1C01, s15;
	s6 =	smul.u32 $0x280, s1  }
0x8: {  	s1 =	rddreg [dreg:$0x2];
	_ =	strace $0x80000047;
	s30 =	sshrl.u32 s9, $0x2  }
0x9: {  	s28 =	sadd.s32 s7, s8;
	s12 =	ssub.s32 s29, s31;
	s4 =	sadd.s32 s30, s2  }
0xa: {  	s10 =	sadd.s32 s6, s5;
	s6 =	sshll.u32 s28, $0x4;
	s7 =	sadd.s32 $0xC000, s4  }
0xb: {  	s8 =	sadd.s32 $0x10000, s4;
	s16 =	sshrl.u32 s4, $0x3;
	s11 =	sadd.s32 s6, s5  }
0xc: {  	s5 =	sadd.s32 $0x4000, s4;
	s6 =	sadd.s32 $0x8000, s4;
	s9 =	sadd.s32 $0x5200, s10  }
0xd: {  	v0 =	vimm.f32 $0.0e+00;
	v1 =	vimm.f32 $1.000000000e+00;
	s10 =	sadd.s32 $0xF200, s11;
	s11 =	smax.u32 s12, $0x1;
	s12 =	simm.s32 $0x1400  }
.LBB2_1:
0xe: {  	s17 =	simm.s32 $0x0;
	s18 =	simm.s32 $0x200  }
.LBB2_2:
0xf: {  	p0 =	sne.s32 s18, $0xFE00;
	[tilespmem:s17+$0x1470] =	vst v0  }
0x10: {  	[tilespmem:s17+$0x1400] =	vst v0  }
0x11: {  	[tilespmem:s17+$0x1410] =	vst v0  }
.Ltmp0:
0x12: {  	[tilespmem:s17+$0x1420] =	vst v0;
	(pc) =	sbr.rel @p0 .LBB2_2-.Ltmp0, $4  }
0x13: {  	[tilespmem:s17+$0x1430] =	vst v0  }
0x14: {  	[tilespmem:s17+$0x1440] =	vst v0  }
0x15: {  	[tilespmem:s17+$0x1450] =	vst v0  }
0x16: {  	[tilespmem:s17+$0x1460] =	vst v0;
	s17 =	sshra.s32 s18, $0x2;
	s18 =	sadd.s32 $0x200, s18  }
0x17: {  	[tilespmem:s17+$0x1470] =	vst v0  }
0x18: {  	[tilespmem:s17+$0x1400] =	vst v0  }
0x19: {  	[tilespmem:s17+$0x1410] =	vst v0  }
0x1a: {  	[tilespmem:s17+$0x1420] =	vst v0  }
0x1b: {  	[tilespmem:s17+$0x1430] =	vst v0  }
0x1c: {  	[tilespmem:s17+$0x1440] =	vst v0  }
0x1d: {  	[tilespmem:s17+$0x1450] =	vst v0  }
0x1e: {  	[tilespmem:s17+$0x1460] =	vst v0  }
0x1f: {  	[spmem:s4] =	stream.linear.scatter [tilespmem:s12], [sflag:$0x1], $0x4000, $0x38;
	[tilespmem:$0x19400] =	vst v63  }
0x20: {  	_ =	swait.ge [sflag:s13], $0x4000  }
0x21: {  	[sflag:s13] =	ssyncset.done $0x0  }
0x22: {  	[sflag:s13] =	ssyncadd.s32 $0xFFFFC000  }
0x23: {  	[spmem:s5] =	stream.linear.scatter [tilespmem:s12], [sflag:$0x1], $0x4000, $0x38;
	[tilespmem:$0x19400] =	vst v63  }
0x24: {  	_ =	swait.ge [sflag:s13], $0x4000  }
0x25: {  	[sflag:s13] =	ssyncset.done $0x0  }
0x26: {  	[sflag:s13] =	ssyncadd.s32 $0xFFFFC000  }
0x27: {  	[spmem:s6] =	stream.linear.scatter [tilespmem:s12], [sflag:$0x1], $0x4000, $0x38;
	[tilespmem:$0x19400] =	vst v63  }
0x28: {  	_ =	swait.ge [sflag:s13], $0x4000  }
0x29: {  	[sflag:s13] =	ssyncset.done $0x0  }
0x2a: {  	[sflag:s13] =	ssyncadd.s32 $0xFFFFC000  }
0x2b: {  	[spmem:s7] =	stream.linear.scatter [tilespmem:s12], [sflag:$0x1], $0x4000, $0x38;
	[tilespmem:$0x19400] =	vst v63  }
0x2c: {  	_ =	swait.ge [sflag:s13], $0x4000  }
0x2d: {  	[sflag:s13] =	ssyncset.done $0x0  }
0x2e: {  	[sflag:s13] =	ssyncadd.s32 $0xFFFFC000  }
0x2f: {  	[spmem:s8] =	stream.linear.scatter [tilespmem:s12], [sflag:$0x1], $0x4000, $0x38;
	[tilespmem:$0x19400] =	vst v63  }
0x30: {  	_ =	swait.ge [sflag:s13], $0x4000  }
0x31: {  	[sflag:s13] =	ssyncset.done $0x0  }
0x32: {  	s17 =	simm.s32 $0x0;
	s18 =	simm.s32 $0x200;
	[sflag:s13] =	ssyncadd.s32 $0xFFFFC000  }
.LBB2_4:
0x33: {  	p0 =	sne.s32 s18, $0xFE00;
	[tilespmem:s17+$0x1470] =	vst v1  }
0x34: {  	[tilespmem:s17+$0x1400] =	vst v1  }
0x35: {  	[tilespmem:s17+$0x1410] =	vst v1  }
.Ltmp1:
0x36: {  	[tilespmem:s17+$0x1420] =	vst v1;
	(pc) =	sbr.rel @p0 .LBB2_4-.Ltmp1, $4  }
0x37: {  	[tilespmem:s17+$0x1430] =	vst v1  }
0x38: {  	[tilespmem:s17+$0x1440] =	vst v1  }
0x39: {  	[tilespmem:s17+$0x1450] =	vst v1  }
0x3a: {  	[tilespmem:s17+$0x1460] =	vst v1;
	s17 =	sshra.s32 s18, $0x2;
	s18 =	sadd.s32 $0x200, s18  }
0x3b: {  	[tilespmem:s17+$0x1470] =	vst v1  }
0x3c: {  	[tilespmem:s17+$0x1400] =	vst v1  }
0x3d: {  	[tilespmem:s17+$0x1410] =	vst v1  }
0x3e: {  	[tilespmem:s17+$0x1420] =	vst v1  }
0x3f: {  	[tilespmem:s17+$0x1430] =	vst v1  }
0x40: {  	[tilespmem:s17+$0x1440] =	vst v1  }
0x41: {  	[tilespmem:s17+$0x1450] =	vst v1  }
0x42: {  	[tilespmem:s17+$0x1460] =	vst v1  }
0x43: {  	s30 =	simm.s32 $0x0;
	[bflag:$0x0] =	sbarrier.arrive $0xFFFF  }
0x44: {  	[tilespmem:s30], [sflag:$0x1] =	stream.linear.gather [hbm4b:s9+s30], $0x1400, $0x38;
	[tilespmem:$0x19400] =	vst v63  }
0x45: {  	_ =	swait.ge [sflag:s13], $0x1400  }
0x46: {  	[sflag:s13] =	ssyncset.done $0x0  }
0x47: {  	s31 =	simm.s32 $0x0;
	[sflag:s13] =	ssyncadd.s32 $0xFFFFEC00  }
0x48: {  	[spmem:s2] =	stream.indirect.scatter.add.f32 [tilespmem:s12], [sflag:$0x1], $0x80, s31, s14, $0xb8;
	[tilespmem:$0x19400] =	vst v63  }
0x49: {  	_ =	swait.ge [sflag:s13], $0x4000  }
0x4a: {  	s17 =	simm.s32 $0x200;
	[sflag:s13] =	ssyncset.done $0x0  }
.LBB2_6:
0x4b: {  	s18 =	sshra.s32 s17, $0x2;
	[sflag:s13] =	ssyncadd.s32 $0xFFFFC000;
	p0 =	sne.s32 s17, $0x4E00  }
0x4c: {  	[spmem:s2] =	stream.indirect.scatter.add.f32 [tilespmem:s12], [sflag:$0x1], $0x80, s18, s14, $0xb8;
	[tilespmem:$0x19400] =	vst v63  }
.Ltmp2:
0x4d: {  	_ = 	snop;
	(pc) =	sbr.rel @p0 .LBB2_6-.Ltmp2, $4  }
0x4e: {  	_ = 	snop  }
0x4f: {  	s17 =	sadd.s32 $0x200, s17  }
0x50: {  	_ =	swait.ge [sflag:s13], $0x4000  }
0x51: {  	[sflag:s13] =	ssyncset.done $0x0  }
0x52: {  	s3 =	sadd.s32 $0x1, s3  }
0x53: {  	[sflag:s13] =	ssyncadd.s32 $0xFFFFC000;
	p0 =	sne.s32 s3, s11  }
.Ltmp3:
0x54: {  	[bflag:$0x0] =	sbarrier.arrive $0xFFFF;
	(pc) =	sbr.rel @p0 .LBB2_1-.Ltmp3, $4  }
0x55: {  	[hbm:s10], [sflag:s15] =	dma.local [spmem:s16], $0x2800  }
0x56: {  	_ =	swait.ge [sflag:s13], $0x2800  }
0x57: {  	[sflag:s13] =	ssyncset.done $0x0  }
0x58: {  	[sflag:s13] =	ssyncadd.s32 $0xFFFFD800  }
0x59: {  	_ =	sfence.sel $0x180000  }
0x5a: {  	[bflag:$0x0] =	sbarrier.arrive $0xFFFF  }
0x5b: {  	p0 =	sne.s32 s0, $0x0;
	_ =	strace $0x90000047  }
0x5c: {  	s0 =	sadd.s32 @!p0 $0x100000, s1;
	[bflag:$0x2] =	sbarrier.arrive $0xFFFF  }
0x5d: {  	[sflag:s0] =	ssyncadd.tile.s32 @!p0 $0x1;
	_ =	shalt  }
.Lfunc_end2:
_tile_overlayer_lowered:
.L_overlay_start_2:
0x5e: {  	(tag) =	ssettag $0x2  }
0x5f: {  	s0 =	rddreg [dreg:$0x0];
	s2 =	stileid.u32  }
0x60: {  	s1 =	rddreg [dreg:$0x1];
	p0 =	sne.s32 s2, $0x0  }
0x61: {  	s3 =	rddreg [dreg:$0x2];
	[bflag:$0x3] =	sbarrier.arrive $0xFFFF;
	s2 =	simm.s32 @!p0 $0x1C01  }
0x62: {  	[timem:s3], [sflag:s2] =	dma.local @!p0 [hbm:s0], s1  }
0x63: {  	s0 =	simm.s32 @!p0 $0x1  }
0x64: {  	_ =	swait.ge @!p0 [sflag:s0], s1  }
0x65: {  	s1 =	ssub.s32 @!p0 $0x0, s1;
	[sflag:s0] =	ssyncset.done @!p0 $0x0  }
0x66: {  	[sflag:s0] =	ssyncadd.s32 @!p0 s1  }
0x67: {  	[bflag:$0x3] =	sbarrier.arrive $0xFFFF  }
0x68: {  	_ =	shalt  }

</sc_bundles>
